<compile_context>
chip_gen: v7x
topology: tpu7x:2x2x1
jax: 0.10.2.dev20260603
libtpu: 0.0.44.dev20260713+nightly
codegen_flags: <defaults>
</compile_context>

<pallas_src>
import jax
import jax.numpy as jnp
from jax import lax
from jax.experimental import pallas as pl
from jax.experimental.pallas import tpu as pltpu
from jax.experimental.pallas import tpu_sc as plsc

N = 10000
E = 320000
D_IN = 128
HEADS = 8
HID = 16
OUT = 16

NC = 2
NS = 16
NW = NC * NS
EPT = E // NW
B = 80
NB = EPT // B
NP = 10240
NPT = NP // NS

_f32 = jnp.float32


def _sds(shape):
    return jax.ShapeDtypeStruct(shape, _f32)


def _k1_body(x_ref, w1_ref, a1s_ref, a1d_ref, h1_ref, as_ref, ad_ref):
    x = x_ref[...]
    h1 = jnp.dot(x, w1_ref[...], preferred_element_type=_f32)
    h1_ref[...] = h1
    d_idx = lax.broadcasted_iota(jnp.int32, (D_IN, 16), 0)
    h_idx = lax.broadcasted_iota(jnp.int32, (D_IN, 16), 1)
    s = (d_idx // HID == h_idx).astype(_f32)
    as_ref[...] = jnp.dot(h1 * a1s_ref[...], s, preferred_element_type=_f32)
    ad_ref[...] = jnp.dot(h1 * a1d_ref[...], s, preferred_element_type=_f32)


def _k1(x, w1, a1s, a1d):
    return pl.pallas_call(
        _k1_body,
        out_shape=[_sds((N, D_IN)), _sds((N, 16)), _sds((N, 16))],
    )(x, w1, a1s, a1d)


def _edge_kernel_preload(row_w):
    def body(h_hbm, as_hbm, ad_hbm, src_hbm, dst_hbm, zrow_hbm, zw_hbm,
             ph_hbm, pw_hbm,
             ixa_s, ixa_d, asb0, adb0, hb0, asb1, adb1, hb1,
             idx_c, wb, mb, acc_h, acc_w, sg0, sg1, ss):
        c = lax.axis_index("c")
        s = lax.axis_index("s")
        wid = s * NC + c
        ebase = wid * EPT
        nbase = s * NPT

        bufs = ((asb0, adb0, hb0, sg0), (asb1, adb1, hb1, sg1))

        pltpu.sync_copy(src_hbm.at[pl.ds(ebase, EPT)], ixa_s)
        pltpu.sync_copy(dst_hbm.at[pl.ds(ebase, EPT)], ixa_d)
        pltpu.sync_copy(zrow_hbm.at[pl.ds(nbase, NPT)],
                        acc_h.at[pl.ds(nbase, NPT)])
        pltpu.sync_copy(zw_hbm.at[pl.ds(nbase, NPT)],
                        acc_w.at[pl.ds(nbase, NPT)])
        plsc.subcore_barrier()

        def issue(b, p):
            asb, adb, hb, sg = bufs[p]
            off = b * B
            pltpu.async_copy(as_hbm.at[ixa_s.at[pl.ds(off, B)]], asb, sg)
            pltpu.async_copy(ad_hbm.at[ixa_d.at[pl.ds(off, B)]], adb, sg)
            pltpu.async_copy(h_hbm.at[ixa_s.at[pl.ds(off, B)]], hb, sg)

        def stage(b, p, last):
            asb, adb, hb, sg = bufs[p]
            off = b * B
            pltpu.make_async_copy(
                as_hbm.at[ixa_s.at[pl.ds(off, B)]], asb, sg).wait()
            pltpu.make_async_copy(
                ad_hbm.at[ixa_d.at[pl.ds(off, B)]], adb, sg).wait()
            pltpu.make_async_copy(
                h_hbm.at[ixa_s.at[pl.ds(off, B)]], hb, sg).wait()
            @pl.when(b >= 1)
            def _():
                pltpu.make_async_copy(mb, acc_h.at[idx_c], ss).wait()
                pltpu.make_async_copy(wb, acc_w.at[idx_c], ss).wait()
            for k in range(B // 16):
                idx_c[pl.ds(k * 16, 16)] = ixa_d[pl.ds(off + k * 16, 16)]

            @plsc.parallel_loop(0, B, 1, unroll=4)
            def _(e):
                v = asb[e, :] + adb[e, :]
                v = jnp.where(v >= 0.0, v, 0.2 * v)
                w_v = jnp.exp(v)
                wb[e, :] = w_v
                for h in range(row_w // 16):
                    mb[e, pl.ds(h * 16, 16)] = (
                        hb[e, pl.ds(h * 16, 16)]
                        * jnp.full((16,), w_v[h], _f32))

            c1 = pltpu.async_copy(mb, acc_h.at[idx_c], ss, add=True)
            c2 = pltpu.async_copy(wb, acc_w.at[idx_c], ss, add=True)
            if last:
                c1.wait()
                c2.wait()
            else:
                @pl.when(b + 2 < NB)
                def _():
                    issue(b + 2, p)

        issue(0, 0)
        issue(1, 1)

        def pair(i, carry):
            stage(2 * i, 0, False)
            stage(2 * i + 1, 1, False)
            return carry

        lax.fori_loop(0, NB // 2, pair, 0)
        stage(NB - 1, 0, True)
        plsc.subcore_barrier()

        pltpu.sync_copy(acc_h.at[pl.ds(nbase, NPT)],
                        ph_hbm.at[c, pl.ds(nbase, NPT)])
        pltpu.sync_copy(acc_w.at[pl.ds(nbase, NPT)],
                        pw_hbm.at[c, pl.ds(nbase, NPT)])

    return body


def _make_edge_call_preload(row_w):
    key = ("preload", row_w)
    if key in _edge_call_cache:
        return _edge_call_cache[key]
    mesh = plsc.VectorSubcoreMesh(core_axis_name="c", subcore_axis_name="s",
                                  num_cores=NC, num_subcores=NS)
    call = pl.kernel(
        _edge_kernel_preload(row_w),
        out_type=[_sds((NC, NP, row_w)), _sds((NC, NP, 16))],
        mesh=mesh,
        compiler_params=pltpu.CompilerParams(use_tc_tiling_on_sc=False),
        scratch_types=(
            [pltpu.VMEM((EPT,), jnp.int32),
             pltpu.VMEM((EPT,), jnp.int32)]
            + [pltpu.VMEM((B, 16), _f32),
               pltpu.VMEM((B, 16), _f32),
               pltpu.VMEM((B, row_w), _f32),
               ] * 2
            + [pltpu.VMEM((B,), jnp.int32),
               pltpu.VMEM((B, 16), _f32),
               pltpu.VMEM((B, row_w), _f32),
               pltpu.VMEM_SHARED((NP, row_w), _f32),
               pltpu.VMEM_SHARED((NP, 16), _f32),
               pltpu.SemaphoreType.DMA,
               pltpu.SemaphoreType.DMA,
               pltpu.SemaphoreType.DMA,
               ]),
    )
    _edge_call_cache[key] = call
    return call


def _edge_kernel(row_w):

    def body(h_hbm, as_hbm, ad_hbm, src_hbm, dst_hbm, zrow_hbm, zw_hbm,
             ph_hbm, pw_hbm,
             idx_s0, idx_d0, asb0, adb0, hb0,
             idx_s1, idx_d1, asb1, adb1, hb1,
             idx_c, wb, mb, acc_h, acc_w, sg0, sg1, si0, si1, ss):
        c = lax.axis_index("c")
        s = lax.axis_index("s")
        wid = s * NC + c
        ebase = wid * EPT
        nbase = s * NPT

        bufs = ((idx_s0, idx_d0, asb0, adb0, hb0, sg0, si0),
                (idx_s1, idx_d1, asb1, adb1, hb1, sg1, si1))

        pltpu.sync_copy(zrow_hbm.at[pl.ds(nbase, NPT)],
                        acc_h.at[pl.ds(nbase, NPT)])
        pltpu.sync_copy(zw_hbm.at[pl.ds(nbase, NPT)],
                        acc_w.at[pl.ds(nbase, NPT)])
        plsc.subcore_barrier()

        def issue(b, p):
            idx_s, idx_d, asb, adb, hb, sg, si = bufs[p]
            base = ebase + b * B
            pltpu.sync_copy(src_hbm.at[pl.ds(base, B)], idx_s)
            pltpu.sync_copy(dst_hbm.at[pl.ds(base, B)], idx_d)
            pltpu.async_copy(as_hbm.at[idx_s], asb, sg)
            pltpu.async_copy(ad_hbm.at[idx_d], adb, sg)
            pltpu.async_copy(h_hbm.at[idx_s], hb, sg)

        def stage(b, p, last):
            idx_s, idx_d, asb, adb, hb, sg, si = bufs[p]
            pltpu.make_async_copy(as_hbm.at[idx_s], asb, sg).wait()
            pltpu.make_async_copy(ad_hbm.at[idx_d], adb, sg).wait()
            pltpu.make_async_copy(h_hbm.at[idx_s], hb, sg).wait()
            @pl.when(b >= 1)
            def _():
                pltpu.make_async_copy(mb, acc_h.at[idx_c], ss).wait()
                pltpu.make_async_copy(wb, acc_w.at[idx_c], ss).wait()
            for k in range(B // 16):
                idx_c[pl.ds(k * 16, 16)] = idx_d[pl.ds(k * 16, 16)]
            base2 = ebase + (b + 2) * B
            if not last:
                @pl.when(b + 2 < NB)
                def _():
                    pltpu.async_copy(src_hbm.at[pl.ds(base2, B)], idx_s, si)
                    pltpu.async_copy(dst_hbm.at[pl.ds(base2, B)], idx_d, si)

            @plsc.parallel_loop(0, B, 1, unroll=4)
            def _(e):
                v = asb[e, :] + adb[e, :]
                v = jnp.where(v >= 0.0, v, 0.2 * v)
                w_v = jnp.exp(v)
                wb[e, :] = w_v
                for h in range(row_w // 16):
                    mb[e, pl.ds(h * 16, 16)] = (
                        hb[e, pl.ds(h * 16, 16)]
                        * jnp.full((16,), w_v[h], _f32))
            c1 = pltpu.async_copy(mb, acc_h.at[idx_c], ss, add=True)
            c2 = pltpu.async_copy(wb, acc_w.at[idx_c], ss, add=True)
            if last:
                c1.wait()
                c2.wait()
            else:
                @pl.when(b + 2 < NB)
                def _():
                    pltpu.make_async_copy(
                        src_hbm.at[pl.ds(base2, B)], idx_s, si).wait()
                    pltpu.make_async_copy(
                        dst_hbm.at[pl.ds(base2, B)], idx_d, si).wait()
                    pltpu.async_copy(as_hbm.at[idx_s], asb, sg)
                    pltpu.async_copy(ad_hbm.at[idx_d], adb, sg)
                    pltpu.async_copy(h_hbm.at[idx_s], hb, sg)

        issue(0, 0)
        issue(1, 1)

        def pair(i, carry):
            stage(2 * i, 0, False)
            stage(2 * i + 1, 1, False)
            return carry

        lax.fori_loop(0, NB // 2, pair, 0)
        stage(NB - 1, 0, True)
        plsc.subcore_barrier()

        pltpu.sync_copy(acc_h.at[pl.ds(nbase, NPT)],
                        ph_hbm.at[c, pl.ds(nbase, NPT)])
        pltpu.sync_copy(acc_w.at[pl.ds(nbase, NPT)],
                        pw_hbm.at[c, pl.ds(nbase, NPT)])

    return body


_edge_call_cache = {}


def _make_edge_call(row_w):
    if row_w in _edge_call_cache:
        return _edge_call_cache[row_w]
    mesh = plsc.VectorSubcoreMesh(core_axis_name="c", subcore_axis_name="s",
                                  num_cores=NC, num_subcores=NS)
    call = pl.kernel(
        _edge_kernel(row_w),
        out_type=[_sds((NC, NP, row_w)), _sds((NC, NP, 16))],
        mesh=mesh,
        compiler_params=pltpu.CompilerParams(use_tc_tiling_on_sc=False),
        scratch_types=(
            [pltpu.VMEM((B,), jnp.int32),
             pltpu.VMEM((B,), jnp.int32),
             pltpu.VMEM((B, 16), _f32),
             pltpu.VMEM((B, 16), _f32),
             pltpu.VMEM((B, row_w), _f32),
             ] * 2
            + [pltpu.VMEM((B,), jnp.int32),
               pltpu.VMEM((B, 16), _f32),
               pltpu.VMEM((B, row_w), _f32),
               pltpu.VMEM_SHARED((NP, row_w), _f32),
               pltpu.VMEM_SHARED((NP, 16), _f32),
               pltpu.SemaphoreType.DMA,
               pltpu.SemaphoreType.DMA,
               pltpu.SemaphoreType.DMA,
               pltpu.SemaphoreType.DMA,
               pltpu.SemaphoreType.DMA,
               ]),
    )
    _edge_call_cache[row_w] = call
    return call


def _k3_body(ph_ref, pw_ref, w2_ref, a2s_ref, a2d_ref,
             h2_ref, as2_ref, ad2_ref):
    acc = ph_ref[0] + ph_ref[1]
    den = pw_ref[0] + pw_ref[1]
    h_idx = lax.broadcasted_iota(jnp.int32, (16, D_IN), 0)
    d_idx = lax.broadcasted_iota(jnp.int32, (16, D_IN), 1)
    st = (d_idx // HID == h_idx).astype(_f32)
    den_rep = jnp.dot(den, st, preferred_element_type=_f32)
    x2 = acc / (den_rep + 1e-16)
    x2 = jnp.where(x2 > 0.0, x2, jnp.exp(jnp.minimum(x2, 0.0)) - 1.0)
    h2 = jnp.dot(x2, w2_ref[...], preferred_element_type=_f32)
    h2_ref[...] = h2
    j_idx = lax.broadcasted_iota(jnp.int32, (OUT, 16), 1)
    p0 = (j_idx == 0).astype(_f32)
    as2_ref[...] = jnp.dot(h2 * a2s_ref[...], p0, preferred_element_type=_f32)
    ad2_ref[...] = jnp.dot(h2 * a2d_ref[...], p0, preferred_element_type=_f32)


def _k3(ph, pw, w2, a2s, a2d):
    return pl.pallas_call(
        _k3_body,
        out_shape=[_sds((NP, OUT)), _sds((NP, 16)), _sds((NP, 16))],
    )(ph, pw, w2, a2s, a2d)


def _k5_body(ph_ref, pw_ref, out_ref):
    acc = ph_ref[0] + ph_ref[1]
    den = pw_ref[0, :, 0:1] + pw_ref[1, :, 0:1]
    out_ref[...] = acc / (den + 1e-16)


def _k5(ph, pw):
    return pl.pallas_call(_k5_body, out_shape=_sds((NP, OUT)))(ph, pw)


def kernel(x, edge_index, W1, a1_src, a1_dst, W2, a2_src, a2_dst):
    src = edge_index[0].astype(jnp.int32)
    dst = edge_index[1].astype(jnp.int32)
    a1s = a1_src.reshape(1, HEADS * HID)
    a1d = a1_dst.reshape(1, HEADS * HID)
    a2s = a2_src.reshape(1, OUT)
    a2d = a2_dst.reshape(1, OUT)
    zrow = jnp.zeros((NP, D_IN), _f32)
    z16 = jnp.zeros((NP, 16), _f32)

    h1, as1, ad1 = _k1(x, W1, a1s, a1d)
    ph1, pw1 = _make_edge_call(D_IN)(h1, as1, ad1, src, dst, zrow, z16)
    h2, as2, ad2 = _k3(ph1, pw1, W2, a2s, a2d)
    ph2, pw2 = _make_edge_call_preload(OUT)(h2, as2, ad2, src, dst, z16, z16)
    return _k5(ph2, pw2)[:N]

# --- scband reference (transcript-rebuilt; emitter-appended) ---
"""Pipeline reference for scband-model-56169582297507 (READ-ONLY COPY).

The authoritative reference and input builder live on the scoring server;
editing this copy changes nothing except your own understanding.
"""

import jax, jax.numpy as jnp
import numpy as np

N = 10000
E = 320000
D_IN = 128
HID = 16
HEADS = 8
OUT = 16


def gat_layer(x, edge_index, W, a_src, a_dst, heads, out_dim, concat):
    n = x.shape[0]
    src = edge_index[0]
    dst = edge_index[1]
    h = (x @ W).reshape(n, heads, out_dim)
    alpha_src = jnp.sum(h * a_src[None, :, :], axis=-1)  # [N, H]
    alpha_dst = jnp.sum(h * a_dst[None, :, :], axis=-1)  # [N, H]
    e = alpha_src[src] + alpha_dst[dst]                  # [E, H] (gather)
    e = jax.nn.leaky_relu(e, negative_slope=0.2)
    # segment softmax over incoming edges of each dst node
    e_max = jax.ops.segment_max(e, dst, num_segments=n)
    e_max = jnp.where(jnp.isfinite(e_max), e_max, 0.0)
    e_exp = jnp.exp(e - e_max[dst])
    denom = jax.ops.segment_sum(e_exp, dst, num_segments=n)
    alpha = e_exp / (denom[dst] + 1e-16)                 # [E, H]
    msg = h[src] * alpha[:, :, None]                     # [E, H, out] (gather)
    out = jax.ops.segment_sum(msg, dst, num_segments=n)  # scatter-add
    if concat:
        return out.reshape(n, heads * out_dim)
    return out.mean(axis=1)


def setup_inputs(seed: int = 0) -> dict:
    key = jax.random.key(seed)
    k1, k2, k3, k4, k5, k6, k7, k8 = jax.random.split(key, 8)
    x = jax.random.normal(k1, (N, D_IN), dtype=jnp.float32)
    edge_index = jax.random.randint(k2, (2, E), 0, N, dtype=jnp.int64)
    s1 = 1.0 / np.sqrt(D_IN)
    s2 = 1.0 / np.sqrt(HEADS * HID)
    W1 = jax.random.normal(k3, (D_IN, HEADS * HID), dtype=jnp.float32) * s1
    a1_src = jax.random.normal(k4, (HEADS, HID), dtype=jnp.float32) * s1
    a1_dst = jax.random.normal(k5, (HEADS, HID), dtype=jnp.float32) * s1
    W2 = jax.random.normal(k6, (HEADS * HID, 1 * OUT), dtype=jnp.float32) * s2
    a2_src = jax.random.normal(k7, (1, OUT), dtype=jnp.float32) * s2
    a2_dst = jax.random.normal(k8, (1, OUT), dtype=jnp.float32) * s2
    return {"x": x, "edge_index": edge_index, "W1": W1, "a1_src": a1_src,
            "a1_dst": a1_dst, "W2": W2, "a2_src": a2_src, "a2_dst": a2_dst}


def reference(x, edge_index, W1, a1_src, a1_dst, W2, a2_src, a2_dst):
    # dropout layers are identity in eval mode (drop_rate applied only in training)
    h = gat_layer(x, edge_index, W1, a1_src, a1_dst, HEADS, HID, concat=True)
    h = jax.nn.elu(h)
    out = gat_layer(h, edge_index, W2, a2_src, a2_dst, 1, OUT, concat=False)
    return out

if __name__ == "__main__":
    import jax
    _d = setup_inputs()
    print(jax.jit(kernel)(*tuple(_d.values())))

</pallas_src>

<mosaic_0001>
#map = affine_map<(d0, d1) -> (0, 0)>
#map1 = affine_map<(d0, d1) -> (0)>
#map2 = affine_map<(d0, d1) -> (0, 0, 0)>
module attributes {stable_mosaic.version = 14 : i64} {
  func.func @body(%arg0: i32, %arg1: i32, %arg2: memref<10240x16xf32, #tpu.memory_space<hbm>>, %arg3: memref<10240x16xf32, #tpu.memory_space<hbm>>, %arg4: memref<10240x16xf32, #tpu.memory_space<hbm>>, %arg5: memref<320000xi32, #tpu.memory_space<hbm>>, %arg6: memref<320000xi32, #tpu.memory_space<hbm>>, %arg7: memref<10240x16xf32, #tpu.memory_space<hbm>>, %arg8: memref<10240x16xf32, #tpu.memory_space<hbm>>, %arg9: memref<2x10240x16xf32, #tpu.memory_space<hbm>>, %arg10: memref<2x10240x16xf32, #tpu.memory_space<hbm>>, %arg11: memref<10000xi32, #tpu.memory_space<vmem>>, %arg12: memref<10000xi32, #tpu.memory_space<vmem>>, %arg13: memref<80x16xf32, #tpu.memory_space<vmem>>, %arg14: memref<80x16xf32, #tpu.memory_space<vmem>>, %arg15: memref<80x16xf32, #tpu.memory_space<vmem>>, %arg16: memref<80x16xf32, #tpu.memory_space<vmem>>, %arg17: memref<80x16xf32, #tpu.memory_space<vmem>>, %arg18: memref<80x16xf32, #tpu.memory_space<vmem>>, %arg19: memref<80xi32, #tpu.memory_space<vmem>>, %arg20: memref<80x16xf32, #tpu.memory_space<vmem>>, %arg21: memref<80x16xf32, #tpu.memory_space<vmem>>, %arg22: memref<10240x16xf32, #tpu.memory_space<vmem_shared>>, %arg23: memref<10240x16xf32, #tpu.memory_space<vmem_shared>>, %arg24: memref<!tpu.dma_semaphore, #tpu.memory_space<semaphore_mem>>, %arg25: memref<!tpu.dma_semaphore, #tpu.memory_space<semaphore_mem>>, %arg26: memref<!tpu.dma_semaphore, #tpu.memory_space<semaphore_mem>>) attributes {dimension_semantics = [#tpu.dimension_semantics<core_parallel>, #tpu.dimension_semantics<subcore_parallel>], iteration_bounds = array<i64: 2, 16>, scalar_prefetch = 0 : i64, scratch_operands = 16 : i64, tpu.core_type = #tpu.core_type<sc_vector_subcore>, window_params = [{transform_indices = #map}, {transform_indices = #map}, {transform_indices = #map}, {transform_indices = #map1}, {transform_indices = #map1}, {transform_indices = #map}, {transform_indices = #map}, {transform_indices = #map2}, {transform_indices = #map2}]} {
    %mul3A = arith.constant 2 : i32
    %mul3A_0 = arith.muli %arg1, %mul3A : i32
    %add3A = arith.addi %mul3A_0, %arg0 : i32
    %mul3A_1 = arith.constant 10000 : i32
    %mul3A_2 = arith.muli %add3A, %mul3A_1 : i32
    %mul3A_3 = arith.constant 640 : i32
    %mul3A_4 = arith.muli %arg1, %mul3A_3 : i32
    "tpu.region"() ({
      %run_scoped3A = tpu.sem_alloc : memref<!tpu.dma_semaphore, #tpu.memory_space<semaphore_mem>>
      %dma_start3A_107 = tpu.memref_slice %arg5[%mul3A_2] : memref<320000xi32, #tpu.memory_space<hbm>> -> memref<10000xi32, #tpu.memory_space<hbm>>
      %dma_start3A_108 = tpu.memref_slice %arg5[%mul3A_2] : memref<320000xi32, #tpu.memory_space<hbm>> -> memref<10000xi32, #tpu.memory_space<hbm>>
      tpu.enqueue_dma source(%dma_start3A_108 : memref<10000xi32, #tpu.memory_space<hbm>>) target(%arg11 : memref<10000xi32, #tpu.memory_space<vmem>>) target_semaphore(%run_scoped3A : memref<!tpu.dma_semaphore, #tpu.memory_space<semaphore_mem>>)
      %dma_wait3A_109 = tpu.memref_slice %arg5[%mul3A_2] : memref<320000xi32, #tpu.memory_space<hbm>> -> memref<10000xi32, #tpu.memory_space<hbm>>
      %dma_wait3A_110 = tpu.memref_slice %arg5[%mul3A_2] : memref<320000xi32, #tpu.memory_space<hbm>> -> memref<10000xi32, #tpu.memory_space<hbm>>
      tpu.wait_dma2 semaphore(%run_scoped3A : memref<!tpu.dma_semaphore, #tpu.memory_space<semaphore_mem>>) src(%dma_wait3A_110 : memref<10000xi32, #tpu.memory_space<hbm>>) dst(%arg11 : memref<10000xi32, #tpu.memory_space<vmem>>)
      tpu.yield
    }) : () -> ()
    "tpu.region"() ({
      %run_scoped3A = tpu.sem_alloc : memref<!tpu.dma_semaphore, #tpu.memory_space<semaphore_mem>>
      %dma_start3A_107 = tpu.memref_slice %arg6[%mul3A_2] : memref<320000xi32, #tpu.memory_space<hbm>> -> memref<10000xi32, #tpu.memory_space<hbm>>
      %dma_start3A_108 = tpu.memref_slice %arg6[%mul3A_2] : memref<320000xi32, #tpu.memory_space<hbm>> -> memref<10000xi32, #tpu.memory_space<hbm>>
      tpu.enqueue_dma source(%dma_start3A_108 : memref<10000xi32, #tpu.memory_space<hbm>>) target(%arg12 : memref<10000xi32, #tpu.memory_space<vmem>>) target_semaphore(%run_scoped3A : memref<!tpu.dma_semaphore, #tpu.memory_space<semaphore_mem>>)
      %dma_wait3A_109 = tpu.memref_slice %arg6[%mul3A_2] : memref<320000xi32, #tpu.memory_space<hbm>> -> memref<10000xi32, #tpu.memory_space<hbm>>
      %dma_wait3A_110 = tpu.memref_slice %arg6[%mul3A_2] : memref<320000xi32, #tpu.memory_space<hbm>> -> memref<10000xi32, #tpu.memory_space<hbm>>
      tpu.wait_dma2 semaphore(%run_scoped3A : memref<!tpu.dma_semaphore, #tpu.memory_space<semaphore_mem>>) src(%dma_wait3A_110 : memref<10000xi32, #tpu.memory_space<hbm>>) dst(%arg12 : memref<10000xi32, #tpu.memory_space<vmem>>)
      tpu.yield
    }) : () -> ()
    "tpu.region"() ({
      %run_scoped3A = tpu.sem_alloc : memref<!tpu.dma_semaphore, #tpu.memory_space<semaphore_mem>>
      %dma_start3A_107 = arith.constant 0 : i32
      %dma_start3A_108 = tpu.memref_slice %arg22[%mul3A_4, %dma_start3A_107] : memref<10240x16xf32, #tpu.memory_space<vmem_shared>> -> memref<640x16xf32, #tpu.memory_space<vmem_shared>>
      %dma_start3A_109 = arith.constant 0 : i32
      %dma_start3A_110 = tpu.memref_slice %arg7[%mul3A_4, %dma_start3A_109] : memref<10240x16xf32, #tpu.memory_space<hbm>> -> memref<640x16xf32, #tpu.memory_space<hbm>>
      tpu.enqueue_dma source(%dma_start3A_110 : memref<640x16xf32, #tpu.memory_space<hbm>>) target(%dma_start3A_108 : memref<640x16xf32, #tpu.memory_space<vmem_shared>>) target_semaphore(%run_scoped3A : memref<!tpu.dma_semaphore, #tpu.memory_space<semaphore_mem>>)
      %dma_wait3A_111 = arith.constant 0 : i32
      %dma_wait3A_112 = tpu.memref_slice %arg22[%mul3A_4, %dma_wait3A_111] : memref<10240x16xf32, #tpu.memory_space<vmem_shared>> -> memref<640x16xf32, #tpu.memory_space<vmem_shared>>
      %dma_wait3A_113 = arith.constant 0 : i32
      %dma_wait3A_114 = tpu.memref_slice %arg7[%mul3A_4, %dma_wait3A_113] : memref<10240x16xf32, #tpu.memory_space<hbm>> -> memref<640x16xf32, #tpu.memory_space<hbm>>
      tpu.wait_dma2 semaphore(%run_scoped3A : memref<!tpu.dma_semaphore, #tpu.memory_space<semaphore_mem>>) src(%dma_wait3A_114 : memref<640x16xf32, #tpu.memory_space<hbm>>) dst(%dma_wait3A_112 : memref<640x16xf32, #tpu.memory_space<vmem_shared>>)
      tpu.yield
    }) : () -> ()
    "tpu.region"() ({
      %run_scoped3A = tpu.sem_alloc : memref<!tpu.dma_semaphore, #tpu.memory_space<semaphore_mem>>
      %dma_start3A_107 = arith.constant 0 : i32
      %dma_start3A_108 = tpu.memref_slice %arg23[%mul3A_4, %dma_start3A_107] : memref<10240x16xf32, #tpu.memory_space<vmem_shared>> -> memref<640x16xf32, #tpu.memory_space<vmem_shared>>
      %dma_start3A_109 = arith.constant 0 : i32
      %dma_start3A_110 = tpu.memref_slice %arg8[%mul3A_4, %dma_start3A_109] : memref<10240x16xf32, #tpu.memory_space<hbm>> -> memref<640x16xf32, #tpu.memory_space<hbm>>
      tpu.enqueue_dma source(%dma_start3A_110 : memref<640x16xf32, #tpu.memory_space<hbm>>) target(%dma_start3A_108 : memref<640x16xf32, #tpu.memory_space<vmem_shared>>) target_semaphore(%run_scoped3A : memref<!tpu.dma_semaphore, #tpu.memory_space<semaphore_mem>>)
      %dma_wait3A_111 = arith.constant 0 : i32
      %dma_wait3A_112 = tpu.memref_slice %arg23[%mul3A_4, %dma_wait3A_111] : memref<10240x16xf32, #tpu.memory_space<vmem_shared>> -> memref<640x16xf32, #tpu.memory_space<vmem_shared>>
      %dma_wait3A_113 = arith.constant 0 : i32
      %dma_wait3A_114 = tpu.memref_slice %arg8[%mul3A_4, %dma_wait3A_113] : memref<10240x16xf32, #tpu.memory_space<hbm>> -> memref<640x16xf32, #tpu.memory_space<hbm>>
      tpu.wait_dma2 semaphore(%run_scoped3A : memref<!tpu.dma_semaphore, #tpu.memory_space<semaphore_mem>>) src(%dma_wait3A_114 : memref<640x16xf32, #tpu.memory_space<hbm>>) dst(%dma_wait3A_112 : memref<640x16xf32, #tpu.memory_space<vmem_shared>>)
      tpu.yield
    }) : () -> ()
    %barrier3A = arith.constant 0 : index
    tpu.barrier barrier_id(%barrier3A)
    %dma_start3A = arith.constant 0 : i32
    %dma_start3A_5 = tpu.memref_slice %arg11[%dma_start3A] : memref<10000xi32, #tpu.memory_space<vmem>> -> memref<80xi32, #tpu.memory_space<vmem>>
    %dma_start3A_6 = arith.constant 0 : i32
    %dma_start3A_7 = arith.constant 0 : i32
    %dma_start3A_8 = tpu.memref_slice %arg3[%dma_start3A_6, %dma_start3A_7] : memref<10240x16xf32, #tpu.memory_space<hbm>> -> memref<10240x16xf32, #tpu.memory_space<hbm>>
    tpu.enqueue_indirect_dma source(%dma_start3A_8 : memref<10240x16xf32, #tpu.memory_space<hbm>>) target(%arg13 : memref<80x16xf32, #tpu.memory_space<vmem>>) offsets(%dma_start3A_5 : memref<80xi32, #tpu.memory_space<vmem>>) semaphore(%arg24 : memref<!tpu.dma_semaphore, #tpu.memory_space<semaphore_mem>>)
    %dma_start3A_9 = arith.constant 0 : i32
    %dma_start3A_10 = tpu.memref_slice %arg12[%dma_start3A_9] : memref<10000xi32, #tpu.memory_space<vmem>> -> memref<80xi32, #tpu.memory_space<vmem>>
    %dma_start3A_11 = arith.constant 0 : i32
    %dma_start3A_12 = arith.constant 0 : i32
    %dma_start3A_13 = tpu.memref_slice %arg4[%dma_start3A_11, %dma_start3A_12] : memref<10240x16xf32, #tpu.memory_space<hbm>> -> memref<10240x16xf32, #tpu.memory_space<hbm>>
    tpu.enqueue_indirect_dma source(%dma_start3A_13 : memref<10240x16xf32, #tpu.memory_space<hbm>>) target(%arg14 : memref<80x16xf32, #tpu.memory_space<vmem>>) offsets(%dma_start3A_10 : memref<80xi32, #tpu.memory_space<vmem>>) semaphore(%arg24 : memref<!tpu.dma_semaphore, #tpu.memory_space<semaphore_mem>>)
    %dma_start3A_14 = arith.constant 0 : i32
    %dma_start3A_15 = tpu.memref_slice %arg11[%dma_start3A_14] : memref<10000xi32, #tpu.memory_space<vmem>> -> memref<80xi32, #tpu.memory_space<vmem>>
    %dma_start3A_16 = arith.constant 0 : i32
    %dma_start3A_17 = arith.constant 0 : i32
    %dma_start3A_18 = tpu.memref_slice %arg2[%dma_start3A_16, %dma_start3A_17] : memref<10240x16xf32, #tpu.memory_space<hbm>> -> memref<10240x16xf32, #tpu.memory_space<hbm>>
    tpu.enqueue_indirect_dma source(%dma_start3A_18 : memref<10240x16xf32, #tpu.memory_space<hbm>>) target(%arg15 : memref<80x16xf32, #tpu.memory_space<vmem>>) offsets(%dma_start3A_15 : memref<80xi32, #tpu.memory_space<vmem>>) semaphore(%arg24 : memref<!tpu.dma_semaphore, #tpu.memory_space<semaphore_mem>>)
    %dma_start3A_19 = arith.constant 80 : i32
    %dma_start3A_20 = tpu.memref_slice %arg11[%dma_start3A_19] : memref<10000xi32, #tpu.memory_space<vmem>> -> memref<80xi32, #tpu.memory_space<vmem>>
    %dma_start3A_21 = arith.constant 0 : i32
    %dma_start3A_22 = arith.constant 0 : i32
    %dma_start3A_23 = tpu.memref_slice %arg3[%dma_start3A_21, %dma_start3A_22] : memref<10240x16xf32, #tpu.memory_space<hbm>> -> memref<10240x16xf32, #tpu.memory_space<hbm>>
    tpu.enqueue_indirect_dma source(%dma_start3A_23 : memref<10240x16xf32, #tpu.memory_space<hbm>>) target(%arg16 : memref<80x16xf32, #tpu.memory_space<vmem>>) offsets(%dma_start3A_20 : memref<80xi32, #tpu.memory_space<vmem>>) semaphore(%arg25 : memref<!tpu.dma_semaphore, #tpu.memory_space<semaphore_mem>>)
    %dma_start3A_24 = arith.constant 80 : i32
    %dma_start3A_25 = tpu.memref_slice %arg12[%dma_start3A_24] : memref<10000xi32, #tpu.memory_space<vmem>> -> memref<80xi32, #tpu.memory_space<vmem>>
    %dma_start3A_26 = arith.constant 0 : i32
    %dma_start3A_27 = arith.constant 0 : i32
    %dma_start3A_28 = tpu.memref_slice %arg4[%dma_start3A_26, %dma_start3A_27] : memref<10240x16xf32, #tpu.memory_space<hbm>> -> memref<10240x16xf32, #tpu.memory_space<hbm>>
    tpu.enqueue_indirect_dma source(%dma_start3A_28 : memref<10240x16xf32, #tpu.memory_space<hbm>>) target(%arg17 : memref<80x16xf32, #tpu.memory_space<vmem>>) offsets(%dma_start3A_25 : memref<80xi32, #tpu.memory_space<vmem>>) semaphore(%arg25 : memref<!tpu.dma_semaphore, #tpu.memory_space<semaphore_mem>>)
    %dma_start3A_29 = arith.constant 80 : i32
    %dma_start3A_30 = tpu.memref_slice %arg11[%dma_start3A_29] : memref<10000xi32, #tpu.memory_space<vmem>> -> memref<80xi32, #tpu.memory_space<vmem>>
    %dma_start3A_31 = arith.constant 0 : i32
    %dma_start3A_32 = arith.constant 0 : i32
    %dma_start3A_33 = tpu.memref_slice %arg2[%dma_start3A_31, %dma_start3A_32] : memref<10240x16xf32, #tpu.memory_space<hbm>> -> memref<10240x16xf32, #tpu.memory_space<hbm>>
    tpu.enqueue_indirect_dma source(%dma_start3A_33 : memref<10240x16xf32, #tpu.memory_space<hbm>>) target(%arg18 : memref<80x16xf32, #tpu.memory_space<vmem>>) offsets(%dma_start3A_30 : memref<80xi32, #tpu.memory_space<vmem>>) semaphore(%arg25 : memref<!tpu.dma_semaphore, #tpu.memory_space<semaphore_mem>>)
    %scan3A = arith.constant 0 : i32
    %scan3A_34 = arith.constant 0 : i32
    %scan3A_35 = arith.constant 62 : i32
    %scan3A_36 = arith.addi %scan3A_34, %scan3A_35 : i32
    %scan3A_37 = arith.constant 1 : i32
    scf.for %scan3A_107 = %scan3A_34 to %scan3A_36 step %scan3A_37  : i32 {
      %mul3A_108 = arith.constant 2 : i32
      %mul3A_109 = arith.muli %mul3A_108, %scan3A_107 : i32
      %mul3A_110 = arith.constant 80 : i32
      %mul3A_111 = arith.muli %mul3A_109, %mul3A_110 : i32
      %dma_wait3A_112 = tpu.memref_slice %arg11[%mul3A_111] : memref<10000xi32, #tpu.memory_space<vmem>> -> memref<80xi32, #tpu.memory_space<vmem>>
      %dma_wait3A_113 = arith.constant 0 : i32
      %dma_wait3A_114 = arith.constant 0 : i32
      %dma_wait3A_115 = tpu.memref_slice %arg3[%dma_wait3A_113, %dma_wait3A_114] : memref<10240x16xf32, #tpu.memory_space<hbm>> -> memref<10240x16xf32, #tpu.memory_space<hbm>>
      tpu.wait_indirect_dma semaphore(%arg24 : memref<!tpu.dma_semaphore, #tpu.memory_space<semaphore_mem>>) src(%dma_wait3A_115 : memref<10240x16xf32, #tpu.memory_space<hbm>>) dst(%arg13 : memref<80x16xf32, #tpu.memory_space<vmem>>)
      %dma_wait3A_116 = tpu.memref_slice %arg12[%mul3A_111] : memref<10000xi32, #tpu.memory_space<vmem>> -> memref<80xi32, #tpu.memory_space<vmem>>
      %dma_wait3A_117 = arith.constant 0 : i32
      %dma_wait3A_118 = arith.constant 0 : i32
      %dma_wait3A_119 = tpu.memref_slice %arg4[%dma_wait3A_117, %dma_wait3A_118] : memref<10240x16xf32, #tpu.memory_space<hbm>> -> memref<10240x16xf32, #tpu.memory_space<hbm>>
      tpu.wait_indirect_dma semaphore(%arg24 : memref<!tpu.dma_semaphore, #tpu.memory_space<semaphore_mem>>) src(%dma_wait3A_119 : memref<10240x16xf32, #tpu.memory_space<hbm>>) dst(%arg14 : memref<80x16xf32, #tpu.memory_space<vmem>>)
      %dma_wait3A_120 = tpu.memref_slice %arg11[%mul3A_111] : memref<10000xi32, #tpu.memory_space<vmem>> -> memref<80xi32, #tpu.memory_space<vmem>>
      %dma_wait3A_121 = arith.constant 0 : i32
      %dma_wait3A_122 = arith.constant 0 : i32
      %dma_wait3A_123 = tpu.memref_slice %arg2[%dma_wait3A_121, %dma_wait3A_122] : memref<10240x16xf32, #tpu.memory_space<hbm>> -> memref<10240x16xf32, #tpu.memory_space<hbm>>
      tpu.wait_indirect_dma semaphore(%arg24 : memref<!tpu.dma_semaphore, #tpu.memory_space<semaphore_mem>>) src(%dma_wait3A_123 : memref<10240x16xf32, #tpu.memory_space<hbm>>) dst(%arg15 : memref<80x16xf32, #tpu.memory_space<vmem>>)
      %ge3A = arith.constant 1 : i32
      %ge3A_124 = arith.cmpi sge, %mul3A_109, %ge3A : i32
      %convert_element_type3A = arith.extui %ge3A_124 : i1 to i32
      %cond3A = arith.constant 0 : i32
      %cond3A_125 = arith.cmpi ne, %convert_element_type3A, %cond3A : i32
      scf.if %cond3A_125 {
        %dma_wait3A_270 = arith.constant 0 : i32
        %dma_wait3A_271 = arith.constant 0 : i32
        %dma_wait3A_272 = tpu.memref_slice %arg22[%dma_wait3A_270, %dma_wait3A_271] : memref<10240x16xf32, #tpu.memory_space<vmem_shared>> -> memref<10240x16xf32, #tpu.memory_space<vmem_shared>>
        tpu.wait_indirect_dma semaphore(%arg26 : memref<!tpu.dma_semaphore, #tpu.memory_space<semaphore_mem>>) src(%arg21 : memref<80x16xf32, #tpu.memory_space<vmem>>) dst(%dma_wait3A_272 : memref<10240x16xf32, #tpu.memory_space<vmem_shared>>)
        %dma_wait3A_273 = arith.constant 0 : i32
        %dma_wait3A_274 = arith.constant 0 : i32
        %dma_wait3A_275 = tpu.memref_slice %arg23[%dma_wait3A_273, %dma_wait3A_274] : memref<10240x16xf32, #tpu.memory_space<vmem_shared>> -> memref<10240x16xf32, #tpu.memory_space<vmem_shared>>
        tpu.wait_indirect_dma semaphore(%arg26 : memref<!tpu.dma_semaphore, #tpu.memory_space<semaphore_mem>>) src(%arg20 : memref<80x16xf32, #tpu.memory_space<vmem>>) dst(%dma_wait3A_275 : memref<10240x16xf32, #tpu.memory_space<vmem_shared>>)
      } else {
      }
      %add3A_126 = arith.constant 0 : i32
      %add3A_127 = arith.addi %mul3A_111, %add3A_126 : i32
      %get3A_128 = arith.index_cast %add3A_127 : i32 to index
      %get3A_129 = tpu.vector_load %arg12[%get3A_128] {strides = array<i32>} : memref<10000xi32, #tpu.memory_space<vmem>>, vector<16xi32>,
      %get3A_130 = vector.shape_cast %get3A_129 : vector<16xi32> to vector<16xi32>
      %swap3A_131 = arith.constant 0 : index
      %swap3A_132 = tpu.vector_load %arg19[%swap3A_131] {strides = array<i32>} : memref<80xi32, #tpu.memory_space<vmem>>, vector<16xi32>,
      %swap3A_133 = vector.shape_cast %swap3A_132 : vector<16xi32> to vector<16xi32>
      %swap3A_134 = vector.shape_cast %get3A_130 : vector<16xi32> to vector<16xi32>
      tpu.vector_store %arg19[%swap3A_131], %swap3A_134 {strides = array<i32>} : memref<80xi32, #tpu.memory_space<vmem>>, vector<16xi32>,
      %add3A_135 = arith.constant 16 : i32
      %add3A_136 = arith.addi %mul3A_111, %add3A_135 : i32
      %get3A_137 = arith.index_cast %add3A_136 : i32 to index
      %get3A_138 = tpu.vector_load %arg12[%get3A_137] {strides = array<i32>} : memref<10000xi32, #tpu.memory_space<vmem>>, vector<16xi32>,
      %get3A_139 = vector.shape_cast %get3A_138 : vector<16xi32> to vector<16xi32>
      %swap3A_140 = arith.constant 16 : index
      %swap3A_141 = tpu.vector_load %arg19[%swap3A_140] {strides = array<i32>} : memref<80xi32, #tpu.memory_space<vmem>>, vector<16xi32>,
      %swap3A_142 = vector.shape_cast %swap3A_141 : vector<16xi32> to vector<16xi32>
      %swap3A_143 = vector.shape_cast %get3A_139 : vector<16xi32> to vector<16xi32>
      tpu.vector_store %arg19[%swap3A_140], %swap3A_143 {strides = array<i32>} : memref<80xi32, #tpu.memory_space<vmem>>, vector<16xi32>,
      %add3A_144 = arith.constant 32 : i32
      %add3A_145 = arith.addi %mul3A_111, %add3A_144 : i32
      %get3A_146 = arith.index_cast %add3A_145 : i32 to index
      %get3A_147 = tpu.vector_load %arg12[%get3A_146] {strides = array<i32>} : memref<10000xi32, #tpu.memory_space<vmem>>, vector<16xi32>,
      %get3A_148 = vector.shape_cast %get3A_147 : vector<16xi32> to vector<16xi32>
      %swap3A_149 = arith.constant 32 : index
      %swap3A_150 = tpu.vector_load %arg19[%swap3A_149] {strides = array<i32>} : memref<80xi32, #tpu.memory_space<vmem>>, vector<16xi32>,
      %swap3A_151 = vector.shape_cast %swap3A_150 : vector<16xi32> to vector<16xi32>
      %swap3A_152 = vector.shape_cast %get3A_148 : vector<16xi32> to vector<16xi32>
      tpu.vector_store %arg19[%swap3A_149], %swap3A_152 {strides = array<i32>} : memref<80xi32, #tpu.memory_space<vmem>>, vector<16xi32>,
      %add3A_153 = arith.constant 48 : i32
      %add3A_154 = arith.addi %mul3A_111, %add3A_153 : i32
      %get3A_155 = arith.index_cast %add3A_154 : i32 to index
      %get3A_156 = tpu.vector_load %arg12[%get3A_155] {strides = array<i32>} : memref<10000xi32, #tpu.memory_space<vmem>>, vector<16xi32>,
      %get3A_157 = vector.shape_cast %get3A_156 : vector<16xi32> to vector<16xi32>
      %swap3A_158 = arith.constant 48 : index
      %swap3A_159 = tpu.vector_load %arg19[%swap3A_158] {strides = array<i32>} : memref<80xi32, #tpu.memory_space<vmem>>, vector<16xi32>,
      %swap3A_160 = vector.shape_cast %swap3A_159 : vector<16xi32> to vector<16xi32>
      %swap3A_161 = vector.shape_cast %get3A_157 : vector<16xi32> to vector<16xi32>
      tpu.vector_store %arg19[%swap3A_158], %swap3A_161 {strides = array<i32>} : memref<80xi32, #tpu.memory_space<vmem>>, vector<16xi32>,
      %add3A_162 = arith.constant 64 : i32
      %add3A_163 = arith.addi %mul3A_111, %add3A_162 : i32
      %get3A_164 = arith.index_cast %add3A_163 : i32 to index
      %get3A_165 = tpu.vector_load %arg12[%get3A_164] {strides = array<i32>} : memref<10000xi32, #tpu.memory_space<vmem>>, vector<16xi32>,
      %get3A_166 = vector.shape_cast %get3A_165 : vector<16xi32> to vector<16xi32>
      %swap3A_167 = arith.constant 64 : index
      %swap3A_168 = tpu.vector_load %arg19[%swap3A_167] {strides = array<i32>} : memref<80xi32, #tpu.memory_space<vmem>>, vector<16xi32>,
      %swap3A_169 = vector.shape_cast %swap3A_168 : vector<16xi32> to vector<16xi32>
      %swap3A_170 = vector.shape_cast %get3A_166 : vector<16xi32> to vector<16xi32>
      tpu.vector_store %arg19[%swap3A_167], %swap3A_170 {strides = array<i32>} : memref<80xi32, #tpu.memory_space<vmem>>, vector<16xi32>,
      %parallel_loop3A_171 = arith.constant 0 : i32
      %parallel_loop3A_172 = arith.constant 80 : i32
      %parallel_loop3A_173 = arith.constant 1 : i32
      scf.for %parallel_loop3A_270 = %parallel_loop3A_171 to %parallel_loop3A_172 step %parallel_loop3A_173  : i32 {
        %parallel_loop3A_271 = arith.index_cast %parallel_loop3A_270 : i32 to index
        %parallel_loop3A_272 = arith.constant 0 : index
        %parallel_loop3A_273 = tpu.vector_load %arg13[%parallel_loop3A_271, %parallel_loop3A_272] {strides = array<i32>} : memref<80x16xf32, #tpu.memory_space<vmem>>, vector<1x16xf32>,
        %parallel_loop3A_274 = vector.shape_cast %parallel_loop3A_273 : vector<1x16xf32> to vector<16xf32>
        %parallel_loop3A_275 = arith.index_cast %parallel_loop3A_270 : i32 to index
        %parallel_loop3A_276 = arith.constant 0 : index
        %parallel_loop3A_277 = tpu.vector_load %arg14[%parallel_loop3A_275, %parallel_loop3A_276] {strides = array<i32>} : memref<80x16xf32, #tpu.memory_space<vmem>>, vector<1x16xf32>,
        %parallel_loop3A_278 = vector.shape_cast %parallel_loop3A_277 : vector<1x16xf32> to vector<16xf32>
        %parallel_loop3A_279 = arith.addf %parallel_loop3A_274, %parallel_loop3A_278 : vector<16xf32>
        %parallel_loop3A_280 = arith.constant 0.000000e+00 : f32
        %parallel_loop3A_281 = vector.broadcast %parallel_loop3A_280 : f32 to vector<16xf32>
        %parallel_loop3A_282 = arith.cmpf oge, %parallel_loop3A_279, %parallel_loop3A_281 : vector<16xf32>
        %parallel_loop3A_283 = arith.constant 2.000000e-01 : f32
        %parallel_loop3A_284 = vector.broadcast %parallel_loop3A_283 : f32 to vector<16xf32>
        %parallel_loop3A_285 = arith.mulf %parallel_loop3A_284, %parallel_loop3A_279 : vector<16xf32>
        %parallel_loop3A_286 = arith.select %parallel_loop3A_282, %parallel_loop3A_279, %parallel_loop3A_285 : vector<16xi1>, vector<16xf32>
        %parallel_loop3A_287 = math.exp %parallel_loop3A_286 : vector<16xf32>
        %parallel_loop3A_288 = arith.index_cast %parallel_loop3A_270 : i32 to index
        %parallel_loop3A_289 = arith.constant 0 : index
        %parallel_loop3A_290 = tpu.vector_load %arg20[%parallel_loop3A_288, %parallel_loop3A_289] {strides = array<i32>} : memref<80x16xf32, #tpu.memory_space<vmem>>, vector<1x16xf32>,
        %parallel_loop3A_291 = vector.shape_cast %parallel_loop3A_290 : vector<1x16xf32> to vector<16xf32>
        %parallel_loop3A_292 = vector.shape_cast %parallel_loop3A_287 : vector<16xf32> to vector<1x16xf32>
        tpu.vector_store %arg20[%parallel_loop3A_288, %parallel_loop3A_289], %parallel_loop3A_292 {strides = array<i32>} : memref<80x16xf32, #tpu.memory_space<vmem>>, vector<1x16xf32>,
        %parallel_loop3A_293 = arith.index_cast %parallel_loop3A_270 : i32 to index
        %parallel_loop3A_294 = arith.constant 0 : index
        %parallel_loop3A_295 = tpu.vector_load %arg15[%parallel_loop3A_293, %parallel_loop3A_294] {strides = array<i32>} : memref<80x16xf32, #tpu.memory_space<vmem>>, vector<1x16xf32>,
        %parallel_loop3A_296 = vector.shape_cast %parallel_loop3A_295 : vector<1x16xf32> to vector<16xf32>
        %parallel_loop3A_297 = vector.extract_strided_slice %parallel_loop3A_287 {offsets = [0], sizes = [1], strides = [1]} : vector<16xf32> to vector<1xf32>
        %parallel_loop3A_298 = vector.extract %parallel_loop3A_297[0] : f32 from vector<1xf32>
        %parallel_loop3A_299 = vector.broadcast %parallel_loop3A_298 : f32 to vector<16xf32>
        %parallel_loop3A_300 = arith.mulf %parallel_loop3A_296, %parallel_loop3A_299 : vector<16xf32>
        %parallel_loop3A_301 = arith.index_cast %parallel_loop3A_270 : i32 to index
        %parallel_loop3A_302 = arith.constant 0 : index
        %parallel_loop3A_303 = tpu.vector_load %arg21[%parallel_loop3A_301, %parallel_loop3A_302] {strides = array<i32>} : memref<80x16xf32, #tpu.memory_space<vmem>>, vector<1x16xf32>,
        %parallel_loop3A_304 = vector.shape_cast %parallel_loop3A_303 : vector<1x16xf32> to vector<16xf32>
        %parallel_loop3A_305 = vector.shape_cast %parallel_loop3A_300 : vector<16xf32> to vector<1x16xf32>
        tpu.vector_store %arg21[%parallel_loop3A_301, %parallel_loop3A_302], %parallel_loop3A_305 {strides = array<i32>} : memref<80x16xf32, #tpu.memory_space<vmem>>, vector<1x16xf32>,
      } {sc.loop_unroll_factor = 4 : i64, sc.parallel_access}
      %dma_start3A_174 = arith.constant 0 : i32
      %dma_start3A_175 = arith.constant 0 : i32
      %dma_start3A_176 = tpu.memref_slice %arg22[%dma_start3A_174, %dma_start3A_175] : memref<10240x16xf32, #tpu.memory_space<vmem_shared>> -> memref<10240x16xf32, #tpu.memory_space<vmem_shared>>
      tpu.enqueue_indirect_dma source(%arg21 : memref<80x16xf32, #tpu.memory_space<vmem>>) target(%dma_start3A_176 : memref<10240x16xf32, #tpu.memory_space<vmem_shared>>) offsets(%arg19 : memref<80xi32, #tpu.memory_space<vmem>>) semaphore(%arg26 : memref<!tpu.dma_semaphore, #tpu.memory_space<semaphore_mem>>) {add = true}
      %dma_start3A_177 = arith.constant 0 : i32
      %dma_start3A_178 = arith.constant 0 : i32
      %dma_start3A_179 = tpu.memref_slice %arg23[%dma_start3A_177, %dma_start3A_178] : memref<10240x16xf32, #tpu.memory_space<vmem_shared>> -> memref<10240x16xf32, #tpu.memory_space<vmem_shared>>
      tpu.enqueue_indirect_dma source(%arg20 : memref<80x16xf32, #tpu.memory_space<vmem>>) target(%dma_start3A_179 : memref<10240x16xf32, #tpu.memory_space<vmem_shared>>) offsets(%arg19 : memref<80xi32, #tpu.memory_space<vmem>>) semaphore(%arg26 : memref<!tpu.dma_semaphore, #tpu.memory_space<semaphore_mem>>) {add = true}
      %add3A_180 = arith.constant 2 : i32
      %add3A_181 = arith.addi %mul3A_109, %add3A_180 : i32
      %lt3A = arith.constant 125 : i32
      %lt3A_182 = arith.cmpi slt, %add3A_181, %lt3A : i32
      %convert_element_type3A_183 = arith.extui %lt3A_182 : i1 to i32
      %cond3A_184 = arith.constant 0 : i32
      %cond3A_185 = arith.cmpi ne, %convert_element_type3A_183, %cond3A_184 : i32
      scf.if %cond3A_185 {
        %add3A_270 = arith.constant 2 : i32
        %add3A_271 = arith.addi %mul3A_109, %add3A_270 : i32
        %mul3A_272 = arith.constant 80 : i32
        %mul3A_273 = arith.muli %add3A_271, %mul3A_272 : i32
        %dma_start3A_274 = tpu.memref_slice %arg11[%mul3A_273] : memref<10000xi32, #tpu.memory_space<vmem>> -> memref<80xi32, #tpu.memory_space<vmem>>
        %dma_start3A_275 = arith.constant 0 : i32
        %dma_start3A_276 = arith.constant 0 : i32
        %dma_start3A_277 = tpu.memref_slice %arg3[%dma_start3A_275, %dma_start3A_276] : memref<10240x16xf32, #tpu.memory_space<hbm>> -> memref<10240x16xf32, #tpu.memory_space<hbm>>
        tpu.enqueue_indirect_dma source(%dma_start3A_277 : memref<10240x16xf32, #tpu.memory_space<hbm>>) target(%arg13 : memref<80x16xf32, #tpu.memory_space<vmem>>) offsets(%dma_start3A_274 : memref<80xi32, #tpu.memory_space<vmem>>) semaphore(%arg24 : memref<!tpu.dma_semaphore, #tpu.memory_space<semaphore_mem>>)
        %dma_start3A_278 = tpu.memref_slice %arg12[%mul3A_273] : memref<10000xi32, #tpu.memory_space<vmem>> -> memref<80xi32, #tpu.memory_space<vmem>>
        %dma_start3A_279 = arith.constant 0 : i32
        %dma_start3A_280 = arith.constant 0 : i32
        %dma_start3A_281 = tpu.memref_slice %arg4[%dma_start3A_279, %dma_start3A_280] : memref<10240x16xf32, #tpu.memory_space<hbm>> -> memref<10240x16xf32, #tpu.memory_space<hbm>>
        tpu.enqueue_indirect_dma source(%dma_start3A_281 : memref<10240x16xf32, #tpu.memory_space<hbm>>) target(%arg14 : memref<80x16xf32, #tpu.memory_space<vmem>>) offsets(%dma_start3A_278 : memref<80xi32, #tpu.memory_space<vmem>>) semaphore(%arg24 : memref<!tpu.dma_semaphore, #tpu.memory_space<semaphore_mem>>)
        %dma_start3A_282 = tpu.memref_slice %arg11[%mul3A_273] : memref<10000xi32, #tpu.memory_space<vmem>> -> memref<80xi32, #tpu.memory_space<vmem>>
        %dma_start3A_283 = arith.constant 0 : i32
        %dma_start3A_284 = arith.constant 0 : i32
        %dma_start3A_285 = tpu.memref_slice %arg2[%dma_start3A_283, %dma_start3A_284] : memref<10240x16xf32, #tpu.memory_space<hbm>> -> memref<10240x16xf32, #tpu.memory_space<hbm>>
        tpu.enqueue_indirect_dma source(%dma_start3A_285 : memref<10240x16xf32, #tpu.memory_space<hbm>>) target(%arg15 : memref<80x16xf32, #tpu.memory_space<vmem>>) offsets(%dma_start3A_282 : memref<80xi32, #tpu.memory_space<vmem>>) semaphore(%arg24 : memref<!tpu.dma_semaphore, #tpu.memory_space<semaphore_mem>>)
      } else {
      }
      %mul3A_186 = arith.constant 2 : i32
      %mul3A_187 = arith.muli %mul3A_186, %scan3A_107 : i32
      %add3A_188 = arith.constant 1 : i32
      %add3A_189 = arith.addi %mul3A_187, %add3A_188 : i32
      %mul3A_190 = arith.constant 80 : i32
      %mul3A_191 = arith.muli %add3A_189, %mul3A_190 : i32
      %dma_wait3A_192 = tpu.memref_slice %arg11[%mul3A_191] : memref<10000xi32, #tpu.memory_space<vmem>> -> memref<80xi32, #tpu.memory_space<vmem>>
      %dma_wait3A_193 = arith.constant 0 : i32
      %dma_wait3A_194 = arith.constant 0 : i32
      %dma_wait3A_195 = tpu.memref_slice %arg3[%dma_wait3A_193, %dma_wait3A_194] : memref<10240x16xf32, #tpu.memory_space<hbm>> -> memref<10240x16xf32, #tpu.memory_space<hbm>>
      tpu.wait_indirect_dma semaphore(%arg25 : memref<!tpu.dma_semaphore, #tpu.memory_space<semaphore_mem>>) src(%dma_wait3A_195 : memref<10240x16xf32, #tpu.memory_space<hbm>>) dst(%arg16 : memref<80x16xf32, #tpu.memory_space<vmem>>)
      %dma_wait3A_196 = tpu.memref_slice %arg12[%mul3A_191] : memref<10000xi32, #tpu.memory_space<vmem>> -> memref<80xi32, #tpu.memory_space<vmem>>
      %dma_wait3A_197 = arith.constant 0 : i32
      %dma_wait3A_198 = arith.constant 0 : i32
      %dma_wait3A_199 = tpu.memref_slice %arg4[%dma_wait3A_197, %dma_wait3A_198] : memref<10240x16xf32, #tpu.memory_space<hbm>> -> memref<10240x16xf32, #tpu.memory_space<hbm>>
      tpu.wait_indirect_dma semaphore(%arg25 : memref<!tpu.dma_semaphore, #tpu.memory_space<semaphore_mem>>) src(%dma_wait3A_199 : memref<10240x16xf32, #tpu.memory_space<hbm>>) dst(%arg17 : memref<80x16xf32, #tpu.memory_space<vmem>>)
      %dma_wait3A_200 = tpu.memref_slice %arg11[%mul3A_191] : memref<10000xi32, #tpu.memory_space<vmem>> -> memref<80xi32, #tpu.memory_space<vmem>>
      %dma_wait3A_201 = arith.constant 0 : i32
      %dma_wait3A_202 = arith.constant 0 : i32
      %dma_wait3A_203 = tpu.memref_slice %arg2[%dma_wait3A_201, %dma_wait3A_202] : memref<10240x16xf32, #tpu.memory_space<hbm>> -> memref<10240x16xf32, #tpu.memory_space<hbm>>
      tpu.wait_indirect_dma semaphore(%arg25 : memref<!tpu.dma_semaphore, #tpu.memory_space<semaphore_mem>>) src(%dma_wait3A_203 : memref<10240x16xf32, #tpu.memory_space<hbm>>) dst(%arg18 : memref<80x16xf32, #tpu.memory_space<vmem>>)
      %ge3A_204 = arith.constant 1 : i32
      %ge3A_205 = arith.cmpi sge, %add3A_189, %ge3A_204 : i32
      %convert_element_type3A_206 = arith.extui %ge3A_205 : i1 to i32
      %cond3A_207 = arith.constant 0 : i32
      %cond3A_208 = arith.cmpi ne, %convert_element_type3A_206, %cond3A_207 : i32
      scf.if %cond3A_208 {
        %dma_wait3A_270 = arith.constant 0 : i32
        %dma_wait3A_271 = arith.constant 0 : i32
        %dma_wait3A_272 = tpu.memref_slice %arg22[%dma_wait3A_270, %dma_wait3A_271] : memref<10240x16xf32, #tpu.memory_space<vmem_shared>> -> memref<10240x16xf32, #tpu.memory_space<vmem_shared>>
        tpu.wait_indirect_dma semaphore(%arg26 : memref<!tpu.dma_semaphore, #tpu.memory_space<semaphore_mem>>) src(%arg21 : memref<80x16xf32, #tpu.memory_space<vmem>>) dst(%dma_wait3A_272 : memref<10240x16xf32, #tpu.memory_space<vmem_shared>>)
        %dma_wait3A_273 = arith.constant 0 : i32
        %dma_wait3A_274 = arith.constant 0 : i32
        %dma_wait3A_275 = tpu.memref_slice %arg23[%dma_wait3A_273, %dma_wait3A_274] : memref<10240x16xf32, #tpu.memory_space<vmem_shared>> -> memref<10240x16xf32, #tpu.memory_space<vmem_shared>>
        tpu.wait_indirect_dma semaphore(%arg26 : memref<!tpu.dma_semaphore, #tpu.memory_space<semaphore_mem>>) src(%arg20 : memref<80x16xf32, #tpu.memory_space<vmem>>) dst(%dma_wait3A_275 : memref<10240x16xf32, #tpu.memory_space<vmem_shared>>)
      } else {
      }
      %add3A_209 = arith.constant 0 : i32
      %add3A_210 = arith.addi %mul3A_191, %add3A_209 : i32
      %get3A_211 = arith.index_cast %add3A_210 : i32 to index
      %get3A_212 = tpu.vector_load %arg12[%get3A_211] {strides = array<i32>} : memref<10000xi32, #tpu.memory_space<vmem>>, vector<16xi32>,
      %get3A_213 = vector.shape_cast %get3A_212 : vector<16xi32> to vector<16xi32>
      %swap3A_214 = arith.constant 0 : index
      %swap3A_215 = tpu.vector_load %arg19[%swap3A_214] {strides = array<i32>} : memref<80xi32, #tpu.memory_space<vmem>>, vector<16xi32>,
      %swap3A_216 = vector.shape_cast %swap3A_215 : vector<16xi32> to vector<16xi32>
      %swap3A_217 = vector.shape_cast %get3A_213 : vector<16xi32> to vector<16xi32>
      tpu.vector_store %arg19[%swap3A_214], %swap3A_217 {strides = array<i32>} : memref<80xi32, #tpu.memory_space<vmem>>, vector<16xi32>,
      %add3A_218 = arith.constant 16 : i32
      %add3A_219 = arith.addi %mul3A_191, %add3A_218 : i32
      %get3A_220 = arith.index_cast %add3A_219 : i32 to index
      %get3A_221 = tpu.vector_load %arg12[%get3A_220] {strides = array<i32>} : memref<10000xi32, #tpu.memory_space<vmem>>, vector<16xi32>,
      %get3A_222 = vector.shape_cast %get3A_221 : vector<16xi32> to vector<16xi32>
      %swap3A_223 = arith.constant 16 : index
      %swap3A_224 = tpu.vector_load %arg19[%swap3A_223] {strides = array<i32>} : memref<80xi32, #tpu.memory_space<vmem>>, vector<16xi32>,
      %swap3A_225 = vector.shape_cast %swap3A_224 : vector<16xi32> to vector<16xi32>
      %swap3A_226 = vector.shape_cast %get3A_222 : vector<16xi32> to vector<16xi32>
      tpu.vector_store %arg19[%swap3A_223], %swap3A_226 {strides = array<i32>} : memref<80xi32, #tpu.memory_space<vmem>>, vector<16xi32>,
      %add3A_227 = arith.constant 32 : i32
      %add3A_228 = arith.addi %mul3A_191, %add3A_227 : i32
      %get3A_229 = arith.index_cast %add3A_228 : i32 to index
      %get3A_230 = tpu.vector_load %arg12[%get3A_229] {strides = array<i32>} : memref<10000xi32, #tpu.memory_space<vmem>>, vector<16xi32>,
      %get3A_231 = vector.shape_cast %get3A_230 : vector<16xi32> to vector<16xi32>
      %swap3A_232 = arith.constant 32 : index
      %swap3A_233 = tpu.vector_load %arg19[%swap3A_232] {strides = array<i32>} : memref<80xi32, #tpu.memory_space<vmem>>, vector<16xi32>,
      %swap3A_234 = vector.shape_cast %swap3A_233 : vector<16xi32> to vector<16xi32>
      %swap3A_235 = vector.shape_cast %get3A_231 : vector<16xi32> to vector<16xi32>
      tpu.vector_store %arg19[%swap3A_232], %swap3A_235 {strides = array<i32>} : memref<80xi32, #tpu.memory_space<vmem>>, vector<16xi32>,
      %add3A_236 = arith.constant 48 : i32
      %add3A_237 = arith.addi %mul3A_191, %add3A_236 : i32
      %get3A_238 = arith.index_cast %add3A_237 : i32 to index
      %get3A_239 = tpu.vector_load %arg12[%get3A_238] {strides = array<i32>} : memref<10000xi32, #tpu.memory_space<vmem>>, vector<16xi32>,
      %get3A_240 = vector.shape_cast %get3A_239 : vector<16xi32> to vector<16xi32>
      %swap3A_241 = arith.constant 48 : index
      %swap3A_242 = tpu.vector_load %arg19[%swap3A_241] {strides = array<i32>} : memref<80xi32, #tpu.memory_space<vmem>>, vector<16xi32>,
      %swap3A_243 = vector.shape_cast %swap3A_242 : vector<16xi32> to vector<16xi32>
      %swap3A_244 = vector.shape_cast %get3A_240 : vector<16xi32> to vector<16xi32>
      tpu.vector_store %arg19[%swap3A_241], %swap3A_244 {strides = array<i32>} : memref<80xi32, #tpu.memory_space<vmem>>, vector<16xi32>,
      %add3A_245 = arith.constant 64 : i32
      %add3A_246 = arith.addi %mul3A_191, %add3A_245 : i32
      %get3A_247 = arith.index_cast %add3A_246 : i32 to index
      %get3A_248 = tpu.vector_load %arg12[%get3A_247] {strides = array<i32>} : memref<10000xi32, #tpu.memory_space<vmem>>, vector<16xi32>,
      %get3A_249 = vector.shape_cast %get3A_248 : vector<16xi32> to vector<16xi32>
      %swap3A_250 = arith.constant 64 : index
      %swap3A_251 = tpu.vector_load %arg19[%swap3A_250] {strides = array<i32>} : memref<80xi32, #tpu.memory_space<vmem>>, vector<16xi32>,
      %swap3A_252 = vector.shape_cast %swap3A_251 : vector<16xi32> to vector<16xi32>
      %swap3A_253 = vector.shape_cast %get3A_249 : vector<16xi32> to vector<16xi32>
      tpu.vector_store %arg19[%swap3A_250], %swap3A_253 {strides = array<i32>} : memref<80xi32, #tpu.memory_space<vmem>>, vector<16xi32>,
      %parallel_loop3A_254 = arith.constant 0 : i32
      %parallel_loop3A_255 = arith.constant 80 : i32
      %parallel_loop3A_256 = arith.constant 1 : i32
      scf.for %parallel_loop3A_270 = %parallel_loop3A_254 to %parallel_loop3A_255 step %parallel_loop3A_256  : i32 {
        %parallel_loop3A_271 = arith.index_cast %parallel_loop3A_270 : i32 to index
        %parallel_loop3A_272 = arith.constant 0 : index
        %parallel_loop3A_273 = tpu.vector_load %arg16[%parallel_loop3A_271, %parallel_loop3A_272] {strides = array<i32>} : memref<80x16xf32, #tpu.memory_space<vmem>>, vector<1x16xf32>,
        %parallel_loop3A_274 = vector.shape_cast %parallel_loop3A_273 : vector<1x16xf32> to vector<16xf32>
        %parallel_loop3A_275 = arith.index_cast %parallel_loop3A_270 : i32 to index
        %parallel_loop3A_276 = arith.constant 0 : index
        %parallel_loop3A_277 = tpu.vector_load %arg17[%parallel_loop3A_275, %parallel_loop3A_276] {strides = array<i32>} : memref<80x16xf32, #tpu.memory_space<vmem>>, vector<1x16xf32>,
        %parallel_loop3A_278 = vector.shape_cast %parallel_loop3A_277 : vector<1x16xf32> to vector<16xf32>
        %parallel_loop3A_279 = arith.addf %parallel_loop3A_274, %parallel_loop3A_278 : vector<16xf32>
        %parallel_loop3A_280 = arith.constant 0.000000e+00 : f32
        %parallel_loop3A_281 = vector.broadcast %parallel_loop3A_280 : f32 to vector<16xf32>
        %parallel_loop3A_282 = arith.cmpf oge, %parallel_loop3A_279, %parallel_loop3A_281 : vector<16xf32>
        %parallel_loop3A_283 = arith.constant 2.000000e-01 : f32
        %parallel_loop3A_284 = vector.broadcast %parallel_loop3A_283 : f32 to vector<16xf32>
        %parallel_loop3A_285 = arith.mulf %parallel_loop3A_284, %parallel_loop3A_279 : vector<16xf32>
        %parallel_loop3A_286 = arith.select %parallel_loop3A_282, %parallel_loop3A_279, %parallel_loop3A_285 : vector<16xi1>, vector<16xf32>
        %parallel_loop3A_287 = math.exp %parallel_loop3A_286 : vector<16xf32>
        %parallel_loop3A_288 = arith.index_cast %parallel_loop3A_270 : i32 to index
        %parallel_loop3A_289 = arith.constant 0 : index
        %parallel_loop3A_290 = tpu.vector_load %arg20[%parallel_loop3A_288, %parallel_loop3A_289] {strides = array<i32>} : memref<80x16xf32, #tpu.memory_space<vmem>>, vector<1x16xf32>,
        %parallel_loop3A_291 = vector.shape_cast %parallel_loop3A_290 : vector<1x16xf32> to vector<16xf32>
        %parallel_loop3A_292 = vector.shape_cast %parallel_loop3A_287 : vector<16xf32> to vector<1x16xf32>
        tpu.vector_store %arg20[%parallel_loop3A_288, %parallel_loop3A_289], %parallel_loop3A_292 {strides = array<i32>} : memref<80x16xf32, #tpu.memory_space<vmem>>, vector<1x16xf32>,
        %parallel_loop3A_293 = arith.index_cast %parallel_loop3A_270 : i32 to index
        %parallel_loop3A_294 = arith.constant 0 : index
        %parallel_loop3A_295 = tpu.vector_load %arg18[%parallel_loop3A_293, %parallel_loop3A_294] {strides = array<i32>} : memref<80x16xf32, #tpu.memory_space<vmem>>, vector<1x16xf32>,
        %parallel_loop3A_296 = vector.shape_cast %parallel_loop3A_295 : vector<1x16xf32> to vector<16xf32>
        %parallel_loop3A_297 = vector.extract_strided_slice %parallel_loop3A_287 {offsets = [0], sizes = [1], strides = [1]} : vector<16xf32> to vector<1xf32>
        %parallel_loop3A_298 = vector.extract %parallel_loop3A_297[0] : f32 from vector<1xf32>
        %parallel_loop3A_299 = vector.broadcast %parallel_loop3A_298 : f32 to vector<16xf32>
        %parallel_loop3A_300 = arith.mulf %parallel_loop3A_296, %parallel_loop3A_299 : vector<16xf32>
        %parallel_loop3A_301 = arith.index_cast %parallel_loop3A_270 : i32 to index
        %parallel_loop3A_302 = arith.constant 0 : index
        %parallel_loop3A_303 = tpu.vector_load %arg21[%parallel_loop3A_301, %parallel_loop3A_302] {strides = array<i32>} : memref<80x16xf32, #tpu.memory_space<vmem>>, vector<1x16xf32>,
        %parallel_loop3A_304 = vector.shape_cast %parallel_loop3A_303 : vector<1x16xf32> to vector<16xf32>
        %parallel_loop3A_305 = vector.shape_cast %parallel_loop3A_300 : vector<16xf32> to vector<1x16xf32>
        tpu.vector_store %arg21[%parallel_loop3A_301, %parallel_loop3A_302], %parallel_loop3A_305 {strides = array<i32>} : memref<80x16xf32, #tpu.memory_space<vmem>>, vector<1x16xf32>,
      } {sc.loop_unroll_factor = 4 : i64, sc.parallel_access}
      %dma_start3A_257 = arith.constant 0 : i32
      %dma_start3A_258 = arith.constant 0 : i32
      %dma_start3A_259 = tpu.memref_slice %arg22[%dma_start3A_257, %dma_start3A_258] : memref<10240x16xf32, #tpu.memory_space<vmem_shared>> -> memref<10240x16xf32, #tpu.memory_space<vmem_shared>>
      tpu.enqueue_indirect_dma source(%arg21 : memref<80x16xf32, #tpu.memory_space<vmem>>) target(%dma_start3A_259 : memref<10240x16xf32, #tpu.memory_space<vmem_shared>>) offsets(%arg19 : memref<80xi32, #tpu.memory_space<vmem>>) semaphore(%arg26 : memref<!tpu.dma_semaphore, #tpu.memory_space<semaphore_mem>>) {add = true}
      %dma_start3A_260 = arith.constant 0 : i32
      %dma_start3A_261 = arith.constant 0 : i32
      %dma_start3A_262 = tpu.memref_slice %arg23[%dma_start3A_260, %dma_start3A_261] : memref<10240x16xf32, #tpu.memory_space<vmem_shared>> -> memref<10240x16xf32, #tpu.memory_space<vmem_shared>>
      tpu.enqueue_indirect_dma source(%arg20 : memref<80x16xf32, #tpu.memory_space<vmem>>) target(%dma_start3A_262 : memref<10240x16xf32, #tpu.memory_space<vmem_shared>>) offsets(%arg19 : memref<80xi32, #tpu.memory_space<vmem>>) semaphore(%arg26 : memref<!tpu.dma_semaphore, #tpu.memory_space<semaphore_mem>>) {add = true}
      %add3A_263 = arith.constant 2 : i32
      %add3A_264 = arith.addi %add3A_189, %add3A_263 : i32
      %lt3A_265 = arith.constant 125 : i32
      %lt3A_266 = arith.cmpi slt, %add3A_264, %lt3A_265 : i32
      %convert_element_type3A_267 = arith.extui %lt3A_266 : i1 to i32
      %cond3A_268 = arith.constant 0 : i32
      %cond3A_269 = arith.cmpi ne, %convert_element_type3A_267, %cond3A_268 : i32
      scf.if %cond3A_269 {
        %add3A_270 = arith.constant 2 : i32
        %add3A_271 = arith.addi %add3A_189, %add3A_270 : i32
        %mul3A_272 = arith.constant 80 : i32
        %mul3A_273 = arith.muli %add3A_271, %mul3A_272 : i32
        %dma_start3A_274 = tpu.memref_slice %arg11[%mul3A_273] : memref<10000xi32, #tpu.memory_space<vmem>> -> memref<80xi32, #tpu.memory_space<vmem>>
        %dma_start3A_275 = arith.constant 0 : i32
        %dma_start3A_276 = arith.constant 0 : i32
        %dma_start3A_277 = tpu.memref_slice %arg3[%dma_start3A_275, %dma_start3A_276] : memref<10240x16xf32, #tpu.memory_space<hbm>> -> memref<10240x16xf32, #tpu.memory_space<hbm>>
        tpu.enqueue_indirect_dma source(%dma_start3A_277 : memref<10240x16xf32, #tpu.memory_space<hbm>>) target(%arg16 : memref<80x16xf32, #tpu.memory_space<vmem>>) offsets(%dma_start3A_274 : memref<80xi32, #tpu.memory_space<vmem>>) semaphore(%arg25 : memref<!tpu.dma_semaphore, #tpu.memory_space<semaphore_mem>>)
        %dma_start3A_278 = tpu.memref_slice %arg12[%mul3A_273] : memref<10000xi32, #tpu.memory_space<vmem>> -> memref<80xi32, #tpu.memory_space<vmem>>
        %dma_start3A_279 = arith.constant 0 : i32
        %dma_start3A_280 = arith.constant 0 : i32
        %dma_start3A_281 = tpu.memref_slice %arg4[%dma_start3A_279, %dma_start3A_280] : memref<10240x16xf32, #tpu.memory_space<hbm>> -> memref<10240x16xf32, #tpu.memory_space<hbm>>
        tpu.enqueue_indirect_dma source(%dma_start3A_281 : memref<10240x16xf32, #tpu.memory_space<hbm>>) target(%arg17 : memref<80x16xf32, #tpu.memory_space<vmem>>) offsets(%dma_start3A_278 : memref<80xi32, #tpu.memory_space<vmem>>) semaphore(%arg25 : memref<!tpu.dma_semaphore, #tpu.memory_space<semaphore_mem>>)
        %dma_start3A_282 = tpu.memref_slice %arg11[%mul3A_273] : memref<10000xi32, #tpu.memory_space<vmem>> -> memref<80xi32, #tpu.memory_space<vmem>>
        %dma_start3A_283 = arith.constant 0 : i32
        %dma_start3A_284 = arith.constant 0 : i32
        %dma_start3A_285 = tpu.memref_slice %arg2[%dma_start3A_283, %dma_start3A_284] : memref<10240x16xf32, #tpu.memory_space<hbm>> -> memref<10240x16xf32, #tpu.memory_space<hbm>>
        tpu.enqueue_indirect_dma source(%dma_start3A_285 : memref<10240x16xf32, #tpu.memory_space<hbm>>) target(%arg18 : memref<80x16xf32, #tpu.memory_space<vmem>>) offsets(%dma_start3A_282 : memref<80xi32, #tpu.memory_space<vmem>>) semaphore(%arg25 : memref<!tpu.dma_semaphore, #tpu.memory_space<semaphore_mem>>)
      } else {
      }
    }
    %scan3A_38 = arith.constant 62 : i32
    %dma_wait3A = arith.constant 9920 : i32
    %dma_wait3A_39 = tpu.memref_slice %arg11[%dma_wait3A] : memref<10000xi32, #tpu.memory_space<vmem>> -> memref<80xi32, #tpu.memory_space<vmem>>
    %dma_wait3A_40 = arith.constant 0 : i32
    %dma_wait3A_41 = arith.constant 0 : i32
    %dma_wait3A_42 = tpu.memref_slice %arg3[%dma_wait3A_40, %dma_wait3A_41] : memref<10240x16xf32, #tpu.memory_space<hbm>> -> memref<10240x16xf32, #tpu.memory_space<hbm>>
    tpu.wait_indirect_dma semaphore(%arg24 : memref<!tpu.dma_semaphore, #tpu.memory_space<semaphore_mem>>) src(%dma_wait3A_42 : memref<10240x16xf32, #tpu.memory_space<hbm>>) dst(%arg13 : memref<80x16xf32, #tpu.memory_space<vmem>>)
    %dma_wait3A_43 = arith.constant 9920 : i32
    %dma_wait3A_44 = tpu.memref_slice %arg12[%dma_wait3A_43] : memref<10000xi32, #tpu.memory_space<vmem>> -> memref<80xi32, #tpu.memory_space<vmem>>
    %dma_wait3A_45 = arith.constant 0 : i32
    %dma_wait3A_46 = arith.constant 0 : i32
    %dma_wait3A_47 = tpu.memref_slice %arg4[%dma_wait3A_45, %dma_wait3A_46] : memref<10240x16xf32, #tpu.memory_space<hbm>> -> memref<10240x16xf32, #tpu.memory_space<hbm>>
    tpu.wait_indirect_dma semaphore(%arg24 : memref<!tpu.dma_semaphore, #tpu.memory_space<semaphore_mem>>) src(%dma_wait3A_47 : memref<10240x16xf32, #tpu.memory_space<hbm>>) dst(%arg14 : memref<80x16xf32, #tpu.memory_space<vmem>>)
    %dma_wait3A_48 = arith.constant 9920 : i32
    %dma_wait3A_49 = tpu.memref_slice %arg11[%dma_wait3A_48] : memref<10000xi32, #tpu.memory_space<vmem>> -> memref<80xi32, #tpu.memory_space<vmem>>
    %dma_wait3A_50 = arith.constant 0 : i32
    %dma_wait3A_51 = arith.constant 0 : i32
    %dma_wait3A_52 = tpu.memref_slice %arg2[%dma_wait3A_50, %dma_wait3A_51] : memref<10240x16xf32, #tpu.memory_space<hbm>> -> memref<10240x16xf32, #tpu.memory_space<hbm>>
    tpu.wait_indirect_dma semaphore(%arg24 : memref<!tpu.dma_semaphore, #tpu.memory_space<semaphore_mem>>) src(%dma_wait3A_52 : memref<10240x16xf32, #tpu.memory_space<hbm>>) dst(%arg15 : memref<80x16xf32, #tpu.memory_space<vmem>>)
    %dma_wait3A_53 = arith.constant 0 : i32
    %dma_wait3A_54 = arith.constant 0 : i32
    %dma_wait3A_55 = tpu.memref_slice %arg22[%dma_wait3A_53, %dma_wait3A_54] : memref<10240x16xf32, #tpu.memory_space<vmem_shared>> -> memref<10240x16xf32, #tpu.memory_space<vmem_shared>>
    tpu.wait_indirect_dma semaphore(%arg26 : memref<!tpu.dma_semaphore, #tpu.memory_space<semaphore_mem>>) src(%arg21 : memref<80x16xf32, #tpu.memory_space<vmem>>) dst(%dma_wait3A_55 : memref<10240x16xf32, #tpu.memory_space<vmem_shared>>)
    %dma_wait3A_56 = arith.constant 0 : i32
    %dma_wait3A_57 = arith.constant 0 : i32
    %dma_wait3A_58 = tpu.memref_slice %arg23[%dma_wait3A_56, %dma_wait3A_57] : memref<10240x16xf32, #tpu.memory_space<vmem_shared>> -> memref<10240x16xf32, #tpu.memory_space<vmem_shared>>
    tpu.wait_indirect_dma semaphore(%arg26 : memref<!tpu.dma_semaphore, #tpu.memory_space<semaphore_mem>>) src(%arg20 : memref<80x16xf32, #tpu.memory_space<vmem>>) dst(%dma_wait3A_58 : memref<10240x16xf32, #tpu.memory_space<vmem_shared>>)
    %get3A = arith.constant 9920 : index
    %get3A_59 = tpu.vector_load %arg12[%get3A] {strides = array<i32>} : memref<10000xi32, #tpu.memory_space<vmem>>, vector<16xi32>,
    %get3A_60 = vector.shape_cast %get3A_59 : vector<16xi32> to vector<16xi32>
    %swap3A = arith.constant 0 : index
    %swap3A_61 = tpu.vector_load %arg19[%swap3A] {strides = array<i32>} : memref<80xi32, #tpu.memory_space<vmem>>, vector<16xi32>,
    %swap3A_62 = vector.shape_cast %swap3A_61 : vector<16xi32> to vector<16xi32>
    %swap3A_63 = vector.shape_cast %get3A_60 : vector<16xi32> to vector<16xi32>
    tpu.vector_store %arg19[%swap3A], %swap3A_63 {strides = array<i32>} : memref<80xi32, #tpu.memory_space<vmem>>, vector<16xi32>,
    %get3A_64 = arith.constant 9936 : index
    %get3A_65 = tpu.vector_load %arg12[%get3A_64] {strides = array<i32>} : memref<10000xi32, #tpu.memory_space<vmem>>, vector<16xi32>,
    %get3A_66 = vector.shape_cast %get3A_65 : vector<16xi32> to vector<16xi32>
    %swap3A_67 = arith.constant 16 : index
    %swap3A_68 = tpu.vector_load %arg19[%swap3A_67] {strides = array<i32>} : memref<80xi32, #tpu.memory_space<vmem>>, vector<16xi32>,
    %swap3A_69 = vector.shape_cast %swap3A_68 : vector<16xi32> to vector<16xi32>
    %swap3A_70 = vector.shape_cast %get3A_66 : vector<16xi32> to vector<16xi32>
    tpu.vector_store %arg19[%swap3A_67], %swap3A_70 {strides = array<i32>} : memref<80xi32, #tpu.memory_space<vmem>>, vector<16xi32>,
    %get3A_71 = arith.constant 9952 : index
    %get3A_72 = tpu.vector_load %arg12[%get3A_71] {strides = array<i32>} : memref<10000xi32, #tpu.memory_space<vmem>>, vector<16xi32>,
    %get3A_73 = vector.shape_cast %get3A_72 : vector<16xi32> to vector<16xi32>
    %swap3A_74 = arith.constant 32 : index
    %swap3A_75 = tpu.vector_load %arg19[%swap3A_74] {strides = array<i32>} : memref<80xi32, #tpu.memory_space<vmem>>, vector<16xi32>,
    %swap3A_76 = vector.shape_cast %swap3A_75 : vector<16xi32> to vector<16xi32>
    %swap3A_77 = vector.shape_cast %get3A_73 : vector<16xi32> to vector<16xi32>
    tpu.vector_store %arg19[%swap3A_74], %swap3A_77 {strides = array<i32>} : memref<80xi32, #tpu.memory_space<vmem>>, vector<16xi32>,
    %get3A_78 = arith.constant 9968 : index
    %get3A_79 = tpu.vector_load %arg12[%get3A_78] {strides = array<i32>} : memref<10000xi32, #tpu.memory_space<vmem>>, vector<16xi32>,
    %get3A_80 = vector.shape_cast %get3A_79 : vector<16xi32> to vector<16xi32>
    %swap3A_81 = arith.constant 48 : index
    %swap3A_82 = tpu.vector_load %arg19[%swap3A_81] {strides = array<i32>} : memref<80xi32, #tpu.memory_space<vmem>>, vector<16xi32>,
    %swap3A_83 = vector.shape_cast %swap3A_82 : vector<16xi32> to vector<16xi32>
    %swap3A_84 = vector.shape_cast %get3A_80 : vector<16xi32> to vector<16xi32>
    tpu.vector_store %arg19[%swap3A_81], %swap3A_84 {strides = array<i32>} : memref<80xi32, #tpu.memory_space<vmem>>, vector<16xi32>,
    %get3A_85 = arith.constant 9984 : index
    %get3A_86 = tpu.vector_load %arg12[%get3A_85] {strides = array<i32>} : memref<10000xi32, #tpu.memory_space<vmem>>, vector<16xi32>,
    %get3A_87 = vector.shape_cast %get3A_86 : vector<16xi32> to vector<16xi32>
    %swap3A_88 = arith.constant 64 : index
    %swap3A_89 = tpu.vector_load %arg19[%swap3A_88] {strides = array<i32>} : memref<80xi32, #tpu.memory_space<vmem>>, vector<16xi32>,
    %swap3A_90 = vector.shape_cast %swap3A_89 : vector<16xi32> to vector<16xi32>
    %swap3A_91 = vector.shape_cast %get3A_87 : vector<16xi32> to vector<16xi32>
    tpu.vector_store %arg19[%swap3A_88], %swap3A_91 {strides = array<i32>} : memref<80xi32, #tpu.memory_space<vmem>>, vector<16xi32>,
    %parallel_loop3A = arith.constant 0 : i32
    %parallel_loop3A_92 = arith.constant 80 : i32
    %parallel_loop3A_93 = arith.constant 1 : i32
    scf.for %parallel_loop3A_107 = %parallel_loop3A to %parallel_loop3A_92 step %parallel_loop3A_93  : i32 {
      %parallel_loop3A_108 = arith.index_cast %parallel_loop3A_107 : i32 to index
      %parallel_loop3A_109 = arith.constant 0 : index
      %parallel_loop3A_110 = tpu.vector_load %arg13[%parallel_loop3A_108, %parallel_loop3A_109] {strides = array<i32>} : memref<80x16xf32, #tpu.memory_space<vmem>>, vector<1x16xf32>,
      %parallel_loop3A_111 = vector.shape_cast %parallel_loop3A_110 : vector<1x16xf32> to vector<16xf32>
      %parallel_loop3A_112 = arith.index_cast %parallel_loop3A_107 : i32 to index
      %parallel_loop3A_113 = arith.constant 0 : index
      %parallel_loop3A_114 = tpu.vector_load %arg14[%parallel_loop3A_112, %parallel_loop3A_113] {strides = array<i32>} : memref<80x16xf32, #tpu.memory_space<vmem>>, vector<1x16xf32>,
      %parallel_loop3A_115 = vector.shape_cast %parallel_loop3A_114 : vector<1x16xf32> to vector<16xf32>
      %parallel_loop3A_116 = arith.addf %parallel_loop3A_111, %parallel_loop3A_115 : vector<16xf32>
      %parallel_loop3A_117 = arith.constant 0.000000e+00 : f32
      %parallel_loop3A_118 = vector.broadcast %parallel_loop3A_117 : f32 to vector<16xf32>
      %parallel_loop3A_119 = arith.cmpf oge, %parallel_loop3A_116, %parallel_loop3A_118 : vector<16xf32>
      %parallel_loop3A_120 = arith.constant 2.000000e-01 : f32
      %parallel_loop3A_121 = vector.broadcast %parallel_loop3A_120 : f32 to vector<16xf32>
      %parallel_loop3A_122 = arith.mulf %parallel_loop3A_121, %parallel_loop3A_116 : vector<16xf32>
      %parallel_loop3A_123 = arith.select %parallel_loop3A_119, %parallel_loop3A_116, %parallel_loop3A_122 : vector<16xi1>, vector<16xf32>
      %parallel_loop3A_124 = math.exp %parallel_loop3A_123 : vector<16xf32>
      %parallel_loop3A_125 = arith.index_cast %parallel_loop3A_107 : i32 to index
      %parallel_loop3A_126 = arith.constant 0 : index
      %parallel_loop3A_127 = tpu.vector_load %arg20[%parallel_loop3A_125, %parallel_loop3A_126] {strides = array<i32>} : memref<80x16xf32, #tpu.memory_space<vmem>>, vector<1x16xf32>,
      %parallel_loop3A_128 = vector.shape_cast %parallel_loop3A_127 : vector<1x16xf32> to vector<16xf32>
      %parallel_loop3A_129 = vector.shape_cast %parallel_loop3A_124 : vector<16xf32> to vector<1x16xf32>
      tpu.vector_store %arg20[%parallel_loop3A_125, %parallel_loop3A_126], %parallel_loop3A_129 {strides = array<i32>} : memref<80x16xf32, #tpu.memory_space<vmem>>, vector<1x16xf32>,
      %parallel_loop3A_130 = arith.index_cast %parallel_loop3A_107 : i32 to index
      %parallel_loop3A_131 = arith.constant 0 : index
      %parallel_loop3A_132 = tpu.vector_load %arg15[%parallel_loop3A_130, %parallel_loop3A_131] {strides = array<i32>} : memref<80x16xf32, #tpu.memory_space<vmem>>, vector<1x16xf32>,
      %parallel_loop3A_133 = vector.shape_cast %parallel_loop3A_132 : vector<1x16xf32> to vector<16xf32>
      %parallel_loop3A_134 = vector.extract_strided_slice %parallel_loop3A_124 {offsets = [0], sizes = [1], strides = [1]} : vector<16xf32> to vector<1xf32>
      %parallel_loop3A_135 = vector.extract %parallel_loop3A_134[0] : f32 from vector<1xf32>
      %parallel_loop3A_136 = vector.broadcast %parallel_loop3A_135 : f32 to vector<16xf32>
      %parallel_loop3A_137 = arith.mulf %parallel_loop3A_133, %parallel_loop3A_136 : vector<16xf32>
      %parallel_loop3A_138 = arith.index_cast %parallel_loop3A_107 : i32 to index
      %parallel_loop3A_139 = arith.constant 0 : index
      %parallel_loop3A_140 = tpu.vector_load %arg21[%parallel_loop3A_138, %parallel_loop3A_139] {strides = array<i32>} : memref<80x16xf32, #tpu.memory_space<vmem>>, vector<1x16xf32>,
      %parallel_loop3A_141 = vector.shape_cast %parallel_loop3A_140 : vector<1x16xf32> to vector<16xf32>
      %parallel_loop3A_142 = vector.shape_cast %parallel_loop3A_137 : vector<16xf32> to vector<1x16xf32>
      tpu.vector_store %arg21[%parallel_loop3A_138, %parallel_loop3A_139], %parallel_loop3A_142 {strides = array<i32>} : memref<80x16xf32, #tpu.memory_space<vmem>>, vector<1x16xf32>,
    } {sc.loop_unroll_factor = 4 : i64, sc.parallel_access}
    %dma_start3A_94 = arith.constant 0 : i32
    %dma_start3A_95 = arith.constant 0 : i32
    %dma_start3A_96 = tpu.memref_slice %arg22[%dma_start3A_94, %dma_start3A_95] : memref<10240x16xf32, #tpu.memory_space<vmem_shared>> -> memref<10240x16xf32, #tpu.memory_space<vmem_shared>>
    tpu.enqueue_indirect_dma source(%arg21 : memref<80x16xf32, #tpu.memory_space<vmem>>) target(%dma_start3A_96 : memref<10240x16xf32, #tpu.memory_space<vmem_shared>>) offsets(%arg19 : memref<80xi32, #tpu.memory_space<vmem>>) semaphore(%arg26 : memref<!tpu.dma_semaphore, #tpu.memory_space<semaphore_mem>>) {add = true}
    %dma_start3A_97 = arith.constant 0 : i32
    %dma_start3A_98 = arith.constant 0 : i32
    %dma_start3A_99 = tpu.memref_slice %arg23[%dma_start3A_97, %dma_start3A_98] : memref<10240x16xf32, #tpu.memory_space<vmem_shared>> -> memref<10240x16xf32, #tpu.memory_space<vmem_shared>>
    tpu.enqueue_indirect_dma source(%arg20 : memref<80x16xf32, #tpu.memory_space<vmem>>) target(%dma_start3A_99 : memref<10240x16xf32, #tpu.memory_space<vmem_shared>>) offsets(%arg19 : memref<80xi32, #tpu.memory_space<vmem>>) semaphore(%arg26 : memref<!tpu.dma_semaphore, #tpu.memory_space<semaphore_mem>>) {add = true}
    %dma_wait3A_100 = arith.constant 0 : i32
    %dma_wait3A_101 = arith.constant 0 : i32
    %dma_wait3A_102 = tpu.memref_slice %arg22[%dma_wait3A_100, %dma_wait3A_101] : memref<10240x16xf32, #tpu.memory_space<vmem_shared>> -> memref<10240x16xf32, #tpu.memory_space<vmem_shared>>
    tpu.wait_indirect_dma semaphore(%arg26 : memref<!tpu.dma_semaphore, #tpu.memory_space<semaphore_mem>>) src(%arg21 : memref<80x16xf32, #tpu.memory_space<vmem>>) dst(%dma_wait3A_102 : memref<10240x16xf32, #tpu.memory_space<vmem_shared>>)
    %dma_wait3A_103 = arith.constant 0 : i32
    %dma_wait3A_104 = arith.constant 0 : i32
    %dma_wait3A_105 = tpu.memref_slice %arg23[%dma_wait3A_103, %dma_wait3A_104] : memref<10240x16xf32, #tpu.memory_space<vmem_shared>> -> memref<10240x16xf32, #tpu.memory_space<vmem_shared>>
    tpu.wait_indirect_dma semaphore(%arg26 : memref<!tpu.dma_semaphore, #tpu.memory_space<semaphore_mem>>) src(%arg20 : memref<80x16xf32, #tpu.memory_space<vmem>>) dst(%dma_wait3A_105 : memref<10240x16xf32, #tpu.memory_space<vmem_shared>>)
    %barrier3A_106 = arith.constant 0 : index
    tpu.barrier barrier_id(%barrier3A_106)
    "tpu.region"() ({
      %run_scoped3A = tpu.sem_alloc : memref<!tpu.dma_semaphore, #tpu.memory_space<semaphore_mem>>
      %dma_start3A_107 = arith.constant 0 : i32
      %dma_start3A_108 = tpu.memref_slice %arg9[%arg0, %mul3A_4, %dma_start3A_107] : memref<2x10240x16xf32, #tpu.memory_space<hbm>> -> memref<1x640x16xf32, #tpu.memory_space<hbm>>
      %dma_start3A_109 = tpu.memref_squeeze %dma_start3A_108 : memref<1x640x16xf32, #tpu.memory_space<hbm>> -> memref<640x16xf32, #tpu.memory_space<hbm>>
      %dma_start3A_110 = arith.constant 0 : i32
      %dma_start3A_111 = tpu.memref_slice %arg22[%mul3A_4, %dma_start3A_110] : memref<10240x16xf32, #tpu.memory_space<vmem_shared>> -> memref<640x16xf32, #tpu.memory_space<vmem_shared>>
      tpu.enqueue_dma source(%dma_start3A_111 : memref<640x16xf32, #tpu.memory_space<vmem_shared>>) target(%dma_start3A_109 : memref<640x16xf32, #tpu.memory_space<hbm>>) target_semaphore(%run_scoped3A : memref<!tpu.dma_semaphore, #tpu.memory_space<semaphore_mem>>)
      %dma_wait3A_112 = arith.constant 0 : i32
      %dma_wait3A_113 = tpu.memref_slice %arg9[%arg0, %mul3A_4, %dma_wait3A_112] : memref<2x10240x16xf32, #tpu.memory_space<hbm>> -> memref<1x640x16xf32, #tpu.memory_space<hbm>>
      %dma_wait3A_114 = tpu.memref_squeeze %dma_wait3A_113 : memref<1x640x16xf32, #tpu.memory_space<hbm>> -> memref<640x16xf32, #tpu.memory_space<hbm>>
      %dma_wait3A_115 = arith.constant 0 : i32
      %dma_wait3A_116 = tpu.memref_slice %arg22[%mul3A_4, %dma_wait3A_115] : memref<10240x16xf32, #tpu.memory_space<vmem_shared>> -> memref<640x16xf32, #tpu.memory_space<vmem_shared>>
      tpu.wait_dma2 semaphore(%run_scoped3A : memref<!tpu.dma_semaphore, #tpu.memory_space<semaphore_mem>>) src(%dma_wait3A_116 : memref<640x16xf32, #tpu.memory_space<vmem_shared>>) dst(%dma_wait3A_114 : memref<640x16xf32, #tpu.memory_space<hbm>>)
      tpu.yield
    }) : () -> ()
    "tpu.region"() ({
      %run_scoped3A = tpu.sem_alloc : memref<!tpu.dma_semaphore, #tpu.memory_space<semaphore_mem>>
      %dma_start3A_107 = arith.constant 0 : i32
      %dma_start3A_108 = tpu.memref_slice %arg10[%arg0, %mul3A_4, %dma_start3A_107] : memref<2x10240x16xf32, #tpu.memory_space<hbm>> -> memref<1x640x16xf32, #tpu.memory_space<hbm>>
      %dma_start3A_109 = tpu.memref_squeeze %dma_start3A_108 : memref<1x640x16xf32, #tpu.memory_space<hbm>> -> memref<640x16xf32, #tpu.memory_space<hbm>>
      %dma_start3A_110 = arith.constant 0 : i32
      %dma_start3A_111 = tpu.memref_slice %arg23[%mul3A_4, %dma_start3A_110] : memref<10240x16xf32, #tpu.memory_space<vmem_shared>> -> memref<640x16xf32, #tpu.memory_space<vmem_shared>>
      tpu.enqueue_dma source(%dma_start3A_111 : memref<640x16xf32, #tpu.memory_space<vmem_shared>>) target(%dma_start3A_109 : memref<640x16xf32, #tpu.memory_space<hbm>>) target_semaphore(%run_scoped3A : memref<!tpu.dma_semaphore, #tpu.memory_space<semaphore_mem>>)
      %dma_wait3A_112 = arith.constant 0 : i32
      %dma_wait3A_113 = tpu.memref_slice %arg10[%arg0, %mul3A_4, %dma_wait3A_112] : memref<2x10240x16xf32, #tpu.memory_space<hbm>> -> memref<1x640x16xf32, #tpu.memory_space<hbm>>
      %dma_wait3A_114 = tpu.memref_squeeze %dma_wait3A_113 : memref<1x640x16xf32, #tpu.memory_space<hbm>> -> memref<640x16xf32, #tpu.memory_space<hbm>>
      %dma_wait3A_115 = arith.constant 0 : i32
      %dma_wait3A_116 = tpu.memref_slice %arg23[%mul3A_4, %dma_wait3A_115] : memref<10240x16xf32, #tpu.memory_space<vmem_shared>> -> memref<640x16xf32, #tpu.memory_space<vmem_shared>>
      tpu.wait_dma2 semaphore(%run_scoped3A : memref<!tpu.dma_semaphore, #tpu.memory_space<semaphore_mem>>) src(%dma_wait3A_116 : memref<640x16xf32, #tpu.memory_space<vmem_shared>>) dst(%dma_wait3A_114 : memref<640x16xf32, #tpu.memory_space<hbm>>)
      tpu.yield
    }) : () -> ()
    return
  }
}

#map = affine_map<(d0, d1) -> (0, 0)>
#map1 = affine_map<(d0, d1) -> (0)>
#map2 = affine_map<(d0, d1) -> (0, 0, 0)>
module attributes {stable_mosaic.version = 14 : i64} {
  func.func @body(%arg0: i32, %arg1: i32, %arg2: memref<10000x128xf32, #tpu.memory_space<hbm>>, %arg3: memref<10000x16xf32, #tpu.memory_space<hbm>>, %arg4: memref<10000x16xf32, #tpu.memory_space<hbm>>, %arg5: memref<320000xi32, #tpu.memory_space<hbm>>, %arg6: memref<320000xi32, #tpu.memory_space<hbm>>, %arg7: memref<10240x128xf32, #tpu.memory_space<hbm>>, %arg8: memref<10240x16xf32, #tpu.memory_space<hbm>>, %arg9: memref<2x10240x128xf32, #tpu.memory_space<hbm>>, %arg10: memref<2x10240x16xf32, #tpu.memory_space<hbm>>, %arg11: memref<80xi32, #tpu.memory_space<vmem>>, %arg12: memref<80xi32, #tpu.memory_space<vmem>>, %arg13: memref<80x16xf32, #tpu.memory_space<vmem>>, %arg14: memref<80x16xf32, #tpu.memory_space<vmem>>, %arg15: memref<80x128xf32, #tpu.memory_space<vmem>>, %arg16: memref<80xi32, #tpu.memory_space<vmem>>, %arg17: memref<80xi32, #tpu.memory_space<vmem>>, %arg18: memref<80x16xf32, #tpu.memory_space<vmem>>, %arg19: memref<80x16xf32, #tpu.memory_space<vmem>>, %arg20: memref<80x128xf32, #tpu.memory_space<vmem>>, %arg21: memref<80xi32, #tpu.memory_space<vmem>>, %arg22: memref<80x16xf32, #tpu.memory_space<vmem>>, %arg23: memref<80x128xf32, #tpu.memory_space<vmem>>, %arg24: memref<10240x128xf32, #tpu.memory_space<vmem_shared>>, %arg25: memref<10240x16xf32, #tpu.memory_space<vmem_shared>>, %arg26: memref<!tpu.dma_semaphore, #tpu.memory_space<semaphore_mem>>, %arg27: memref<!tpu.dma_semaphore, #tpu.memory_space<semaphore_mem>>, %arg28: memref<!tpu.dma_semaphore, #tpu.memory_space<semaphore_mem>>, %arg29: memref<!tpu.dma_semaphore, #tpu.memory_space<semaphore_mem>>, %arg30: memref<!tpu.dma_semaphore, #tpu.memory_space<semaphore_mem>>) attributes {dimension_semantics = [#tpu.dimension_semantics<core_parallel>, #tpu.dimension_semantics<subcore_parallel>], iteration_bounds = array<i64: 2, 16>, scalar_prefetch = 0 : i64, scratch_operands = 20 : i64, tpu.core_type = #tpu.core_type<sc_vector_subcore>, window_params = [{transform_indices = #map}, {transform_indices = #map}, {transform_indices = #map}, {transform_indices = #map1}, {transform_indices = #map1}, {transform_indices = #map}, {transform_indices = #map}, {transform_indices = #map2}, {transform_indices = #map2}]} {
    %mul3A = arith.constant 2 : i32
    %mul3A_0 = arith.muli %arg1, %mul3A : i32
    %add3A = arith.addi %mul3A_0, %arg0 : i32
    %mul3A_1 = arith.constant 10000 : i32
    %mul3A_2 = arith.muli %add3A, %mul3A_1 : i32
    %mul3A_3 = arith.constant 640 : i32
    %mul3A_4 = arith.muli %arg1, %mul3A_3 : i32
    "tpu.region"() ({
      %run_scoped3A = tpu.sem_alloc : memref<!tpu.dma_semaphore, #tpu.memory_space<semaphore_mem>>
      %dma_start3A_95 = arith.constant 0 : i32
      %dma_start3A_96 = tpu.memref_slice %arg24[%mul3A_4, %dma_start3A_95] : memref<10240x128xf32, #tpu.memory_space<vmem_shared>> -> memref<640x128xf32, #tpu.memory_space<vmem_shared>>
      %dma_start3A_97 = arith.constant 0 : i32
      %dma_start3A_98 = tpu.memref_slice %arg7[%mul3A_4, %dma_start3A_97] : memref<10240x128xf32, #tpu.memory_space<hbm>> -> memref<640x128xf32, #tpu.memory_space<hbm>>
      tpu.enqueue_dma source(%dma_start3A_98 : memref<640x128xf32, #tpu.memory_space<hbm>>) target(%dma_start3A_96 : memref<640x128xf32, #tpu.memory_space<vmem_shared>>) target_semaphore(%run_scoped3A : memref<!tpu.dma_semaphore, #tpu.memory_space<semaphore_mem>>)
      %dma_wait3A_99 = arith.constant 0 : i32
      %dma_wait3A_100 = tpu.memref_slice %arg24[%mul3A_4, %dma_wait3A_99] : memref<10240x128xf32, #tpu.memory_space<vmem_shared>> -> memref<640x128xf32, #tpu.memory_space<vmem_shared>>
      %dma_wait3A_101 = arith.constant 0 : i32
      %dma_wait3A_102 = tpu.memref_slice %arg7[%mul3A_4, %dma_wait3A_101] : memref<10240x128xf32, #tpu.memory_space<hbm>> -> memref<640x128xf32, #tpu.memory_space<hbm>>
      tpu.wait_dma2 semaphore(%run_scoped3A : memref<!tpu.dma_semaphore, #tpu.memory_space<semaphore_mem>>) src(%dma_wait3A_102 : memref<640x128xf32, #tpu.memory_space<hbm>>) dst(%dma_wait3A_100 : memref<640x128xf32, #tpu.memory_space<vmem_shared>>)
      tpu.yield
    }) : () -> ()
    "tpu.region"() ({
      %run_scoped3A = tpu.sem_alloc : memref<!tpu.dma_semaphore, #tpu.memory_space<semaphore_mem>>
      %dma_start3A_95 = arith.constant 0 : i32
      %dma_start3A_96 = tpu.memref_slice %arg25[%mul3A_4, %dma_start3A_95] : memref<10240x16xf32, #tpu.memory_space<vmem_shared>> -> memref<640x16xf32, #tpu.memory_space<vmem_shared>>
      %dma_start3A_97 = arith.constant 0 : i32
      %dma_start3A_98 = tpu.memref_slice %arg8[%mul3A_4, %dma_start3A_97] : memref<10240x16xf32, #tpu.memory_space<hbm>> -> memref<640x16xf32, #tpu.memory_space<hbm>>
      tpu.enqueue_dma source(%dma_start3A_98 : memref<640x16xf32, #tpu.memory_space<hbm>>) target(%dma_start3A_96 : memref<640x16xf32, #tpu.memory_space<vmem_shared>>) target_semaphore(%run_scoped3A : memref<!tpu.dma_semaphore, #tpu.memory_space<semaphore_mem>>)
      %dma_wait3A_99 = arith.constant 0 : i32
      %dma_wait3A_100 = tpu.memref_slice %arg25[%mul3A_4, %dma_wait3A_99] : memref<10240x16xf32, #tpu.memory_space<vmem_shared>> -> memref<640x16xf32, #tpu.memory_space<vmem_shared>>
      %dma_wait3A_101 = arith.constant 0 : i32
      %dma_wait3A_102 = tpu.memref_slice %arg8[%mul3A_4, %dma_wait3A_101] : memref<10240x16xf32, #tpu.memory_space<hbm>> -> memref<640x16xf32, #tpu.memory_space<hbm>>
      tpu.wait_dma2 semaphore(%run_scoped3A : memref<!tpu.dma_semaphore, #tpu.memory_space<semaphore_mem>>) src(%dma_wait3A_102 : memref<640x16xf32, #tpu.memory_space<hbm>>) dst(%dma_wait3A_100 : memref<640x16xf32, #tpu.memory_space<vmem_shared>>)
      tpu.yield
    }) : () -> ()
    %barrier3A = arith.constant 0 : index
    tpu.barrier barrier_id(%barrier3A)
    %add3A_5 = arith.constant 0 : i32
    %add3A_6 = arith.addi %mul3A_2, %add3A_5 : i32
    "tpu.region"() ({
      %run_scoped3A = tpu.sem_alloc : memref<!tpu.dma_semaphore, #tpu.memory_space<semaphore_mem>>
      %dma_start3A_95 = tpu.memref_slice %arg5[%add3A_6] : memref<320000xi32, #tpu.memory_space<hbm>> -> memref<80xi32, #tpu.memory_space<hbm>>
      %dma_start3A_96 = tpu.memref_slice %arg5[%add3A_6] : memref<320000xi32, #tpu.memory_space<hbm>> -> memref<80xi32, #tpu.memory_space<hbm>>
      tpu.enqueue_dma source(%dma_start3A_96 : memref<80xi32, #tpu.memory_space<hbm>>) target(%arg11 : memref<80xi32, #tpu.memory_space<vmem>>) target_semaphore(%run_scoped3A : memref<!tpu.dma_semaphore, #tpu.memory_space<semaphore_mem>>)
      %dma_wait3A_97 = tpu.memref_slice %arg5[%add3A_6] : memref<320000xi32, #tpu.memory_space<hbm>> -> memref<80xi32, #tpu.memory_space<hbm>>
      %dma_wait3A_98 = tpu.memref_slice %arg5[%add3A_6] : memref<320000xi32, #tpu.memory_space<hbm>> -> memref<80xi32, #tpu.memory_space<hbm>>
      tpu.wait_dma2 semaphore(%run_scoped3A : memref<!tpu.dma_semaphore, #tpu.memory_space<semaphore_mem>>) src(%dma_wait3A_98 : memref<80xi32, #tpu.memory_space<hbm>>) dst(%arg11 : memref<80xi32, #tpu.memory_space<vmem>>)
      tpu.yield
    }) : () -> ()
    "tpu.region"() ({
      %run_scoped3A = tpu.sem_alloc : memref<!tpu.dma_semaphore, #tpu.memory_space<semaphore_mem>>
      %dma_start3A_95 = tpu.memref_slice %arg6[%add3A_6] : memref<320000xi32, #tpu.memory_space<hbm>> -> memref<80xi32, #tpu.memory_space<hbm>>
      %dma_start3A_96 = tpu.memref_slice %arg6[%add3A_6] : memref<320000xi32, #tpu.memory_space<hbm>> -> memref<80xi32, #tpu.memory_space<hbm>>
      tpu.enqueue_dma source(%dma_start3A_96 : memref<80xi32, #tpu.memory_space<hbm>>) target(%arg12 : memref<80xi32, #tpu.memory_space<vmem>>) target_semaphore(%run_scoped3A : memref<!tpu.dma_semaphore, #tpu.memory_space<semaphore_mem>>)
      %dma_wait3A_97 = tpu.memref_slice %arg6[%add3A_6] : memref<320000xi32, #tpu.memory_space<hbm>> -> memref<80xi32, #tpu.memory_space<hbm>>
      %dma_wait3A_98 = tpu.memref_slice %arg6[%add3A_6] : memref<320000xi32, #tpu.memory_space<hbm>> -> memref<80xi32, #tpu.memory_space<hbm>>
      tpu.wait_dma2 semaphore(%run_scoped3A : memref<!tpu.dma_semaphore, #tpu.memory_space<semaphore_mem>>) src(%dma_wait3A_98 : memref<80xi32, #tpu.memory_space<hbm>>) dst(%arg12 : memref<80xi32, #tpu.memory_space<vmem>>)
      tpu.yield
    }) : () -> ()
    %dma_start3A = arith.constant 0 : i32
    %dma_start3A_7 = arith.constant 0 : i32
    %dma_start3A_8 = tpu.memref_slice %arg3[%dma_start3A, %dma_start3A_7] : memref<10000x16xf32, #tpu.memory_space<hbm>> -> memref<10000x16xf32, #tpu.memory_space<hbm>>
    tpu.enqueue_indirect_dma source(%dma_start3A_8 : memref<10000x16xf32, #tpu.memory_space<hbm>>) target(%arg13 : memref<80x16xf32, #tpu.memory_space<vmem>>) offsets(%arg11 : memref<80xi32, #tpu.memory_space<vmem>>) semaphore(%arg26 : memref<!tpu.dma_semaphore, #tpu.memory_space<semaphore_mem>>)
    %dma_start3A_9 = arith.constant 0 : i32
    %dma_start3A_10 = arith.constant 0 : i32
    %dma_start3A_11 = tpu.memref_slice %arg4[%dma_start3A_9, %dma_start3A_10] : memref<10000x16xf32, #tpu.memory_space<hbm>> -> memref<10000x16xf32, #tpu.memory_space<hbm>>
    tpu.enqueue_indirect_dma source(%dma_start3A_11 : memref<10000x16xf32, #tpu.memory_space<hbm>>) target(%arg14 : memref<80x16xf32, #tpu.memory_space<vmem>>) offsets(%arg12 : memref<80xi32, #tpu.memory_space<vmem>>) semaphore(%arg26 : memref<!tpu.dma_semaphore, #tpu.memory_space<semaphore_mem>>)
    %dma_start3A_12 = arith.constant 0 : i32
    %dma_start3A_13 = arith.constant 0 : i32
    %dma_start3A_14 = tpu.memref_slice %arg2[%dma_start3A_12, %dma_start3A_13] : memref<10000x128xf32, #tpu.memory_space<hbm>> -> memref<10000x128xf32, #tpu.memory_space<hbm>>
    tpu.enqueue_indirect_dma source(%dma_start3A_14 : memref<10000x128xf32, #tpu.memory_space<hbm>>) target(%arg15 : memref<80x128xf32, #tpu.memory_space<vmem>>) offsets(%arg11 : memref<80xi32, #tpu.memory_space<vmem>>) semaphore(%arg26 : memref<!tpu.dma_semaphore, #tpu.memory_space<semaphore_mem>>)
    %add3A_15 = arith.constant 80 : i32
    %add3A_16 = arith.addi %mul3A_2, %add3A_15 : i32
    "tpu.region"() ({
      %run_scoped3A = tpu.sem_alloc : memref<!tpu.dma_semaphore, #tpu.memory_space<semaphore_mem>>
      %dma_start3A_95 = tpu.memref_slice %arg5[%add3A_16] : memref<320000xi32, #tpu.memory_space<hbm>> -> memref<80xi32, #tpu.memory_space<hbm>>
      %dma_start3A_96 = tpu.memref_slice %arg5[%add3A_16] : memref<320000xi32, #tpu.memory_space<hbm>> -> memref<80xi32, #tpu.memory_space<hbm>>
      tpu.enqueue_dma source(%dma_start3A_96 : memref<80xi32, #tpu.memory_space<hbm>>) target(%arg16 : memref<80xi32, #tpu.memory_space<vmem>>) target_semaphore(%run_scoped3A : memref<!tpu.dma_semaphore, #tpu.memory_space<semaphore_mem>>)
      %dma_wait3A_97 = tpu.memref_slice %arg5[%add3A_16] : memref<320000xi32, #tpu.memory_space<hbm>> -> memref<80xi32, #tpu.memory_space<hbm>>
      %dma_wait3A_98 = tpu.memref_slice %arg5[%add3A_16] : memref<320000xi32, #tpu.memory_space<hbm>> -> memref<80xi32, #tpu.memory_space<hbm>>
      tpu.wait_dma2 semaphore(%run_scoped3A : memref<!tpu.dma_semaphore, #tpu.memory_space<semaphore_mem>>) src(%dma_wait3A_98 : memref<80xi32, #tpu.memory_space<hbm>>) dst(%arg16 : memref<80xi32, #tpu.memory_space<vmem>>)
      tpu.yield
    }) : () -> ()
    "tpu.region"() ({
      %run_scoped3A = tpu.sem_alloc : memref<!tpu.dma_semaphore, #tpu.memory_space<semaphore_mem>>
      %dma_start3A_95 = tpu.memref_slice %arg6[%add3A_16] : memref<320000xi32, #tpu.memory_space<hbm>> -> memref<80xi32, #tpu.memory_space<hbm>>
      %dma_start3A_96 = tpu.memref_slice %arg6[%add3A_16] : memref<320000xi32, #tpu.memory_space<hbm>> -> memref<80xi32, #tpu.memory_space<hbm>>
      tpu.enqueue_dma source(%dma_start3A_96 : memref<80xi32, #tpu.memory_space<hbm>>) target(%arg17 : memref<80xi32, #tpu.memory_space<vmem>>) target_semaphore(%run_scoped3A : memref<!tpu.dma_semaphore, #tpu.memory_space<semaphore_mem>>)
      %dma_wait3A_97 = tpu.memref_slice %arg6[%add3A_16] : memref<320000xi32, #tpu.memory_space<hbm>> -> memref<80xi32, #tpu.memory_space<hbm>>
      %dma_wait3A_98 = tpu.memref_slice %arg6[%add3A_16] : memref<320000xi32, #tpu.memory_space<hbm>> -> memref<80xi32, #tpu.memory_space<hbm>>
      tpu.wait_dma2 semaphore(%run_scoped3A : memref<!tpu.dma_semaphore, #tpu.memory_space<semaphore_mem>>) src(%dma_wait3A_98 : memref<80xi32, #tpu.memory_space<hbm>>) dst(%arg17 : memref<80xi32, #tpu.memory_space<vmem>>)
      tpu.yield
    }) : () -> ()
    %dma_start3A_17 = arith.constant 0 : i32
    %dma_start3A_18 = arith.constant 0 : i32
    %dma_start3A_19 = tpu.memref_slice %arg3[%dma_start3A_17, %dma_start3A_18] : memref<10000x16xf32, #tpu.memory_space<hbm>> -> memref<10000x16xf32, #tpu.memory_space<hbm>>
    tpu.enqueue_indirect_dma source(%dma_start3A_19 : memref<10000x16xf32, #tpu.memory_space<hbm>>) target(%arg18 : memref<80x16xf32, #tpu.memory_space<vmem>>) offsets(%arg16 : memref<80xi32, #tpu.memory_space<vmem>>) semaphore(%arg27 : memref<!tpu.dma_semaphore, #tpu.memory_space<semaphore_mem>>)
    %dma_start3A_20 = arith.constant 0 : i32
    %dma_start3A_21 = arith.constant 0 : i32
    %dma_start3A_22 = tpu.memref_slice %arg4[%dma_start3A_20, %dma_start3A_21] : memref<10000x16xf32, #tpu.memory_space<hbm>> -> memref<10000x16xf32, #tpu.memory_space<hbm>>
    tpu.enqueue_indirect_dma source(%dma_start3A_22 : memref<10000x16xf32, #tpu.memory_space<hbm>>) target(%arg19 : memref<80x16xf32, #tpu.memory_space<vmem>>) offsets(%arg17 : memref<80xi32, #tpu.memory_space<vmem>>) semaphore(%arg27 : memref<!tpu.dma_semaphore, #tpu.memory_space<semaphore_mem>>)
    %dma_start3A_23 = arith.constant 0 : i32
    %dma_start3A_24 = arith.constant 0 : i32
    %dma_start3A_25 = tpu.memref_slice %arg2[%dma_start3A_23, %dma_start3A_24] : memref<10000x128xf32, #tpu.memory_space<hbm>> -> memref<10000x128xf32, #tpu.memory_space<hbm>>
    tpu.enqueue_indirect_dma source(%dma_start3A_25 : memref<10000x128xf32, #tpu.memory_space<hbm>>) target(%arg20 : memref<80x128xf32, #tpu.memory_space<vmem>>) offsets(%arg16 : memref<80xi32, #tpu.memory_space<vmem>>) semaphore(%arg27 : memref<!tpu.dma_semaphore, #tpu.memory_space<semaphore_mem>>)
    %scan3A = arith.constant 0 : i32
    %scan3A_26 = arith.constant 0 : i32
    %scan3A_27 = arith.constant 62 : i32
    %scan3A_28 = arith.addi %scan3A_26, %scan3A_27 : i32
    %scan3A_29 = arith.constant 1 : i32
    scf.for %scan3A_95 = %scan3A_26 to %scan3A_28 step %scan3A_29  : i32 {
      %mul3A_96 = arith.constant 2 : i32
      %mul3A_97 = arith.muli %mul3A_96, %scan3A_95 : i32
      %dma_wait3A_98 = arith.constant 0 : i32
      %dma_wait3A_99 = arith.constant 0 : i32
      %dma_wait3A_100 = tpu.memref_slice %arg3[%dma_wait3A_98, %dma_wait3A_99] : memref<10000x16xf32, #tpu.memory_space<hbm>> -> memref<10000x16xf32, #tpu.memory_space<hbm>>
      tpu.wait_indirect_dma semaphore(%arg26 : memref<!tpu.dma_semaphore, #tpu.memory_space<semaphore_mem>>) src(%dma_wait3A_100 : memref<10000x16xf32, #tpu.memory_space<hbm>>) dst(%arg13 : memref<80x16xf32, #tpu.memory_space<vmem>>)
      %dma_wait3A_101 = arith.constant 0 : i32
      %dma_wait3A_102 = arith.constant 0 : i32
      %dma_wait3A_103 = tpu.memref_slice %arg4[%dma_wait3A_101, %dma_wait3A_102] : memref<10000x16xf32, #tpu.memory_space<hbm>> -> memref<10000x16xf32, #tpu.memory_space<hbm>>
      tpu.wait_indirect_dma semaphore(%arg26 : memref<!tpu.dma_semaphore, #tpu.memory_space<semaphore_mem>>) src(%dma_wait3A_103 : memref<10000x16xf32, #tpu.memory_space<hbm>>) dst(%arg14 : memref<80x16xf32, #tpu.memory_space<vmem>>)
      %dma_wait3A_104 = arith.constant 0 : i32
      %dma_wait3A_105 = arith.constant 0 : i32
      %dma_wait3A_106 = tpu.memref_slice %arg2[%dma_wait3A_104, %dma_wait3A_105] : memref<10000x128xf32, #tpu.memory_space<hbm>> -> memref<10000x128xf32, #tpu.memory_space<hbm>>
      tpu.wait_indirect_dma semaphore(%arg26 : memref<!tpu.dma_semaphore, #tpu.memory_space<semaphore_mem>>) src(%dma_wait3A_106 : memref<10000x128xf32, #tpu.memory_space<hbm>>) dst(%arg15 : memref<80x128xf32, #tpu.memory_space<vmem>>)
      %ge3A = arith.constant 1 : i32
      %ge3A_107 = arith.cmpi sge, %mul3A_97, %ge3A : i32
      %convert_element_type3A = arith.extui %ge3A_107 : i1 to i32
      %cond3A = arith.constant 0 : i32
      %cond3A_108 = arith.cmpi ne, %convert_element_type3A, %cond3A : i32
      scf.if %cond3A_108 {
        %dma_wait3A_252 = arith.constant 0 : i32
        %dma_wait3A_253 = arith.constant 0 : i32
        %dma_wait3A_254 = tpu.memref_slice %arg24[%dma_wait3A_252, %dma_wait3A_253] : memref<10240x128xf32, #tpu.memory_space<vmem_shared>> -> memref<10240x128xf32, #tpu.memory_space<vmem_shared>>
        tpu.wait_indirect_dma semaphore(%arg30 : memref<!tpu.dma_semaphore, #tpu.memory_space<semaphore_mem>>) src(%arg23 : memref<80x128xf32, #tpu.memory_space<vmem>>) dst(%dma_wait3A_254 : memref<10240x128xf32, #tpu.memory_space<vmem_shared>>)
        %dma_wait3A_255 = arith.constant 0 : i32
        %dma_wait3A_256 = arith.constant 0 : i32
        %dma_wait3A_257 = tpu.memref_slice %arg25[%dma_wait3A_255, %dma_wait3A_256] : memref<10240x16xf32, #tpu.memory_space<vmem_shared>> -> memref<10240x16xf32, #tpu.memory_space<vmem_shared>>
        tpu.wait_indirect_dma semaphore(%arg30 : memref<!tpu.dma_semaphore, #tpu.memory_space<semaphore_mem>>) src(%arg22 : memref<80x16xf32, #tpu.memory_space<vmem>>) dst(%dma_wait3A_257 : memref<10240x16xf32, #tpu.memory_space<vmem_shared>>)
      } else {
      }
      %get3A_109 = arith.constant 0 : index
      %get3A_110 = tpu.vector_load %arg12[%get3A_109] {strides = array<i32>} : memref<80xi32, #tpu.memory_space<vmem>>, vector<16xi32>,
      %get3A_111 = vector.shape_cast %get3A_110 : vector<16xi32> to vector<16xi32>
      %swap3A_112 = arith.constant 0 : index
      %swap3A_113 = tpu.vector_load %arg21[%swap3A_112] {strides = array<i32>} : memref<80xi32, #tpu.memory_space<vmem>>, vector<16xi32>,
      %swap3A_114 = vector.shape_cast %swap3A_113 : vector<16xi32> to vector<16xi32>
      %swap3A_115 = vector.shape_cast %get3A_111 : vector<16xi32> to vector<16xi32>
      tpu.vector_store %arg21[%swap3A_112], %swap3A_115 {strides = array<i32>} : memref<80xi32, #tpu.memory_space<vmem>>, vector<16xi32>,
      %get3A_116 = arith.constant 16 : index
      %get3A_117 = tpu.vector_load %arg12[%get3A_116] {strides = array<i32>} : memref<80xi32, #tpu.memory_space<vmem>>, vector<16xi32>,
      %get3A_118 = vector.shape_cast %get3A_117 : vector<16xi32> to vector<16xi32>
      %swap3A_119 = arith.constant 16 : index
      %swap3A_120 = tpu.vector_load %arg21[%swap3A_119] {strides = array<i32>} : memref<80xi32, #tpu.memory_space<vmem>>, vector<16xi32>,
      %swap3A_121 = vector.shape_cast %swap3A_120 : vector<16xi32> to vector<16xi32>
      %swap3A_122 = vector.shape_cast %get3A_118 : vector<16xi32> to vector<16xi32>
      tpu.vector_store %arg21[%swap3A_119], %swap3A_122 {strides = array<i32>} : memref<80xi32, #tpu.memory_space<vmem>>, vector<16xi32>,
      %get3A_123 = arith.constant 32 : index
      %get3A_124 = tpu.vector_load %arg12[%get3A_123] {strides = array<i32>} : memref<80xi32, #tpu.memory_space<vmem>>, vector<16xi32>,
      %get3A_125 = vector.shape_cast %get3A_124 : vector<16xi32> to vector<16xi32>
      %swap3A_126 = arith.constant 32 : index
      %swap3A_127 = tpu.vector_load %arg21[%swap3A_126] {strides = array<i32>} : memref<80xi32, #tpu.memory_space<vmem>>, vector<16xi32>,
      %swap3A_128 = vector.shape_cast %swap3A_127 : vector<16xi32> to vector<16xi32>
      %swap3A_129 = vector.shape_cast %get3A_125 : vector<16xi32> to vector<16xi32>
      tpu.vector_store %arg21[%swap3A_126], %swap3A_129 {strides = array<i32>} : memref<80xi32, #tpu.memory_space<vmem>>, vector<16xi32>,
      %get3A_130 = arith.constant 48 : index
      %get3A_131 = tpu.vector_load %arg12[%get3A_130] {strides = array<i32>} : memref<80xi32, #tpu.memory_space<vmem>>, vector<16xi32>,
      %get3A_132 = vector.shape_cast %get3A_131 : vector<16xi32> to vector<16xi32>
      %swap3A_133 = arith.constant 48 : index
      %swap3A_134 = tpu.vector_load %arg21[%swap3A_133] {strides = array<i32>} : memref<80xi32, #tpu.memory_space<vmem>>, vector<16xi32>,
      %swap3A_135 = vector.shape_cast %swap3A_134 : vector<16xi32> to vector<16xi32>
      %swap3A_136 = vector.shape_cast %get3A_132 : vector<16xi32> to vector<16xi32>
      tpu.vector_store %arg21[%swap3A_133], %swap3A_136 {strides = array<i32>} : memref<80xi32, #tpu.memory_space<vmem>>, vector<16xi32>,
      %get3A_137 = arith.constant 64 : index
      %get3A_138 = tpu.vector_load %arg12[%get3A_137] {strides = array<i32>} : memref<80xi32, #tpu.memory_space<vmem>>, vector<16xi32>,
      %get3A_139 = vector.shape_cast %get3A_138 : vector<16xi32> to vector<16xi32>
      %swap3A_140 = arith.constant 64 : index
      %swap3A_141 = tpu.vector_load %arg21[%swap3A_140] {strides = array<i32>} : memref<80xi32, #tpu.memory_space<vmem>>, vector<16xi32>,
      %swap3A_142 = vector.shape_cast %swap3A_141 : vector<16xi32> to vector<16xi32>
      %swap3A_143 = vector.shape_cast %get3A_139 : vector<16xi32> to vector<16xi32>
      tpu.vector_store %arg21[%swap3A_140], %swap3A_143 {strides = array<i32>} : memref<80xi32, #tpu.memory_space<vmem>>, vector<16xi32>,
      %add3A_144 = arith.constant 2 : i32
      %add3A_145 = arith.addi %mul3A_97, %add3A_144 : i32
      %mul3A_146 = arith.constant 80 : i32
      %mul3A_147 = arith.muli %add3A_145, %mul3A_146 : i32
      %add3A_148 = arith.addi %mul3A_2, %mul3A_147 : i32
      %add3A_149 = arith.constant 2 : i32
      %add3A_150 = arith.addi %mul3A_97, %add3A_149 : i32
      %lt3A = arith.constant 125 : i32
      %lt3A_151 = arith.cmpi slt, %add3A_150, %lt3A : i32
      %convert_element_type3A_152 = arith.extui %lt3A_151 : i1 to i32
      %cond3A_153 = arith.constant 0 : i32
      %cond3A_154 = arith.cmpi ne, %convert_element_type3A_152, %cond3A_153 : i32
      scf.if %cond3A_154 {
        %dma_start3A_252 = tpu.memref_slice %arg5[%add3A_148] : memref<320000xi32, #tpu.memory_space<hbm>> -> memref<80xi32, #tpu.memory_space<hbm>>
        %dma_start3A_253 = tpu.memref_slice %arg5[%add3A_148] : memref<320000xi32, #tpu.memory_space<hbm>> -> memref<80xi32, #tpu.memory_space<hbm>>
        tpu.enqueue_dma source(%dma_start3A_253 : memref<80xi32, #tpu.memory_space<hbm>>) target(%arg11 : memref<80xi32, #tpu.memory_space<vmem>>) target_semaphore(%arg28 : memref<!tpu.dma_semaphore, #tpu.memory_space<semaphore_mem>>)
        %dma_start3A_254 = tpu.memref_slice %arg6[%add3A_148] : memref<320000xi32, #tpu.memory_space<hbm>> -> memref<80xi32, #tpu.memory_space<hbm>>
        %dma_start3A_255 = tpu.memref_slice %arg6[%add3A_148] : memref<320000xi32, #tpu.memory_space<hbm>> -> memref<80xi32, #tpu.memory_space<hbm>>
        tpu.enqueue_dma source(%dma_start3A_255 : memref<80xi32, #tpu.memory_space<hbm>>) target(%arg12 : memref<80xi32, #tpu.memory_space<vmem>>) target_semaphore(%arg28 : memref<!tpu.dma_semaphore, #tpu.memory_space<semaphore_mem>>)
      } else {
      }
      %parallel_loop3A_155 = arith.constant 0 : i32
      %parallel_loop3A_156 = arith.constant 80 : i32
      %parallel_loop3A_157 = arith.constant 1 : i32
      scf.for %parallel_loop3A_252 = %parallel_loop3A_155 to %parallel_loop3A_156 step %parallel_loop3A_157  : i32 {
        %parallel_loop3A_253 = arith.index_cast %parallel_loop3A_252 : i32 to index
        %parallel_loop3A_254 = arith.constant 0 : index
        %parallel_loop3A_255 = tpu.vector_load %arg13[%parallel_loop3A_253, %parallel_loop3A_254] {strides = array<i32>} : memref<80x16xf32, #tpu.memory_space<vmem>>, vector<1x16xf32>,
        %parallel_loop3A_256 = vector.shape_cast %parallel_loop3A_255 : vector<1x16xf32> to vector<16xf32>
        %parallel_loop3A_257 = arith.index_cast %parallel_loop3A_252 : i32 to index
        %parallel_loop3A_258 = arith.constant 0 : index
        %parallel_loop3A_259 = tpu.vector_load %arg14[%parallel_loop3A_257, %parallel_loop3A_258] {strides = array<i32>} : memref<80x16xf32, #tpu.memory_space<vmem>>, vector<1x16xf32>,
        %parallel_loop3A_260 = vector.shape_cast %parallel_loop3A_259 : vector<1x16xf32> to vector<16xf32>
        %parallel_loop3A_261 = arith.addf %parallel_loop3A_256, %parallel_loop3A_260 : vector<16xf32>
        %parallel_loop3A_262 = arith.constant 0.000000e+00 : f32
        %parallel_loop3A_263 = vector.broadcast %parallel_loop3A_262 : f32 to vector<16xf32>
        %parallel_loop3A_264 = arith.cmpf oge, %parallel_loop3A_261, %parallel_loop3A_263 : vector<16xf32>
        %parallel_loop3A_265 = arith.constant 2.000000e-01 : f32
        %parallel_loop3A_266 = vector.broadcast %parallel_loop3A_265 : f32 to vector<16xf32>
        %parallel_loop3A_267 = arith.mulf %parallel_loop3A_266, %parallel_loop3A_261 : vector<16xf32>
        %parallel_loop3A_268 = arith.select %parallel_loop3A_264, %parallel_loop3A_261, %parallel_loop3A_267 : vector<16xi1>, vector<16xf32>
        %parallel_loop3A_269 = math.exp %parallel_loop3A_268 : vector<16xf32>
        %parallel_loop3A_270 = arith.index_cast %parallel_loop3A_252 : i32 to index
        %parallel_loop3A_271 = arith.constant 0 : index
        %parallel_loop3A_272 = tpu.vector_load %arg22[%parallel_loop3A_270, %parallel_loop3A_271] {strides = array<i32>} : memref<80x16xf32, #tpu.memory_space<vmem>>, vector<1x16xf32>,
        %parallel_loop3A_273 = vector.shape_cast %parallel_loop3A_272 : vector<1x16xf32> to vector<16xf32>
        %parallel_loop3A_274 = vector.shape_cast %parallel_loop3A_269 : vector<16xf32> to vector<1x16xf32>
        tpu.vector_store %arg22[%parallel_loop3A_270, %parallel_loop3A_271], %parallel_loop3A_274 {strides = array<i32>} : memref<80x16xf32, #tpu.memory_space<vmem>>, vector<1x16xf32>,
        %parallel_loop3A_275 = arith.index_cast %parallel_loop3A_252 : i32 to index
        %parallel_loop3A_276 = arith.constant 0 : index
        %parallel_loop3A_277 = tpu.vector_load %arg15[%parallel_loop3A_275, %parallel_loop3A_276] {strides = array<i32>} : memref<80x128xf32, #tpu.memory_space<vmem>>, vector<1x16xf32>,
        %parallel_loop3A_278 = vector.shape_cast %parallel_loop3A_277 : vector<1x16xf32> to vector<16xf32>
        %parallel_loop3A_279 = vector.extract_strided_slice %parallel_loop3A_269 {offsets = [0], sizes = [1], strides = [1]} : vector<16xf32> to vector<1xf32>
        %parallel_loop3A_280 = vector.extract %parallel_loop3A_279[0] : f32 from vector<1xf32>
        %parallel_loop3A_281 = vector.broadcast %parallel_loop3A_280 : f32 to vector<16xf32>
        %parallel_loop3A_282 = arith.mulf %parallel_loop3A_278, %parallel_loop3A_281 : vector<16xf32>
        %parallel_loop3A_283 = arith.index_cast %parallel_loop3A_252 : i32 to index
        %parallel_loop3A_284 = arith.constant 0 : index
        %parallel_loop3A_285 = tpu.vector_load %arg23[%parallel_loop3A_283, %parallel_loop3A_284] {strides = array<i32>} : memref<80x128xf32, #tpu.memory_space<vmem>>, vector<1x16xf32>,
        %parallel_loop3A_286 = vector.shape_cast %parallel_loop3A_285 : vector<1x16xf32> to vector<16xf32>
        %parallel_loop3A_287 = vector.shape_cast %parallel_loop3A_282 : vector<16xf32> to vector<1x16xf32>
        tpu.vector_store %arg23[%parallel_loop3A_283, %parallel_loop3A_284], %parallel_loop3A_287 {strides = array<i32>} : memref<80x128xf32, #tpu.memory_space<vmem>>, vector<1x16xf32>,
        %parallel_loop3A_288 = arith.index_cast %parallel_loop3A_252 : i32 to index
        %parallel_loop3A_289 = arith.constant 16 : index
        %parallel_loop3A_290 = tpu.vector_load %arg15[%parallel_loop3A_288, %parallel_loop3A_289] {strides = array<i32>} : memref<80x128xf32, #tpu.memory_space<vmem>>, vector<1x16xf32>,
        %parallel_loop3A_291 = vector.shape_cast %parallel_loop3A_290 : vector<1x16xf32> to vector<16xf32>
        %parallel_loop3A_292 = vector.extract_strided_slice %parallel_loop3A_269 {offsets = [1], sizes = [1], strides = [1]} : vector<16xf32> to vector<1xf32>
        %parallel_loop3A_293 = vector.extract %parallel_loop3A_292[0] : f32 from vector<1xf32>
        %parallel_loop3A_294 = vector.broadcast %parallel_loop3A_293 : f32 to vector<16xf32>
        %parallel_loop3A_295 = arith.mulf %parallel_loop3A_291, %parallel_loop3A_294 : vector<16xf32>
        %parallel_loop3A_296 = arith.index_cast %parallel_loop3A_252 : i32 to index
        %parallel_loop3A_297 = arith.constant 16 : index
        %parallel_loop3A_298 = tpu.vector_load %arg23[%parallel_loop3A_296, %parallel_loop3A_297] {strides = array<i32>} : memref<80x128xf32, #tpu.memory_space<vmem>>, vector<1x16xf32>,
        %parallel_loop3A_299 = vector.shape_cast %parallel_loop3A_298 : vector<1x16xf32> to vector<16xf32>
        %parallel_loop3A_300 = vector.shape_cast %parallel_loop3A_295 : vector<16xf32> to vector<1x16xf32>
        tpu.vector_store %arg23[%parallel_loop3A_296, %parallel_loop3A_297], %parallel_loop3A_300 {strides = array<i32>} : memref<80x128xf32, #tpu.memory_space<vmem>>, vector<1x16xf32>,
        %parallel_loop3A_301 = arith.index_cast %parallel_loop3A_252 : i32 to index
        %parallel_loop3A_302 = arith.constant 32 : index
        %parallel_loop3A_303 = tpu.vector_load %arg15[%parallel_loop3A_301, %parallel_loop3A_302] {strides = array<i32>} : memref<80x128xf32, #tpu.memory_space<vmem>>, vector<1x16xf32>,
        %parallel_loop3A_304 = vector.shape_cast %parallel_loop3A_303 : vector<1x16xf32> to vector<16xf32>
        %parallel_loop3A_305 = vector.extract_strided_slice %parallel_loop3A_269 {offsets = [2], sizes = [1], strides = [1]} : vector<16xf32> to vector<1xf32>
        %parallel_loop3A_306 = vector.extract %parallel_loop3A_305[0] : f32 from vector<1xf32>
        %parallel_loop3A_307 = vector.broadcast %parallel_loop3A_306 : f32 to vector<16xf32>
        %parallel_loop3A_308 = arith.mulf %parallel_loop3A_304, %parallel_loop3A_307 : vector<16xf32>
        %parallel_loop3A_309 = arith.index_cast %parallel_loop3A_252 : i32 to index
        %parallel_loop3A_310 = arith.constant 32 : index
        %parallel_loop3A_311 = tpu.vector_load %arg23[%parallel_loop3A_309, %parallel_loop3A_310] {strides = array<i32>} : memref<80x128xf32, #tpu.memory_space<vmem>>, vector<1x16xf32>,
        %parallel_loop3A_312 = vector.shape_cast %parallel_loop3A_311 : vector<1x16xf32> to vector<16xf32>
        %parallel_loop3A_313 = vector.shape_cast %parallel_loop3A_308 : vector<16xf32> to vector<1x16xf32>
        tpu.vector_store %arg23[%parallel_loop3A_309, %parallel_loop3A_310], %parallel_loop3A_313 {strides = array<i32>} : memref<80x128xf32, #tpu.memory_space<vmem>>, vector<1x16xf32>,
        %parallel_loop3A_314 = arith.index_cast %parallel_loop3A_252 : i32 to index
        %parallel_loop3A_315 = arith.constant 48 : index
        %parallel_loop3A_316 = tpu.vector_load %arg15[%parallel_loop3A_314, %parallel_loop3A_315] {strides = array<i32>} : memref<80x128xf32, #tpu.memory_space<vmem>>, vector<1x16xf32>,
        %parallel_loop3A_317 = vector.shape_cast %parallel_loop3A_316 : vector<1x16xf32> to vector<16xf32>
        %parallel_loop3A_318 = vector.extract_strided_slice %parallel_loop3A_269 {offsets = [3], sizes = [1], strides = [1]} : vector<16xf32> to vector<1xf32>
        %parallel_loop3A_319 = vector.extract %parallel_loop3A_318[0] : f32 from vector<1xf32>
        %parallel_loop3A_320 = vector.broadcast %parallel_loop3A_319 : f32 to vector<16xf32>
        %parallel_loop3A_321 = arith.mulf %parallel_loop3A_317, %parallel_loop3A_320 : vector<16xf32>
        %parallel_loop3A_322 = arith.index_cast %parallel_loop3A_252 : i32 to index
        %parallel_loop3A_323 = arith.constant 48 : index
        %parallel_loop3A_324 = tpu.vector_load %arg23[%parallel_loop3A_322, %parallel_loop3A_323] {strides = array<i32>} : memref<80x128xf32, #tpu.memory_space<vmem>>, vector<1x16xf32>,
        %parallel_loop3A_325 = vector.shape_cast %parallel_loop3A_324 : vector<1x16xf32> to vector<16xf32>
        %parallel_loop3A_326 = vector.shape_cast %parallel_loop3A_321 : vector<16xf32> to vector<1x16xf32>
        tpu.vector_store %arg23[%parallel_loop3A_322, %parallel_loop3A_323], %parallel_loop3A_326 {strides = array<i32>} : memref<80x128xf32, #tpu.memory_space<vmem>>, vector<1x16xf32>,
        %parallel_loop3A_327 = arith.index_cast %parallel_loop3A_252 : i32 to index
        %parallel_loop3A_328 = arith.constant 64 : index
        %parallel_loop3A_329 = tpu.vector_load %arg15[%parallel_loop3A_327, %parallel_loop3A_328] {strides = array<i32>} : memref<80x128xf32, #tpu.memory_space<vmem>>, vector<1x16xf32>,
        %parallel_loop3A_330 = vector.shape_cast %parallel_loop3A_329 : vector<1x16xf32> to vector<16xf32>
        %parallel_loop3A_331 = vector.extract_strided_slice %parallel_loop3A_269 {offsets = [4], sizes = [1], strides = [1]} : vector<16xf32> to vector<1xf32>
        %parallel_loop3A_332 = vector.extract %parallel_loop3A_331[0] : f32 from vector<1xf32>
        %parallel_loop3A_333 = vector.broadcast %parallel_loop3A_332 : f32 to vector<16xf32>
        %parallel_loop3A_334 = arith.mulf %parallel_loop3A_330, %parallel_loop3A_333 : vector<16xf32>
        %parallel_loop3A_335 = arith.index_cast %parallel_loop3A_252 : i32 to index
        %parallel_loop3A_336 = arith.constant 64 : index
        %parallel_loop3A_337 = tpu.vector_load %arg23[%parallel_loop3A_335, %parallel_loop3A_336] {strides = array<i32>} : memref<80x128xf32, #tpu.memory_space<vmem>>, vector<1x16xf32>,
        %parallel_loop3A_338 = vector.shape_cast %parallel_loop3A_337 : vector<1x16xf32> to vector<16xf32>
        %parallel_loop3A_339 = vector.shape_cast %parallel_loop3A_334 : vector<16xf32> to vector<1x16xf32>
        tpu.vector_store %arg23[%parallel_loop3A_335, %parallel_loop3A_336], %parallel_loop3A_339 {strides = array<i32>} : memref<80x128xf32, #tpu.memory_space<vmem>>, vector<1x16xf32>,
        %parallel_loop3A_340 = arith.index_cast %parallel_loop3A_252 : i32 to index
        %parallel_loop3A_341 = arith.constant 80 : index
        %parallel_loop3A_342 = tpu.vector_load %arg15[%parallel_loop3A_340, %parallel_loop3A_341] {strides = array<i32>} : memref<80x128xf32, #tpu.memory_space<vmem>>, vector<1x16xf32>,
        %parallel_loop3A_343 = vector.shape_cast %parallel_loop3A_342 : vector<1x16xf32> to vector<16xf32>
        %parallel_loop3A_344 = vector.extract_strided_slice %parallel_loop3A_269 {offsets = [5], sizes = [1], strides = [1]} : vector<16xf32> to vector<1xf32>
        %parallel_loop3A_345 = vector.extract %parallel_loop3A_344[0] : f32 from vector<1xf32>
        %parallel_loop3A_346 = vector.broadcast %parallel_loop3A_345 : f32 to vector<16xf32>
        %parallel_loop3A_347 = arith.mulf %parallel_loop3A_343, %parallel_loop3A_346 : vector<16xf32>
        %parallel_loop3A_348 = arith.index_cast %parallel_loop3A_252 : i32 to index
        %parallel_loop3A_349 = arith.constant 80 : index
        %parallel_loop3A_350 = tpu.vector_load %arg23[%parallel_loop3A_348, %parallel_loop3A_349] {strides = array<i32>} : memref<80x128xf32, #tpu.memory_space<vmem>>, vector<1x16xf32>,
        %parallel_loop3A_351 = vector.shape_cast %parallel_loop3A_350 : vector<1x16xf32> to vector<16xf32>
        %parallel_loop3A_352 = vector.shape_cast %parallel_loop3A_347 : vector<16xf32> to vector<1x16xf32>
        tpu.vector_store %arg23[%parallel_loop3A_348, %parallel_loop3A_349], %parallel_loop3A_352 {strides = array<i32>} : memref<80x128xf32, #tpu.memory_space<vmem>>, vector<1x16xf32>,
        %parallel_loop3A_353 = arith.index_cast %parallel_loop3A_252 : i32 to index
        %parallel_loop3A_354 = arith.constant 96 : index
        %parallel_loop3A_355 = tpu.vector_load %arg15[%parallel_loop3A_353, %parallel_loop3A_354] {strides = array<i32>} : memref<80x128xf32, #tpu.memory_space<vmem>>, vector<1x16xf32>,
        %parallel_loop3A_356 = vector.shape_cast %parallel_loop3A_355 : vector<1x16xf32> to vector<16xf32>
        %parallel_loop3A_357 = vector.extract_strided_slice %parallel_loop3A_269 {offsets = [6], sizes = [1], strides = [1]} : vector<16xf32> to vector<1xf32>
        %parallel_loop3A_358 = vector.extract %parallel_loop3A_357[0] : f32 from vector<1xf32>
        %parallel_loop3A_359 = vector.broadcast %parallel_loop3A_358 : f32 to vector<16xf32>
        %parallel_loop3A_360 = arith.mulf %parallel_loop3A_356, %parallel_loop3A_359 : vector<16xf32>
        %parallel_loop3A_361 = arith.index_cast %parallel_loop3A_252 : i32 to index
        %parallel_loop3A_362 = arith.constant 96 : index
        %parallel_loop3A_363 = tpu.vector_load %arg23[%parallel_loop3A_361, %parallel_loop3A_362] {strides = array<i32>} : memref<80x128xf32, #tpu.memory_space<vmem>>, vector<1x16xf32>,
        %parallel_loop3A_364 = vector.shape_cast %parallel_loop3A_363 : vector<1x16xf32> to vector<16xf32>
        %parallel_loop3A_365 = vector.shape_cast %parallel_loop3A_360 : vector<16xf32> to vector<1x16xf32>
        tpu.vector_store %arg23[%parallel_loop3A_361, %parallel_loop3A_362], %parallel_loop3A_365 {strides = array<i32>} : memref<80x128xf32, #tpu.memory_space<vmem>>, vector<1x16xf32>,
        %parallel_loop3A_366 = arith.index_cast %parallel_loop3A_252 : i32 to index
        %parallel_loop3A_367 = arith.constant 112 : index
        %parallel_loop3A_368 = tpu.vector_load %arg15[%parallel_loop3A_366, %parallel_loop3A_367] {strides = array<i32>} : memref<80x128xf32, #tpu.memory_space<vmem>>, vector<1x16xf32>,
        %parallel_loop3A_369 = vector.shape_cast %parallel_loop3A_368 : vector<1x16xf32> to vector<16xf32>
        %parallel_loop3A_370 = vector.extract_strided_slice %parallel_loop3A_269 {offsets = [7], sizes = [1], strides = [1]} : vector<16xf32> to vector<1xf32>
        %parallel_loop3A_371 = vector.extract %parallel_loop3A_370[0] : f32 from vector<1xf32>
        %parallel_loop3A_372 = vector.broadcast %parallel_loop3A_371 : f32 to vector<16xf32>
        %parallel_loop3A_373 = arith.mulf %parallel_loop3A_369, %parallel_loop3A_372 : vector<16xf32>
        %parallel_loop3A_374 = arith.index_cast %parallel_loop3A_252 : i32 to index
        %parallel_loop3A_375 = arith.constant 112 : index
        %parallel_loop3A_376 = tpu.vector_load %arg23[%parallel_loop3A_374, %parallel_loop3A_375] {strides = array<i32>} : memref<80x128xf32, #tpu.memory_space<vmem>>, vector<1x16xf32>,
        %parallel_loop3A_377 = vector.shape_cast %parallel_loop3A_376 : vector<1x16xf32> to vector<16xf32>
        %parallel_loop3A_378 = vector.shape_cast %parallel_loop3A_373 : vector<16xf32> to vector<1x16xf32>
        tpu.vector_store %arg23[%parallel_loop3A_374, %parallel_loop3A_375], %parallel_loop3A_378 {strides = array<i32>} : memref<80x128xf32, #tpu.memory_space<vmem>>, vector<1x16xf32>,
      } {sc.loop_unroll_factor = 4 : i64, sc.parallel_access}
      %dma_start3A_158 = arith.constant 0 : i32
      %dma_start3A_159 = arith.constant 0 : i32
      %dma_start3A_160 = tpu.memref_slice %arg24[%dma_start3A_158, %dma_start3A_159] : memref<10240x128xf32, #tpu.memory_space<vmem_shared>> -> memref<10240x128xf32, #tpu.memory_space<vmem_shared>>
      tpu.enqueue_indirect_dma source(%arg23 : memref<80x128xf32, #tpu.memory_space<vmem>>) target(%dma_start3A_160 : memref<10240x128xf32, #tpu.memory_space<vmem_shared>>) offsets(%arg21 : memref<80xi32, #tpu.memory_space<vmem>>) semaphore(%arg30 : memref<!tpu.dma_semaphore, #tpu.memory_space<semaphore_mem>>) {add = true}
      %dma_start3A_161 = arith.constant 0 : i32
      %dma_start3A_162 = arith.constant 0 : i32
      %dma_start3A_163 = tpu.memref_slice %arg25[%dma_start3A_161, %dma_start3A_162] : memref<10240x16xf32, #tpu.memory_space<vmem_shared>> -> memref<10240x16xf32, #tpu.memory_space<vmem_shared>>
      tpu.enqueue_indirect_dma source(%arg22 : memref<80x16xf32, #tpu.memory_space<vmem>>) target(%dma_start3A_163 : memref<10240x16xf32, #tpu.memory_space<vmem_shared>>) offsets(%arg21 : memref<80xi32, #tpu.memory_space<vmem>>) semaphore(%arg30 : memref<!tpu.dma_semaphore, #tpu.memory_space<semaphore_mem>>) {add = true}
      %add3A_164 = arith.constant 2 : i32
      %add3A_165 = arith.addi %mul3A_97, %add3A_164 : i32
      %lt3A_166 = arith.constant 125 : i32
      %lt3A_167 = arith.cmpi slt, %add3A_165, %lt3A_166 : i32
      %convert_element_type3A_168 = arith.extui %lt3A_167 : i1 to i32
      %cond3A_169 = arith.constant 0 : i32
      %cond3A_170 = arith.cmpi ne, %convert_element_type3A_168, %cond3A_169 : i32
      scf.if %cond3A_170 {
        %dma_wait3A_252 = tpu.memref_slice %arg5[%add3A_148] : memref<320000xi32, #tpu.memory_space<hbm>> -> memref<80xi32, #tpu.memory_space<hbm>>
        %dma_wait3A_253 = tpu.memref_slice %arg5[%add3A_148] : memref<320000xi32, #tpu.memory_space<hbm>> -> memref<80xi32, #tpu.memory_space<hbm>>
        tpu.wait_dma2 semaphore(%arg28 : memref<!tpu.dma_semaphore, #tpu.memory_space<semaphore_mem>>) src(%dma_wait3A_253 : memref<80xi32, #tpu.memory_space<hbm>>) dst(%arg11 : memref<80xi32, #tpu.memory_space<vmem>>)
        %dma_wait3A_254 = tpu.memref_slice %arg6[%add3A_148] : memref<320000xi32, #tpu.memory_space<hbm>> -> memref<80xi32, #tpu.memory_space<hbm>>
        %dma_wait3A_255 = tpu.memref_slice %arg6[%add3A_148] : memref<320000xi32, #tpu.memory_space<hbm>> -> memref<80xi32, #tpu.memory_space<hbm>>
        tpu.wait_dma2 semaphore(%arg28 : memref<!tpu.dma_semaphore, #tpu.memory_space<semaphore_mem>>) src(%dma_wait3A_255 : memref<80xi32, #tpu.memory_space<hbm>>) dst(%arg12 : memref<80xi32, #tpu.memory_space<vmem>>)
        %dma_start3A_256 = arith.constant 0 : i32
        %dma_start3A_257 = arith.constant 0 : i32
        %dma_start3A_258 = tpu.memref_slice %arg3[%dma_start3A_256, %dma_start3A_257] : memref<10000x16xf32, #tpu.memory_space<hbm>> -> memref<10000x16xf32, #tpu.memory_space<hbm>>
        tpu.enqueue_indirect_dma source(%dma_start3A_258 : memref<10000x16xf32, #tpu.memory_space<hbm>>) target(%arg13 : memref<80x16xf32, #tpu.memory_space<vmem>>) offsets(%arg11 : memref<80xi32, #tpu.memory_space<vmem>>) semaphore(%arg26 : memref<!tpu.dma_semaphore, #tpu.memory_space<semaphore_mem>>)
        %dma_start3A_259 = arith.constant 0 : i32
        %dma_start3A_260 = arith.constant 0 : i32
        %dma_start3A_261 = tpu.memref_slice %arg4[%dma_start3A_259, %dma_start3A_260] : memref<10000x16xf32, #tpu.memory_space<hbm>> -> memref<10000x16xf32, #tpu.memory_space<hbm>>
        tpu.enqueue_indirect_dma source(%dma_start3A_261 : memref<10000x16xf32, #tpu.memory_space<hbm>>) target(%arg14 : memref<80x16xf32, #tpu.memory_space<vmem>>) offsets(%arg12 : memref<80xi32, #tpu.memory_space<vmem>>) semaphore(%arg26 : memref<!tpu.dma_semaphore, #tpu.memory_space<semaphore_mem>>)
        %dma_start3A_262 = arith.constant 0 : i32
        %dma_start3A_263 = arith.constant 0 : i32
        %dma_start3A_264 = tpu.memref_slice %arg2[%dma_start3A_262, %dma_start3A_263] : memref<10000x128xf32, #tpu.memory_space<hbm>> -> memref<10000x128xf32, #tpu.memory_space<hbm>>
        tpu.enqueue_indirect_dma source(%dma_start3A_264 : memref<10000x128xf32, #tpu.memory_space<hbm>>) target(%arg15 : memref<80x128xf32, #tpu.memory_space<vmem>>) offsets(%arg11 : memref<80xi32, #tpu.memory_space<vmem>>) semaphore(%arg26 : memref<!tpu.dma_semaphore, #tpu.memory_space<semaphore_mem>>)
      } else {
      }
      %mul3A_171 = arith.constant 2 : i32
      %mul3A_172 = arith.muli %mul3A_171, %scan3A_95 : i32
      %add3A_173 = arith.constant 1 : i32
      %add3A_174 = arith.addi %mul3A_172, %add3A_173 : i32
      %dma_wait3A_175 = arith.constant 0 : i32
      %dma_wait3A_176 = arith.constant 0 : i32
      %dma_wait3A_177 = tpu.memref_slice %arg3[%dma_wait3A_175, %dma_wait3A_176] : memref<10000x16xf32, #tpu.memory_space<hbm>> -> memref<10000x16xf32, #tpu.memory_space<hbm>>
      tpu.wait_indirect_dma semaphore(%arg27 : memref<!tpu.dma_semaphore, #tpu.memory_space<semaphore_mem>>) src(%dma_wait3A_177 : memref<10000x16xf32, #tpu.memory_space<hbm>>) dst(%arg18 : memref<80x16xf32, #tpu.memory_space<vmem>>)
      %dma_wait3A_178 = arith.constant 0 : i32
      %dma_wait3A_179 = arith.constant 0 : i32
      %dma_wait3A_180 = tpu.memref_slice %arg4[%dma_wait3A_178, %dma_wait3A_179] : memref<10000x16xf32, #tpu.memory_space<hbm>> -> memref<10000x16xf32, #tpu.memory_space<hbm>>
      tpu.wait_indirect_dma semaphore(%arg27 : memref<!tpu.dma_semaphore, #tpu.memory_space<semaphore_mem>>) src(%dma_wait3A_180 : memref<10000x16xf32, #tpu.memory_space<hbm>>) dst(%arg19 : memref<80x16xf32, #tpu.memory_space<vmem>>)
      %dma_wait3A_181 = arith.constant 0 : i32
      %dma_wait3A_182 = arith.constant 0 : i32
      %dma_wait3A_183 = tpu.memref_slice %arg2[%dma_wait3A_181, %dma_wait3A_182] : memref<10000x128xf32, #tpu.memory_space<hbm>> -> memref<10000x128xf32, #tpu.memory_space<hbm>>
      tpu.wait_indirect_dma semaphore(%arg27 : memref<!tpu.dma_semaphore, #tpu.memory_space<semaphore_mem>>) src(%dma_wait3A_183 : memref<10000x128xf32, #tpu.memory_space<hbm>>) dst(%arg20 : memref<80x128xf32, #tpu.memory_space<vmem>>)
      %ge3A_184 = arith.constant 1 : i32
      %ge3A_185 = arith.cmpi sge, %add3A_174, %ge3A_184 : i32
      %convert_element_type3A_186 = arith.extui %ge3A_185 : i1 to i32
      %cond3A_187 = arith.constant 0 : i32
      %cond3A_188 = arith.cmpi ne, %convert_element_type3A_186, %cond3A_187 : i32
      scf.if %cond3A_188 {
        %dma_wait3A_252 = arith.constant 0 : i32
        %dma_wait3A_253 = arith.constant 0 : i32
        %dma_wait3A_254 = tpu.memref_slice %arg24[%dma_wait3A_252, %dma_wait3A_253] : memref<10240x128xf32, #tpu.memory_space<vmem_shared>> -> memref<10240x128xf32, #tpu.memory_space<vmem_shared>>
        tpu.wait_indirect_dma semaphore(%arg30 : memref<!tpu.dma_semaphore, #tpu.memory_space<semaphore_mem>>) src(%arg23 : memref<80x128xf32, #tpu.memory_space<vmem>>) dst(%dma_wait3A_254 : memref<10240x128xf32, #tpu.memory_space<vmem_shared>>)
        %dma_wait3A_255 = arith.constant 0 : i32
        %dma_wait3A_256 = arith.constant 0 : i32
        %dma_wait3A_257 = tpu.memref_slice %arg25[%dma_wait3A_255, %dma_wait3A_256] : memref<10240x16xf32, #tpu.memory_space<vmem_shared>> -> memref<10240x16xf32, #tpu.memory_space<vmem_shared>>
        tpu.wait_indirect_dma semaphore(%arg30 : memref<!tpu.dma_semaphore, #tpu.memory_space<semaphore_mem>>) src(%arg22 : memref<80x16xf32, #tpu.memory_space<vmem>>) dst(%dma_wait3A_257 : memref<10240x16xf32, #tpu.memory_space<vmem_shared>>)
      } else {
      }
      %get3A_189 = arith.constant 0 : index
      %get3A_190 = tpu.vector_load %arg17[%get3A_189] {strides = array<i32>} : memref<80xi32, #tpu.memory_space<vmem>>, vector<16xi32>,
      %get3A_191 = vector.shape_cast %get3A_190 : vector<16xi32> to vector<16xi32>
      %swap3A_192 = arith.constant 0 : index
      %swap3A_193 = tpu.vector_load %arg21[%swap3A_192] {strides = array<i32>} : memref<80xi32, #tpu.memory_space<vmem>>, vector<16xi32>,
      %swap3A_194 = vector.shape_cast %swap3A_193 : vector<16xi32> to vector<16xi32>
      %swap3A_195 = vector.shape_cast %get3A_191 : vector<16xi32> to vector<16xi32>
      tpu.vector_store %arg21[%swap3A_192], %swap3A_195 {strides = array<i32>} : memref<80xi32, #tpu.memory_space<vmem>>, vector<16xi32>,
      %get3A_196 = arith.constant 16 : index
      %get3A_197 = tpu.vector_load %arg17[%get3A_196] {strides = array<i32>} : memref<80xi32, #tpu.memory_space<vmem>>, vector<16xi32>,
      %get3A_198 = vector.shape_cast %get3A_197 : vector<16xi32> to vector<16xi32>
      %swap3A_199 = arith.constant 16 : index
      %swap3A_200 = tpu.vector_load %arg21[%swap3A_199] {strides = array<i32>} : memref<80xi32, #tpu.memory_space<vmem>>, vector<16xi32>,
      %swap3A_201 = vector.shape_cast %swap3A_200 : vector<16xi32> to vector<16xi32>
      %swap3A_202 = vector.shape_cast %get3A_198 : vector<16xi32> to vector<16xi32>
      tpu.vector_store %arg21[%swap3A_199], %swap3A_202 {strides = array<i32>} : memref<80xi32, #tpu.memory_space<vmem>>, vector<16xi32>,
      %get3A_203 = arith.constant 32 : index
      %get3A_204 = tpu.vector_load %arg17[%get3A_203] {strides = array<i32>} : memref<80xi32, #tpu.memory_space<vmem>>, vector<16xi32>,
      %get3A_205 = vector.shape_cast %get3A_204 : vector<16xi32> to vector<16xi32>
      %swap3A_206 = arith.constant 32 : index
      %swap3A_207 = tpu.vector_load %arg21[%swap3A_206] {strides = array<i32>} : memref<80xi32, #tpu.memory_space<vmem>>, vector<16xi32>,
      %swap3A_208 = vector.shape_cast %swap3A_207 : vector<16xi32> to vector<16xi32>
      %swap3A_209 = vector.shape_cast %get3A_205 : vector<16xi32> to vector<16xi32>
      tpu.vector_store %arg21[%swap3A_206], %swap3A_209 {strides = array<i32>} : memref<80xi32, #tpu.memory_space<vmem>>, vector<16xi32>,
      %get3A_210 = arith.constant 48 : index
      %get3A_211 = tpu.vector_load %arg17[%get3A_210] {strides = array<i32>} : memref<80xi32, #tpu.memory_space<vmem>>, vector<16xi32>,
      %get3A_212 = vector.shape_cast %get3A_211 : vector<16xi32> to vector<16xi32>
      %swap3A_213 = arith.constant 48 : index
      %swap3A_214 = tpu.vector_load %arg21[%swap3A_213] {strides = array<i32>} : memref<80xi32, #tpu.memory_space<vmem>>, vector<16xi32>,
      %swap3A_215 = vector.shape_cast %swap3A_214 : vector<16xi32> to vector<16xi32>
      %swap3A_216 = vector.shape_cast %get3A_212 : vector<16xi32> to vector<16xi32>
      tpu.vector_store %arg21[%swap3A_213], %swap3A_216 {strides = array<i32>} : memref<80xi32, #tpu.memory_space<vmem>>, vector<16xi32>,
      %get3A_217 = arith.constant 64 : index
      %get3A_218 = tpu.vector_load %arg17[%get3A_217] {strides = array<i32>} : memref<80xi32, #tpu.memory_space<vmem>>, vector<16xi32>,
      %get3A_219 = vector.shape_cast %get3A_218 : vector<16xi32> to vector<16xi32>
      %swap3A_220 = arith.constant 64 : index
      %swap3A_221 = tpu.vector_load %arg21[%swap3A_220] {strides = array<i32>} : memref<80xi32, #tpu.memory_space<vmem>>, vector<16xi32>,
      %swap3A_222 = vector.shape_cast %swap3A_221 : vector<16xi32> to vector<16xi32>
      %swap3A_223 = vector.shape_cast %get3A_219 : vector<16xi32> to vector<16xi32>
      tpu.vector_store %arg21[%swap3A_220], %swap3A_223 {strides = array<i32>} : memref<80xi32, #tpu.memory_space<vmem>>, vector<16xi32>,
      %add3A_224 = arith.constant 2 : i32
      %add3A_225 = arith.addi %add3A_174, %add3A_224 : i32
      %mul3A_226 = arith.constant 80 : i32
      %mul3A_227 = arith.muli %add3A_225, %mul3A_226 : i32
      %add3A_228 = arith.addi %mul3A_2, %mul3A_227 : i32
      %add3A_229 = arith.constant 2 : i32
      %add3A_230 = arith.addi %add3A_174, %add3A_229 : i32
      %lt3A_231 = arith.constant 125 : i32
      %lt3A_232 = arith.cmpi slt, %add3A_230, %lt3A_231 : i32
      %convert_element_type3A_233 = arith.extui %lt3A_232 : i1 to i32
      %cond3A_234 = arith.constant 0 : i32
      %cond3A_235 = arith.cmpi ne, %convert_element_type3A_233, %cond3A_234 : i32
      scf.if %cond3A_235 {
        %dma_start3A_252 = tpu.memref_slice %arg5[%add3A_228] : memref<320000xi32, #tpu.memory_space<hbm>> -> memref<80xi32, #tpu.memory_space<hbm>>
        %dma_start3A_253 = tpu.memref_slice %arg5[%add3A_228] : memref<320000xi32, #tpu.memory_space<hbm>> -> memref<80xi32, #tpu.memory_space<hbm>>
        tpu.enqueue_dma source(%dma_start3A_253 : memref<80xi32, #tpu.memory_space<hbm>>) target(%arg16 : memref<80xi32, #tpu.memory_space<vmem>>) target_semaphore(%arg29 : memref<!tpu.dma_semaphore, #tpu.memory_space<semaphore_mem>>)
        %dma_start3A_254 = tpu.memref_slice %arg6[%add3A_228] : memref<320000xi32, #tpu.memory_space<hbm>> -> memref<80xi32, #tpu.memory_space<hbm>>
        %dma_start3A_255 = tpu.memref_slice %arg6[%add3A_228] : memref<320000xi32, #tpu.memory_space<hbm>> -> memref<80xi32, #tpu.memory_space<hbm>>
        tpu.enqueue_dma source(%dma_start3A_255 : memref<80xi32, #tpu.memory_space<hbm>>) target(%arg17 : memref<80xi32, #tpu.memory_space<vmem>>) target_semaphore(%arg29 : memref<!tpu.dma_semaphore, #tpu.memory_space<semaphore_mem>>)
      } else {
      }
      %parallel_loop3A_236 = arith.constant 0 : i32
      %parallel_loop3A_237 = arith.constant 80 : i32
      %parallel_loop3A_238 = arith.constant 1 : i32
      scf.for %parallel_loop3A_252 = %parallel_loop3A_236 to %parallel_loop3A_237 step %parallel_loop3A_238  : i32 {
        %parallel_loop3A_253 = arith.index_cast %parallel_loop3A_252 : i32 to index
        %parallel_loop3A_254 = arith.constant 0 : index
        %parallel_loop3A_255 = tpu.vector_load %arg18[%parallel_loop3A_253, %parallel_loop3A_254] {strides = array<i32>} : memref<80x16xf32, #tpu.memory_space<vmem>>, vector<1x16xf32>,
        %parallel_loop3A_256 = vector.shape_cast %parallel_loop3A_255 : vector<1x16xf32> to vector<16xf32>
        %parallel_loop3A_257 = arith.index_cast %parallel_loop3A_252 : i32 to index
        %parallel_loop3A_258 = arith.constant 0 : index
        %parallel_loop3A_259 = tpu.vector_load %arg19[%parallel_loop3A_257, %parallel_loop3A_258] {strides = array<i32>} : memref<80x16xf32, #tpu.memory_space<vmem>>, vector<1x16xf32>,
        %parallel_loop3A_260 = vector.shape_cast %parallel_loop3A_259 : vector<1x16xf32> to vector<16xf32>
        %parallel_loop3A_261 = arith.addf %parallel_loop3A_256, %parallel_loop3A_260 : vector<16xf32>
        %parallel_loop3A_262 = arith.constant 0.000000e+00 : f32
        %parallel_loop3A_263 = vector.broadcast %parallel_loop3A_262 : f32 to vector<16xf32>
        %parallel_loop3A_264 = arith.cmpf oge, %parallel_loop3A_261, %parallel_loop3A_263 : vector<16xf32>
        %parallel_loop3A_265 = arith.constant 2.000000e-01 : f32
        %parallel_loop3A_266 = vector.broadcast %parallel_loop3A_265 : f32 to vector<16xf32>
        %parallel_loop3A_267 = arith.mulf %parallel_loop3A_266, %parallel_loop3A_261 : vector<16xf32>
        %parallel_loop3A_268 = arith.select %parallel_loop3A_264, %parallel_loop3A_261, %parallel_loop3A_267 : vector<16xi1>, vector<16xf32>
        %parallel_loop3A_269 = math.exp %parallel_loop3A_268 : vector<16xf32>
        %parallel_loop3A_270 = arith.index_cast %parallel_loop3A_252 : i32 to index
        %parallel_loop3A_271 = arith.constant 0 : index
        %parallel_loop3A_272 = tpu.vector_load %arg22[%parallel_loop3A_270, %parallel_loop3A_271] {strides = array<i32>} : memref<80x16xf32, #tpu.memory_space<vmem>>, vector<1x16xf32>,
        %parallel_loop3A_273 = vector.shape_cast %parallel_loop3A_272 : vector<1x16xf32> to vector<16xf32>
        %parallel_loop3A_274 = vector.shape_cast %parallel_loop3A_269 : vector<16xf32> to vector<1x16xf32>
        tpu.vector_store %arg22[%parallel_loop3A_270, %parallel_loop3A_271], %parallel_loop3A_274 {strides = array<i32>} : memref<80x16xf32, #tpu.memory_space<vmem>>, vector<1x16xf32>,
        %parallel_loop3A_275 = arith.index_cast %parallel_loop3A_252 : i32 to index
        %parallel_loop3A_276 = arith.constant 0 : index
        %parallel_loop3A_277 = tpu.vector_load %arg20[%parallel_loop3A_275, %parallel_loop3A_276] {strides = array<i32>} : memref<80x128xf32, #tpu.memory_space<vmem>>, vector<1x16xf32>,
        %parallel_loop3A_278 = vector.shape_cast %parallel_loop3A_277 : vector<1x16xf32> to vector<16xf32>
        %parallel_loop3A_279 = vector.extract_strided_slice %parallel_loop3A_269 {offsets = [0], sizes = [1], strides = [1]} : vector<16xf32> to vector<1xf32>
        %parallel_loop3A_280 = vector.extract %parallel_loop3A_279[0] : f32 from vector<1xf32>
        %parallel_loop3A_281 = vector.broadcast %parallel_loop3A_280 : f32 to vector<16xf32>
        %parallel_loop3A_282 = arith.mulf %parallel_loop3A_278, %parallel_loop3A_281 : vector<16xf32>
        %parallel_loop3A_283 = arith.index_cast %parallel_loop3A_252 : i32 to index
        %parallel_loop3A_284 = arith.constant 0 : index
        %parallel_loop3A_285 = tpu.vector_load %arg23[%parallel_loop3A_283, %parallel_loop3A_284] {strides = array<i32>} : memref<80x128xf32, #tpu.memory_space<vmem>>, vector<1x16xf32>,
        %parallel_loop3A_286 = vector.shape_cast %parallel_loop3A_285 : vector<1x16xf32> to vector<16xf32>
        %parallel_loop3A_287 = vector.shape_cast %parallel_loop3A_282 : vector<16xf32> to vector<1x16xf32>
        tpu.vector_store %arg23[%parallel_loop3A_283, %parallel_loop3A_284], %parallel_loop3A_287 {strides = array<i32>} : memref<80x128xf32, #tpu.memory_space<vmem>>, vector<1x16xf32>,
        %parallel_loop3A_288 = arith.index_cast %parallel_loop3A_252 : i32 to index
        %parallel_loop3A_289 = arith.constant 16 : index
        %parallel_loop3A_290 = tpu.vector_load %arg20[%parallel_loop3A_288, %parallel_loop3A_289] {strides = array<i32>} : memref<80x128xf32, #tpu.memory_space<vmem>>, vector<1x16xf32>,
        %parallel_loop3A_291 = vector.shape_cast %parallel_loop3A_290 : vector<1x16xf32> to vector<16xf32>
        %parallel_loop3A_292 = vector.extract_strided_slice %parallel_loop3A_269 {offsets = [1], sizes = [1], strides = [1]} : vector<16xf32> to vector<1xf32>
        %parallel_loop3A_293 = vector.extract %parallel_loop3A_292[0] : f32 from vector<1xf32>
        %parallel_loop3A_294 = vector.broadcast %parallel_loop3A_293 : f32 to vector<16xf32>
        %parallel_loop3A_295 = arith.mulf %parallel_loop3A_291, %parallel_loop3A_294 : vector<16xf32>
        %parallel_loop3A_296 = arith.index_cast %parallel_loop3A_252 : i32 to index
        %parallel_loop3A_297 = arith.constant 16 : index
        %parallel_loop3A_298 = tpu.vector_load %arg23[%parallel_loop3A_296, %parallel_loop3A_297] {strides = array<i32>} : memref<80x128xf32, #tpu.memory_space<vmem>>, vector<1x16xf32>,
        %parallel_loop3A_299 = vector.shape_cast %parallel_loop3A_298 : vector<1x16xf32> to vector<16xf32>
        %parallel_loop3A_300 = vector.shape_cast %parallel_loop3A_295 : vector<16xf32> to vector<1x16xf32>
        tpu.vector_store %arg23[%parallel_loop3A_296, %parallel_loop3A_297], %parallel_loop3A_300 {strides = array<i32>} : memref<80x128xf32, #tpu.memory_space<vmem>>, vector<1x16xf32>,
        %parallel_loop3A_301 = arith.index_cast %parallel_loop3A_252 : i32 to index
        %parallel_loop3A_302 = arith.constant 32 : index
        %parallel_loop3A_303 = tpu.vector_load %arg20[%parallel_loop3A_301, %parallel_loop3A_302] {strides = array<i32>} : memref<80x128xf32, #tpu.memory_space<vmem>>, vector<1x16xf32>,
        %parallel_loop3A_304 = vector.shape_cast %parallel_loop3A_303 : vector<1x16xf32> to vector<16xf32>
        %parallel_loop3A_305 = vector.extract_strided_slice %parallel_loop3A_269 {offsets = [2], sizes = [1], strides = [1]} : vector<16xf32> to vector<1xf32>
        %parallel_loop3A_306 = vector.extract %parallel_loop3A_305[0] : f32 from vector<1xf32>
        %parallel_loop3A_307 = vector.broadcast %parallel_loop3A_306 : f32 to vector<16xf32>
        %parallel_loop3A_308 = arith.mulf %parallel_loop3A_304, %parallel_loop3A_307 : vector<16xf32>
        %parallel_loop3A_309 = arith.index_cast %parallel_loop3A_252 : i32 to index
        %parallel_loop3A_310 = arith.constant 32 : index
        %parallel_loop3A_311 = tpu.vector_load %arg23[%parallel_loop3A_309, %parallel_loop3A_310] {strides = array<i32>} : memref<80x128xf32, #tpu.memory_space<vmem>>, vector<1x16xf32>,
        %parallel_loop3A_312 = vector.shape_cast %parallel_loop3A_311 : vector<1x16xf32> to vector<16xf32>
        %parallel_loop3A_313 = vector.shape_cast %parallel_loop3A_308 : vector<16xf32> to vector<1x16xf32>
        tpu.vector_store %arg23[%parallel_loop3A_309, %parallel_loop3A_310], %parallel_loop3A_313 {strides = array<i32>} : memref<80x128xf32, #tpu.memory_space<vmem>>, vector<1x16xf32>,
        %parallel_loop3A_314 = arith.index_cast %parallel_loop3A_252 : i32 to index
        %parallel_loop3A_315 = arith.constant 48 : index
        %parallel_loop3A_316 = tpu.vector_load %arg20[%parallel_loop3A_314, %parallel_loop3A_315] {strides = array<i32>} : memref<80x128xf32, #tpu.memory_space<vmem>>, vector<1x16xf32>,
        %parallel_loop3A_317 = vector.shape_cast %parallel_loop3A_316 : vector<1x16xf32> to vector<16xf32>
        %parallel_loop3A_318 = vector.extract_strided_slice %parallel_loop3A_269 {offsets = [3], sizes = [1], strides = [1]} : vector<16xf32> to vector<1xf32>
        %parallel_loop3A_319 = vector.extract %parallel_loop3A_318[0] : f32 from vector<1xf32>
        %parallel_loop3A_320 = vector.broadcast %parallel_loop3A_319 : f32 to vector<16xf32>
        %parallel_loop3A_321 = arith.mulf %parallel_loop3A_317, %parallel_loop3A_320 : vector<16xf32>
        %parallel_loop3A_322 = arith.index_cast %parallel_loop3A_252 : i32 to index
        %parallel_loop3A_323 = arith.constant 48 : index
        %parallel_loop3A_324 = tpu.vector_load %arg23[%parallel_loop3A_322, %parallel_loop3A_323] {strides = array<i32>} : memref<80x128xf32, #tpu.memory_space<vmem>>, vector<1x16xf32>,
        %parallel_loop3A_325 = vector.shape_cast %parallel_loop3A_324 : vector<1x16xf32> to vector<16xf32>
        %parallel_loop3A_326 = vector.shape_cast %parallel_loop3A_321 : vector<16xf32> to vector<1x16xf32>
        tpu.vector_store %arg23[%parallel_loop3A_322, %parallel_loop3A_323], %parallel_loop3A_326 {strides = array<i32>} : memref<80x128xf32, #tpu.memory_space<vmem>>, vector<1x16xf32>,
        %parallel_loop3A_327 = arith.index_cast %parallel_loop3A_252 : i32 to index
        %parallel_loop3A_328 = arith.constant 64 : index
        %parallel_loop3A_329 = tpu.vector_load %arg20[%parallel_loop3A_327, %parallel_loop3A_328] {strides = array<i32>} : memref<80x128xf32, #tpu.memory_space<vmem>>, vector<1x16xf32>,
        %parallel_loop3A_330 = vector.shape_cast %parallel_loop3A_329 : vector<1x16xf32> to vector<16xf32>
        %parallel_loop3A_331 = vector.extract_strided_slice %parallel_loop3A_269 {offsets = [4], sizes = [1], strides = [1]} : vector<16xf32> to vector<1xf32>
        %parallel_loop3A_332 = vector.extract %parallel_loop3A_331[0] : f32 from vector<1xf32>
        %parallel_loop3A_333 = vector.broadcast %parallel_loop3A_332 : f32 to vector<16xf32>
        %parallel_loop3A_334 = arith.mulf %parallel_loop3A_330, %parallel_loop3A_333 : vector<16xf32>
        %parallel_loop3A_335 = arith.index_cast %parallel_loop3A_252 : i32 to index
        %parallel_loop3A_336 = arith.constant 64 : index
        %parallel_loop3A_337 = tpu.vector_load %arg23[%parallel_loop3A_335, %parallel_loop3A_336] {strides = array<i32>} : memref<80x128xf32, #tpu.memory_space<vmem>>, vector<1x16xf32>,
        %parallel_loop3A_338 = vector.shape_cast %parallel_loop3A_337 : vector<1x16xf32> to vector<16xf32>
        %parallel_loop3A_339 = vector.shape_cast %parallel_loop3A_334 : vector<16xf32> to vector<1x16xf32>
        tpu.vector_store %arg23[%parallel_loop3A_335, %parallel_loop3A_336], %parallel_loop3A_339 {strides = array<i32>} : memref<80x128xf32, #tpu.memory_space<vmem>>, vector<1x16xf32>,
        %parallel_loop3A_340 = arith.index_cast %parallel_loop3A_252 : i32 to index
        %parallel_loop3A_341 = arith.constant 80 : index
        %parallel_loop3A_342 = tpu.vector_load %arg20[%parallel_loop3A_340, %parallel_loop3A_341] {strides = array<i32>} : memref<80x128xf32, #tpu.memory_space<vmem>>, vector<1x16xf32>,
        %parallel_loop3A_343 = vector.shape_cast %parallel_loop3A_342 : vector<1x16xf32> to vector<16xf32>
        %parallel_loop3A_344 = vector.extract_strided_slice %parallel_loop3A_269 {offsets = [5], sizes = [1], strides = [1]} : vector<16xf32> to vector<1xf32>
        %parallel_loop3A_345 = vector.extract %parallel_loop3A_344[0] : f32 from vector<1xf32>
        %parallel_loop3A_346 = vector.broadcast %parallel_loop3A_345 : f32 to vector<16xf32>
        %parallel_loop3A_347 = arith.mulf %parallel_loop3A_343, %parallel_loop3A_346 : vector<16xf32>
        %parallel_loop3A_348 = arith.index_cast %parallel_loop3A_252 : i32 to index
        %parallel_loop3A_349 = arith.constant 80 : index
        %parallel_loop3A_350 = tpu.vector_load %arg23[%parallel_loop3A_348, %parallel_loop3A_349] {strides = array<i32>} : memref<80x128xf32, #tpu.memory_space<vmem>>, vector<1x16xf32>,
        %parallel_loop3A_351 = vector.shape_cast %parallel_loop3A_350 : vector<1x16xf32> to vector<16xf32>
        %parallel_loop3A_352 = vector.shape_cast %parallel_loop3A_347 : vector<16xf32> to vector<1x16xf32>
        tpu.vector_store %arg23[%parallel_loop3A_348, %parallel_loop3A_349], %parallel_loop3A_352 {strides = array<i32>} : memref<80x128xf32, #tpu.memory_space<vmem>>, vector<1x16xf32>,
        %parallel_loop3A_353 = arith.index_cast %parallel_loop3A_252 : i32 to index
        %parallel_loop3A_354 = arith.constant 96 : index
        %parallel_loop3A_355 = tpu.vector_load %arg20[%parallel_loop3A_353, %parallel_loop3A_354] {strides = array<i32>} : memref<80x128xf32, #tpu.memory_space<vmem>>, vector<1x16xf32>,
        %parallel_loop3A_356 = vector.shape_cast %parallel_loop3A_355 : vector<1x16xf32> to vector<16xf32>
        %parallel_loop3A_357 = vector.extract_strided_slice %parallel_loop3A_269 {offsets = [6], sizes = [1], strides = [1]} : vector<16xf32> to vector<1xf32>
        %parallel_loop3A_358 = vector.extract %parallel_loop3A_357[0] : f32 from vector<1xf32>
        %parallel_loop3A_359 = vector.broadcast %parallel_loop3A_358 : f32 to vector<16xf32>
        %parallel_loop3A_360 = arith.mulf %parallel_loop3A_356, %parallel_loop3A_359 : vector<16xf32>
        %parallel_loop3A_361 = arith.index_cast %parallel_loop3A_252 : i32 to index
        %parallel_loop3A_362 = arith.constant 96 : index
        %parallel_loop3A_363 = tpu.vector_load %arg23[%parallel_loop3A_361, %parallel_loop3A_362] {strides = array<i32>} : memref<80x128xf32, #tpu.memory_space<vmem>>, vector<1x16xf32>,
        %parallel_loop3A_364 = vector.shape_cast %parallel_loop3A_363 : vector<1x16xf32> to vector<16xf32>
        %parallel_loop3A_365 = vector.shape_cast %parallel_loop3A_360 : vector<16xf32> to vector<1x16xf32>
        tpu.vector_store %arg23[%parallel_loop3A_361, %parallel_loop3A_362], %parallel_loop3A_365 {strides = array<i32>} : memref<80x128xf32, #tpu.memory_space<vmem>>, vector<1x16xf32>,
        %parallel_loop3A_366 = arith.index_cast %parallel_loop3A_252 : i32 to index
        %parallel_loop3A_367 = arith.constant 112 : index
        %parallel_loop3A_368 = tpu.vector_load %arg20[%parallel_loop3A_366, %parallel_loop3A_367] {strides = array<i32>} : memref<80x128xf32, #tpu.memory_space<vmem>>, vector<1x16xf32>,
        %parallel_loop3A_369 = vector.shape_cast %parallel_loop3A_368 : vector<1x16xf32> to vector<16xf32>
        %parallel_loop3A_370 = vector.extract_strided_slice %parallel_loop3A_269 {offsets = [7], sizes = [1], strides = [1]} : vector<16xf32> to vector<1xf32>
        %parallel_loop3A_371 = vector.extract %parallel_loop3A_370[0] : f32 from vector<1xf32>
        %parallel_loop3A_372 = vector.broadcast %parallel_loop3A_371 : f32 to vector<16xf32>
        %parallel_loop3A_373 = arith.mulf %parallel_loop3A_369, %parallel_loop3A_372 : vector<16xf32>
        %parallel_loop3A_374 = arith.index_cast %parallel_loop3A_252 : i32 to index
        %parallel_loop3A_375 = arith.constant 112 : index
        %parallel_loop3A_376 = tpu.vector_load %arg23[%parallel_loop3A_374, %parallel_loop3A_375] {strides = array<i32>} : memref<80x128xf32, #tpu.memory_space<vmem>>, vector<1x16xf32>,
        %parallel_loop3A_377 = vector.shape_cast %parallel_loop3A_376 : vector<1x16xf32> to vector<16xf32>
        %parallel_loop3A_378 = vector.shape_cast %parallel_loop3A_373 : vector<16xf32> to vector<1x16xf32>
        tpu.vector_store %arg23[%parallel_loop3A_374, %parallel_loop3A_375], %parallel_loop3A_378 {strides = array<i32>} : memref<80x128xf32, #tpu.memory_space<vmem>>, vector<1x16xf32>,
      } {sc.loop_unroll_factor = 4 : i64, sc.parallel_access}
      %dma_start3A_239 = arith.constant 0 : i32
      %dma_start3A_240 = arith.constant 0 : i32
      %dma_start3A_241 = tpu.memref_slice %arg24[%dma_start3A_239, %dma_start3A_240] : memref<10240x128xf32, #tpu.memory_space<vmem_shared>> -> memref<10240x128xf32, #tpu.memory_space<vmem_shared>>
      tpu.enqueue_indirect_dma source(%arg23 : memref<80x128xf32, #tpu.memory_space<vmem>>) target(%dma_start3A_241 : memref<10240x128xf32, #tpu.memory_space<vmem_shared>>) offsets(%arg21 : memref<80xi32, #tpu.memory_space<vmem>>) semaphore(%arg30 : memref<!tpu.dma_semaphore, #tpu.memory_space<semaphore_mem>>) {add = true}
      %dma_start3A_242 = arith.constant 0 : i32
      %dma_start3A_243 = arith.constant 0 : i32
      %dma_start3A_244 = tpu.memref_slice %arg25[%dma_start3A_242, %dma_start3A_243] : memref<10240x16xf32, #tpu.memory_space<vmem_shared>> -> memref<10240x16xf32, #tpu.memory_space<vmem_shared>>
      tpu.enqueue_indirect_dma source(%arg22 : memref<80x16xf32, #tpu.memory_space<vmem>>) target(%dma_start3A_244 : memref<10240x16xf32, #tpu.memory_space<vmem_shared>>) offsets(%arg21 : memref<80xi32, #tpu.memory_space<vmem>>) semaphore(%arg30 : memref<!tpu.dma_semaphore, #tpu.memory_space<semaphore_mem>>) {add = true}
      %add3A_245 = arith.constant 2 : i32
      %add3A_246 = arith.addi %add3A_174, %add3A_245 : i32
      %lt3A_247 = arith.constant 125 : i32
      %lt3A_248 = arith.cmpi slt, %add3A_246, %lt3A_247 : i32
      %convert_element_type3A_249 = arith.extui %lt3A_248 : i1 to i32
      %cond3A_250 = arith.constant 0 : i32
      %cond3A_251 = arith.cmpi ne, %convert_element_type3A_249, %cond3A_250 : i32
      scf.if %cond3A_251 {
        %dma_wait3A_252 = tpu.memref_slice %arg5[%add3A_228] : memref<320000xi32, #tpu.memory_space<hbm>> -> memref<80xi32, #tpu.memory_space<hbm>>
        %dma_wait3A_253 = tpu.memref_slice %arg5[%add3A_228] : memref<320000xi32, #tpu.memory_space<hbm>> -> memref<80xi32, #tpu.memory_space<hbm>>
        tpu.wait_dma2 semaphore(%arg29 : memref<!tpu.dma_semaphore, #tpu.memory_space<semaphore_mem>>) src(%dma_wait3A_253 : memref<80xi32, #tpu.memory_space<hbm>>) dst(%arg16 : memref<80xi32, #tpu.memory_space<vmem>>)
        %dma_wait3A_254 = tpu.memref_slice %arg6[%add3A_228] : memref<320000xi32, #tpu.memory_space<hbm>> -> memref<80xi32, #tpu.memory_space<hbm>>
        %dma_wait3A_255 = tpu.memref_slice %arg6[%add3A_228] : memref<320000xi32, #tpu.memory_space<hbm>> -> memref<80xi32, #tpu.memory_space<hbm>>
        tpu.wait_dma2 semaphore(%arg29 : memref<!tpu.dma_semaphore, #tpu.memory_space<semaphore_mem>>) src(%dma_wait3A_255 : memref<80xi32, #tpu.memory_space<hbm>>) dst(%arg17 : memref<80xi32, #tpu.memory_space<vmem>>)
        %dma_start3A_256 = arith.constant 0 : i32
        %dma_start3A_257 = arith.constant 0 : i32
        %dma_start3A_258 = tpu.memref_slice %arg3[%dma_start3A_256, %dma_start3A_257] : memref<10000x16xf32, #tpu.memory_space<hbm>> -> memref<10000x16xf32, #tpu.memory_space<hbm>>
        tpu.enqueue_indirect_dma source(%dma_start3A_258 : memref<10000x16xf32, #tpu.memory_space<hbm>>) target(%arg18 : memref<80x16xf32, #tpu.memory_space<vmem>>) offsets(%arg16 : memref<80xi32, #tpu.memory_space<vmem>>) semaphore(%arg27 : memref<!tpu.dma_semaphore, #tpu.memory_space<semaphore_mem>>)
        %dma_start3A_259 = arith.constant 0 : i32
        %dma_start3A_260 = arith.constant 0 : i32
        %dma_start3A_261 = tpu.memref_slice %arg4[%dma_start3A_259, %dma_start3A_260] : memref<10000x16xf32, #tpu.memory_space<hbm>> -> memref<10000x16xf32, #tpu.memory_space<hbm>>
        tpu.enqueue_indirect_dma source(%dma_start3A_261 : memref<10000x16xf32, #tpu.memory_space<hbm>>) target(%arg19 : memref<80x16xf32, #tpu.memory_space<vmem>>) offsets(%arg17 : memref<80xi32, #tpu.memory_space<vmem>>) semaphore(%arg27 : memref<!tpu.dma_semaphore, #tpu.memory_space<semaphore_mem>>)
        %dma_start3A_262 = arith.constant 0 : i32
        %dma_start3A_263 = arith.constant 0 : i32
        %dma_start3A_264 = tpu.memref_slice %arg2[%dma_start3A_262, %dma_start3A_263] : memref<10000x128xf32, #tpu.memory_space<hbm>> -> memref<10000x128xf32, #tpu.memory_space<hbm>>
        tpu.enqueue_indirect_dma source(%dma_start3A_264 : memref<10000x128xf32, #tpu.memory_space<hbm>>) target(%arg20 : memref<80x128xf32, #tpu.memory_space<vmem>>) offsets(%arg16 : memref<80xi32, #tpu.memory_space<vmem>>) semaphore(%arg27 : memref<!tpu.dma_semaphore, #tpu.memory_space<semaphore_mem>>)
      } else {
      }
    }
    %scan3A_30 = arith.constant 62 : i32
    %dma_wait3A = arith.constant 0 : i32
    %dma_wait3A_31 = arith.constant 0 : i32
    %dma_wait3A_32 = tpu.memref_slice %arg3[%dma_wait3A, %dma_wait3A_31] : memref<10000x16xf32, #tpu.memory_space<hbm>> -> memref<10000x16xf32, #tpu.memory_space<hbm>>
    tpu.wait_indirect_dma semaphore(%arg26 : memref<!tpu.dma_semaphore, #tpu.memory_space<semaphore_mem>>) src(%dma_wait3A_32 : memref<10000x16xf32, #tpu.memory_space<hbm>>) dst(%arg13 : memref<80x16xf32, #tpu.memory_space<vmem>>)
    %dma_wait3A_33 = arith.constant 0 : i32
    %dma_wait3A_34 = arith.constant 0 : i32
    %dma_wait3A_35 = tpu.memref_slice %arg4[%dma_wait3A_33, %dma_wait3A_34] : memref<10000x16xf32, #tpu.memory_space<hbm>> -> memref<10000x16xf32, #tpu.memory_space<hbm>>
    tpu.wait_indirect_dma semaphore(%arg26 : memref<!tpu.dma_semaphore, #tpu.memory_space<semaphore_mem>>) src(%dma_wait3A_35 : memref<10000x16xf32, #tpu.memory_space<hbm>>) dst(%arg14 : memref<80x16xf32, #tpu.memory_space<vmem>>)
    %dma_wait3A_36 = arith.constant 0 : i32
    %dma_wait3A_37 = arith.constant 0 : i32
    %dma_wait3A_38 = tpu.memref_slice %arg2[%dma_wait3A_36, %dma_wait3A_37] : memref<10000x128xf32, #tpu.memory_space<hbm>> -> memref<10000x128xf32, #tpu.memory_space<hbm>>
    tpu.wait_indirect_dma semaphore(%arg26 : memref<!tpu.dma_semaphore, #tpu.memory_space<semaphore_mem>>) src(%dma_wait3A_38 : memref<10000x128xf32, #tpu.memory_space<hbm>>) dst(%arg15 : memref<80x128xf32, #tpu.memory_space<vmem>>)
    %dma_wait3A_39 = arith.constant 0 : i32
    %dma_wait3A_40 = arith.constant 0 : i32
    %dma_wait3A_41 = tpu.memref_slice %arg24[%dma_wait3A_39, %dma_wait3A_40] : memref<10240x128xf32, #tpu.memory_space<vmem_shared>> -> memref<10240x128xf32, #tpu.memory_space<vmem_shared>>
    tpu.wait_indirect_dma semaphore(%arg30 : memref<!tpu.dma_semaphore, #tpu.memory_space<semaphore_mem>>) src(%arg23 : memref<80x128xf32, #tpu.memory_space<vmem>>) dst(%dma_wait3A_41 : memref<10240x128xf32, #tpu.memory_space<vmem_shared>>)
    %dma_wait3A_42 = arith.constant 0 : i32
    %dma_wait3A_43 = arith.constant 0 : i32
    %dma_wait3A_44 = tpu.memref_slice %arg25[%dma_wait3A_42, %dma_wait3A_43] : memref<10240x16xf32, #tpu.memory_space<vmem_shared>> -> memref<10240x16xf32, #tpu.memory_space<vmem_shared>>
    tpu.wait_indirect_dma semaphore(%arg30 : memref<!tpu.dma_semaphore, #tpu.memory_space<semaphore_mem>>) src(%arg22 : memref<80x16xf32, #tpu.memory_space<vmem>>) dst(%dma_wait3A_44 : memref<10240x16xf32, #tpu.memory_space<vmem_shared>>)
    %get3A = arith.constant 0 : index
    %get3A_45 = tpu.vector_load %arg12[%get3A] {strides = array<i32>} : memref<80xi32, #tpu.memory_space<vmem>>, vector<16xi32>,
    %get3A_46 = vector.shape_cast %get3A_45 : vector<16xi32> to vector<16xi32>
    %swap3A = arith.constant 0 : index
    %swap3A_47 = tpu.vector_load %arg21[%swap3A] {strides = array<i32>} : memref<80xi32, #tpu.memory_space<vmem>>, vector<16xi32>,
    %swap3A_48 = vector.shape_cast %swap3A_47 : vector<16xi32> to vector<16xi32>
    %swap3A_49 = vector.shape_cast %get3A_46 : vector<16xi32> to vector<16xi32>
    tpu.vector_store %arg21[%swap3A], %swap3A_49 {strides = array<i32>} : memref<80xi32, #tpu.memory_space<vmem>>, vector<16xi32>,
    %get3A_50 = arith.constant 16 : index
    %get3A_51 = tpu.vector_load %arg12[%get3A_50] {strides = array<i32>} : memref<80xi32, #tpu.memory_space<vmem>>, vector<16xi32>,
    %get3A_52 = vector.shape_cast %get3A_51 : vector<16xi32> to vector<16xi32>
    %swap3A_53 = arith.constant 16 : index
    %swap3A_54 = tpu.vector_load %arg21[%swap3A_53] {strides = array<i32>} : memref<80xi32, #tpu.memory_space<vmem>>, vector<16xi32>,
    %swap3A_55 = vector.shape_cast %swap3A_54 : vector<16xi32> to vector<16xi32>
    %swap3A_56 = vector.shape_cast %get3A_52 : vector<16xi32> to vector<16xi32>
    tpu.vector_store %arg21[%swap3A_53], %swap3A_56 {strides = array<i32>} : memref<80xi32, #tpu.memory_space<vmem>>, vector<16xi32>,
    %get3A_57 = arith.constant 32 : index
    %get3A_58 = tpu.vector_load %arg12[%get3A_57] {strides = array<i32>} : memref<80xi32, #tpu.memory_space<vmem>>, vector<16xi32>,
    %get3A_59 = vector.shape_cast %get3A_58 : vector<16xi32> to vector<16xi32>
    %swap3A_60 = arith.constant 32 : index
    %swap3A_61 = tpu.vector_load %arg21[%swap3A_60] {strides = array<i32>} : memref<80xi32, #tpu.memory_space<vmem>>, vector<16xi32>,
    %swap3A_62 = vector.shape_cast %swap3A_61 : vector<16xi32> to vector<16xi32>
    %swap3A_63 = vector.shape_cast %get3A_59 : vector<16xi32> to vector<16xi32>
    tpu.vector_store %arg21[%swap3A_60], %swap3A_63 {strides = array<i32>} : memref<80xi32, #tpu.memory_space<vmem>>, vector<16xi32>,
    %get3A_64 = arith.constant 48 : index
    %get3A_65 = tpu.vector_load %arg12[%get3A_64] {strides = array<i32>} : memref<80xi32, #tpu.memory_space<vmem>>, vector<16xi32>,
    %get3A_66 = vector.shape_cast %get3A_65 : vector<16xi32> to vector<16xi32>
    %swap3A_67 = arith.constant 48 : index
    %swap3A_68 = tpu.vector_load %arg21[%swap3A_67] {strides = array<i32>} : memref<80xi32, #tpu.memory_space<vmem>>, vector<16xi32>,
    %swap3A_69 = vector.shape_cast %swap3A_68 : vector<16xi32> to vector<16xi32>
    %swap3A_70 = vector.shape_cast %get3A_66 : vector<16xi32> to vector<16xi32>
    tpu.vector_store %arg21[%swap3A_67], %swap3A_70 {strides = array<i32>} : memref<80xi32, #tpu.memory_space<vmem>>, vector<16xi32>,
    %get3A_71 = arith.constant 64 : index
    %get3A_72 = tpu.vector_load %arg12[%get3A_71] {strides = array<i32>} : memref<80xi32, #tpu.memory_space<vmem>>, vector<16xi32>,
    %get3A_73 = vector.shape_cast %get3A_72 : vector<16xi32> to vector<16xi32>
    %swap3A_74 = arith.constant 64 : index
    %swap3A_75 = tpu.vector_load %arg21[%swap3A_74] {strides = array<i32>} : memref<80xi32, #tpu.memory_space<vmem>>, vector<16xi32>,
    %swap3A_76 = vector.shape_cast %swap3A_75 : vector<16xi32> to vector<16xi32>
    %swap3A_77 = vector.shape_cast %get3A_73 : vector<16xi32> to vector<16xi32>
    tpu.vector_store %arg21[%swap3A_74], %swap3A_77 {strides = array<i32>} : memref<80xi32, #tpu.memory_space<vmem>>, vector<16xi32>,
    %add3A_78 = arith.constant 10080 : i32
    %add3A_79 = arith.addi %mul3A_2, %add3A_78 : i32
    %parallel_loop3A = arith.constant 0 : i32
    %parallel_loop3A_80 = arith.constant 80 : i32
    %parallel_loop3A_81 = arith.constant 1 : i32
    scf.for %parallel_loop3A_95 = %parallel_loop3A to %parallel_loop3A_80 step %parallel_loop3A_81  : i32 {
      %parallel_loop3A_96 = arith.index_cast %parallel_loop3A_95 : i32 to index
      %parallel_loop3A_97 = arith.constant 0 : index
      %parallel_loop3A_98 = tpu.vector_load %arg13[%parallel_loop3A_96, %parallel_loop3A_97] {strides = array<i32>} : memref<80x16xf32, #tpu.memory_space<vmem>>, vector<1x16xf32>,
      %parallel_loop3A_99 = vector.shape_cast %parallel_loop3A_98 : vector<1x16xf32> to vector<16xf32>
      %parallel_loop3A_100 = arith.index_cast %parallel_loop3A_95 : i32 to index
      %parallel_loop3A_101 = arith.constant 0 : index
      %parallel_loop3A_102 = tpu.vector_load %arg14[%parallel_loop3A_100, %parallel_loop3A_101] {strides = array<i32>} : memref<80x16xf32, #tpu.memory_space<vmem>>, vector<1x16xf32>,
      %parallel_loop3A_103 = vector.shape_cast %parallel_loop3A_102 : vector<1x16xf32> to vector<16xf32>
      %parallel_loop3A_104 = arith.addf %parallel_loop3A_99, %parallel_loop3A_103 : vector<16xf32>
      %parallel_loop3A_105 = arith.constant 0.000000e+00 : f32
      %parallel_loop3A_106 = vector.broadcast %parallel_loop3A_105 : f32 to vector<16xf32>
      %parallel_loop3A_107 = arith.cmpf oge, %parallel_loop3A_104, %parallel_loop3A_106 : vector<16xf32>
      %parallel_loop3A_108 = arith.constant 2.000000e-01 : f32
      %parallel_loop3A_109 = vector.broadcast %parallel_loop3A_108 : f32 to vector<16xf32>
      %parallel_loop3A_110 = arith.mulf %parallel_loop3A_109, %parallel_loop3A_104 : vector<16xf32>
      %parallel_loop3A_111 = arith.select %parallel_loop3A_107, %parallel_loop3A_104, %parallel_loop3A_110 : vector<16xi1>, vector<16xf32>
      %parallel_loop3A_112 = math.exp %parallel_loop3A_111 : vector<16xf32>
      %parallel_loop3A_113 = arith.index_cast %parallel_loop3A_95 : i32 to index
      %parallel_loop3A_114 = arith.constant 0 : index
      %parallel_loop3A_115 = tpu.vector_load %arg22[%parallel_loop3A_113, %parallel_loop3A_114] {strides = array<i32>} : memref<80x16xf32, #tpu.memory_space<vmem>>, vector<1x16xf32>,
      %parallel_loop3A_116 = vector.shape_cast %parallel_loop3A_115 : vector<1x16xf32> to vector<16xf32>
      %parallel_loop3A_117 = vector.shape_cast %parallel_loop3A_112 : vector<16xf32> to vector<1x16xf32>
      tpu.vector_store %arg22[%parallel_loop3A_113, %parallel_loop3A_114], %parallel_loop3A_117 {strides = array<i32>} : memref<80x16xf32, #tpu.memory_space<vmem>>, vector<1x16xf32>,
      %parallel_loop3A_118 = arith.index_cast %parallel_loop3A_95 : i32 to index
      %parallel_loop3A_119 = arith.constant 0 : index
      %parallel_loop3A_120 = tpu.vector_load %arg15[%parallel_loop3A_118, %parallel_loop3A_119] {strides = array<i32>} : memref<80x128xf32, #tpu.memory_space<vmem>>, vector<1x16xf32>,
      %parallel_loop3A_121 = vector.shape_cast %parallel_loop3A_120 : vector<1x16xf32> to vector<16xf32>
      %parallel_loop3A_122 = vector.extract_strided_slice %parallel_loop3A_112 {offsets = [0], sizes = [1], strides = [1]} : vector<16xf32> to vector<1xf32>
      %parallel_loop3A_123 = vector.extract %parallel_loop3A_122[0] : f32 from vector<1xf32>
      %parallel_loop3A_124 = vector.broadcast %parallel_loop3A_123 : f32 to vector<16xf32>
      %parallel_loop3A_125 = arith.mulf %parallel_loop3A_121, %parallel_loop3A_124 : vector<16xf32>
      %parallel_loop3A_126 = arith.index_cast %parallel_loop3A_95 : i32 to index
      %parallel_loop3A_127 = arith.constant 0 : index
      %parallel_loop3A_128 = tpu.vector_load %arg23[%parallel_loop3A_126, %parallel_loop3A_127] {strides = array<i32>} : memref<80x128xf32, #tpu.memory_space<vmem>>, vector<1x16xf32>,
      %parallel_loop3A_129 = vector.shape_cast %parallel_loop3A_128 : vector<1x16xf32> to vector<16xf32>
      %parallel_loop3A_130 = vector.shape_cast %parallel_loop3A_125 : vector<16xf32> to vector<1x16xf32>
      tpu.vector_store %arg23[%parallel_loop3A_126, %parallel_loop3A_127], %parallel_loop3A_130 {strides = array<i32>} : memref<80x128xf32, #tpu.memory_space<vmem>>, vector<1x16xf32>,
      %parallel_loop3A_131 = arith.index_cast %parallel_loop3A_95 : i32 to index
      %parallel_loop3A_132 = arith.constant 16 : index
      %parallel_loop3A_133 = tpu.vector_load %arg15[%parallel_loop3A_131, %parallel_loop3A_132] {strides = array<i32>} : memref<80x128xf32, #tpu.memory_space<vmem>>, vector<1x16xf32>,
      %parallel_loop3A_134 = vector.shape_cast %parallel_loop3A_133 : vector<1x16xf32> to vector<16xf32>
      %parallel_loop3A_135 = vector.extract_strided_slice %parallel_loop3A_112 {offsets = [1], sizes = [1], strides = [1]} : vector<16xf32> to vector<1xf32>
      %parallel_loop3A_136 = vector.extract %parallel_loop3A_135[0] : f32 from vector<1xf32>
      %parallel_loop3A_137 = vector.broadcast %parallel_loop3A_136 : f32 to vector<16xf32>
      %parallel_loop3A_138 = arith.mulf %parallel_loop3A_134, %parallel_loop3A_137 : vector<16xf32>
      %parallel_loop3A_139 = arith.index_cast %parallel_loop3A_95 : i32 to index
      %parallel_loop3A_140 = arith.constant 16 : index
      %parallel_loop3A_141 = tpu.vector_load %arg23[%parallel_loop3A_139, %parallel_loop3A_140] {strides = array<i32>} : memref<80x128xf32, #tpu.memory_space<vmem>>, vector<1x16xf32>,
      %parallel_loop3A_142 = vector.shape_cast %parallel_loop3A_141 : vector<1x16xf32> to vector<16xf32>
      %parallel_loop3A_143 = vector.shape_cast %parallel_loop3A_138 : vector<16xf32> to vector<1x16xf32>
      tpu.vector_store %arg23[%parallel_loop3A_139, %parallel_loop3A_140], %parallel_loop3A_143 {strides = array<i32>} : memref<80x128xf32, #tpu.memory_space<vmem>>, vector<1x16xf32>,
      %parallel_loop3A_144 = arith.index_cast %parallel_loop3A_95 : i32 to index
      %parallel_loop3A_145 = arith.constant 32 : index
      %parallel_loop3A_146 = tpu.vector_load %arg15[%parallel_loop3A_144, %parallel_loop3A_145] {strides = array<i32>} : memref<80x128xf32, #tpu.memory_space<vmem>>, vector<1x16xf32>,
      %parallel_loop3A_147 = vector.shape_cast %parallel_loop3A_146 : vector<1x16xf32> to vector<16xf32>
      %parallel_loop3A_148 = vector.extract_strided_slice %parallel_loop3A_112 {offsets = [2], sizes = [1], strides = [1]} : vector<16xf32> to vector<1xf32>
      %parallel_loop3A_149 = vector.extract %parallel_loop3A_148[0] : f32 from vector<1xf32>
      %parallel_loop3A_150 = vector.broadcast %parallel_loop3A_149 : f32 to vector<16xf32>
      %parallel_loop3A_151 = arith.mulf %parallel_loop3A_147, %parallel_loop3A_150 : vector<16xf32>
      %parallel_loop3A_152 = arith.index_cast %parallel_loop3A_95 : i32 to index
      %parallel_loop3A_153 = arith.constant 32 : index
      %parallel_loop3A_154 = tpu.vector_load %arg23[%parallel_loop3A_152, %parallel_loop3A_153] {strides = array<i32>} : memref<80x128xf32, #tpu.memory_space<vmem>>, vector<1x16xf32>,
      %parallel_loop3A_155 = vector.shape_cast %parallel_loop3A_154 : vector<1x16xf32> to vector<16xf32>
      %parallel_loop3A_156 = vector.shape_cast %parallel_loop3A_151 : vector<16xf32> to vector<1x16xf32>
      tpu.vector_store %arg23[%parallel_loop3A_152, %parallel_loop3A_153], %parallel_loop3A_156 {strides = array<i32>} : memref<80x128xf32, #tpu.memory_space<vmem>>, vector<1x16xf32>,
      %parallel_loop3A_157 = arith.index_cast %parallel_loop3A_95 : i32 to index
      %parallel_loop3A_158 = arith.constant 48 : index
      %parallel_loop3A_159 = tpu.vector_load %arg15[%parallel_loop3A_157, %parallel_loop3A_158] {strides = array<i32>} : memref<80x128xf32, #tpu.memory_space<vmem>>, vector<1x16xf32>,
      %parallel_loop3A_160 = vector.shape_cast %parallel_loop3A_159 : vector<1x16xf32> to vector<16xf32>
      %parallel_loop3A_161 = vector.extract_strided_slice %parallel_loop3A_112 {offsets = [3], sizes = [1], strides = [1]} : vector<16xf32> to vector<1xf32>
      %parallel_loop3A_162 = vector.extract %parallel_loop3A_161[0] : f32 from vector<1xf32>
      %parallel_loop3A_163 = vector.broadcast %parallel_loop3A_162 : f32 to vector<16xf32>
      %parallel_loop3A_164 = arith.mulf %parallel_loop3A_160, %parallel_loop3A_163 : vector<16xf32>
      %parallel_loop3A_165 = arith.index_cast %parallel_loop3A_95 : i32 to index
      %parallel_loop3A_166 = arith.constant 48 : index
      %parallel_loop3A_167 = tpu.vector_load %arg23[%parallel_loop3A_165, %parallel_loop3A_166] {strides = array<i32>} : memref<80x128xf32, #tpu.memory_space<vmem>>, vector<1x16xf32>,
      %parallel_loop3A_168 = vector.shape_cast %parallel_loop3A_167 : vector<1x16xf32> to vector<16xf32>
      %parallel_loop3A_169 = vector.shape_cast %parallel_loop3A_164 : vector<16xf32> to vector<1x16xf32>
      tpu.vector_store %arg23[%parallel_loop3A_165, %parallel_loop3A_166], %parallel_loop3A_169 {strides = array<i32>} : memref<80x128xf32, #tpu.memory_space<vmem>>, vector<1x16xf32>,
      %parallel_loop3A_170 = arith.index_cast %parallel_loop3A_95 : i32 to index
      %parallel_loop3A_171 = arith.constant 64 : index
      %parallel_loop3A_172 = tpu.vector_load %arg15[%parallel_loop3A_170, %parallel_loop3A_171] {strides = array<i32>} : memref<80x128xf32, #tpu.memory_space<vmem>>, vector<1x16xf32>,
      %parallel_loop3A_173 = vector.shape_cast %parallel_loop3A_172 : vector<1x16xf32> to vector<16xf32>
      %parallel_loop3A_174 = vector.extract_strided_slice %parallel_loop3A_112 {offsets = [4], sizes = [1], strides = [1]} : vector<16xf32> to vector<1xf32>
      %parallel_loop3A_175 = vector.extract %parallel_loop3A_174[0] : f32 from vector<1xf32>
      %parallel_loop3A_176 = vector.broadcast %parallel_loop3A_175 : f32 to vector<16xf32>
      %parallel_loop3A_177 = arith.mulf %parallel_loop3A_173, %parallel_loop3A_176 : vector<16xf32>
      %parallel_loop3A_178 = arith.index_cast %parallel_loop3A_95 : i32 to index
      %parallel_loop3A_179 = arith.constant 64 : index
      %parallel_loop3A_180 = tpu.vector_load %arg23[%parallel_loop3A_178, %parallel_loop3A_179] {strides = array<i32>} : memref<80x128xf32, #tpu.memory_space<vmem>>, vector<1x16xf32>,
      %parallel_loop3A_181 = vector.shape_cast %parallel_loop3A_180 : vector<1x16xf32> to vector<16xf32>
      %parallel_loop3A_182 = vector.shape_cast %parallel_loop3A_177 : vector<16xf32> to vector<1x16xf32>
      tpu.vector_store %arg23[%parallel_loop3A_178, %parallel_loop3A_179], %parallel_loop3A_182 {strides = array<i32>} : memref<80x128xf32, #tpu.memory_space<vmem>>, vector<1x16xf32>,
      %parallel_loop3A_183 = arith.index_cast %parallel_loop3A_95 : i32 to index
      %parallel_loop3A_184 = arith.constant 80 : index
      %parallel_loop3A_185 = tpu.vector_load %arg15[%parallel_loop3A_183, %parallel_loop3A_184] {strides = array<i32>} : memref<80x128xf32, #tpu.memory_space<vmem>>, vector<1x16xf32>,
      %parallel_loop3A_186 = vector.shape_cast %parallel_loop3A_185 : vector<1x16xf32> to vector<16xf32>
      %parallel_loop3A_187 = vector.extract_strided_slice %parallel_loop3A_112 {offsets = [5], sizes = [1], strides = [1]} : vector<16xf32> to vector<1xf32>
      %parallel_loop3A_188 = vector.extract %parallel_loop3A_187[0] : f32 from vector<1xf32>
      %parallel_loop3A_189 = vector.broadcast %parallel_loop3A_188 : f32 to vector<16xf32>
      %parallel_loop3A_190 = arith.mulf %parallel_loop3A_186, %parallel_loop3A_189 : vector<16xf32>
      %parallel_loop3A_191 = arith.index_cast %parallel_loop3A_95 : i32 to index
      %parallel_loop3A_192 = arith.constant 80 : index
      %parallel_loop3A_193 = tpu.vector_load %arg23[%parallel_loop3A_191, %parallel_loop3A_192] {strides = array<i32>} : memref<80x128xf32, #tpu.memory_space<vmem>>, vector<1x16xf32>,
      %parallel_loop3A_194 = vector.shape_cast %parallel_loop3A_193 : vector<1x16xf32> to vector<16xf32>
      %parallel_loop3A_195 = vector.shape_cast %parallel_loop3A_190 : vector<16xf32> to vector<1x16xf32>
      tpu.vector_store %arg23[%parallel_loop3A_191, %parallel_loop3A_192], %parallel_loop3A_195 {strides = array<i32>} : memref<80x128xf32, #tpu.memory_space<vmem>>, vector<1x16xf32>,
      %parallel_loop3A_196 = arith.index_cast %parallel_loop3A_95 : i32 to index
      %parallel_loop3A_197 = arith.constant 96 : index
      %parallel_loop3A_198 = tpu.vector_load %arg15[%parallel_loop3A_196, %parallel_loop3A_197] {strides = array<i32>} : memref<80x128xf32, #tpu.memory_space<vmem>>, vector<1x16xf32>,
      %parallel_loop3A_199 = vector.shape_cast %parallel_loop3A_198 : vector<1x16xf32> to vector<16xf32>
      %parallel_loop3A_200 = vector.extract_strided_slice %parallel_loop3A_112 {offsets = [6], sizes = [1], strides = [1]} : vector<16xf32> to vector<1xf32>
      %parallel_loop3A_201 = vector.extract %parallel_loop3A_200[0] : f32 from vector<1xf32>
      %parallel_loop3A_202 = vector.broadcast %parallel_loop3A_201 : f32 to vector<16xf32>
      %parallel_loop3A_203 = arith.mulf %parallel_loop3A_199, %parallel_loop3A_202 : vector<16xf32>
      %parallel_loop3A_204 = arith.index_cast %parallel_loop3A_95 : i32 to index
      %parallel_loop3A_205 = arith.constant 96 : index
      %parallel_loop3A_206 = tpu.vector_load %arg23[%parallel_loop3A_204, %parallel_loop3A_205] {strides = array<i32>} : memref<80x128xf32, #tpu.memory_space<vmem>>, vector<1x16xf32>,
      %parallel_loop3A_207 = vector.shape_cast %parallel_loop3A_206 : vector<1x16xf32> to vector<16xf32>
      %parallel_loop3A_208 = vector.shape_cast %parallel_loop3A_203 : vector<16xf32> to vector<1x16xf32>
      tpu.vector_store %arg23[%parallel_loop3A_204, %parallel_loop3A_205], %parallel_loop3A_208 {strides = array<i32>} : memref<80x128xf32, #tpu.memory_space<vmem>>, vector<1x16xf32>,
      %parallel_loop3A_209 = arith.index_cast %parallel_loop3A_95 : i32 to index
      %parallel_loop3A_210 = arith.constant 112 : index
      %parallel_loop3A_211 = tpu.vector_load %arg15[%parallel_loop3A_209, %parallel_loop3A_210] {strides = array<i32>} : memref<80x128xf32, #tpu.memory_space<vmem>>, vector<1x16xf32>,
      %parallel_loop3A_212 = vector.shape_cast %parallel_loop3A_211 : vector<1x16xf32> to vector<16xf32>
      %parallel_loop3A_213 = vector.extract_strided_slice %parallel_loop3A_112 {offsets = [7], sizes = [1], strides = [1]} : vector<16xf32> to vector<1xf32>
      %parallel_loop3A_214 = vector.extract %parallel_loop3A_213[0] : f32 from vector<1xf32>
      %parallel_loop3A_215 = vector.broadcast %parallel_loop3A_214 : f32 to vector<16xf32>
      %parallel_loop3A_216 = arith.mulf %parallel_loop3A_212, %parallel_loop3A_215 : vector<16xf32>
      %parallel_loop3A_217 = arith.index_cast %parallel_loop3A_95 : i32 to index
      %parallel_loop3A_218 = arith.constant 112 : index
      %parallel_loop3A_219 = tpu.vector_load %arg23[%parallel_loop3A_217, %parallel_loop3A_218] {strides = array<i32>} : memref<80x128xf32, #tpu.memory_space<vmem>>, vector<1x16xf32>,
      %parallel_loop3A_220 = vector.shape_cast %parallel_loop3A_219 : vector<1x16xf32> to vector<16xf32>
      %parallel_loop3A_221 = vector.shape_cast %parallel_loop3A_216 : vector<16xf32> to vector<1x16xf32>
      tpu.vector_store %arg23[%parallel_loop3A_217, %parallel_loop3A_218], %parallel_loop3A_221 {strides = array<i32>} : memref<80x128xf32, #tpu.memory_space<vmem>>, vector<1x16xf32>,
    } {sc.loop_unroll_factor = 4 : i64, sc.parallel_access}
    %dma_start3A_82 = arith.constant 0 : i32
    %dma_start3A_83 = arith.constant 0 : i32
    %dma_start3A_84 = tpu.memref_slice %arg24[%dma_start3A_82, %dma_start3A_83] : memref<10240x128xf32, #tpu.memory_space<vmem_shared>> -> memref<10240x128xf32, #tpu.memory_space<vmem_shared>>
    tpu.enqueue_indirect_dma source(%arg23 : memref<80x128xf32, #tpu.memory_space<vmem>>) target(%dma_start3A_84 : memref<10240x128xf32, #tpu.memory_space<vmem_shared>>) offsets(%arg21 : memref<80xi32, #tpu.memory_space<vmem>>) semaphore(%arg30 : memref<!tpu.dma_semaphore, #tpu.memory_space<semaphore_mem>>) {add = true}
    %dma_start3A_85 = arith.constant 0 : i32
    %dma_start3A_86 = arith.constant 0 : i32
    %dma_start3A_87 = tpu.memref_slice %arg25[%dma_start3A_85, %dma_start3A_86] : memref<10240x16xf32, #tpu.memory_space<vmem_shared>> -> memref<10240x16xf32, #tpu.memory_space<vmem_shared>>
    tpu.enqueue_indirect_dma source(%arg22 : memref<80x16xf32, #tpu.memory_space<vmem>>) target(%dma_start3A_87 : memref<10240x16xf32, #tpu.memory_space<vmem_shared>>) offsets(%arg21 : memref<80xi32, #tpu.memory_space<vmem>>) semaphore(%arg30 : memref<!tpu.dma_semaphore, #tpu.memory_space<semaphore_mem>>) {add = true}
    %dma_wait3A_88 = arith.constant 0 : i32
    %dma_wait3A_89 = arith.constant 0 : i32
    %dma_wait3A_90 = tpu.memref_slice %arg24[%dma_wait3A_88, %dma_wait3A_89] : memref<10240x128xf32, #tpu.memory_space<vmem_shared>> -> memref<10240x128xf32, #tpu.memory_space<vmem_shared>>
    tpu.wait_indirect_dma semaphore(%arg30 : memref<!tpu.dma_semaphore, #tpu.memory_space<semaphore_mem>>) src(%arg23 : memref<80x128xf32, #tpu.memory_space<vmem>>) dst(%dma_wait3A_90 : memref<10240x128xf32, #tpu.memory_space<vmem_shared>>)
    %dma_wait3A_91 = arith.constant 0 : i32
    %dma_wait3A_92 = arith.constant 0 : i32
    %dma_wait3A_93 = tpu.memref_slice %arg25[%dma_wait3A_91, %dma_wait3A_92] : memref<10240x16xf32, #tpu.memory_space<vmem_shared>> -> memref<10240x16xf32, #tpu.memory_space<vmem_shared>>
    tpu.wait_indirect_dma semaphore(%arg30 : memref<!tpu.dma_semaphore, #tpu.memory_space<semaphore_mem>>) src(%arg22 : memref<80x16xf32, #tpu.memory_space<vmem>>) dst(%dma_wait3A_93 : memref<10240x16xf32, #tpu.memory_space<vmem_shared>>)
    %barrier3A_94 = arith.constant 0 : index
    tpu.barrier barrier_id(%barrier3A_94)
    "tpu.region"() ({
      %run_scoped3A = tpu.sem_alloc : memref<!tpu.dma_semaphore, #tpu.memory_space<semaphore_mem>>
      %dma_start3A_95 = arith.constant 0 : i32
      %dma_start3A_96 = tpu.memref_slice %arg9[%arg0, %mul3A_4, %dma_start3A_95] : memref<2x10240x128xf32, #tpu.memory_space<hbm>> -> memref<1x640x128xf32, #tpu.memory_space<hbm>>
      %dma_start3A_97 = tpu.memref_squeeze %dma_start3A_96 : memref<1x640x128xf32, #tpu.memory_space<hbm>> -> memref<640x128xf32, #tpu.memory_space<hbm>>
      %dma_start3A_98 = arith.constant 0 : i32
      %dma_start3A_99 = tpu.memref_slice %arg24[%mul3A_4, %dma_start3A_98] : memref<10240x128xf32, #tpu.memory_space<vmem_shared>> -> memref<640x128xf32, #tpu.memory_space<vmem_shared>>
      tpu.enqueue_dma source(%dma_start3A_99 : memref<640x128xf32, #tpu.memory_space<vmem_shared>>) target(%dma_start3A_97 : memref<640x128xf32, #tpu.memory_space<hbm>>) target_semaphore(%run_scoped3A : memref<!tpu.dma_semaphore, #tpu.memory_space<semaphore_mem>>)
      %dma_wait3A_100 = arith.constant 0 : i32
      %dma_wait3A_101 = tpu.memref_slice %arg9[%arg0, %mul3A_4, %dma_wait3A_100] : memref<2x10240x128xf32, #tpu.memory_space<hbm>> -> memref<1x640x128xf32, #tpu.memory_space<hbm>>
      %dma_wait3A_102 = tpu.memref_squeeze %dma_wait3A_101 : memref<1x640x128xf32, #tpu.memory_space<hbm>> -> memref<640x128xf32, #tpu.memory_space<hbm>>
      %dma_wait3A_103 = arith.constant 0 : i32
      %dma_wait3A_104 = tpu.memref_slice %arg24[%mul3A_4, %dma_wait3A_103] : memref<10240x128xf32, #tpu.memory_space<vmem_shared>> -> memref<640x128xf32, #tpu.memory_space<vmem_shared>>
      tpu.wait_dma2 semaphore(%run_scoped3A : memref<!tpu.dma_semaphore, #tpu.memory_space<semaphore_mem>>) src(%dma_wait3A_104 : memref<640x128xf32, #tpu.memory_space<vmem_shared>>) dst(%dma_wait3A_102 : memref<640x128xf32, #tpu.memory_space<hbm>>)
      tpu.yield
    }) : () -> ()
    "tpu.region"() ({
      %run_scoped3A = tpu.sem_alloc : memref<!tpu.dma_semaphore, #tpu.memory_space<semaphore_mem>>
      %dma_start3A_95 = arith.constant 0 : i32
      %dma_start3A_96 = tpu.memref_slice %arg10[%arg0, %mul3A_4, %dma_start3A_95] : memref<2x10240x16xf32, #tpu.memory_space<hbm>> -> memref<1x640x16xf32, #tpu.memory_space<hbm>>
      %dma_start3A_97 = tpu.memref_squeeze %dma_start3A_96 : memref<1x640x16xf32, #tpu.memory_space<hbm>> -> memref<640x16xf32, #tpu.memory_space<hbm>>
      %dma_start3A_98 = arith.constant 0 : i32
      %dma_start3A_99 = tpu.memref_slice %arg25[%mul3A_4, %dma_start3A_98] : memref<10240x16xf32, #tpu.memory_space<vmem_shared>> -> memref<640x16xf32, #tpu.memory_space<vmem_shared>>
      tpu.enqueue_dma source(%dma_start3A_99 : memref<640x16xf32, #tpu.memory_space<vmem_shared>>) target(%dma_start3A_97 : memref<640x16xf32, #tpu.memory_space<hbm>>) target_semaphore(%run_scoped3A : memref<!tpu.dma_semaphore, #tpu.memory_space<semaphore_mem>>)
      %dma_wait3A_100 = arith.constant 0 : i32
      %dma_wait3A_101 = tpu.memref_slice %arg10[%arg0, %mul3A_4, %dma_wait3A_100] : memref<2x10240x16xf32, #tpu.memory_space<hbm>> -> memref<1x640x16xf32, #tpu.memory_space<hbm>>
      %dma_wait3A_102 = tpu.memref_squeeze %dma_wait3A_101 : memref<1x640x16xf32, #tpu.memory_space<hbm>> -> memref<640x16xf32, #tpu.memory_space<hbm>>
      %dma_wait3A_103 = arith.constant 0 : i32
      %dma_wait3A_104 = tpu.memref_slice %arg25[%mul3A_4, %dma_wait3A_103] : memref<10240x16xf32, #tpu.memory_space<vmem_shared>> -> memref<640x16xf32, #tpu.memory_space<vmem_shared>>
      tpu.wait_dma2 semaphore(%run_scoped3A : memref<!tpu.dma_semaphore, #tpu.memory_space<semaphore_mem>>) src(%dma_wait3A_104 : memref<640x16xf32, #tpu.memory_space<vmem_shared>>) dst(%dma_wait3A_102 : memref<640x16xf32, #tpu.memory_space<hbm>>)
      tpu.yield
    }) : () -> ()
    return
  }
}

module attributes {stable_mosaic.version = 14 : i64} {
  func.func @_k1_body(%arg0: memref<10000x128xf32, #tpu.memory_space<vmem>>, %arg1: memref<128x128xf32, #tpu.memory_space<vmem>>, %arg2: memref<1x128xf32, #tpu.memory_space<vmem>>, %arg3: memref<1x128xf32, #tpu.memory_space<vmem>>, %arg4: memref<10000x128xf32, #tpu.memory_space<vmem>>, %arg5: memref<10000x16xf32, #tpu.memory_space<vmem>>, %arg6: memref<10000x16xf32, #tpu.memory_space<vmem>>) attributes {dimension_semantics = [], scalar_prefetch = 0 : i64, scratch_operands = 0 : i64, tpu.core_type = #tpu.core_type<tc>} {
    %get3A = arith.constant 0 : index
    %get3A_0 = arith.constant 0 : index
    %get3A_1 = vector.load %arg0[%get3A, %get3A_0] : memref<10000x128xf32, #tpu.memory_space<vmem>>, vector<10000x128xf32>
    %get3A_2 = arith.constant 0 : index
    %get3A_3 = arith.constant 0 : index
    %get3A_4 = vector.load %arg1[%get3A_2, %get3A_3] : memref<128x128xf32, #tpu.memory_space<vmem>>, vector<128x128xf32>
    %dot_general3A = arith.constant dense<0.000000e+00> : vector<10000x128xf32>
    %dot_general3A_5 = tpu.matmul %get3A_1, %get3A_4, %dot_general3A {dimension_numbers = #tpu.dot_dimension_numbers<[1], [0], [0], [1], [0, 0, 1, 1], [], []>, transpose_lhs_hint = false} : vector<10000x128xf32>, vector<128x128xf32>, vector<10000x128xf32> -> vector<10000x128xf32>
    %swap3A = arith.constant 0 : index
    %swap3A_6 = arith.constant 0 : index
    %swap3A_7 = vector.load %arg4[%swap3A, %swap3A_6] : memref<10000x128xf32, #tpu.memory_space<vmem>>, vector<10000x128xf32>
    tpu.vector_store %arg4[%swap3A, %swap3A_6], %dot_general3A_5 {strides = array<i32>} : memref<10000x128xf32, #tpu.memory_space<vmem>>, vector<10000x128xf32>,
    %iota3A = tpu.iota {dimensions = array<i32: 0>} : vector<128x16xi32>
    %iota3A_8 = tpu.iota {dimensions = array<i32: 1>} : vector<128x16xi32>
    %jit3A = arith.constant 16 : i32
    %div3A = vector.broadcast %jit3A : i32 to vector<128x16xi32>
    %div3A_9 = arith.divsi %iota3A, %div3A : vector<128x16xi32>
    %sign3A = arith.constant 0 : i32
    %sign3A_10 = vector.broadcast %sign3A : i32 to vector<128x16xi32>
    %sign3A_11 = arith.cmpi sgt, %iota3A, %sign3A_10 : vector<128x16xi32>
    %sign3A_12 = arith.extui %sign3A_11 : vector<128x16xi1> to vector<128x16xi32>
    %sign3A_13 = arith.constant 0 : i32
    %sign3A_14 = vector.broadcast %sign3A_13 : i32 to vector<128x16xi32>
    %sign3A_15 = arith.cmpi slt, %iota3A, %sign3A_14 : vector<128x16xi32>
    %sign3A_16 = arith.extui %sign3A_15 : vector<128x16xi1> to vector<128x16xi32>
    %sign3A_17 = arith.subi %sign3A_12, %sign3A_16 : vector<128x16xi32>
    %sign3A_18 = arith.constant 0 : i32
    %sign3A_19 = arith.cmpi sgt, %jit3A, %sign3A_18 : i32
    %sign3A_20 = arith.extui %sign3A_19 : i1 to i32
    %sign3A_21 = arith.constant 0 : i32
    %sign3A_22 = arith.cmpi slt, %jit3A, %sign3A_21 : i32
    %sign3A_23 = arith.extui %sign3A_22 : i1 to i32
    %sign3A_24 = arith.subi %sign3A_20, %sign3A_23 : i32
    %ne3A = vector.broadcast %sign3A_24 : i32 to vector<128x16xi32>
    %ne3A_25 = arith.cmpi ne, %sign3A_17, %ne3A : vector<128x16xi32>
    %rem3A = vector.broadcast %jit3A : i32 to vector<128x16xi32>
    %rem3A_26 = arith.remsi %iota3A, %rem3A : vector<128x16xi32>
    %ne3A_27 = arith.constant 0 : i32
    %ne3A_28 = vector.broadcast %ne3A_27 : i32 to vector<128x16xi32>
    %ne3A_29 = arith.cmpi ne, %rem3A_26, %ne3A_28 : vector<128x16xi32>
    %and3A = arith.andi %ne3A_25, %ne3A_29 : vector<128x16xi1>
    %sub3A = arith.constant 1 : i32
    %sub3A_30 = vector.broadcast %sub3A : i32 to vector<128x16xi32>
    %sub3A_31 = arith.subi %div3A_9, %sub3A_30 : vector<128x16xi32>
    %select_n3A = arith.select %and3A, %sub3A_31, %div3A_9 : vector<128x16xi1>, vector<128x16xi32>
    %eq3A = arith.cmpi eq, %select_n3A, %iota3A_8 : vector<128x16xi32>
    %convert_element_type3A = arith.extui %eq3A : vector<128x16xi1> to vector<128x16xi32>
    %convert_element_type3A_32 = arith.sitofp %convert_element_type3A : vector<128x16xi32> to vector<128x16xf32>
    %get3A_33 = arith.constant 0 : index
    %get3A_34 = arith.constant 0 : index
    %get3A_35 = vector.load %arg2[%get3A_33, %get3A_34] : memref<1x128xf32, #tpu.memory_space<vmem>>, vector<1x128xf32>
    %mul3A = vector.broadcast %get3A_35 : vector<1x128xf32> to vector<10000x128xf32>
    %mul3A_36 = arith.mulf %dot_general3A_5, %mul3A : vector<10000x128xf32>
    %dot_general3A_37 = arith.constant dense<0.000000e+00> : vector<10000x16xf32>
    %dot_general3A_38 = tpu.matmul %mul3A_36, %convert_element_type3A_32, %dot_general3A_37 {dimension_numbers = #tpu.dot_dimension_numbers<[1], [0], [0], [1], [0, 0, 1, 1], [], []>, transpose_lhs_hint = false} : vector<10000x128xf32>, vector<128x16xf32>, vector<10000x16xf32> -> vector<10000x16xf32>
    %swap3A_39 = arith.constant 0 : index
    %swap3A_40 = arith.constant 0 : index
    %swap3A_41 = vector.load %arg5[%swap3A_39, %swap3A_40] : memref<10000x16xf32, #tpu.memory_space<vmem>>, vector<10000x16xf32>
    tpu.vector_store %arg5[%swap3A_39, %swap3A_40], %dot_general3A_38 {strides = array<i32>} : memref<10000x16xf32, #tpu.memory_space<vmem>>, vector<10000x16xf32>,
    %get3A_42 = arith.constant 0 : index
    %get3A_43 = arith.constant 0 : index
    %get3A_44 = vector.load %arg3[%get3A_42, %get3A_43] : memref<1x128xf32, #tpu.memory_space<vmem>>, vector<1x128xf32>
    %mul3A_45 = vector.broadcast %get3A_44 : vector<1x128xf32> to vector<10000x128xf32>
    %mul3A_46 = arith.mulf %dot_general3A_5, %mul3A_45 : vector<10000x128xf32>
    %dot_general3A_47 = arith.constant dense<0.000000e+00> : vector<10000x16xf32>
    %dot_general3A_48 = tpu.matmul %mul3A_46, %convert_element_type3A_32, %dot_general3A_47 {dimension_numbers = #tpu.dot_dimension_numbers<[1], [0], [0], [1], [0, 0, 1, 1], [], []>, transpose_lhs_hint = false} : vector<10000x128xf32>, vector<128x16xf32>, vector<10000x16xf32> -> vector<10000x16xf32>
    %swap3A_49 = arith.constant 0 : index
    %swap3A_50 = arith.constant 0 : index
    %swap3A_51 = vector.load %arg6[%swap3A_49, %swap3A_50] : memref<10000x16xf32, #tpu.memory_space<vmem>>, vector<10000x16xf32>
    tpu.vector_store %arg6[%swap3A_49, %swap3A_50], %dot_general3A_48 {strides = array<i32>} : memref<10000x16xf32, #tpu.memory_space<vmem>>, vector<10000x16xf32>,
    return
  }
}

module attributes {stable_mosaic.version = 14 : i64} {
  func.func @_k3_body(%arg0: memref<2x10240x128xf32, #tpu.memory_space<vmem>>, %arg1: memref<2x10240x16xf32, #tpu.memory_space<vmem>>, %arg2: memref<128x16xf32, #tpu.memory_space<vmem>>, %arg3: memref<1x16xf32, #tpu.memory_space<vmem>>, %arg4: memref<1x16xf32, #tpu.memory_space<vmem>>, %arg5: memref<10240x16xf32, #tpu.memory_space<vmem>>, %arg6: memref<10240x16xf32, #tpu.memory_space<vmem>>, %arg7: memref<10240x16xf32, #tpu.memory_space<vmem>>) attributes {dimension_semantics = [], scalar_prefetch = 0 : i64, scratch_operands = 0 : i64, tpu.core_type = #tpu.core_type<tc>} {
    %get3A = arith.constant 0 : index
    %get3A_0 = arith.constant 0 : index
    %get3A_1 = arith.constant 0 : index
    %get3A_2 = vector.load %arg0[%get3A, %get3A_0, %get3A_1] : memref<2x10240x128xf32, #tpu.memory_space<vmem>>, vector<1x10240x128xf32>
    %get3A_3 = vector.shape_cast %get3A_2 : vector<1x10240x128xf32> to vector<10240x128xf32>
    %get3A_4 = arith.constant 1 : index
    %get3A_5 = arith.constant 0 : index
    %get3A_6 = arith.constant 0 : index
    %get3A_7 = vector.load %arg0[%get3A_4, %get3A_5, %get3A_6] : memref<2x10240x128xf32, #tpu.memory_space<vmem>>, vector<1x10240x128xf32>
    %get3A_8 = vector.shape_cast %get3A_7 : vector<1x10240x128xf32> to vector<10240x128xf32>
    %add3A = arith.addf %get3A_3, %get3A_8 : vector<10240x128xf32>
    %get3A_9 = arith.constant 0 : index
    %get3A_10 = arith.constant 0 : index
    %get3A_11 = arith.constant 0 : index
    %get3A_12 = vector.load %arg1[%get3A_9, %get3A_10, %get3A_11] : memref<2x10240x16xf32, #tpu.memory_space<vmem>>, vector<1x10240x16xf32>
    %get3A_13 = vector.shape_cast %get3A_12 : vector<1x10240x16xf32> to vector<10240x16xf32>
    %get3A_14 = arith.constant 1 : index
    %get3A_15 = arith.constant 0 : index
    %get3A_16 = arith.constant 0 : index
    %get3A_17 = vector.load %arg1[%get3A_14, %get3A_15, %get3A_16] : memref<2x10240x16xf32, #tpu.memory_space<vmem>>, vector<1x10240x16xf32>
    %get3A_18 = vector.shape_cast %get3A_17 : vector<1x10240x16xf32> to vector<10240x16xf32>
    %add3A_19 = arith.addf %get3A_13, %get3A_18 : vector<10240x16xf32>
    %iota3A = tpu.iota {dimensions = array<i32: 0>} : vector<16x128xi32>
    %iota3A_20 = tpu.iota {dimensions = array<i32: 1>} : vector<16x128xi32>
    %jit3A = arith.constant 16 : i32
    %div3A = vector.broadcast %jit3A : i32 to vector<16x128xi32>
    %div3A_21 = arith.divsi %iota3A_20, %div3A : vector<16x128xi32>
    %sign3A = arith.constant 0 : i32
    %sign3A_22 = vector.broadcast %sign3A : i32 to vector<16x128xi32>
    %sign3A_23 = arith.cmpi sgt, %iota3A_20, %sign3A_22 : vector<16x128xi32>
    %sign3A_24 = arith.extui %sign3A_23 : vector<16x128xi1> to vector<16x128xi32>
    %sign3A_25 = arith.constant 0 : i32
    %sign3A_26 = vector.broadcast %sign3A_25 : i32 to vector<16x128xi32>
    %sign3A_27 = arith.cmpi slt, %iota3A_20, %sign3A_26 : vector<16x128xi32>
    %sign3A_28 = arith.extui %sign3A_27 : vector<16x128xi1> to vector<16x128xi32>
    %sign3A_29 = arith.subi %sign3A_24, %sign3A_28 : vector<16x128xi32>
    %sign3A_30 = arith.constant 0 : i32
    %sign3A_31 = arith.cmpi sgt, %jit3A, %sign3A_30 : i32
    %sign3A_32 = arith.extui %sign3A_31 : i1 to i32
    %sign3A_33 = arith.constant 0 : i32
    %sign3A_34 = arith.cmpi slt, %jit3A, %sign3A_33 : i32
    %sign3A_35 = arith.extui %sign3A_34 : i1 to i32
    %sign3A_36 = arith.subi %sign3A_32, %sign3A_35 : i32
    %ne3A = vector.broadcast %sign3A_36 : i32 to vector<16x128xi32>
    %ne3A_37 = arith.cmpi ne, %sign3A_29, %ne3A : vector<16x128xi32>
    %rem3A = vector.broadcast %jit3A : i32 to vector<16x128xi32>
    %rem3A_38 = arith.remsi %iota3A_20, %rem3A : vector<16x128xi32>
    %ne3A_39 = arith.constant 0 : i32
    %ne3A_40 = vector.broadcast %ne3A_39 : i32 to vector<16x128xi32>
    %ne3A_41 = arith.cmpi ne, %rem3A_38, %ne3A_40 : vector<16x128xi32>
    %and3A = arith.andi %ne3A_37, %ne3A_41 : vector<16x128xi1>
    %sub3A = arith.constant 1 : i32
    %sub3A_42 = vector.broadcast %sub3A : i32 to vector<16x128xi32>
    %sub3A_43 = arith.subi %div3A_21, %sub3A_42 : vector<16x128xi32>
    %select_n3A = arith.select %and3A, %sub3A_43, %div3A_21 : vector<16x128xi1>, vector<16x128xi32>
    %eq3A = arith.cmpi eq, %select_n3A, %iota3A : vector<16x128xi32>
    %convert_element_type3A = arith.extui %eq3A : vector<16x128xi1> to vector<16x128xi32>
    %convert_element_type3A_44 = arith.sitofp %convert_element_type3A : vector<16x128xi32> to vector<16x128xf32>
    %dot_general3A = arith.constant dense<0.000000e+00> : vector<10240x128xf32>
    %dot_general3A_45 = tpu.matmul %add3A_19, %convert_element_type3A_44, %dot_general3A {dimension_numbers = #tpu.dot_dimension_numbers<[1], [0], [0], [1], [0, 0, 1, 1], [], []>, transpose_lhs_hint = false} : vector<10240x16xf32>, vector<16x128xf32>, vector<10240x128xf32> -> vector<10240x128xf32>
    %add3A_46 = arith.constant 1.000000e-16 : f32
    %add3A_47 = vector.broadcast %add3A_46 : f32 to vector<10240x128xf32>
    %add3A_48 = arith.addf %dot_general3A_45, %add3A_47 : vector<10240x128xf32>
    %div3A_49 = arith.divf %add3A, %add3A_48 : vector<10240x128xf32>
    %gt3A = arith.constant 0.000000e+00 : f32
    %gt3A_50 = vector.broadcast %gt3A : f32 to vector<10240x128xf32>
    %gt3A_51 = arith.cmpf ogt, %div3A_49, %gt3A_50 : vector<10240x128xf32>
    %min3A = arith.constant 0.000000e+00 : f32
    %min3A_52 = vector.broadcast %min3A : f32 to vector<10240x128xf32>
    %min3A_53 = arith.minimumf %div3A_49, %min3A_52 : vector<10240x128xf32>
    %exp3A = math.exp %min3A_53 : vector<10240x128xf32>
    %sub3A_54 = arith.constant 1.000000e+00 : f32
    %sub3A_55 = vector.broadcast %sub3A_54 : f32 to vector<10240x128xf32>
    %sub3A_56 = arith.subf %exp3A, %sub3A_55 : vector<10240x128xf32>
    %select_n3A_57 = arith.select %gt3A_51, %div3A_49, %sub3A_56 : vector<10240x128xi1>, vector<10240x128xf32>
    %get3A_58 = arith.constant 0 : index
    %get3A_59 = arith.constant 0 : index
    %get3A_60 = vector.load %arg2[%get3A_58, %get3A_59] : memref<128x16xf32, #tpu.memory_space<vmem>>, vector<128x16xf32>
    %dot_general3A_61 = arith.constant dense<0.000000e+00> : vector<10240x16xf32>
    %dot_general3A_62 = tpu.matmul %select_n3A_57, %get3A_60, %dot_general3A_61 {dimension_numbers = #tpu.dot_dimension_numbers<[1], [0], [0], [1], [0, 0, 1, 1], [], []>, transpose_lhs_hint = false} : vector<10240x128xf32>, vector<128x16xf32>, vector<10240x16xf32> -> vector<10240x16xf32>
    %swap3A = arith.constant 0 : index
    %swap3A_63 = arith.constant 0 : index
    %swap3A_64 = vector.load %arg5[%swap3A, %swap3A_63] : memref<10240x16xf32, #tpu.memory_space<vmem>>, vector<10240x16xf32>
    tpu.vector_store %arg5[%swap3A, %swap3A_63], %dot_general3A_62 {strides = array<i32>} : memref<10240x16xf32, #tpu.memory_space<vmem>>, vector<10240x16xf32>,
    %iota3A_65 = tpu.iota {dimensions = array<i32: 1>} : vector<16x16xi32>
    %eq3A_66 = arith.constant 0 : i32
    %eq3A_67 = vector.broadcast %eq3A_66 : i32 to vector<16x16xi32>
    %eq3A_68 = arith.cmpi eq, %iota3A_65, %eq3A_67 : vector<16x16xi32>
    %convert_element_type3A_69 = arith.extui %eq3A_68 : vector<16x16xi1> to vector<16x16xi32>
    %convert_element_type3A_70 = arith.sitofp %convert_element_type3A_69 : vector<16x16xi32> to vector<16x16xf32>
    %get3A_71 = arith.constant 0 : index
    %get3A_72 = arith.constant 0 : index
    %get3A_73 = vector.load %arg3[%get3A_71, %get3A_72] : memref<1x16xf32, #tpu.memory_space<vmem>>, vector<1x16xf32>
    %mul3A = vector.broadcast %get3A_73 : vector<1x16xf32> to vector<10240x16xf32>
    %mul3A_74 = arith.mulf %dot_general3A_62, %mul3A : vector<10240x16xf32>
    %dot_general3A_75 = arith.constant dense<0.000000e+00> : vector<10240x16xf32>
    %dot_general3A_76 = tpu.matmul %mul3A_74, %convert_element_type3A_70, %dot_general3A_75 {dimension_numbers = #tpu.dot_dimension_numbers<[1], [0], [0], [1], [0, 0, 1, 1], [], []>, transpose_lhs_hint = false} : vector<10240x16xf32>, vector<16x16xf32>, vector<10240x16xf32> -> vector<10240x16xf32>
    %swap3A_77 = arith.constant 0 : index
    %swap3A_78 = arith.constant 0 : index
    %swap3A_79 = vector.load %arg6[%swap3A_77, %swap3A_78] : memref<10240x16xf32, #tpu.memory_space<vmem>>, vector<10240x16xf32>
    tpu.vector_store %arg6[%swap3A_77, %swap3A_78], %dot_general3A_76 {strides = array<i32>} : memref<10240x16xf32, #tpu.memory_space<vmem>>, vector<10240x16xf32>,
    %get3A_80 = arith.constant 0 : index
    %get3A_81 = arith.constant 0 : index
    %get3A_82 = vector.load %arg4[%get3A_80, %get3A_81] : memref<1x16xf32, #tpu.memory_space<vmem>>, vector<1x16xf32>
    %mul3A_83 = vector.broadcast %get3A_82 : vector<1x16xf32> to vector<10240x16xf32>
    %mul3A_84 = arith.mulf %dot_general3A_62, %mul3A_83 : vector<10240x16xf32>
    %dot_general3A_85 = arith.constant dense<0.000000e+00> : vector<10240x16xf32>
    %dot_general3A_86 = tpu.matmul %mul3A_84, %convert_element_type3A_70, %dot_general3A_85 {dimension_numbers = #tpu.dot_dimension_numbers<[1], [0], [0], [1], [0, 0, 1, 1], [], []>, transpose_lhs_hint = false} : vector<10240x16xf32>, vector<16x16xf32>, vector<10240x16xf32> -> vector<10240x16xf32>
    %swap3A_87 = arith.constant 0 : index
    %swap3A_88 = arith.constant 0 : index
    %swap3A_89 = vector.load %arg7[%swap3A_87, %swap3A_88] : memref<10240x16xf32, #tpu.memory_space<vmem>>, vector<10240x16xf32>
    tpu.vector_store %arg7[%swap3A_87, %swap3A_88], %dot_general3A_86 {strides = array<i32>} : memref<10240x16xf32, #tpu.memory_space<vmem>>, vector<10240x16xf32>,
    return
  }
}

module attributes {stable_mosaic.version = 14 : i64} {
  func.func @_k5_body(%arg0: memref<2x10240x16xf32, #tpu.memory_space<vmem>>, %arg1: memref<2x10240x16xf32, #tpu.memory_space<vmem>>, %arg2: memref<10240x16xf32, #tpu.memory_space<vmem>>) attributes {dimension_semantics = [], scalar_prefetch = 0 : i64, scratch_operands = 0 : i64, tpu.core_type = #tpu.core_type<tc>} {
    %get3A = arith.constant 0 : index
    %get3A_0 = arith.constant 0 : index
    %get3A_1 = arith.constant 0 : index
    %get3A_2 = vector.load %arg0[%get3A, %get3A_0, %get3A_1] : memref<2x10240x16xf32, #tpu.memory_space<vmem>>, vector<1x10240x16xf32>
    %get3A_3 = vector.shape_cast %get3A_2 : vector<1x10240x16xf32> to vector<10240x16xf32>
    %get3A_4 = arith.constant 1 : index
    %get3A_5 = arith.constant 0 : index
    %get3A_6 = arith.constant 0 : index
    %get3A_7 = vector.load %arg0[%get3A_4, %get3A_5, %get3A_6] : memref<2x10240x16xf32, #tpu.memory_space<vmem>>, vector<1x10240x16xf32>
    %get3A_8 = vector.shape_cast %get3A_7 : vector<1x10240x16xf32> to vector<10240x16xf32>
    %add3A = arith.addf %get3A_3, %get3A_8 : vector<10240x16xf32>
    %get3A_9 = arith.constant 0 : index
    %get3A_10 = arith.constant 0 : index
    %get3A_11 = arith.constant 0 : index
    %get3A_12 = vector.load %arg1[%get3A_9, %get3A_10, %get3A_11] : memref<2x10240x16xf32, #tpu.memory_space<vmem>>, vector<1x10240x1xf32>
    %get3A_13 = vector.shape_cast %get3A_12 : vector<1x10240x1xf32> to vector<10240x1xf32>
    %get3A_14 = arith.constant 1 : index
    %get3A_15 = arith.constant 0 : index
    %get3A_16 = arith.constant 0 : index
    %get3A_17 = vector.load %arg1[%get3A_14, %get3A_15, %get3A_16] : memref<2x10240x16xf32, #tpu.memory_space<vmem>>, vector<1x10240x1xf32>
    %get3A_18 = vector.shape_cast %get3A_17 : vector<1x10240x1xf32> to vector<10240x1xf32>
    %add3A_19 = arith.addf %get3A_13, %get3A_18 : vector<10240x1xf32>
    %add3A_20 = arith.constant 1.000000e-16 : f32
    %add3A_21 = vector.broadcast %add3A_20 : f32 to vector<10240x1xf32>
    %add3A_22 = arith.addf %add3A_19, %add3A_21 : vector<10240x1xf32>
    %div3A = vector.broadcast %add3A_22 : vector<10240x1xf32> to vector<10240x16xf32>
    %div3A_23 = arith.divf %add3A, %div3A : vector<10240x16xf32>
    %swap3A = arith.constant 0 : index
    %swap3A_24 = arith.constant 0 : index
    %swap3A_25 = vector.load %arg2[%swap3A, %swap3A_24] : memref<10240x16xf32, #tpu.memory_space<vmem>>, vector<10240x16xf32>
    tpu.vector_store %arg2[%swap3A, %swap3A_24], %div3A_23 {strides = array<i32>} : memref<10240x16xf32, #tpu.memory_space<vmem>>, vector<10240x16xf32>,
    return
  }
}

</mosaic_0001>

<sc_bundles>
// kernel: kernel.10.cloned.1.call-start
scs
__scs_entry_jumppad:
0x0: {  	(pc) =	sbr.rel $0x88, $3  }
0x1: {  	(tag) =	ssettag $0x0;
	lr =	simm.s32 $0x1  }
0x2: {  	[smem:$0x3F99] =	sst lr;
	_ =	strace $0xD0000000  }
0x3: {  	_ = 	snop  }
0x4: {  	_ = 	snop  }
0x5: {  	_ = 	snop  }
0x6: {  	_ = 	snop  }
0x7: {  	_ = 	snop  }
__scs_overlays_trampoline_lowered:
0x8: {  	[smem:$0x3FA8] =	sst s0  }
0x9: {  	[smem:$0x3FA9] =	sst s1  }
0xa: {  	[smem:$0x3FAA] =	sst s2  }
0xb: {  	[smem:$0x3FAB] =	sst s3  }
0xc: {  	[smem:$0x3FAC] =	sst s4  }
0xd: {  	[smem:$0x3FAD] =	sst s5  }
0xe: {  	[smem:$0x3FAE] =	sst s6  }
0xf: {  	[smem:$0x3FAF] =	sst s7  }
0x10: {  	[smem:$0x3FB0] =	sst s8  }
0x11: {  	[smem:$0x3FB1] =	sst s9;
	s0 =	simm.s32 @!p0 $0x0  }
0x12: {  	s1 =	sld [smem:$0x3F97];
	s0 =	simm.s32 @p0 $0x1  }
0x13: {  	[smem:$0x3FB2] =	sst s0;
	s0 =	simm.s32 @!p1 $0x0  }
0x14: {  	s2 =	sld [smem:$0x3F96];
	s0 =	simm.s32 @p1 $0x1  }
0x15: {  	[smem:$0x3FB3] =	sst s0;
	s0 =	simm.s32 @!p2 $0x0  }
0x16: {  	s3 =	sld [smem:$0x3FDB];
	s0 =	simm.s32 @p2 $0x1  }
0x17: {  	s4 =	simm.s32 $0x1BF5;
	[smem:$0x3FB5] =	sst s0  }
0x18: {  	s0 =	sld [smem:$0x3F98];
	_ =	swait.ge [sflag:s4], $0x0  }
0x19: {  	s7 =	sld [smem:$0x3F99]  }
0x1a: {  	s8 =	sadd.s32 $0xFFFFE003, lr  }
0x1b: {  	s9 =	sadd.s32 $0xFFFFFEF7, lr;
	s5 =	simm.s32 $0xFFFFFFFF;
	p2 =	slt.u32 s8, $0xFFFFF086  }
0x1c: {  	p1 =	slt.u32 s9, $0xF7A;
	s5 =	simm.s32 @!p2 $0x0  }
0x1d: {  	s5 =	simm.s32 @p1 $0x1;
	p0 =	seq.s32 s7, s2  }
0x1e: {  	s7 =	smul.u32 @!p0 $0xF7A, s2;
	p2 =	seq.s32 @!p0 s5, $0x0  }
0x1f: {  	s9 =	smul.u32 $0xF7A, s1;
	s8 =	simm.s32 @!p0 $0x1BF5;
	p2 =	por !p2, p0  }
0x20: {  	[sflag:s8] =	ssyncset.s32 @!p0 $0xFFFFF086;
	s6 =	sadd.s32 @!p0 s3, s7;
	s7 =	simm.s32 @!p0 $0x108  }
0x21: {  	s3 =	sadd.s32 s3, s9;
	s6 =	sadd.s32 @!p0 $0x88, s6;
	s7 =	simm.s32 @p2 $0x1082  }
0x22: {  	[simem:s7], [sflag:s8] =	dma.local @!p0 [hbm:s6], $0xF7A  }
0x23: {  	s9 =	sor.u32 $0xD0000000, s2;
	s6 =	simm.s32 $0x108;
	_ =	swait.ge @!p0 [sflag:s8], $0x0  }
0x24: {  	s3 =	sadd.s32 $0x88, s3;
	s6 =	simm.s32 @!p1 $0x1082;
	[sflag:s4] =	ssyncset.s32 $0xFFFFF086  }
0x25: {  	[simem:s6], [sflag:s4] =	dma.local [hbm:s3], $0xF7A  }
0x26: {  	[smem:$0x3F99] =	sst s1;
	(tag) =	ssettag s2;
	_ =	strace s9  }
0x27: {  	s1 =	sld [smem:$0x3FA9]  }
0x28: {  	s2 =	sld [smem:$0x3FAA]  }
0x29: {  	s4 =	sld [smem:$0x3FAC]  }
0x2a: {  	p0 =	seq.s32 s5, $0x0;
	s5 =	sld [smem:$0x3FAD]  }
0x2b: {  	s6 =	sld [smem:$0x3FAE]  }
0x2c: {  	s7 =	sld [smem:$0x3FAF]  }
0x2d: {  	s3 =	simm.s32 $0x108;
	s8 =	sld [smem:$0x3FB0]  }
0x2e: {  	s3 =	simm.s32 @!p0 $0x1082;
	s9 =	sld [smem:$0x3FB1]  }
0x2f: {  	lr =	sadd.s32 s0, s3;
	s0 =	sld [smem:$0x3FA8]  }
0x30: {  	s3 =	sld [smem:$0x3FAB]  }
0x31: {  	[smem:$0x3FB4] =	sst s10  }
0x32: {  	s10 =	sld [smem:$0x3FB2];
	_ =	sdelay $0x3  }
0x33: {  	p0 =	seq.s32 s10, $0x1;
	s10 =	sld [smem:$0x3FB4];
	_ =	sdelay $0x3  }
0x34: {  	[smem:$0x3FB4] =	sst s10  }
0x35: {  	s10 =	sld [smem:$0x3FB3];
	_ =	sdelay $0x3  }
0x36: {  	p1 =	seq.s32 s10, $0x1;
	s10 =	sld [smem:$0x3FB4];
	_ =	sdelay $0x3  }
0x37: {  	[smem:$0x3FB4] =	sst s10  }
0x38: {  	s10 =	sld [smem:$0x3FB5]  }
0x39: {  	_ = 	snop;
	(pc) =	sbr.ind lr, $3  }
0x3a: {  	_ = 	snop  }
0x3b: {  	_ = 	snop  }
0x3c: {  	p2 =	seq.s32 s10, $0x1;
	s10 =	sld [smem:$0x3FB4]  }
0x3d: {  	_ =	shalt  }
0x3e: {  	_ =	shalt  }
0x3f: {  	_ =	shalt  }
0x40: {  	_ =	shalt  }
0x41: {  	_ =	shalt  }
0x42: {  	_ =	shalt  }
0x43: {  	_ =	shalt  }
0x44: {  	_ =	shalt  }
0x45: {  	_ =	shalt  }
0x46: {  	_ =	shalt  }
0x47: {  	_ =	shalt  }
0x48: {  	_ =	shalt  }
0x49: {  	_ =	shalt  }
0x4a: {  	_ =	shalt  }
0x4b: {  	_ =	shalt  }
0x4c: {  	_ =	shalt  }
0x4d: {  	_ =	shalt  }
0x4e: {  	_ =	shalt  }
0x4f: {  	_ =	shalt  }
0x50: {  	_ =	shalt  }
0x51: {  	_ =	shalt  }
0x52: {  	_ =	shalt  }
0x53: {  	_ =	shalt  }
0x54: {  	_ =	shalt  }
0x55: {  	_ =	shalt  }
0x56: {  	_ =	shalt  }
0x57: {  	_ =	shalt  }
0x58: {  	_ =	shalt  }
0x59: {  	_ =	shalt  }
0x5a: {  	_ =	shalt  }
0x5b: {  	_ =	shalt  }
0x5c: {  	_ =	shalt  }
0x5d: {  	_ =	shalt  }
0x5e: {  	_ =	shalt  }
0x5f: {  	_ =	shalt  }
0x60: {  	_ =	shalt  }
0x61: {  	_ =	shalt  }
0x62: {  	_ =	shalt  }
0x63: {  	_ =	shalt  }
0x64: {  	_ =	shalt  }
0x65: {  	_ =	shalt  }
0x66: {  	_ =	shalt  }
0x67: {  	_ =	shalt  }
0x68: {  	_ =	shalt  }
0x69: {  	_ =	shalt  }
0x6a: {  	_ =	shalt  }
0x6b: {  	_ =	shalt  }
0x6c: {  	_ =	shalt  }
0x6d: {  	_ =	shalt  }
0x6e: {  	_ =	shalt  }
0x6f: {  	_ =	shalt  }
0x70: {  	_ =	shalt  }
0x71: {  	_ =	shalt  }
0x72: {  	_ =	shalt  }
0x73: {  	_ =	shalt  }
0x74: {  	_ =	shalt  }
0x75: {  	_ =	shalt  }
0x76: {  	_ =	shalt  }
0x77: {  	_ =	shalt  }
0x78: {  	_ =	shalt  }
0x79: {  	_ =	shalt  }
0x7a: {  	_ =	shalt  }
0x7b: {  	_ =	shalt  }
0x7c: {  	_ =	shalt  }
0x7d: {  	_ =	shalt  }
0x7e: {  	_ =	shalt  }
0x7f: {  	_ =	shalt  }
0x80: {  	_ =	shalt  }
0x81: {  	_ =	shalt  }
0x82: {  	_ =	shalt  }
0x83: {  	_ =	shalt  }
0x84: {  	_ =	shalt  }
0x85: {  	_ =	shalt  }
0x86: {  	_ =	shalt  }
0x87: {  	_ =	shalt  }
.Lfunc_end0:
.L_simem_size_0:
called_computation.1_lowered:
.L_overlay_start_0:
0x88: {  	s2 =	sld [smem:$0x3FD9]  }
0x89: {  	s3 =	sld [smem:$0x3FFE];
	_ =	sdelay $0x1  }
0x8a: {  	s1 =	srdreg.scid  }
0x8b: {  	s0 =	sand.u32 $0x1, s1  }
0x8c: {  	s16 =	sshll.u32 s0, $0xA;
	s2 =	sadd.s32 s3, s2  }
0x8d: {  	s2 =	sadd.s32 s2, s16  }
0x8e: {  	[smem:$0x3FC0] =	sst s2  }
0x8f: {  	_ = 	snop  }
0x90: {  	(tm) =	ssettm $0x1  }
0x91: {  	s17 =	sld [smem:$0x3FFB];
	_ =	sdelay $0x3  }
0x92: {  	_ =	strace s17  }
0x93: {  	s2 =	sld [smem:$0x3FFC];
	_ =	sdelay $0x3  }
0x94: {  	_ =	strace s2  }
0x95: {  	s2 =	sld [smem:$0x3FFD];
	_ =	sdelay $0x3  }
0x96: {  	_ =	strace s2  }
0x97: {  	_ =	strace $0x8FFFFFFF  }
0x98: {  	s18 =	sld [smem:$0x3FDB];
	_ =	sdelay $0x1  }
0x99: {  	s19 =	simm.s32 $_scs_section_size  }
0x9a: {  	s4 =	simm.s32 $_size__tile_overlayer_lowered;
	s5 =	simm.s32 $_tile_overlayer_lowered  }
0x9b: {  	s22 =	simm.s32 $0x1BFF;
	s21 =	sshll.u32 s5, $0x1;
	s2 =	sadd.s32 s19, s18  }
0x9c: {  	s6 =	simm.s32 $0x0;
	s20 =	sshll.u32 s4, $0x1;
	s4 =	sadd.s32 s21, s2  }
0x9d: {  	[timem:s6], [sflag:s22] =	dma.local [hbm:s4], s20  }
0x9e: {  	_ =	swait.ge [sflag:s22], s20  }
0x9f: {  	s3 =	ssub.s32 $0x0, s20;
	[sflag:s22] =	ssyncset.done $0x0  }
0xa0: {  	[sflag:s22] =	ssyncadd.s32 s3;
	_ =	sdelay $0x1  }
0xa1: {  	s23 =	simm.s32 $0x1B8B  }
0xa2: {  	_ =	swait.ge [sflag:s23], $0x1  }
0xa3: {  	[sflag:s23] =	ssyncset.done $0x0  }
0xa4: {  	s25 =	simm.s32 $0x1B8E;
	s24 =	sld [smem:$0x3FFE];
	[sflag:s23] =	ssyncadd.s32 $0xFFFFFFFF  }
0xa5: {  	s26 =	simm.s32 $execute0_lowered;
	[smem:$0x3FD2] =	sst s25  }
0xa6: {  	s4 =	sshll.u32 s26, $0x1;
	_ =	strace $0x80000049;
	[dreg:$0x1] =	wrdreg $0xFFFFFFFF  }
0xa7: {  	s28 =	simm.s32 $_size_execute0_lowered;
	s2 =	sadd.s32 s2, s4;
	[dreg:$0x0] =	wrdreg $0x0  }
0xa8: {  	s4 =	sshll.u32 s28, $0x1;
	[dreg:$0x2] =	wrdreg s2  }
0xa9: {  	[dreg:$0x3] =	wrdreg s4  }
0xaa: {  	[dreg:$0x4] =	wrdreg $0xC0  }
0xab: {  	_ =	task [dreg:s6], $0x5FFFF  }
0xac: {  	[dreg:$0x1] =	wrdreg $0xFFFFFFFF  }
0xad: {  	[dreg:$0x0] =	wrdreg $0x60  }
0xae: {  	[dreg:$0x2] =	wrdreg s24  }
0xaf: {  	[dreg:$0x3] =	wrdreg $0x76700  }
0xb0: {  	[dreg:$0x4] =	wrdreg $0x9E700  }
0xb1: {  	[dreg:$0x5] =	wrdreg $0x9  }
0xb2: {  	_ =	task.clear_ibuf [dreg:s6], $0x6FFFF;
	_ =	strace $0x90000049  }
0xb3: {  	s29 =	simm.s32 $0x9;
	_ =	strace $0x8000004B  }
0xb4: {  	_ =	swait.ge [sflag:s29], $0x1  }
0xb5: {  	[sflag:s29] =	ssyncadd.s32 $0xFFFFFFFF  }
0xb6: {  	_ =	strace $0x9000004B  }
0xb7: {  	_ =	sfence  }
0xb8: {  	s30 =	sld [smem:$0x0];
	_ =	sdelay $0x2  }
0xb9: {  	s31 =	sshll.u32 s1, $0xD;
	s1 =	sshrl.u32 s1, $0x2  }
0xba: {  	s3 =	sand.u32 $0x4000, s31;
	s1 =	sadd.s32 s1, s30  }
0xbb: {  	s0 =	sor.u32 s3, s0;
	s1 =	sshll.u32 s1, $0x11  }
0xbc: {  	s0 =	sor.u32 s1, s0  }
0xbd: {  	s0 =	sadd.s32 $0x8F2B, s0  }
0xbe: {  	[sflag:s0] =	ssyncadd.remote.s32 $0x1  }
0xbf: {  	_ =	sfence.sel $0xFFFF  }
0xc0: {  	[dreg:$0x0] =	wrdreg $0xFFFFFFFF;
	(pc) =	sbr.abs _section_cstart, $3  }
0xc1: {  	[dreg:$0x1] =	wrdreg $0xFFFFFFFF  }
0xc2: {  	_ =	task.clear_ibuf [dreg:s6], $0x2FFFF;
	_ =	strace $0x9FFFFFFF  }
0xc3: {  	(tm) =	ssettm $0x7FFFFFFF  }
tec
execute0_lowered:
.L_overlay_start_1:
0x0: {  	(tag) =	ssettag $0x1  }
0x1: {  	s0 =	srdreg.scid  }
0x2: {  	s11 =	stileid.u32;
	s1 =	rddreg [dreg:$0x0]  }
0x3: {  	s2 =	rddreg [dreg:$0x1];
	s5 =	simm.s32 $0x0;
	s14 =	simm.s32 $0x4  }
0x4: {  	s19 =	simm.s32 $0x50;
	s20 =	simm.s32 $0x4E20;
	s28 =	simm.s32 $0x1  }
0x5: {  	s29 =	simm.s32 $0x6C20;
	s30 =	simm.s32 $0x7170;
	s31 =	simm.s32 $0x6C70  }
0x6: {  	s0 =	sand.u32 $0x1, s0;
	s3 =	sshll.u32 s11, $0x1;
	s8 =	smul.u32 $0x2800, s11  }
0x7: {  	[smem:$0x7FF] =	sst s5;
	s5 =	sadd.s32 $0x15600, s1;
	s6 =	sadd.s32 $0x1A600, s1  }
0x8: {  	s7 =	sadd.s32 $0x1F600, s1;
	s26 =	sshll.u32 s11, $0x6;
	s4 =	sor.u32 s0, s3  }
0x9: {  	s3 =	rddreg [dreg:$0x2];
	s9 =	smul.u32 $0x28000, s0;
	_ =	strace $0x8000004A  }
0xa: {  	s0 =	ssub.s32 $0x2, s0;
	s16 =	sor.u32 $0x1C04, s26;
	s26 =	simm.s32 $0x6720  }
0xb: {  	s4 =	smul.u32 $0x4E2, s4;
	s10 =	sshrl.u32 s8, $0x3;
	s21 =	sshrl.u32 s0, $0x1  }
0xc: {  	s23 =	sadd.s32 s8, s2;
	s9 =	sadd.s32 s8, s9;
	s10 =	sadd.s32 s10, s1  }
0xd: {  	s0 =	ssub.s32 s0, s21;
	s8 =	sadd.s32 s8, s3;
	s21 =	simm.s32 $0x5320  }
0xe: {  	s4 =	sadd.s32 s4, s1;
	s9 =	sshrl.u32 s9, $0x3;
	s24 =	sadd.s32 $0x41800, s10  }
0xf: {  	s0 =	smax.u32 s0, $0x1;
	s10 =	sshrl.u32 s23, $0x3;
	[dreg:$0x6] =	wrdreg s24  }
0x10: {  	s11 =	sshrl.u32 s8, $0x3;
	s23 =	simm.s32 $0x5D20;
	[dreg:$0x9] =	wrdreg s0  }
0x11: {  	s1 =	sadd.s32 s9, s1;
	s22 =	sadd.s32 $0xB800, s4;
	[dreg:$0xa] =	wrdreg s11  }
0x12: {  	s4 =	sadd.s32 $0x1A00, s4;
	s0 =	simm.s32 $0x3;
	[dreg:$0x4] =	wrdreg s22  }
0x13: {  	s24 =	simm.s32 $0x0;
	[dreg:$0x5] =	wrdreg s4;
	s25 =	sadd.s32 $0x2E600, s1  }
0x14: {  	s1 =	sadd.s32 $0x24600, s1;
	s22 =	simm.s32 $0x5820;
	[dreg:$0x7] =	wrdreg s25  }
0x15: {  	[dreg:$0x8] =	wrdreg s1;
	s25 =	simm.s32 $0x6220;
	s1 =	simm.s32 $0x2  }
.LBB2_1:
0x16: {  	s4 =	simm.s32 $0x0;
	s8 =	rddreg [dreg:$0x4]  }
0x17: {  	[tilespmem:s4], [sflag:$0x4] =	stream.linear.gather [hbm4b:s8+s4], $0x2710, $0x38;
	[tilespmem:$0xC670] =	vst v63  }
0x18: {  	_ =	swait.ge [sflag:s14], $0x2710  }
0x19: {  	[sflag:s14] =	ssyncset.done $0x0  }
0x1a: {  	s9 =	simm.s32 $0x2710;
	s13 =	rddreg [dreg:$0x5];
	[sflag:s14] =	ssyncadd.s32 $0xFFFFD8F0  }
0x1b: {  	[tilespmem:s9], [sflag:$0x4] =	stream.linear.gather [hbm4b:s13+s4], $0x2710, $0x38;
	[tilespmem:$0xC670] =	vst v63  }
0x1c: {  	_ =	swait.ge [sflag:s14], $0x2710  }
0x1d: {  	[sflag:s14] =	ssyncset.done $0x0  }
0x1e: {  	s15 =	rddreg [dreg:$0x6];
	[sflag:s14] =	ssyncadd.s32 $0xFFFFD8F0  }
0x1f: {  	[spmem:s10], [sflag:s16] =	dma.local [hbm:s15], $0x500  }
0x20: {  	_ =	swait.ge [sflag:s14], $0x500  }
0x21: {  	[sflag:s14] =	ssyncset.done $0x0  }
0x22: {  	[sflag:s14] =	ssyncadd.s32 $0xFFFFFB00  }
0x23: {  	[spmem:s11], [sflag:s16] =	dma.local [hbm:s15], $0x500  }
0x24: {  	_ =	swait.ge [sflag:s14], $0x500  }
0x25: {  	[sflag:s14] =	ssyncset.done $0x0  }
0x26: {  	[sflag:s14] =	ssyncadd.s32 $0xFFFFFB00  }
0x27: {  	[bflag:$0x0] =	sbarrier.arrive $0xFFFF  }
0x28: {  	[tilespmem:s20], [sflag:$0x1] =	stream.indirect.gather [hbm4b:s6+s19], $0x10, s4, s19, $0xb8;
	[tilespmem:$0xC670] =	vst v63  }
0x29: {  	_ = 	snop  }
0x2a: {  	[tilespmem:s21], [sflag:$0x1] =	stream.indirect.gather [hbm4b:s7+s19], $0x10, s9, s19, $0xb8;
	[tilespmem:$0xC670] =	vst v63  }
0x2b: {  	_ = 	snop  }
0x2c: {  	[tilespmem:s22], [sflag:$0x1] =	stream.indirect.gather [hbm4b:s5+s19], $0x10, s4, s19, $0xb8;
	[tilespmem:$0xC670] =	vst v63  }
0x2d: {  	_ = 	snop  }
0x2e: {  	[tilespmem:s23], [sflag:$0x2] =	stream.indirect.gather [hbm4b:s6+s19], $0x10, s19, s19, $0xb8;
	[tilespmem:$0xC670] =	vst v63  }
0x2f: {  	s17 =	simm.s32 $0x2760  }
0x30: {  	[tilespmem:s25], [sflag:$0x2] =	stream.indirect.gather [hbm4b:s7+s19], $0x10, s17, s19, $0xb8;
	[tilespmem:$0xC670] =	vst v63  }
0x31: {  	s18 =	smov.u32 s10;
	s15 =	simm.s32 $0x0  }
0x32: {  	[tilespmem:s26], [sflag:$0x2] =	stream.indirect.gather [hbm4b:s5+s19], $0x10, s19, s19, $0xb8;
	[tilespmem:$0xC670] =	vst v63  }
.LBB2_2:
0x33: {  	_ =	swait.ge [sflag:s28], $0x500  }
0x34: {  	[sflag:s28] =	ssyncset.done $0x0  }
0x35: {  	[sflag:s28] =	ssyncadd.s32 $0xFFFFFB00  }
0x36: {  	_ =	swait.ge [sflag:s28], $0x500  }
0x37: {  	[sflag:s28] =	ssyncset.done $0x0  }
0x38: {  	[sflag:s28] =	ssyncadd.s32 $0xFFFFFB00  }
0x39: {  	_ =	swait.ge [sflag:s28], $0x500  }
0x3a: {  	p0 =	seq.s32 s15, $0x0;
	[sflag:s28] =	ssyncset.done $0x0  }
0x3b: {  	s4 =	simm.s32 @!p0 $0x3;
	[sflag:s28] =	ssyncadd.s32 $0xFFFFFB00  }
0x3c: {  	_ =	swait.ge @!p0 [sflag:s4], $0x500  }
0x3d: {  	[sflag:s4] =	ssyncset.done @!p0 $0x0  }
0x3e: {  	[sflag:s4] =	ssyncadd.s32 @!p0 $0xFFFFFB00  }
0x3f: {  	_ =	swait.ge @!p0 [sflag:s4], $0x500  }
0x40: {  	s8 =	smul.u32 $0xA0, s15;
	[sflag:s4] =	ssyncset.done @!p0 $0x0  }
0x41: {  	[sflag:s4] =	ssyncadd.s32 @!p0 $0xFFFFFB00  }
0x42: {  	v0 =	vld [tilespmem:s8+$0x2710];
	_ =	sdelay $0x4  }
0x43: {  	[tilespmem:$0x6C20] =	vst v0  }
0x44: {  	v0 =	vld [tilespmem:s8+$0x2720];
	_ =	sdelay $0x4  }
0x45: {  	[tilespmem:$0x6C30] =	vst v0  }
0x46: {  	v0 =	vld [tilespmem:s8+$0x2730];
	_ =	sdelay $0x4  }
0x47: {  	[tilespmem:$0x6C40] =	vst v0  }
0x48: {  	v0 =	vld [tilespmem:s8+$0x2740];
	_ =	sdelay $0x4  }
0x49: {  	[tilespmem:$0x6C50] =	vst v0  }
0x4a: {  	v0 =	vld [tilespmem:s8+$0x2750];
	_ =	sdelay $0x4  }
0x4b: {  	s10 =	simm.s32 $0x4E40;
	[tilespmem:$0x6C60] =	vst v0  }
0x4c: {  	s9 =	simm.s32 $0x5340;
	v0 =	vld [tilespmem:s10+$0x10]  }
0x4d: {  	v1 =	vld [tilespmem:s9+$0x10];
	_ =	sdelay $0x2  }
0x4e: {  	v2 =	vld [tilespmem:s9+$0xFFFFFFE0]  }
0x4f: {  	v3 =	vld [tilespmem:s10+$0xFFFFFFF0]  }
0x50: {  	v4 =	vld [tilespmem:s10+$0x0];
	v0 =	vadd.f32 v1, v0  }
0x51: {  	v1 =	vld [tilespmem:s9+$0xFFFFFFF0]  }
0x52: {  	v6 =	vld [tilespmem:s10+$0xFFFFFFE0];
	v5 =	vmul.f32 $2.000000030e-01, v0  }
0x53: {  	v7 =	vld [tilespmem:s9+$0x0];
	vm0 =	vge.f32 v0, $0.0e+00  }
0x54: {  	s11 =	simm.s32 $0x4E80;
	v0 =	vsel vm0, v0, v5  }
0x55: {  	s12 =	simm.s32 $0x5380;
	v5 =	vld [tilespmem:s11+$0x10];
	v0 =	vmul.f32 $1.442695020e+00, v0  }
0x56: {  	v1 =	vadd.f32 v1, v3;
	v3 =	vld [tilespmem:s12+$0x10]  }
0x57: {  	(erf) = vpow2.f32 v0  }
0x58: {  	v8 =	vld [tilespmem:s11+$0xFFFFFFF0];
	v4 =	vadd.f32 v7, v4;
	v0 =	vadd.f32 v2, v6;
	v2 =	vmul.f32 $2.000000030e-01, v1  }
0x59: {  	v6 =	vld [tilespmem:s12+$0xFFFFFFE0];
	vm6 =	vge.f32 v1, $0.0e+00  }
0x5a: {  	v9 =	vmul.f32 $2.000000030e-01, v4;
	v7 =	vmul.f32 $2.000000030e-01, v0;
	v1 =	vsel vm6, v1, v2;
	v2 =	vld [tilespmem:s12+$0xFFFFFFF0]  }
0x5b: {  	vm1 =	vge.f32 v0, $0.0e+00;
	v1 =	vmul.f32 $1.442695020e+00, v1;
	v3 =	vadd.f32 v3, v5;
	v5 =	vld [tilespmem:s12+$0x0]  }
0x5c: {  	vm7 =	vge.f32 v4, $0.0e+00;
	v0 =	vsel vm1, v0, v7;
	v7 =	vld [tilespmem:s11+$0x0]  }
0x5d: {  	v4 =	vsel vm7, v4, v9;
	v0 =	vmul.f32 $1.442695020e+00, v0;
	(erf) = vpow2.f32 v1;
	v1 =	vld [tilespmem:s11+$0xFFFFFFE0]  }
0x5e: {  	v4 =	vmul.f32 $1.442695020e+00, v4;
	v9 =	vmul.f32 $2.000000030e-01, v3  }
0x5f: {  	vm8 =	vge.f32 v3, $0.0e+00;
	s11 =	simm.s32 $0x53C0;
	(erf) = vpow2.f32 v0  }
0x60: {  	s17 =	simm.s32 $0x4EC0;
	v11 =	vld [tilespmem:s11+$0xFFFFFFF0];
	v0 =	vadd.f32 v2, v8;
	v2 =	vsel vm8, v3, v9;
	v3 =	vpop (erf);
	(erf) = vpow2.f32 v4  }
0x61: {  	v4 =	vld [tilespmem:s17+$0x10];
	v5 =	vadd.f32 v5, v7  }
0x62: {  	v2 =	vmul.f32 $1.442695020e+00, v2;
	v1 =	vadd.f32 v6, v1;
	v6 =	vld [tilespmem:s11+$0x10]  }
0x63: {  	s13 =	simm.s32 $0x6C90;
	v13 =	vld [tilespmem:s11+$0x0];
	v8 =	vmul.f32 $2.000000030e-01, v0;
	v7 =	vmul.f32 $2.000000030e-01, v5  }
0x64: {  	s10 =	simm.s32 $0x5840;
	vm9 =	vge.f32 v0, $0.0e+00;
	[tilespmem:s13+$0x10] =	vst v3;
	(erf) = vpow2.f32 v2;
	v2 =	vld [tilespmem:s11+$0xFFFFFFE0];
	v10 =	vmul.f32 $2.000000030e-01, v1  }
0x65: {  	v3 =	vbroadcast v3, $0x0;
	v9 =	vld [tilespmem:s10+$0x10];
	v0 =	vsel vm9, v0, v8;
	vm11 =	vge.f32 v1, $0.0e+00  }
0x66: {  	v8 =	vld [tilespmem:s17+$0xFFFFFFF0];
	vm10 =	vge.f32 v5, $0.0e+00;
	v0 =	vmul.f32 $1.442695020e+00, v0;
	v1 =	vsel vm11, v1, v10  }
0x67: {  	v5 =	vsel vm10, v5, v7;
	v10 =	vld [tilespmem:s17+$0x0];
	v7 =	vpop (erf);
	v1 =	vmul.f32 $1.442695020e+00, v1;
	v4 =	vadd.f32 v6, v4  }
0x68: {  	s9 =	simm.s32 $0x4F00;
	(erf) = vpow2.f32 v0;
	v0 =	vmul.f32 $1.442695020e+00, v5;
	v5 =	vld [tilespmem:s17+$0xFFFFFFE0];
	v12 =	vpop (erf)  }
0x69: {  	v18 =	vld [tilespmem:s9+$0xFFFFFFF0];
	[tilespmem:s13+$0xFFFFFFF0] =	vst v7;
	v6 =	vpop (erf);
	(erf) = vpow2.f32 v1;
	v1 =	vmul.f32 $2.000000030e-01, v4  }
0x6a: {  	v14 =	vbroadcast v7, $0x0;
	v9 =	vmul.f32 v3, v9;
	[tilespmem:s13+$0xFFFFFFE0] =	vst v12;
	vm12 =	vge.f32 v4, $0.0e+00;
	v16 =	vld [tilespmem:s10+$0xFFFFFFF0]  }
0x6b: {  	v7 =	vld [tilespmem:s10+$0xFFFFFFE0];
	(erf) = vpow2.f32 v0;
	v0 =	vadd.f32 v11, v8;
	v1 =	vsel vm12, v4, v1  }
0x6c: {  	[tilespmem:s13+$0x0] =	vst v6;
	v17 =	vbroadcast v6, $0x0;
	v6 =	vld [tilespmem:s9+$0x10];
	v8 =	vadd.f32 v13, v10;
	v1 =	vmul.f32 $1.442695020e+00, v1  }
0x6d: {  	s17 =	simm.s32 $0x6CD0;
	v15 =	vbroadcast v12, $0x0;
	s13 =	simm.s32 $0x5400;
	v4 =	vpop (erf);
	v11 =	vld [tilespmem:s10+$0x0];
	v2 =	vadd.f32 v2, v5;
	v10 =	vmul.f32 $2.000000030e-01, v0  }
0x6e: {  	s11 =	simm.s32 $0x5880;
	v12 =	vld [tilespmem:s13+$0x10];
	[tilespmem:s17+$0x10] =	vst v4;
	vm13 =	vge.f32 v0, $0.0e+00;
	v13 =	vmul.f32 $2.000000030e-01, v8;
	(erf) = vpow2.f32 v1  }
0x6f: {  	vm14 =	vge.f32 v8, $0.0e+00;
	v4 =	vbroadcast v4, $0x0;
	v5 =	vld [tilespmem:s11+$0x10];
	v1 =	vmul.f32 $2.000000030e-01, v2  }
0x70: {  	v19 =	vld [tilespmem:s13+$0xFFFFFFF0];
	vm2 =	vge.f32 v2, $0.0e+00;
	v14 =	vmul.f32 v14, v16;
	v0 =	vsel vm13, v0, v10  }
0x71: {  	v3 =	vld [tilespmem:s13+$0xFFFFFFE0];
	v8 =	vsel vm14, v8, v13;
	v0 =	vmul.f32 $1.442695020e+00, v0;
	v1 =	vsel vm2, v2, v1  }
0x72: {  	s12 =	simm.s32 $0x7190;
	v10 =	vld [tilespmem:s13+$0x0];
	v20 =	vmul.f32 $1.442695020e+00, v8;
	v13 =	vpop (erf);
	v1 =	vmul.f32 $1.442695020e+00, v1  }
0x73: {  	[tilespmem:s12+$0x10] =	vst v9;
	v8 =	vld [tilespmem:s9+$0x0];
	v23 =	vadd.f32 v12, v6;
	v11 =	vmul.f32 v17, v11;
	v21 =	vpop (erf);
	(erf) = vpow2.f32 v0  }
0x74: {  	v12 =	vld [tilespmem:s9+$0xFFFFFFE0];
	v22 =	vmul.f32 v4, v5;
	[tilespmem:s17+$0xFFFFFFE0] =	vst v21;
	(erf) = vpow2.f32 v1  }
0x75: {  	v9 =	vadd.f32 v19, v18;
	[tilespmem:s17+$0xFFFFFFF0] =	vst v13;
	v5 =	vpop (erf);
	v1 =	vmul.f32 $2.000000030e-01, v23;
	(erf) = vpow2.f32 v20;
	v6 =	vld [tilespmem:s11+$0xFFFFFFE0]  }
0x76: {  	s9 =	simm.s32 $0x71D0;
	v2 =	vbroadcast v13, $0x0;
	vm15 =	vge.f32 v23, $0.0e+00;
	v4 =	vbroadcast v5, $0x0;
	[tilespmem:s17+$0x0] =	vst v5;
	v5 =	vld [tilespmem:s11+$0xFFFFFFF0]  }
0x77: {  	s4 =	simm.s32 $0x6D10;
	s10 =	simm.s32 $0xC;
	v13 =	vmul.f32 v15, v7;
	v0 =	vbroadcast v21, $0x0;
	[tilespmem:s9+$0x10] =	vst v22;
	s17 =	simm.s32 $0x4F40;
	v15 =	vsel vm15, v23, v1;
	v1 =	vld [tilespmem:s11+$0x0];
	v7 =	vpop (erf)  }
.LBB2_3:
0x78: {  	v16 =	vld [tilespmem:s17+$0x10];
	v17 =	vmul.f32 $2.000000030e-01, v9;
	v8 =	vadd.f32 v10, v8;
	v10 =	vmul.f32 $1.442695020e+00, v15;
	[tilespmem:s4+$0x10] =	vst v7;
	s11 =	sadd.s32 $0x40, s11;
	v18 =	vmovc v2;
	v19 =	vmovc v4  }
0x79: {  	vm0 =	vge.f32 v9, $0.0e+00;
	s13 =	sadd.s32 $0x40, s13;
	v2 =	vadd.f32 v3, v12;
	v4 =	vld [tilespmem:s11+$0x10];
	[tilespmem:s12+$0xFFFFFFE0] =	vst v13  }
0x7a: {  	s10 =	sadd.s32 $0x4, s10;
	v12 =	vld [tilespmem:s13+$0x10];
	vm1 =	vge.f32 v8, $0.0e+00;
	v13 =	vmul.f32 $2.000000030e-01, v8;
	(erf) = vpow2.f32 v10;
	[tilespmem:s12+$0xFFFFFFF0] =	vst v14;
	v14 =	vmovc v6  }
0x7b: {  	p0 =	slt.u32 s10, $0x4C;
	v9 =	vsel vm0, v9, v17;
	v3 =	vld [tilespmem:s13+$0xFFFFFFE0];
	vm2 =	vge.f32 v2, $0.0e+00;
	v6 =	vmul.f32 $2.000000030e-01, v2;
	[tilespmem:s12+$0x0] =	vst v11;
	v11 =	vmovc v5;
	s12 =	smov.u32 s9  }
0x7c: {  	v7 =	vbroadcast v7, $0x0;
	v9 =	vmul.f32 $1.442695020e+00, v9;
	v5 =	vld [tilespmem:s17+$0xFFFFFFF0];
	v8 =	vsel vm1, v8, v13;
	v10 =	vpop (erf)  }
0x7d: {  	v13 =	vld [tilespmem:s13+$0xFFFFFFF0];
	v6 =	vsel vm2, v2, v6;
	v15 =	vmul.f32 $1.442695020e+00, v8;
	[tilespmem:s4+$0xFFFFFFF0] =	vst v10;
	v2 =	vbroadcast v10, $0x0;
	v17 =	vpop (erf)  }
0x7e: {  	v8 =	vld [tilespmem:s17+$0x0];
	v6 =	vmul.f32 $1.442695020e+00, v6;
	[tilespmem:s4+$0xFFFFFFE0] =	vst v17;
	v7 =	vmul.f32 v7, v4;
	v4 =	vpop (erf)  }
.Ltmp0:
0x7f: {  	s9 =	sadd.s32 $0x40, s9;
	v17 =	vbroadcast v17, $0x0;
	v10 =	vld [tilespmem:s13+$0x0];
	v16 =	vadd.f32 v12, v16;
	(erf) = vpow2.f32 v9;
	[tilespmem:s4+$0x0] =	vst v4;
	(pc) =	sbr.rel @p0 .LBB2_3-.Ltmp0, $4  }
0x80: {  	v4 =	vbroadcast v4, $0x0;
	v12 =	vld [tilespmem:s17+$0xFFFFFFE0];
	(erf) = vpow2.f32 v6;
	[tilespmem:s9+$0x10] =	vst v7  }
0x81: {  	v20 =	vmul.f32 $2.000000030e-01, v16;
	(erf) = vpow2.f32 v15;
	v6 =	vld [tilespmem:s11+$0xFFFFFFE0]  }
0x82: {  	vm0 =	vge.f32 v16, $0.0e+00;
	v9 =	vadd.f32 v13, v5;
	v5 =	vld [tilespmem:s11+$0xFFFFFFF0];
	v13 =	vmul.f32 v0, v14;
	v0 =	vmovc v17  }
0x83: {  	s4 =	sadd.s32 $0x40, s4;
	s17 =	sadd.s32 $0x40, s17;
	v14 =	vmul.f32 v18, v11;
	v11 =	vmul.f32 v19, v1;
	v15 =	vsel vm0, v16, v20;
	v7 =	vpop (erf);
	v1 =	vld [tilespmem:s11+$0x0]  }
0x84: {  	_ = 	snop  }
0x85: {  	v15 =	vmul.f32 $1.442695020e+00, v15;
	v3 =	vadd.f32 v3, v12  }
0x86: {  	v8 =	vadd.f32 v10, v8;
	v12 =	vmul.f32 $2.000000030e-01, v9  }
0x87: {  	vm0 =	vge.f32 v9, $0.0e+00;
	(erf) = vpow2.f32 v15;
	v10 =	vmul.f32 $2.000000030e-01, v3  }
0x88: {  	vm1 =	vge.f32 v3, $0.0e+00;
	v9 =	vsel vm0, v9, v12;
	v12 =	vmul.f32 $2.000000030e-01, v8  }
0x89: {  	vm15 =	vge.f32 v8, $0.0e+00;
	v9 =	vmul.f32 $1.442695020e+00, v9;
	v3 =	vsel vm1, v3, v10  }
0x8a: {  	v8 =	vsel vm15, v8, v12;
	v3 =	vmul.f32 $1.442695020e+00, v3  }
0x8b: {  	[tilespmem:s4+$0x10] =	vst v7;
	s10 =	sadd.s32 $0x40, s11;
	(erf) = vpow2.f32 v9;
	v8 =	vmul.f32 $1.442695020e+00, v8  }
0x8c: {  	[tilespmem:s12+$0xFFFFFFE0] =	vst v13;
	v0 =	vmul.f32 v0, v6;
	v9 =	vld [tilespmem:s10+$0x10];
	(erf) = vpow2.f32 v3  }
0x8d: {  	[tilespmem:s12+$0x0] =	vst v11;
	v2 =	vmul.f32 v2, v5  }
0x8e: {  	[tilespmem:s9+$0xFFFFFFE0] =	vst v0;
	v1 =	vmul.f32 v4, v1;
	v3 =	vpop (erf);
	(erf) = vpow2.f32 v8  }
0x8f: {  	v7 =	vbroadcast v7, $0x0;
	[tilespmem:s9+$0xFFFFFFF0] =	vst v2;
	v8 =	vpop (erf)  }
0x90: {  	[tilespmem:s9+$0x0] =	vst v1;
	v10 =	vpop (erf)  }
0x91: {  	s13 =	sadd.s32 $0x40, s4;
	v7 =	vmul.f32 v7, v9;
	[tilespmem:s4+$0xFFFFFFE0] =	vst v8;
	v9 =	vpop (erf)  }
0x92: {  	s17 =	sadd.s32 $0x40, s10;
	v6 =	vld [tilespmem:s10+$0xFFFFFFE0];
	[tilespmem:s13+$0x10] =	vst v9  }
0x93: {  	[tilespmem:s4+$0xFFFFFFF0] =	vst v3;
	v5 =	vld [tilespmem:s17+$0x10]  }
0x94: {  	s11 =	sadd.s32 $0x40, s9;
	[tilespmem:s4+$0x0] =	vst v10;
	v0 =	vpop (erf)  }
0x95: {  	[tilespmem:s11+$0x10] =	vst v7;
	v7 =	vld [tilespmem:s10+$0xFFFFFFF0];
	v2 =	vpop (erf)  }
0x96: {  	v8 =	vbroadcast v8, $0x0;
	v11 =	vld [tilespmem:s10+$0x0];
	v9 =	vbroadcast v9, $0x0;
	[tilespmem:s13+$0xFFFFFFE0] =	vst v2  }
0x97: {  	v3 =	vbroadcast v3, $0x0;
	[tilespmem:s13+$0xFFFFFFF0] =	vst v0;
	v4 =	vpop (erf);
	v12 =	vld [tilespmem:s17+$0xFFFFFFE0]  }
0x98: {  	v1 =	vmul.f32 v8, v6;
	v5 =	vmul.f32 v9, v5;
	[tilespmem:s13+$0x0] =	vst v4;
	v9 =	vld [tilespmem:s17+$0xFFFFFFF0]  }
0x99: {  	[tilespmem:s12+$0xFFFFFFF0] =	vst v14;
	v10 =	vbroadcast v10, $0x0;
	v6 =	vld [tilespmem:s17+$0x0]  }
0x9a: {  	v2 =	vbroadcast v2, $0x0;
	v3 =	vmul.f32 v3, v7;
	s13 =	sadd.s32 $0x40, s11;
	[tilespmem:s11+$0xFFFFFFE0] =	vst v1  }
0x9b: {  	v0 =	vbroadcast v0, $0x0;
	[tilespmem:s13+$0x10] =	vst v5;
	v5 =	vmul.f32 v10, v11  }
0x9c: {  	v1 =	vbroadcast v4, $0x0;
	[tilespmem:s11+$0xFFFFFFF0] =	vst v3;
	v2 =	vmul.f32 v2, v12  }
0x9d: {  	[tilespmem:s11+$0x0] =	vst v5;
	v0 =	vmul.f32 v0, v9  }
0x9e: {  	v1 =	vmul.f32 v1, v6;
	[tilespmem:s13+$0xFFFFFFE0] =	vst v2  }
0x9f: {  	[tilespmem:s13+$0xFFFFFFF0] =	vst v0  }
0xa0: {  	[tilespmem:s13+$0x0] =	vst v1  }
0xa1: {  	[spmem:s2] =	stream.indirect.scatter.add.f32 [tilespmem:s30], [sflag:$0x3], $0x10, s29, s19, $0xb8;
	[tilespmem:$0xC670] =	vst v63  }
0xa2: {  	_ = 	snop  }
0xa3: {  	[spmem:s3] =	stream.indirect.scatter.add.f32 [tilespmem:s31], [sflag:$0x3], $0x10, s29, s19, $0xb8;
	[tilespmem:$0xC670] =	vst v63  }
0xa4: {  	s17 =	sadd.s32 $0xA0, s8  }
0xa5: {  	[tilespmem:s20], [sflag:$0x1] =	stream.indirect.gather [hbm4b:s6+s19], $0x10, s17, s19, $0xb8;
	[tilespmem:$0xC670] =	vst v63  }
0xa6: {  	s10 =	sadd.s32 $0x27B0, s8  }
0xa7: {  	[tilespmem:s21], [sflag:$0x1] =	stream.indirect.gather [hbm4b:s7+s19], $0x10, s10, s19, $0xb8;
	[tilespmem:$0xC670] =	vst v63  }
0xa8: {  	_ = 	snop  }
0xa9: {  	[tilespmem:s22], [sflag:$0x1] =	stream.indirect.gather [hbm4b:s5+s19], $0x10, s17, s19, $0xb8;
	[tilespmem:$0xC670] =	vst v63  }
0xaa: {  	_ =	swait.ge [sflag:s1], $0x500  }
0xab: {  	[sflag:s1] =	ssyncset.done $0x0  }
0xac: {  	[sflag:s1] =	ssyncadd.s32 $0xFFFFFB00  }
0xad: {  	_ =	swait.ge [sflag:s1], $0x500  }
0xae: {  	[sflag:s1] =	ssyncset.done $0x0  }
0xaf: {  	[sflag:s1] =	ssyncadd.s32 $0xFFFFFB00  }
0xb0: {  	_ =	swait.ge [sflag:s1], $0x500  }
0xb1: {  	[sflag:s1] =	ssyncset.done $0x0  }
0xb2: {  	[sflag:s1] =	ssyncadd.s32 $0xFFFFFB00  }
0xb3: {  	_ =	swait.ge [sflag:s0], $0x500  }
0xb4: {  	[sflag:s0] =	ssyncset.done $0x0  }
0xb5: {  	[sflag:s0] =	ssyncadd.s32 $0xFFFFFB00  }
0xb6: {  	_ =	swait.ge [sflag:s0], $0x500  }
0xb7: {  	[sflag:s0] =	ssyncset.done $0x0  }
0xb8: {  	[sflag:s0] =	ssyncadd.s32 $0xFFFFFB00  }
0xb9: {  	v0 =	vld [tilespmem:s8+$0x2760];
	_ =	sdelay $0x4  }
0xba: {  	[tilespmem:$0x6C20] =	vst v0  }
0xbb: {  	v0 =	vld [tilespmem:s8+$0x2770];
	_ =	sdelay $0x4  }
0xbc: {  	[tilespmem:$0x6C30] =	vst v0  }
0xbd: {  	v0 =	vld [tilespmem:s8+$0x2780];
	_ =	sdelay $0x4  }
0xbe: {  	[tilespmem:$0x6C40] =	vst v0  }
0xbf: {  	v0 =	vld [tilespmem:s8+$0x2790];
	_ =	sdelay $0x4  }
0xc0: {  	[tilespmem:$0x6C50] =	vst v0  }
0xc1: {  	v0 =	vld [tilespmem:s8+$0x27A0];
	_ =	sdelay $0x4  }
0xc2: {  	s11 =	simm.s32 $0x5D40;
	[tilespmem:$0x6C60] =	vst v0  }
0xc3: {  	s12 =	simm.s32 $0x6240;
	v0 =	vld [tilespmem:s11+$0x10]  }
0xc4: {  	v1 =	vld [tilespmem:s12+$0x10];
	_ =	sdelay $0x1  }
0xc5: {  	v2 =	vld [tilespmem:s12+$0xFFFFFFE0]  }
0xc6: {  	v3 =	vld [tilespmem:s11+$0xFFFFFFF0]  }
0xc7: {  	v4 =	vld [tilespmem:s11+$0x0]  }
0xc8: {  	v0 =	vadd.f32 v1, v0;
	v1 =	vld [tilespmem:s12+$0xFFFFFFF0]  }
0xc9: {  	v7 =	vld [tilespmem:s12+$0x0]  }
0xca: {  	v6 =	vld [tilespmem:s11+$0xFFFFFFE0];
	v5 =	vmul.f32 $2.000000030e-01, v0  }
0xcb: {  	s13 =	simm.s32 $0x5D80;
	vm4 =	vge.f32 v0, $0.0e+00  }
0xcc: {  	s17 =	simm.s32 $0x6280;
	v0 =	vsel vm4, v0, v5;
	v5 =	vld [tilespmem:s13+$0x10]  }
0xcd: {  	v0 =	vmul.f32 $1.442695020e+00, v0;
	v1 =	vadd.f32 v1, v3;
	v3 =	vld [tilespmem:s17+$0x10]  }
0xce: {  	v4 =	vadd.f32 v7, v4  }
0xcf: {  	v8 =	vld [tilespmem:s13+$0xFFFFFFF0];
	(erf) = vpow2.f32 v0;
	v0 =	vadd.f32 v2, v6;
	v2 =	vmul.f32 $2.000000030e-01, v1  }
0xd0: {  	v6 =	vld [tilespmem:s17+$0xFFFFFFE0];
	vm5 =	vge.f32 v1, $0.0e+00  }
0xd1: {  	v9 =	vmul.f32 $2.000000030e-01, v4;
	v7 =	vmul.f32 $2.000000030e-01, v0;
	v1 =	vsel vm5, v1, v2;
	v2 =	vld [tilespmem:s17+$0xFFFFFFF0]  }
0xd2: {  	vm6 =	vge.f32 v0, $0.0e+00;
	v1 =	vmul.f32 $1.442695020e+00, v1;
	v3 =	vadd.f32 v3, v5;
	v5 =	vld [tilespmem:s17+$0x0]  }
0xd3: {  	vm7 =	vge.f32 v4, $0.0e+00;
	v0 =	vsel vm6, v0, v7;
	v7 =	vld [tilespmem:s13+$0x0]  }
0xd4: {  	v4 =	vsel vm7, v4, v9;
	v0 =	vmul.f32 $1.442695020e+00, v0;
	(erf) = vpow2.f32 v1;
	v1 =	vld [tilespmem:s13+$0xFFFFFFE0]  }
0xd5: {  	v4 =	vmul.f32 $1.442695020e+00, v4  }
0xd6: {  	s17 =	simm.s32 $0x62C0;
	v9 =	vmul.f32 $2.000000030e-01, v3;
	(erf) = vpow2.f32 v0  }
0xd7: {  	s12 =	simm.s32 $0x5DC0;
	v11 =	vld [tilespmem:s17+$0xFFFFFFF0];
	vm8 =	vge.f32 v3, $0.0e+00;
	(erf) = vpow2.f32 v4  }
0xd8: {  	v0 =	vadd.f32 v2, v8;
	v2 =	vsel vm8, v3, v9;
	v4 =	vld [tilespmem:s12+$0x10];
	v5 =	vadd.f32 v5, v7  }
0xd9: {  	v2 =	vmul.f32 $1.442695020e+00, v2;
	v1 =	vadd.f32 v6, v1;
	v6 =	vld [tilespmem:s17+$0x10]  }
0xda: {  	s10 =	simm.s32 $0x6C90;
	v13 =	vld [tilespmem:s17+$0x0];
	v3 =	vpop (erf);
	v8 =	vmul.f32 $2.000000030e-01, v0;
	v7 =	vmul.f32 $2.000000030e-01, v5  }
0xdb: {  	s13 =	simm.s32 $0x6740;
	vm9 =	vge.f32 v0, $0.0e+00;
	[tilespmem:s10+$0x10] =	vst v3;
	(erf) = vpow2.f32 v2;
	v2 =	vld [tilespmem:s17+$0xFFFFFFE0];
	v10 =	vmul.f32 $2.000000030e-01, v1  }
0xdc: {  	v3 =	vbroadcast v3, $0x0;
	v9 =	vld [tilespmem:s13+$0x10];
	v0 =	vsel vm9, v0, v8;
	vm11 =	vge.f32 v1, $0.0e+00  }
0xdd: {  	v8 =	vld [tilespmem:s12+$0xFFFFFFF0];
	vm10 =	vge.f32 v5, $0.0e+00;
	v0 =	vmul.f32 $1.442695020e+00, v0;
	v1 =	vsel vm11, v1, v10  }
0xde: {  	v5 =	vsel vm10, v5, v7;
	v10 =	vld [tilespmem:s12+$0x0];
	v7 =	vpop (erf);
	v1 =	vmul.f32 $1.442695020e+00, v1;
	v4 =	vadd.f32 v6, v4  }
0xdf: {  	s9 =	simm.s32 $0x5E00;
	(erf) = vpow2.f32 v0;
	v0 =	vmul.f32 $1.442695020e+00, v5;
	v5 =	vld [tilespmem:s12+$0xFFFFFFE0];
	v12 =	vpop (erf)  }
0xe0: {  	v18 =	vld [tilespmem:s9+$0xFFFFFFF0];
	[tilespmem:s10+$0xFFFFFFF0] =	vst v7;
	v6 =	vpop (erf);
	(erf) = vpow2.f32 v1;
	v1 =	vmul.f32 $2.000000030e-01, v4  }
0xe1: {  	v14 =	vbroadcast v7, $0x0;
	v9 =	vmul.f32 v3, v9;
	[tilespmem:s10+$0xFFFFFFE0] =	vst v12;
	vm12 =	vge.f32 v4, $0.0e+00;
	v16 =	vld [tilespmem:s13+$0xFFFFFFF0]  }
0xe2: {  	v7 =	vld [tilespmem:s13+$0xFFFFFFE0];
	(erf) = vpow2.f32 v0;
	v0 =	vadd.f32 v11, v8;
	v1 =	vsel vm12, v4, v1  }
0xe3: {  	[tilespmem:s10+$0x0] =	vst v6;
	v17 =	vbroadcast v6, $0x0;
	v6 =	vld [tilespmem:s9+$0x10];
	v8 =	vadd.f32 v13, v10;
	v1 =	vmul.f32 $1.442695020e+00, v1  }
0xe4: {  	s17 =	simm.s32 $0x6CD0;
	v15 =	vbroadcast v12, $0x0;
	v4 =	vpop (erf);
	v11 =	vld [tilespmem:s13+$0x0];
	s13 =	simm.s32 $0x6300;
	v10 =	vmul.f32 $2.000000030e-01, v0;
	v2 =	vadd.f32 v2, v5  }
0xe5: {  	s11 =	simm.s32 $0x6780;
	[tilespmem:s17+$0x10] =	vst v4;
	vm13 =	vge.f32 v0, $0.0e+00;
	v12 =	vld [tilespmem:s13+$0x10];
	v13 =	vmul.f32 $2.000000030e-01, v8;
	(erf) = vpow2.f32 v1  }
0xe6: {  	v4 =	vbroadcast v4, $0x0;
	v5 =	vld [tilespmem:s11+$0x10];
	vm14 =	vge.f32 v8, $0.0e+00;
	v1 =	vmul.f32 $2.000000030e-01, v2  }
0xe7: {  	v19 =	vld [tilespmem:s13+$0xFFFFFFF0];
	vm2 =	vge.f32 v2, $0.0e+00;
	v0 =	vsel vm13, v0, v10;
	v14 =	vmul.f32 v14, v16  }
0xe8: {  	v3 =	vld [tilespmem:s13+$0xFFFFFFE0];
	v0 =	vmul.f32 $1.442695020e+00, v0;
	v8 =	vsel vm14, v8, v13;
	v1 =	vsel vm2, v2, v1  }
0xe9: {  	s12 =	simm.s32 $0x7190;
	v10 =	vld [tilespmem:s13+$0x0];
	v20 =	vmul.f32 $1.442695020e+00, v8;
	v13 =	vpop (erf);
	v1 =	vmul.f32 $1.442695020e+00, v1  }
0xea: {  	[tilespmem:s12+$0x10] =	vst v9;
	v8 =	vld [tilespmem:s9+$0x0];
	v11 =	vmul.f32 v17, v11;
	v23 =	vadd.f32 v12, v6;
	v21 =	vpop (erf);
	(erf) = vpow2.f32 v0  }
0xeb: {  	v12 =	vld [tilespmem:s9+$0xFFFFFFE0];
	v22 =	vmul.f32 v4, v5;
	[tilespmem:s17+$0xFFFFFFE0] =	vst v21;
	(erf) = vpow2.f32 v1  }
0xec: {  	v9 =	vadd.f32 v19, v18;
	[tilespmem:s17+$0xFFFFFFF0] =	vst v13;
	v5 =	vpop (erf);
	v1 =	vmul.f32 $2.000000030e-01, v23;
	(erf) = vpow2.f32 v20;
	v6 =	vld [tilespmem:s11+$0xFFFFFFE0]  }
0xed: {  	s9 =	simm.s32 $0x71D0;
	v2 =	vbroadcast v13, $0x0;
	vm15 =	vge.f32 v23, $0.0e+00;
	v4 =	vbroadcast v5, $0x0;
	[tilespmem:s17+$0x0] =	vst v5;
	v5 =	vld [tilespmem:s11+$0xFFFFFFF0]  }
0xee: {  	s4 =	simm.s32 $0x6D10;
	s10 =	simm.s32 $0xC;
	v13 =	vmul.f32 v15, v7;
	v0 =	vbroadcast v21, $0x0;
	[tilespmem:s9+$0x10] =	vst v22;
	s17 =	simm.s32 $0x5E40;
	v15 =	vsel vm15, v23, v1;
	v1 =	vld [tilespmem:s11+$0x0];
	v7 =	vpop (erf)  }
.LBB2_5:
0xef: {  	v16 =	vld [tilespmem:s17+$0x10];
	v17 =	vmul.f32 $2.000000030e-01, v9;
	v8 =	vadd.f32 v10, v8;
	v10 =	vmul.f32 $1.442695020e+00, v15;
	[tilespmem:s4+$0x10] =	vst v7;
	s11 =	sadd.s32 $0x40, s11;
	v18 =	vmovc v2;
	v19 =	vmovc v4  }
0xf0: {  	vm0 =	vge.f32 v9, $0.0e+00;
	s13 =	sadd.s32 $0x40, s13;
	v2 =	vadd.f32 v3, v12;
	v4 =	vld [tilespmem:s11+$0x10];
	[tilespmem:s12+$0xFFFFFFE0] =	vst v13  }
0xf1: {  	s10 =	sadd.s32 $0x4, s10;
	v12 =	vld [tilespmem:s13+$0x10];
	vm1 =	vge.f32 v8, $0.0e+00;
	v13 =	vmul.f32 $2.000000030e-01, v8;
	(erf) = vpow2.f32 v10;
	[tilespmem:s12+$0xFFFFFFF0] =	vst v14;
	v14 =	vmovc v6  }
0xf2: {  	p0 =	slt.u32 s10, $0x4C;
	v9 =	vsel vm0, v9, v17;
	v3 =	vld [tilespmem:s13+$0xFFFFFFE0];
	vm2 =	vge.f32 v2, $0.0e+00;
	v6 =	vmul.f32 $2.000000030e-01, v2;
	[tilespmem:s12+$0x0] =	vst v11;
	v11 =	vmovc v5;
	s12 =	smov.u32 s9  }
0xf3: {  	v7 =	vbroadcast v7, $0x0;
	v9 =	vmul.f32 $1.442695020e+00, v9;
	v5 =	vld [tilespmem:s17+$0xFFFFFFF0];
	v8 =	vsel vm1, v8, v13;
	v10 =	vpop (erf)  }
0xf4: {  	v13 =	vld [tilespmem:s13+$0xFFFFFFF0];
	v6 =	vsel vm2, v2, v6;
	v15 =	vmul.f32 $1.442695020e+00, v8;
	[tilespmem:s4+$0xFFFFFFF0] =	vst v10;
	v2 =	vbroadcast v10, $0x0;
	v17 =	vpop (erf)  }
0xf5: {  	v8 =	vld [tilespmem:s17+$0x0];
	v6 =	vmul.f32 $1.442695020e+00, v6;
	[tilespmem:s4+$0xFFFFFFE0] =	vst v17;
	v7 =	vmul.f32 v7, v4;
	v4 =	vpop (erf)  }
.Ltmp1:
0xf6: {  	s9 =	sadd.s32 $0x40, s9;
	v17 =	vbroadcast v17, $0x0;
	v10 =	vld [tilespmem:s13+$0x0];
	v16 =	vadd.f32 v12, v16;
	(erf) = vpow2.f32 v9;
	[tilespmem:s4+$0x0] =	vst v4;
	(pc) =	sbr.rel @p0 .LBB2_5-.Ltmp1, $4  }
0xf7: {  	v4 =	vbroadcast v4, $0x0;
	v12 =	vld [tilespmem:s17+$0xFFFFFFE0];
	(erf) = vpow2.f32 v6;
	[tilespmem:s9+$0x10] =	vst v7  }
0xf8: {  	v20 =	vmul.f32 $2.000000030e-01, v16;
	(erf) = vpow2.f32 v15;
	v6 =	vld [tilespmem:s11+$0xFFFFFFE0]  }
0xf9: {  	vm0 =	vge.f32 v16, $0.0e+00;
	v9 =	vadd.f32 v13, v5;
	v5 =	vld [tilespmem:s11+$0xFFFFFFF0];
	v13 =	vmul.f32 v0, v14;
	v0 =	vmovc v17  }
0xfa: {  	s4 =	sadd.s32 $0x40, s4;
	s17 =	sadd.s32 $0x40, s17;
	v14 =	vmul.f32 v18, v11;
	v11 =	vmul.f32 v19, v1;
	v15 =	vsel vm0, v16, v20;
	v7 =	vpop (erf);
	v1 =	vld [tilespmem:s11+$0x0]  }
0xfb: {  	_ = 	snop  }
0xfc: {  	v3 =	vadd.f32 v3, v12  }
0xfd: {  	v42 =	vmul.f32 $2.000000030e-01, v9;
	v8 =	vadd.f32 v10, v8  }
0xfe: {  	v15 =	vmul.f32 $1.442695020e+00, v15;
	vm0 =	vge.f32 v9, $0.0e+00;
	v43 =	vmul.f32 $2.000000030e-01, v3  }
0xff: {  	v9 =	vsel vm0, v9, v42;
	v44 =	vmul.f32 $2.000000030e-01, v8;
	vm1 =	vge.f32 v3, $0.0e+00  }
0x100: {  	vm15 =	vge.f32 v8, $0.0e+00;
	v9 =	vmul.f32 $1.442695020e+00, v9;
	v3 =	vsel vm1, v3, v43  }
0x101: {  	[tilespmem:s4+$0x10] =	vst v7;
	(erf) = vpow2.f32 v15;
	v8 =	vsel vm15, v8, v44;
	v3 =	vmul.f32 $1.442695020e+00, v3  }
0x102: {  	[tilespmem:s12+$0xFFFFFFE0] =	vst v13;
	(erf) = vpow2.f32 v9;
	v8 =	vmul.f32 $1.442695020e+00, v8  }
0x103: {  	[tilespmem:s12+$0xFFFFFFF0] =	vst v14;
	v0 =	vmul.f32 v0, v6;
	(erf) = vpow2.f32 v3  }
0x104: {  	[tilespmem:s12+$0x0] =	vst v11;
	v46 =	vpop (erf);
	(erf) = vpow2.f32 v8  }
0x105: {  	v2 =	vmul.f32 v2, v5;
	[tilespmem:s9+$0xFFFFFFE0] =	vst v0  }
0x106: {  	[tilespmem:s4+$0xFFFFFFF0] =	vst v46  }
0x107: {  	s10 =	sadd.s32 $0x40, s11;
	v1 =	vmul.f32 v4, v1;
	v47 =	vpop (erf);
	[tilespmem:s9+$0xFFFFFFF0] =	vst v2  }
0x108: {  	v45 =	vld [tilespmem:s10+$0x10];
	[tilespmem:s4+$0xFFFFFFE0] =	vst v47  }
0x109: {  	v49 =	vpop (erf);
	v54 =	vld [tilespmem:s10+$0xFFFFFFF0];
	[tilespmem:s9+$0x0] =	vst v1  }
0x10a: {  	s12 =	sadd.s32 $0x40, s4;
	[tilespmem:s4+$0x0] =	vst v49;
	v52 =	vld [tilespmem:s10+$0xFFFFFFE0];
	v50 =	vpop (erf)  }
0x10b: {  	v48 =	vbroadcast v7, $0x0;
	s13 =	sadd.s32 $0x40, s10;
	v56 =	vld [tilespmem:s10+$0x0];
	[tilespmem:s12+$0x10] =	vst v50;
	v53 =	vpop (erf)  }
0x10c: {  	v3 =	vbroadcast v46, $0x0;
	v51 =	vld [tilespmem:s13+$0x10];
	[tilespmem:s12+$0xFFFFFFF0] =	vst v53;
	v55 =	vpop (erf)  }
0x10d: {  	v7 =	vmul.f32 v48, v45;
	v8 =	vbroadcast v47, $0x0;
	v59 =	vld [tilespmem:s13+$0xFFFFFFF0];
	[tilespmem:s12+$0xFFFFFFE0] =	vst v55;
	v57 =	vpop (erf)  }
0x10e: {  	s11 =	sadd.s32 $0x40, s9;
	v10 =	vbroadcast v49, $0x0;
	v3 =	vmul.f32 v3, v54;
	v58 =	vld [tilespmem:s13+$0xFFFFFFE0];
	[tilespmem:s12+$0x0] =	vst v57  }
0x10f: {  	[tilespmem:s11+$0x10] =	vst v7;
	v9 =	vbroadcast v50, $0x0;
	v60 =	vmul.f32 v8, v52;
	v61 =	vld [tilespmem:s13+$0x0]  }
0x110: {  	v62 =	vmul.f32 v10, v56;
	[tilespmem:s11+$0xFFFFFFF0] =	vst v3;
	v0 =	vbroadcast v53, $0x0  }
0x111: {  	[tilespmem:s11+$0xFFFFFFE0] =	vst v60;
	v5 =	vmul.f32 v9, v51;
	v2 =	vbroadcast v55, $0x0  }
0x112: {  	s17 =	sadd.s32 $0x40, s11;
	[tilespmem:s11+$0x0] =	vst v62;
	v63 =	vbroadcast v57, $0x0;
	v0 =	vmul.f32 v0, v59  }
0x113: {  	[tilespmem:s17+$0x10] =	vst v5;
	v2 =	vmul.f32 v2, v58  }
0x114: {  	p0 =	seq.s32 s15, $0x3D;
	[tilespmem:s17+$0xFFFFFFF0] =	vst v0;
	v1 =	vmul.f32 v63, v61  }
.Ltmp2:
0x115: {  	[tilespmem:s17+$0xFFFFFFE0] =	vst v2;
	(pc) =	sbr.rel @p0 .LBB2_8-.Ltmp2, $4  }
0x116: {  	[tilespmem:s17+$0x0] =	vst v1  }
0x117: {  	[spmem:s2] =	stream.indirect.scatter.add.f32 [tilespmem:s30], [sflag:$0x3], $0x10, s29, s19, $0xb8;
	[tilespmem:$0xC670] =	vst v63  }
0x118: {  	_ = 	snop  }
0x119: {  	[spmem:s3] =	stream.indirect.scatter.add.f32 [tilespmem:s31], [sflag:$0x3], $0x10, s29, s19, $0xb8;
	[tilespmem:$0xC670] =	vst v63  }
0x11a: {  	s4 =	sadd.s32 $0xF0, s8  }
0x11b: {  	[tilespmem:s23], [sflag:$0x2] =	stream.indirect.gather [hbm4b:s6+s19], $0x10, s4, s19, $0xb8;
	[tilespmem:$0xC670] =	vst v63  }
.Ltmp3:
0x11c: {  	_ = 	snop;
	(pc) =	sbr.rel .LBB2_2-.Ltmp3, $4  }
0x11d: {  	s17 =	sadd.s32 $0x2800, s8  }
0x11e: {  	[tilespmem:s25], [sflag:$0x2] =	stream.indirect.gather [hbm4b:s7+s19], $0x10, s17, s19, $0xb8;
	[tilespmem:$0xC670] =	vst v63  }
0x11f: {  	s15 =	sadd.s32 $0x1, s15  }
0x120: {  	[tilespmem:s26], [sflag:$0x2] =	stream.indirect.gather [hbm4b:s5+s19], $0x10, s4, s19, $0xb8;
	[tilespmem:$0xC670] =	vst v63  }
.LBB2_8:
0x121: {  	_ =	swait.ge [sflag:s28], $0x500  }
0x122: {  	[sflag:s28] =	ssyncset.done $0x0  }
0x123: {  	[sflag:s28] =	ssyncadd.s32 $0xFFFFFB00  }
0x124: {  	_ =	swait.ge [sflag:s28], $0x500  }
0x125: {  	[sflag:s28] =	ssyncset.done $0x0  }
0x126: {  	[sflag:s28] =	ssyncadd.s32 $0xFFFFFB00  }
0x127: {  	_ =	swait.ge [sflag:s28], $0x500  }
0x128: {  	[sflag:s28] =	ssyncset.done $0x0  }
0x129: {  	[sflag:s28] =	ssyncadd.s32 $0xFFFFFB00  }
0x12a: {  	_ =	swait.ge [sflag:s0], $0x500  }
0x12b: {  	[sflag:s0] =	ssyncset.done $0x0  }
0x12c: {  	[sflag:s0] =	ssyncadd.s32 $0xFFFFFB00  }
0x12d: {  	_ =	swait.ge [sflag:s0], $0x500  }
0x12e: {  	[sflag:s0] =	ssyncset.done $0x0  }
0x12f: {  	[sflag:s0] =	ssyncadd.s32 $0xFFFFFB00  }
0x130: {  	v0 =	vld [tilespmem:$0x4DD0]  }
0x131: {  	v1 =	vld [tilespmem:$0x4DE0]  }
0x132: {  	v2 =	vld [tilespmem:$0x4DF0]  }
0x133: {  	v3 =	vld [tilespmem:$0x4E00]  }
0x134: {  	v4 =	vld [tilespmem:$0x4E10]  }
0x135: {  	[tilespmem:$0x6C20] =	vst v0  }
0x136: {  	[tilespmem:$0x6C30] =	vst v1  }
0x137: {  	[tilespmem:$0x6C40] =	vst v2  }
0x138: {  	[tilespmem:$0x6C50] =	vst v3  }
0x139: {  	s4 =	simm.s32 $0x4E40;
	[tilespmem:$0x6C60] =	vst v4  }
0x13a: {  	s8 =	simm.s32 $0x5340;
	v0 =	vld [tilespmem:s4+$0x10]  }
0x13b: {  	v1 =	vld [tilespmem:s8+$0x10];
	_ =	sdelay $0x2  }
0x13c: {  	v2 =	vld [tilespmem:s8+$0xFFFFFFE0]  }
0x13d: {  	v3 =	vld [tilespmem:s4+$0xFFFFFFF0]  }
0x13e: {  	v4 =	vld [tilespmem:s4+$0x0];
	v0 =	vadd.f32 v1, v0  }
0x13f: {  	v1 =	vld [tilespmem:s8+$0xFFFFFFF0]  }
0x140: {  	v6 =	vld [tilespmem:s4+$0xFFFFFFE0];
	v5 =	vmul.f32 $2.000000030e-01, v0  }
0x141: {  	v7 =	vld [tilespmem:s8+$0x0];
	vm0 =	vge.f32 v0, $0.0e+00  }
0x142: {  	s10 =	simm.s32 $0x4E80;
	v0 =	vsel vm0, v0, v5  }
0x143: {  	s11 =	simm.s32 $0x5380;
	v5 =	vld [tilespmem:s10+$0x10];
	v0 =	vmul.f32 $1.442695020e+00, v0  }
0x144: {  	v1 =	vadd.f32 v1, v3;
	v3 =	vld [tilespmem:s11+$0x10]  }
0x145: {  	(erf) = vpow2.f32 v0  }
0x146: {  	v8 =	vld [tilespmem:s10+$0xFFFFFFF0];
	v4 =	vadd.f32 v7, v4;
	v0 =	vadd.f32 v2, v6;
	v2 =	vmul.f32 $2.000000030e-01, v1  }
0x147: {  	v6 =	vld [tilespmem:s11+$0xFFFFFFE0];
	vm6 =	vge.f32 v1, $0.0e+00  }
0x148: {  	v9 =	vmul.f32 $2.000000030e-01, v4;
	v7 =	vmul.f32 $2.000000030e-01, v0;
	v1 =	vsel vm6, v1, v2;
	v2 =	vld [tilespmem:s11+$0xFFFFFFF0]  }
0x149: {  	vm1 =	vge.f32 v0, $0.0e+00;
	v1 =	vmul.f32 $1.442695020e+00, v1;
	v3 =	vadd.f32 v3, v5;
	v5 =	vld [tilespmem:s11+$0x0]  }
0x14a: {  	vm7 =	vge.f32 v4, $0.0e+00;
	v0 =	vsel vm1, v0, v7;
	v7 =	vld [tilespmem:s10+$0x0]  }
0x14b: {  	v4 =	vsel vm7, v4, v9;
	v0 =	vmul.f32 $1.442695020e+00, v0;
	(erf) = vpow2.f32 v1;
	v1 =	vld [tilespmem:s10+$0xFFFFFFE0]  }
0x14c: {  	v4 =	vmul.f32 $1.442695020e+00, v4;
	v9 =	vmul.f32 $2.000000030e-01, v3  }
0x14d: {  	vm8 =	vge.f32 v3, $0.0e+00;
	s10 =	simm.s32 $0x53C0;
	(erf) = vpow2.f32 v0  }
0x14e: {  	s13 =	simm.s32 $0x4EC0;
	v11 =	vld [tilespmem:s10+$0xFFFFFFF0];
	v0 =	vadd.f32 v2, v8;
	v2 =	vsel vm8, v3, v9;
	v3 =	vpop (erf);
	(erf) = vpow2.f32 v4  }
0x14f: {  	v4 =	vld [tilespmem:s13+$0x10];
	v5 =	vadd.f32 v5, v7  }
0x150: {  	v2 =	vmul.f32 $1.442695020e+00, v2;
	v1 =	vadd.f32 v6, v1;
	v6 =	vld [tilespmem:s10+$0x10]  }
0x151: {  	s12 =	simm.s32 $0x6C90;
	v13 =	vld [tilespmem:s10+$0x0];
	v8 =	vmul.f32 $2.000000030e-01, v0;
	v7 =	vmul.f32 $2.000000030e-01, v5  }
0x152: {  	s9 =	simm.s32 $0x5840;
	vm9 =	vge.f32 v0, $0.0e+00;
	[tilespmem:s12+$0x10] =	vst v3;
	(erf) = vpow2.f32 v2;
	v2 =	vld [tilespmem:s10+$0xFFFFFFE0];
	v10 =	vmul.f32 $2.000000030e-01, v1  }
0x153: {  	v3 =	vbroadcast v3, $0x0;
	v9 =	vld [tilespmem:s9+$0x10];
	v0 =	vsel vm9, v0, v8;
	vm11 =	vge.f32 v1, $0.0e+00  }
0x154: {  	v8 =	vld [tilespmem:s13+$0xFFFFFFF0];
	vm10 =	vge.f32 v5, $0.0e+00;
	v0 =	vmul.f32 $1.442695020e+00, v0;
	v1 =	vsel vm11, v1, v10  }
0x155: {  	v5 =	vsel vm10, v5, v7;
	v10 =	vld [tilespmem:s13+$0x0];
	v7 =	vpop (erf);
	v1 =	vmul.f32 $1.442695020e+00, v1;
	v4 =	vadd.f32 v6, v4  }
0x156: {  	s15 =	simm.s32 $0x4F00;
	(erf) = vpow2.f32 v0;
	v0 =	vmul.f32 $1.442695020e+00, v5;
	v5 =	vld [tilespmem:s13+$0xFFFFFFE0];
	v12 =	vpop (erf)  }
0x157: {  	v18 =	vld [tilespmem:s15+$0xFFFFFFF0];
	[tilespmem:s12+$0xFFFFFFF0] =	vst v7;
	v6 =	vpop (erf);
	(erf) = vpow2.f32 v1;
	v1 =	vmul.f32 $2.000000030e-01, v4  }
0x158: {  	v14 =	vbroadcast v7, $0x0;
	v9 =	vmul.f32 v3, v9;
	[tilespmem:s12+$0xFFFFFFE0] =	vst v12;
	vm12 =	vge.f32 v4, $0.0e+00;
	v16 =	vld [tilespmem:s9+$0xFFFFFFF0]  }
0x159: {  	v7 =	vld [tilespmem:s9+$0xFFFFFFE0];
	(erf) = vpow2.f32 v0;
	v0 =	vadd.f32 v11, v8;
	v1 =	vsel vm12, v4, v1  }
0x15a: {  	[tilespmem:s12+$0x0] =	vst v6;
	v17 =	vbroadcast v6, $0x0;
	v6 =	vld [tilespmem:s15+$0x10];
	v8 =	vadd.f32 v13, v10;
	v1 =	vmul.f32 $1.442695020e+00, v1  }
0x15b: {  	s17 =	simm.s32 $0x6CD0;
	v15 =	vbroadcast v12, $0x0;
	s12 =	simm.s32 $0x5400;
	v4 =	vpop (erf);
	v11 =	vld [tilespmem:s9+$0x0];
	v2 =	vadd.f32 v2, v5;
	v10 =	vmul.f32 $2.000000030e-01, v0  }
0x15c: {  	s9 =	simm.s32 $0x5880;
	v12 =	vld [tilespmem:s12+$0x10];
	[tilespmem:s17+$0x10] =	vst v4;
	vm13 =	vge.f32 v0, $0.0e+00;
	v13 =	vmul.f32 $2.000000030e-01, v8;
	(erf) = vpow2.f32 v1  }
0x15d: {  	vm14 =	vge.f32 v8, $0.0e+00;
	v4 =	vbroadcast v4, $0x0;
	v5 =	vld [tilespmem:s9+$0x10];
	v1 =	vmul.f32 $2.000000030e-01, v2  }
0x15e: {  	v19 =	vld [tilespmem:s12+$0xFFFFFFF0];
	vm2 =	vge.f32 v2, $0.0e+00;
	v14 =	vmul.f32 v14, v16;
	v0 =	vsel vm13, v0, v10  }
0x15f: {  	v3 =	vld [tilespmem:s12+$0xFFFFFFE0];
	v8 =	vsel vm14, v8, v13;
	v0 =	vmul.f32 $1.442695020e+00, v0;
	v1 =	vsel vm2, v2, v1  }
0x160: {  	s11 =	simm.s32 $0x7190;
	v10 =	vld [tilespmem:s12+$0x0];
	v20 =	vmul.f32 $1.442695020e+00, v8;
	v13 =	vpop (erf);
	v1 =	vmul.f32 $1.442695020e+00, v1  }
0x161: {  	[tilespmem:s11+$0x10] =	vst v9;
	v8 =	vld [tilespmem:s15+$0x0];
	v23 =	vadd.f32 v12, v6;
	v11 =	vmul.f32 v17, v11;
	v21 =	vpop (erf);
	(erf) = vpow2.f32 v0  }
0x162: {  	v12 =	vld [tilespmem:s15+$0xFFFFFFE0];
	v22 =	vmul.f32 v4, v5;
	[tilespmem:s17+$0xFFFFFFE0] =	vst v21;
	(erf) = vpow2.f32 v1  }
0x163: {  	v9 =	vadd.f32 v19, v18;
	[tilespmem:s17+$0xFFFFFFF0] =	vst v13;
	v5 =	vpop (erf);
	v1 =	vmul.f32 $2.000000030e-01, v23;
	(erf) = vpow2.f32 v20;
	v6 =	vld [tilespmem:s9+$0xFFFFFFE0]  }
0x164: {  	s8 =	simm.s32 $0x71D0;
	v2 =	vbroadcast v13, $0x0;
	vm15 =	vge.f32 v23, $0.0e+00;
	v4 =	vbroadcast v5, $0x0;
	[tilespmem:s17+$0x0] =	vst v5;
	v5 =	vld [tilespmem:s9+$0xFFFFFFF0]  }
0x165: {  	s4 =	simm.s32 $0x6D10;
	s10 =	simm.s32 $0xC;
	s13 =	simm.s32 $0x4F40;
	v13 =	vmul.f32 v15, v7;
	v0 =	vbroadcast v21, $0x0;
	[tilespmem:s8+$0x10] =	vst v22;
	v15 =	vsel vm15, v23, v1;
	v1 =	vld [tilespmem:s9+$0x0];
	v7 =	vpop (erf)  }
.LBB2_9:
0x166: {  	v16 =	vld [tilespmem:s13+$0x10];
	v17 =	vmul.f32 $2.000000030e-01, v9;
	v8 =	vadd.f32 v10, v8;
	v10 =	vmul.f32 $1.442695020e+00, v15;
	[tilespmem:s4+$0x10] =	vst v7;
	s9 =	sadd.s32 $0x40, s9;
	v18 =	vmovc v2;
	v19 =	vmovc v4  }
0x167: {  	vm0 =	vge.f32 v9, $0.0e+00;
	s12 =	sadd.s32 $0x40, s12;
	v2 =	vadd.f32 v3, v12;
	v4 =	vld [tilespmem:s9+$0x10];
	[tilespmem:s11+$0xFFFFFFE0] =	vst v13  }
0x168: {  	s10 =	sadd.s32 $0x4, s10;
	v12 =	vld [tilespmem:s12+$0x10];
	vm1 =	vge.f32 v8, $0.0e+00;
	v13 =	vmul.f32 $2.000000030e-01, v8;
	(erf) = vpow2.f32 v10;
	[tilespmem:s11+$0xFFFFFFF0] =	vst v14;
	v14 =	vmovc v6  }
0x169: {  	p0 =	slt.u32 s10, $0x4C;
	v9 =	vsel vm0, v9, v17;
	v3 =	vld [tilespmem:s12+$0xFFFFFFE0];
	vm2 =	vge.f32 v2, $0.0e+00;
	v6 =	vmul.f32 $2.000000030e-01, v2;
	[tilespmem:s11+$0x0] =	vst v11;
	v11 =	vmovc v5;
	s11 =	smov.u32 s8  }
0x16a: {  	v7 =	vbroadcast v7, $0x0;
	v9 =	vmul.f32 $1.442695020e+00, v9;
	v5 =	vld [tilespmem:s13+$0xFFFFFFF0];
	v8 =	vsel vm1, v8, v13;
	v10 =	vpop (erf)  }
0x16b: {  	v13 =	vld [tilespmem:s12+$0xFFFFFFF0];
	v6 =	vsel vm2, v2, v6;
	v15 =	vmul.f32 $1.442695020e+00, v8;
	[tilespmem:s4+$0xFFFFFFF0] =	vst v10;
	v2 =	vbroadcast v10, $0x0;
	v17 =	vpop (erf)  }
0x16c: {  	v8 =	vld [tilespmem:s13+$0x0];
	v6 =	vmul.f32 $1.442695020e+00, v6;
	[tilespmem:s4+$0xFFFFFFE0] =	vst v17;
	v7 =	vmul.f32 v7, v4;
	v4 =	vpop (erf)  }
.Ltmp4:
0x16d: {  	s8 =	sadd.s32 $0x40, s8;
	v17 =	vbroadcast v17, $0x0;
	v10 =	vld [tilespmem:s12+$0x0];
	v16 =	vadd.f32 v12, v16;
	(erf) = vpow2.f32 v9;
	[tilespmem:s4+$0x0] =	vst v4;
	(pc) =	sbr.rel @p0 .LBB2_9-.Ltmp4, $4  }
0x16e: {  	v4 =	vbroadcast v4, $0x0;
	v12 =	vld [tilespmem:s13+$0xFFFFFFE0];
	(erf) = vpow2.f32 v6;
	[tilespmem:s8+$0x10] =	vst v7  }
0x16f: {  	v20 =	vmul.f32 $2.000000030e-01, v16;
	(erf) = vpow2.f32 v15;
	v6 =	vld [tilespmem:s9+$0xFFFFFFE0]  }
0x170: {  	vm0 =	vge.f32 v16, $0.0e+00;
	v9 =	vadd.f32 v13, v5;
	v5 =	vld [tilespmem:s9+$0xFFFFFFF0];
	v13 =	vmul.f32 v0, v14;
	v0 =	vmovc v17  }
0x171: {  	s4 =	sadd.s32 $0x40, s4;
	s13 =	sadd.s32 $0x40, s13;
	v14 =	vmul.f32 v18, v11;
	v11 =	vmul.f32 v19, v1;
	v15 =	vsel vm0, v16, v20;
	v7 =	vpop (erf);
	v1 =	vld [tilespmem:s9+$0x0]  }
0x172: {  	_ = 	snop  }
0x173: {  	v3 =	vadd.f32 v3, v12  }
0x174: {  	v42 =	vmul.f32 $2.000000030e-01, v9;
	v8 =	vadd.f32 v10, v8  }
0x175: {  	v15 =	vmul.f32 $1.442695020e+00, v15;
	vm0 =	vge.f32 v9, $0.0e+00;
	v43 =	vmul.f32 $2.000000030e-01, v3  }
0x176: {  	v9 =	vsel vm0, v9, v42;
	v44 =	vmul.f32 $2.000000030e-01, v8;
	vm1 =	vge.f32 v3, $0.0e+00  }
0x177: {  	vm15 =	vge.f32 v8, $0.0e+00;
	v9 =	vmul.f32 $1.442695020e+00, v9;
	v3 =	vsel vm1, v3, v43  }
0x178: {  	[tilespmem:s4+$0x10] =	vst v7;
	(erf) = vpow2.f32 v15;
	v8 =	vsel vm15, v8, v44;
	v3 =	vmul.f32 $1.442695020e+00, v3  }
0x179: {  	[tilespmem:s11+$0xFFFFFFE0] =	vst v13;
	(erf) = vpow2.f32 v9;
	v8 =	vmul.f32 $1.442695020e+00, v8  }
0x17a: {  	[tilespmem:s11+$0xFFFFFFF0] =	vst v14;
	v0 =	vmul.f32 v0, v6;
	(erf) = vpow2.f32 v3  }
0x17b: {  	[tilespmem:s11+$0x0] =	vst v11;
	v46 =	vpop (erf);
	(erf) = vpow2.f32 v8  }
0x17c: {  	v2 =	vmul.f32 v2, v5;
	[tilespmem:s8+$0xFFFFFFE0] =	vst v0  }
0x17d: {  	[tilespmem:s4+$0xFFFFFFF0] =	vst v46  }
0x17e: {  	s9 =	sadd.s32 $0x40, s9;
	v1 =	vmul.f32 v4, v1;
	v47 =	vpop (erf);
	[tilespmem:s8+$0xFFFFFFF0] =	vst v2  }
0x17f: {  	v45 =	vld [tilespmem:s9+$0x10];
	[tilespmem:s4+$0xFFFFFFE0] =	vst v47  }
0x180: {  	v49 =	vpop (erf);
	v54 =	vld [tilespmem:s9+$0xFFFFFFF0];
	[tilespmem:s8+$0x0] =	vst v1  }
0x181: {  	s11 =	sadd.s32 $0x40, s4;
	[tilespmem:s4+$0x0] =	vst v49;
	v52 =	vld [tilespmem:s9+$0xFFFFFFE0];
	v50 =	vpop (erf)  }
0x182: {  	v48 =	vbroadcast v7, $0x0;
	s12 =	sadd.s32 $0x40, s9;
	v56 =	vld [tilespmem:s9+$0x0];
	[tilespmem:s11+$0x10] =	vst v50;
	v53 =	vpop (erf)  }
0x183: {  	v3 =	vbroadcast v46, $0x0;
	v51 =	vld [tilespmem:s12+$0x10];
	[tilespmem:s11+$0xFFFFFFF0] =	vst v53;
	v55 =	vpop (erf)  }
0x184: {  	v7 =	vmul.f32 v48, v45;
	v8 =	vbroadcast v47, $0x0;
	v59 =	vld [tilespmem:s12+$0xFFFFFFF0];
	[tilespmem:s11+$0xFFFFFFE0] =	vst v55;
	v57 =	vpop (erf)  }
0x185: {  	s10 =	sadd.s32 $0x40, s8;
	v10 =	vbroadcast v49, $0x0;
	v3 =	vmul.f32 v3, v54;
	v58 =	vld [tilespmem:s12+$0xFFFFFFE0];
	[tilespmem:s11+$0x0] =	vst v57  }
0x186: {  	[tilespmem:s10+$0x10] =	vst v7;
	v9 =	vbroadcast v50, $0x0;
	v60 =	vmul.f32 v8, v52;
	v61 =	vld [tilespmem:s12+$0x0]  }
0x187: {  	v62 =	vmul.f32 v10, v56;
	[tilespmem:s10+$0xFFFFFFF0] =	vst v3;
	v0 =	vbroadcast v53, $0x0  }
0x188: {  	[tilespmem:s10+$0xFFFFFFE0] =	vst v60;
	v5 =	vmul.f32 v9, v51;
	v2 =	vbroadcast v55, $0x0  }
0x189: {  	s13 =	sadd.s32 $0x40, s10;
	[tilespmem:s10+$0x0] =	vst v62;
	v63 =	vbroadcast v57, $0x0;
	v0 =	vmul.f32 v0, v59  }
0x18a: {  	[tilespmem:s13+$0x10] =	vst v5;
	v2 =	vmul.f32 v2, v58  }
0x18b: {  	[tilespmem:s13+$0xFFFFFFF0] =	vst v0;
	v1 =	vmul.f32 v63, v61  }
0x18c: {  	[tilespmem:s13+$0xFFFFFFE0] =	vst v2  }
0x18d: {  	[tilespmem:s13+$0x0] =	vst v1  }
0x18e: {  	[spmem:s2] =	stream.indirect.scatter.add.f32 [tilespmem:s30], [sflag:$0x3], $0x10, s29, s19, $0xb8;
	[tilespmem:$0xC670] =	vst v63  }
0x18f: {  	_ = 	snop  }
0x190: {  	[spmem:s3] =	stream.indirect.scatter.add.f32 [tilespmem:s31], [sflag:$0x3], $0x10, s29, s19, $0xb8;
	[tilespmem:$0xC670] =	vst v63  }
0x191: {  	_ =	swait.ge [sflag:s0], $0x500  }
0x192: {  	[sflag:s0] =	ssyncset.done $0x0  }
0x193: {  	[sflag:s0] =	ssyncadd.s32 $0xFFFFFB00  }
0x194: {  	_ =	swait.ge [sflag:s0], $0x500  }
0x195: {  	[sflag:s0] =	ssyncset.done $0x0  }
0x196: {  	[sflag:s0] =	ssyncadd.s32 $0xFFFFFB00  }
0x197: {  	[bflag:$0x0] =	sbarrier.arrive $0xFFFF  }
0x198: {  	s15 =	rddreg [dreg:$0x7]  }
0x199: {  	[hbm:s15], [sflag:s16] =	dma.local [spmem:s18], $0x500  }
0x19a: {  	_ =	swait.ge [sflag:s14], $0x500  }
0x19b: {  	[sflag:s14] =	ssyncset.done $0x0;
	s17 =	rddreg [dreg:$0x8]  }
0x19c: {  	s11 =	rddreg [dreg:$0xa];
	[sflag:s14] =	ssyncadd.s32 $0xFFFFFB00  }
0x19d: {  	[hbm:s17], [sflag:s16] =	dma.local [spmem:s11], $0x500  }
0x19e: {  	_ =	swait.ge [sflag:s14], $0x500  }
0x19f: {  	s24 =	sadd.s32 $0x1, s24;
	s10 =	smov.u32 s18;
	s18 =	rddreg [dreg:$0x9]  }
0x1a0: {  	p0 =	sne.s32 s24, s18  }
.Ltmp5:
0x1a1: {  	_ = 	snop;
	(pc) =	sbr.rel @p0 .LBB2_1-.Ltmp5, $3  }
0x1a2: {  	_ =	sdelay $0x1  }
0x1a3: {  	[sflag:s14] =	ssyncset.done $0x0  }
0x1a4: {  	[sflag:s14] =	ssyncadd.s32 $0xFFFFFB00  }
0x1a5: {  	_ =	sfence.sel $0x180000  }
0x1a6: {  	[bflag:$0x0] =	sbarrier.arrive $0xFFFF  }
0x1a7: {  	_ =	strace $0x9000004A  }
0x1a8: {  	s0 =	stileid.u32;
	[bflag:$0x2] =	sbarrier.arrive $0xFFFF  }
0x1a9: {  	p0 =	sne.s32 s0, $0x0;
	s0 =	rddreg [dreg:$0x3]  }
0x1aa: {  	s0 =	sadd.s32 @!p0 $0x100000, s0  }
0x1ab: {  	[sflag:s0] =	ssyncadd.tile.s32 @!p0 $0x1;
	_ =	shalt  }
.Lfunc_end2:
_tile_overlayer_lowered:
.L_overlay_start_2:
0x1ac: {  	(tag) =	ssettag $0x2  }
0x1ad: {  	s0 =	rddreg [dreg:$0x0];
	s2 =	stileid.u32  }
0x1ae: {  	s1 =	rddreg [dreg:$0x1];
	p0 =	sne.s32 s2, $0x0  }
0x1af: {  	s3 =	rddreg [dreg:$0x2];
	[bflag:$0x3] =	sbarrier.arrive $0xFFFF;
	s2 =	simm.s32 @!p0 $0x1C04  }
0x1b0: {  	[timem:s3], [sflag:s2] =	dma.local @!p0 [hbm:s0], s1  }
0x1b1: {  	s0 =	simm.s32 @!p0 $0x4  }
0x1b2: {  	_ =	swait.ge @!p0 [sflag:s0], s1  }
0x1b3: {  	s1 =	ssub.s32 @!p0 $0x0, s1;
	[sflag:s0] =	ssyncset.done @!p0 $0x0  }
0x1b4: {  	[sflag:s0] =	ssyncadd.s32 @!p0 s1  }
0x1b5: {  	[bflag:$0x3] =	sbarrier.arrive $0xFFFF  }
0x1b6: {  	_ =	shalt  }

// kernel: kernel.7.cloned.1.call-start
scs
__scs_entry_jumppad:
0x0: {  	(pc) =	sbr.rel $0x88, $3  }
0x1: {  	(tag) =	ssettag $0x0;
	lr =	simm.s32 $0x1  }
0x2: {  	[smem:$0x3F99] =	sst lr;
	_ =	strace $0xD0000000  }
0x3: {  	_ = 	snop  }
0x4: {  	_ = 	snop  }
0x5: {  	_ = 	snop  }
0x6: {  	_ = 	snop  }
0x7: {  	_ = 	snop  }
__scs_overlays_trampoline_lowered:
0x8: {  	[smem:$0x3FA8] =	sst s0  }
0x9: {  	[smem:$0x3FA9] =	sst s1  }
0xa: {  	[smem:$0x3FAA] =	sst s2  }
0xb: {  	[smem:$0x3FAB] =	sst s3  }
0xc: {  	[smem:$0x3FAC] =	sst s4  }
0xd: {  	[smem:$0x3FAD] =	sst s5  }
0xe: {  	[smem:$0x3FAE] =	sst s6  }
0xf: {  	[smem:$0x3FAF] =	sst s7  }
0x10: {  	[smem:$0x3FB0] =	sst s8  }
0x11: {  	[smem:$0x3FB1] =	sst s9;
	s0 =	simm.s32 @!p0 $0x0  }
0x12: {  	s1 =	sld [smem:$0x3F97];
	s0 =	simm.s32 @p0 $0x1  }
0x13: {  	[smem:$0x3FB2] =	sst s0;
	s0 =	simm.s32 @!p1 $0x0  }
0x14: {  	s2 =	sld [smem:$0x3F96];
	s0 =	simm.s32 @p1 $0x1  }
0x15: {  	[smem:$0x3FB3] =	sst s0;
	s0 =	simm.s32 @!p2 $0x0  }
0x16: {  	s3 =	sld [smem:$0x3FDB];
	s0 =	simm.s32 @p2 $0x1  }
0x17: {  	s4 =	simm.s32 $0x1BF5;
	[smem:$0x3FB5] =	sst s0  }
0x18: {  	s0 =	sld [smem:$0x3F98];
	_ =	swait.ge [sflag:s4], $0x0  }
0x19: {  	s7 =	sld [smem:$0x3F99]  }
0x1a: {  	s8 =	sadd.s32 $0xFFFFE003, lr  }
0x1b: {  	s9 =	sadd.s32 $0xFFFFFEF7, lr;
	s5 =	simm.s32 $0xFFFFFFFF;
	p2 =	slt.u32 s8, $0xFFFFF086  }
0x1c: {  	p1 =	slt.u32 s9, $0xF7A;
	s5 =	simm.s32 @!p2 $0x0  }
0x1d: {  	s5 =	simm.s32 @p1 $0x1;
	p0 =	seq.s32 s7, s2  }
0x1e: {  	s7 =	smul.u32 @!p0 $0xF7A, s2;
	p2 =	seq.s32 @!p0 s5, $0x0  }
0x1f: {  	s9 =	smul.u32 $0xF7A, s1;
	s8 =	simm.s32 @!p0 $0x1BF5;
	p2 =	por !p2, p0  }
0x20: {  	[sflag:s8] =	ssyncset.s32 @!p0 $0xFFFFF086;
	s6 =	sadd.s32 @!p0 s3, s7;
	s7 =	simm.s32 @!p0 $0x108  }
0x21: {  	s3 =	sadd.s32 s3, s9;
	s6 =	sadd.s32 @!p0 $0x88, s6;
	s7 =	simm.s32 @p2 $0x1082  }
0x22: {  	[simem:s7], [sflag:s8] =	dma.local @!p0 [hbm:s6], $0xF7A  }
0x23: {  	s9 =	sor.u32 $0xD0000000, s2;
	s6 =	simm.s32 $0x108;
	_ =	swait.ge @!p0 [sflag:s8], $0x0  }
0x24: {  	s3 =	sadd.s32 $0x88, s3;
	s6 =	simm.s32 @!p1 $0x1082;
	[sflag:s4] =	ssyncset.s32 $0xFFFFF086  }
0x25: {  	[simem:s6], [sflag:s4] =	dma.local [hbm:s3], $0xF7A  }
0x26: {  	[smem:$0x3F99] =	sst s1;
	(tag) =	ssettag s2;
	_ =	strace s9  }
0x27: {  	s1 =	sld [smem:$0x3FA9]  }
0x28: {  	s2 =	sld [smem:$0x3FAA]  }
0x29: {  	s4 =	sld [smem:$0x3FAC]  }
0x2a: {  	p0 =	seq.s32 s5, $0x0;
	s5 =	sld [smem:$0x3FAD]  }
0x2b: {  	s6 =	sld [smem:$0x3FAE]  }
0x2c: {  	s7 =	sld [smem:$0x3FAF]  }
0x2d: {  	s3 =	simm.s32 $0x108;
	s8 =	sld [smem:$0x3FB0]  }
0x2e: {  	s3 =	simm.s32 @!p0 $0x1082;
	s9 =	sld [smem:$0x3FB1]  }
0x2f: {  	lr =	sadd.s32 s0, s3;
	s0 =	sld [smem:$0x3FA8]  }
0x30: {  	s3 =	sld [smem:$0x3FAB]  }
0x31: {  	[smem:$0x3FB4] =	sst s10  }
0x32: {  	s10 =	sld [smem:$0x3FB2];
	_ =	sdelay $0x3  }
0x33: {  	p0 =	seq.s32 s10, $0x1;
	s10 =	sld [smem:$0x3FB4];
	_ =	sdelay $0x3  }
0x34: {  	[smem:$0x3FB4] =	sst s10  }
0x35: {  	s10 =	sld [smem:$0x3FB3];
	_ =	sdelay $0x3  }
0x36: {  	p1 =	seq.s32 s10, $0x1;
	s10 =	sld [smem:$0x3FB4];
	_ =	sdelay $0x3  }
0x37: {  	[smem:$0x3FB4] =	sst s10  }
0x38: {  	s10 =	sld [smem:$0x3FB5]  }
0x39: {  	_ = 	snop;
	(pc) =	sbr.ind lr, $3  }
0x3a: {  	_ = 	snop  }
0x3b: {  	_ = 	snop  }
0x3c: {  	p2 =	seq.s32 s10, $0x1;
	s10 =	sld [smem:$0x3FB4]  }
0x3d: {  	_ =	shalt  }
0x3e: {  	_ =	shalt  }
0x3f: {  	_ =	shalt  }
0x40: {  	_ =	shalt  }
0x41: {  	_ =	shalt  }
0x42: {  	_ =	shalt  }
0x43: {  	_ =	shalt  }
0x44: {  	_ =	shalt  }
0x45: {  	_ =	shalt  }
0x46: {  	_ =	shalt  }
0x47: {  	_ =	shalt  }
0x48: {  	_ =	shalt  }
0x49: {  	_ =	shalt  }
0x4a: {  	_ =	shalt  }
0x4b: {  	_ =	shalt  }
0x4c: {  	_ =	shalt  }
0x4d: {  	_ =	shalt  }
0x4e: {  	_ =	shalt  }
0x4f: {  	_ =	shalt  }
0x50: {  	_ =	shalt  }
0x51: {  	_ =	shalt  }
0x52: {  	_ =	shalt  }
0x53: {  	_ =	shalt  }
0x54: {  	_ =	shalt  }
0x55: {  	_ =	shalt  }
0x56: {  	_ =	shalt  }
0x57: {  	_ =	shalt  }
0x58: {  	_ =	shalt  }
0x59: {  	_ =	shalt  }
0x5a: {  	_ =	shalt  }
0x5b: {  	_ =	shalt  }
0x5c: {  	_ =	shalt  }
0x5d: {  	_ =	shalt  }
0x5e: {  	_ =	shalt  }
0x5f: {  	_ =	shalt  }
0x60: {  	_ =	shalt  }
0x61: {  	_ =	shalt  }
0x62: {  	_ =	shalt  }
0x63: {  	_ =	shalt  }
0x64: {  	_ =	shalt  }
0x65: {  	_ =	shalt  }
0x66: {  	_ =	shalt  }
0x67: {  	_ =	shalt  }
0x68: {  	_ =	shalt  }
0x69: {  	_ =	shalt  }
0x6a: {  	_ =	shalt  }
0x6b: {  	_ =	shalt  }
0x6c: {  	_ =	shalt  }
0x6d: {  	_ =	shalt  }
0x6e: {  	_ =	shalt  }
0x6f: {  	_ =	shalt  }
0x70: {  	_ =	shalt  }
0x71: {  	_ =	shalt  }
0x72: {  	_ =	shalt  }
0x73: {  	_ =	shalt  }
0x74: {  	_ =	shalt  }
0x75: {  	_ =	shalt  }
0x76: {  	_ =	shalt  }
0x77: {  	_ =	shalt  }
0x78: {  	_ =	shalt  }
0x79: {  	_ =	shalt  }
0x7a: {  	_ =	shalt  }
0x7b: {  	_ =	shalt  }
0x7c: {  	_ =	shalt  }
0x7d: {  	_ =	shalt  }
0x7e: {  	_ =	shalt  }
0x7f: {  	_ =	shalt  }
0x80: {  	_ =	shalt  }
0x81: {  	_ =	shalt  }
0x82: {  	_ =	shalt  }
0x83: {  	_ =	shalt  }
0x84: {  	_ =	shalt  }
0x85: {  	_ =	shalt  }
0x86: {  	_ =	shalt  }
0x87: {  	_ =	shalt  }
.Lfunc_end0:
.L_simem_size_0:
called_computation_lowered:
.L_overlay_start_0:
0x88: {  	s2 =	sld [smem:$0x3FD9]  }
0x89: {  	s3 =	sld [smem:$0x3FFE];
	_ =	sdelay $0x1  }
0x8a: {  	s1 =	srdreg.scid  }
0x8b: {  	s0 =	sand.u32 $0x1, s1  }
0x8c: {  	s17 =	sshll.u32 s0, $0xA;
	s2 =	sadd.s32 s3, s2  }
0x8d: {  	s2 =	sadd.s32 s2, s17  }
0x8e: {  	[smem:$0x3FC0] =	sst s2  }
0x8f: {  	_ = 	snop  }
0x90: {  	s2 =	sld [smem:$0x3FD0];
	(tm) =	ssettm $0x1  }
0x91: {  	s18 =	sld [smem:$0x3FFB];
	_ =	sdelay $0x3  }
0x92: {  	_ =	strace s18  }
0x93: {  	s3 =	sld [smem:$0x3FFC];
	_ =	sdelay $0x3  }
0x94: {  	_ =	strace s3  }
0x95: {  	s3 =	sld [smem:$0x3FFD];
	_ =	sdelay $0x3  }
0x96: {  	_ =	strace s3  }
0x97: {  	_ =	strace $0x8FFFFFFF  }
0x98: {  	s19 =	sld [smem:$0x3FDB];
	_ =	sdelay $0x1  }
0x99: {  	s4 =	simm.s32 $_scs_section_size  }
0x9a: {  	s5 =	simm.s32 $_size__tile_overlayer_lowered;
	s6 =	simm.s32 $_tile_overlayer_lowered  }
0x9b: {  	s22 =	simm.s32 $0x1BFF;
	s21 =	sshll.u32 s6, $0x1;
	s3 =	sadd.s32 s4, s19  }
0x9c: {  	s7 =	simm.s32 $0x0;
	s20 =	sshll.u32 s5, $0x1;
	s5 =	sadd.s32 s21, s3  }
0x9d: {  	[timem:s7], [sflag:s22] =	dma.local [hbm:s5], s20  }
0x9e: {  	_ =	swait.ge [sflag:s22], s20  }
0x9f: {  	s4 =	ssub.s32 $0x0, s20;
	[sflag:s22] =	ssyncset.done $0x0  }
0xa0: {  	[sflag:s22] =	ssyncadd.s32 s4;
	_ =	sdelay $0x1  }
0xa1: {  	s23 =	simm.s32 $0x1B8B  }
0xa2: {  	_ =	swait.ge [sflag:s23], $0x1  }
0xa3: {  	[sflag:s23] =	ssyncset.done $0x0  }
0xa4: {  	s25 =	simm.s32 $0x1B8E;
	s24 =	sld [smem:$0x3FFE];
	[sflag:s23] =	ssyncadd.s32 $0xFFFFFFFF  }
0xa5: {  	s26 =	simm.s32 $execute0_lowered;
	[smem:$0x3FD2] =	sst s25  }
0xa6: {  	s5 =	sshll.u32 s26, $0x1;
	_ =	strace $0x80000046;
	[dreg:$0x1] =	wrdreg $0xFFFFFFFF  }
0xa7: {  	s28 =	simm.s32 $_size_execute0_lowered;
	s3 =	sadd.s32 s3, s5;
	[dreg:$0x0] =	wrdreg $0x0  }
0xa8: {  	s5 =	sshll.u32 s28, $0x1;
	[dreg:$0x2] =	wrdreg s3  }
0xa9: {  	[dreg:$0x3] =	wrdreg s5  }
0xaa: {  	[dreg:$0x4] =	wrdreg $0xC0  }
0xab: {  	_ =	task [dreg:s7], $0x5FFFF  }
0xac: {  	[dreg:$0x1] =	wrdreg $0xFFFFFFFF  }
0xad: {  	[dreg:$0x0] =	wrdreg $0x60  }
0xae: {  	[dreg:$0x2] =	wrdreg s24  }
0xaf: {  	[dreg:$0x3] =	wrdreg s2  }
0xb0: {  	[dreg:$0x4] =	wrdreg $0x92900  }
0xb1: {  	[dreg:$0x5] =	wrdreg $0x1D2900  }
0xb2: {  	[dreg:$0x6] =	wrdreg $0x9  }
0xb3: {  	_ =	task.clear_ibuf [dreg:s7], $0x7FFFF;
	_ =	strace $0x90000046  }
0xb4: {  	s29 =	simm.s32 $0x9;
	_ =	strace $0x80000048  }
0xb5: {  	_ =	swait.ge [sflag:s29], $0x1  }
0xb6: {  	[sflag:s29] =	ssyncadd.s32 $0xFFFFFFFF  }
0xb7: {  	_ =	strace $0x90000048  }
0xb8: {  	_ =	sfence  }
0xb9: {  	s30 =	sld [smem:$0x0];
	_ =	sdelay $0x2  }
0xba: {  	s31 =	sshll.u32 s1, $0xD;
	s1 =	sshrl.u32 s1, $0x2  }
0xbb: {  	s3 =	sand.u32 $0x4000, s31;
	s1 =	sadd.s32 s1, s30  }
0xbc: {  	s0 =	sor.u32 s3, s0;
	s1 =	sshll.u32 s1, $0x11  }
0xbd: {  	s0 =	sor.u32 s1, s0  }
0xbe: {  	s0 =	sadd.s32 $0x8F2B, s0  }
0xbf: {  	[sflag:s0] =	ssyncadd.remote.s32 $0x1  }
0xc0: {  	_ =	sfence.sel $0xFFFF  }
0xc1: {  	[dreg:$0x0] =	wrdreg $0xFFFFFFFF;
	(pc) =	sbr.abs _section_cstart, $3  }
0xc2: {  	[dreg:$0x1] =	wrdreg $0xFFFFFFFF  }
0xc3: {  	_ =	task.clear_ibuf [dreg:s7], $0x2FFFF;
	_ =	strace $0x9FFFFFFF  }
0xc4: {  	(tm) =	ssettm $0x7FFFFFFF  }
0xc5: {  	_ =	shalt  }
tec
execute0_lowered:
.L_overlay_start_1:
0x0: {  	(tag) =	ssettag $0x1  }
0x1: {  	s0 =	rddreg [dreg:$0x0]  }
0x2: {  	s31 =	rddreg [dreg:$0x1]  }
0x3: {  	s17 =	rddreg [dreg:$0x2]  }
0x4: {  	s18 =	rddreg [dreg:$0x3]  }
0x5: {  	s5 =	simm.s32 $0x0;
	s16 =	stileid.u32;
	s1 =	srdreg.scid  }
0x6: {  	[smem:$0x7FF] =	sst s5;
	s2 =	smul.u32 $0x14000, s16  }
0x7: {  	s1 =	sand.u32 $0x1, s1;
	s6 =	sadd.s32 $0x15600, s0;
	s7 =	sadd.s32 $0x3C800, s0  }
0x8: {  	s8 =	sadd.s32 $0xB800, s0;
	s4 =	smul.u32 $0x2800, s16;
	s9 =	sadd.s32 $0x1A00, s0  }
0x9: {  	s14 =	sshll.u32 s16, $0x1;
	s19 =	sshll.u32 s16, $0x6;
	s3 =	smul.u32 $0x140000, s1  }
0xa: {  	s16 =	simm.s32 $0x3;
	_ =	strace $0x80000047;
	s12 =	smul.u32 $0x28000, s1  }
0xb: {  	s13 =	ssub.s32 $0x2, s1;
	s1 =	sor.u32 s1, s14;
	s10 =	sshrl.u32 s2, $0x3  }
0xc: {  	s11 =	sshrl.u32 s4, $0x3;
	s15 =	sshrl.u32 s13, $0x1;
	s1 =	smul.u32 $0x2710, s1  }
0xd: {  	s20 =	sadd.s32 s4, s18;
	s3 =	sadd.s32 s2, s3;
	s10 =	sadd.s32 s10, s0  }
0xe: {  	s11 =	sadd.s32 s11, s0;
	s12 =	sadd.s32 s4, s12;
	s14 =	ssub.s32 s13, s15  }
0xf: {  	s2 =	sadd.s32 s2, s17;
	s15 =	smov.u32 s18;
	[dreg:$0x8] =	wrdreg s20  }
0x10: {  	s13 =	simm.s32 $0x6540;
	[dreg:$0x5] =	wrdreg s2;
	s17 =	sadd.s32 $0x46800, s10  }
0x11: {  	s18 =	simm.s32 $0x5;
	s22 =	sadd.s32 $0x41800, s11;
	[dreg:$0x6] =	wrdreg s17  }
0x12: {  	s3 =	sshrl.u32 s3, $0x3;
	s28 =	sadd.s32 $0xA0, s1;
	[dreg:$0x9] =	wrdreg s22  }
0x13: {  	s21 =	sshrl.u32 s1, $0x3;
	s1 =	sadd.s32 $0xF0, s1;
	[dreg:$0xe] =	wrdreg s28  }
0x14: {  	s12 =	sshrl.u32 s12, $0x3;
	s30 =	smax.u32 s14, $0x1;
	[dreg:$0xf] =	wrdreg s1  }
0x15: {  	s10 =	sor.u32 $0x1C06, s19;
	s11 =	simm.s32 $0x1;
	[dreg:$0x12] =	wrdreg s30  }
0x16: {  	s3 =	sadd.s32 s3, s0;
	s23 =	sadd.s32 s8, s21;
	[dreg:$0x7] =	wrdreg s10  }
0x17: {  	s24 =	sadd.s32 $0xA, s21;
	s2 =	sadd.s32 s9, s21;
	[dreg:$0xa] =	wrdreg s23  }
0x18: {  	s0 =	sadd.s32 s12, s0;
	[dreg:$0xb] =	wrdreg s2;
	s25 =	sadd.s32 s8, s24  }
0x19: {  	s1 =	simm.s32 $0x6;
	s26 =	sadd.s32 s9, s24;
	[dreg:$0xc] =	wrdreg s25  }
0x1a: {  	s17 =	simm.s32 $0x2;
	s29 =	sadd.s32 $0x78800, s3;
	[dreg:$0xd] =	wrdreg s26  }
0x1b: {  	s21 =	simm.s32 $0x4;
	s0 =	sadd.s32 $0x6E800, s0;
	[dreg:$0x10] =	wrdreg s29  }
0x1c: {  	s2 =	simm.s32 $0x0;
	[dreg:$0x11] =	wrdreg s0;
	s25 =	simm.s32 $0x50  }
.LBB2_1:
0x1d: {  	[dreg:$0x13] =	wrdreg s2  }
0x1e: {  	s0 =	rddreg [dreg:$0x5]  }
0x1f: {  	s30 =	rddreg [dreg:$0x6];
	s29 =	sshrl.u32 s0, $0x3  }
0x20: {  	[dreg:$0x14] =	wrdreg s29  }
0x21: {  	[spmem:s29], [sflag:s10] =	dma.local [hbm:s30], $0x2800  }
0x22: {  	_ =	swait.ge [sflag:s1], $0x2800  }
0x23: {  	s3 =	rddreg [dreg:$0x8]  }
0x24: {  	[sflag:s1] =	ssyncset.done $0x0;
	s12 =	rddreg [dreg:$0x9];
	s4 =	sshrl.u32 s3, $0x3  }
0x25: {  	[sflag:s1] =	ssyncadd.s32 $0xFFFFD800;
	[dreg:$0x15] =	wrdreg s4  }
0x26: {  	[spmem:s4], [sflag:s10] =	dma.local [hbm:s12], $0x500  }
0x27: {  	_ =	swait.ge [sflag:s1], $0x500  }
0x28: {  	[sflag:s1] =	ssyncset.done $0x0  }
0x29: {  	[sflag:s1] =	ssyncadd.s32 $0xFFFFFB00  }
0x2a: {  	[bflag:$0x0] =	sbarrier.arrive $0xFFFF  }
0x2b: {  	s14 =	rddreg [dreg:$0xa]  }
0x2c: {  	[tilespmem:s5], [sflag:$0x6] =	stream.linear.gather [hbm4b:s14+s5], $0x50, $0x38;
	[tilespmem:$0x1FA90] =	vst v63  }
0x2d: {  	_ =	swait.ge [sflag:s1], $0x50  }
0x2e: {  	[sflag:s1] =	ssyncset.done $0x0  }
0x2f: {  	s19 =	rddreg [dreg:$0xb];
	[sflag:s1] =	ssyncadd.s32 $0xFFFFFFB0  }
0x30: {  	[tilespmem:s25], [sflag:$0x6] =	stream.linear.gather [hbm4b:s19+s5], $0x50, $0x38;
	[tilespmem:$0x1FA90] =	vst v63  }
0x31: {  	_ =	swait.ge [sflag:s1], $0x50  }
0x32: {  	[sflag:s1] =	ssyncset.done $0x0  }
0x33: {  	s20 =	simm.s32 $0xA0;
	[sflag:s1] =	ssyncadd.s32 $0xFFFFFFB0  }
0x34: {  	[tilespmem:s20], [sflag:$0x1] =	stream.indirect.gather [hbm4b:s31+s25], $0x10, s5, s25, $0xb8;
	[tilespmem:$0x1FA90] =	vst v63  }
0x35: {  	s22 =	simm.s32 $0x5A0  }
0x36: {  	[tilespmem:s22], [sflag:$0x1] =	stream.indirect.gather [hbm4b:s7+s25], $0x10, s25, s25, $0xb8;
	[tilespmem:$0x1FA90] =	vst v63  }
0x37: {  	s23 =	simm.s32 $0xAA0  }
0x38: {  	[tilespmem:s23], [sflag:$0x1] =	stream.indirect.gather [hbm4b:s6+s25], $0x80, s5, s25, $0xb8;
	[tilespmem:$0x1FA90] =	vst v63  }
0x39: {  	s26 =	simm.s32 $0x32A0;
	s24 =	rddreg [dreg:$0xc]  }
0x3a: {  	[tilespmem:s26], [sflag:$0x6] =	stream.linear.gather [hbm4b:s24+s5], $0x50, $0x38;
	[tilespmem:$0x1FA90] =	vst v63  }
0x3b: {  	_ =	swait.ge [sflag:s1], $0x50  }
0x3c: {  	[sflag:s1] =	ssyncset.done $0x0  }
0x3d: {  	s3 =	simm.s32 $0x32F0;
	s28 =	rddreg [dreg:$0xd];
	[sflag:s1] =	ssyncadd.s32 $0xFFFFFFB0  }
0x3e: {  	[tilespmem:s3], [sflag:$0x6] =	stream.linear.gather [hbm4b:s28+s5], $0x50, $0x38;
	[tilespmem:$0x1FA90] =	vst v63  }
0x3f: {  	_ =	swait.ge [sflag:s1], $0x50  }
0x40: {  	[sflag:s1] =	ssyncset.done $0x0  }
0x41: {  	s29 =	simm.s32 $0x3340;
	[sflag:s1] =	ssyncadd.s32 $0xFFFFFFB0  }
0x42: {  	[tilespmem:s29], [sflag:$0x2] =	stream.indirect.gather [hbm4b:s31+s25], $0x10, s26, s25, $0xb8;
	[tilespmem:$0x1FA90] =	vst v63  }
0x43: {  	s30 =	simm.s32 $0x3840  }
0x44: {  	[tilespmem:s30], [sflag:$0x2] =	stream.indirect.gather [hbm4b:s7+s25], $0x10, s3, s25, $0xb8;
	[tilespmem:$0x1FA90] =	vst v63  }
0x45: {  	s14 =	smov.u32 s31;
	s23 =	simm.s32 $0x0;
	s31 =	simm.s32 $0x3D40  }
0x46: {  	[tilespmem:s31], [sflag:$0x2] =	stream.indirect.gather [hbm4b:s6+s25], $0x80, s26, s25, $0xb8;
	[tilespmem:$0x1FA90] =	vst v63  }
.LBB2_2:
0x47: {  	_ =	swait.ge [sflag:s11], $0x500  }
0x48: {  	[sflag:s11] =	ssyncset.done $0x0  }
0x49: {  	[sflag:s11] =	ssyncadd.s32 $0xFFFFFB00  }
0x4a: {  	_ =	swait.ge [sflag:s11], $0x500  }
0x4b: {  	[sflag:s11] =	ssyncset.done $0x0  }
0x4c: {  	[sflag:s11] =	ssyncadd.s32 $0xFFFFFB00  }
0x4d: {  	_ =	swait.ge [sflag:s11], $0x2800  }
0x4e: {  	p0 =	seq.s32 s23, $0x0;
	[sflag:s11] =	ssyncset.done $0x0  }
0x4f: {  	s0 =	simm.s32 @!p0 $0x5;
	[sflag:s11] =	ssyncadd.s32 $0xFFFFD800  }
0x50: {  	_ =	swait.ge @!p0 [sflag:s0], $0x2800  }
0x51: {  	[sflag:s0] =	ssyncset.done @!p0 $0x0  }
0x52: {  	[sflag:s0] =	ssyncadd.s32 @!p0 $0xFFFFD800  }
0x53: {  	_ =	swait.ge @!p0 [sflag:s0], $0x500  }
0x54: {  	[sflag:s0] =	ssyncset.done @!p0 $0x0  }
0x55: {  	[sflag:s0] =	ssyncadd.s32 @!p0 $0xFFFFFB00  }
0x56: {  	v0 =	vld [tilespmem:$0x50]  }
0x57: {  	v1 =	vld [tilespmem:$0x60]  }
0x58: {  	v2 =	vld [tilespmem:$0x70]  }
0x59: {  	v3 =	vld [tilespmem:$0x80]  }
0x5a: {  	v4 =	vld [tilespmem:$0x90]  }
0x5b: {  	s12 =	smul.u32 $0xA0, s23;
	[tilespmem:$0x6540] =	vst v0  }
0x5c: {  	s19 =	rddreg [dreg:$0xe];
	[tilespmem:$0x6550] =	vst v1  }
0x5d: {  	s0 =	sadd.s32 s12, s19;
	[tilespmem:$0x6560] =	vst v2  }
0x5e: {  	s0 =	sshrl.u32 s0, $0x3;
	[tilespmem:$0x6570] =	vst v3  }
0x5f: {  	s1 =	sadd.s32 s8, s0;
	[tilespmem:$0x6580] =	vst v4  }
0x60: {  	[tilespmem:s5], [sflag:$0x3] =	stream.linear.gather [hbm4b:s1+s5], $0x50, $0x38;
	[tilespmem:$0x1FA90] =	vst v63  }
0x61: {  	s20 =	simm.s32 $0xC0;
	s0 =	sadd.s32 s9, s0  }
0x62: {  	[tilespmem:s25], [sflag:$0x3] =	stream.linear.gather [hbm4b:s0+s5], $0x50, $0x38;
	[tilespmem:$0x1FA90] =	vst v63  }
0x63: {  	s22 =	simm.s32 $0x5C0;
	v0 =	vld [tilespmem:s20+$0x10]  }
0x64: {  	v1 =	vld [tilespmem:s22+$0x10];
	_ =	sdelay $0x4  }
0x65: {  	v0 =	vadd.f32 v1, v0;
	_ =	sdelay $0x1  }
0x66: {  	v1 =	vmul.f32 $2.000000030e-01, v0  }
0x67: {  	vm0 =	vge.f32 v0, $0.0e+00  }
0x68: {  	v0 =	vsel vm0, v0, v1  }
0x69: {  	v0 =	vmul.f32 $1.442695020e+00, v0;
	_ =	sdelay $0x1  }
0x6a: {  	v2 =	vld [tilespmem:s22+$0xFFFFFFF0];
	(erf) = vpow2.f32 v0  }
0x6b: {  	v1 =	vld [tilespmem:s20+$0xFFFFFFF0]  }
0x6c: {  	v3 =	vld [tilespmem:s20+$0xFFFFFFE0]  }
0x6d: {  	v4 =	vld [tilespmem:s20+$0x0]  }
0x6e: {  	v0 =	vld [tilespmem:s22+$0xFFFFFFE0]  }
0x6f: {  	v5 =	vld [tilespmem:s22+$0x0]  }
0x70: {  	v1 =	vadd.f32 v2, v1;
	_ =	sdelay $0x1  }
0x71: {  	v2 =	vmul.f32 $2.000000030e-01, v1  }
0x72: {  	s24 =	simm.s32 $0x65B0;
	vm7 =	vge.f32 v1, $0.0e+00;
	v3 =	vadd.f32 v0, v3;
	v0 =	vpop (erf)  }
0x73: {  	s31 =	simm.s32 $0xBA0;
	v1 =	vsel vm7, v1, v2;
	v2 =	vadd.f32 v5, v4;
	[tilespmem:s24+$0x10] =	vst v0  }
0x74: {  	v4 =	vmul.f32 $2.000000030e-01, v3;
	v1 =	vmul.f32 $1.442695020e+00, v1;
	v5 =	vld [tilespmem:s31+$0x80]  }
0x75: {  	vm8 =	vge.f32 v3, $0.0e+00;
	v6 =	vmul.f32 $2.000000030e-01, v2  }
0x76: {  	vm9 =	vge.f32 v2, $0.0e+00;
	v3 =	vsel vm8, v3, v4;
	(erf) = vpow2.f32 v1  }
0x77: {  	v1 =	vmul.f32 $1.442695020e+00, v3;
	v2 =	vsel vm9, v2, v6;
	v3 =	vbroadcast v0, $0x0  }
0x78: {  	v2 =	vmul.f32 $1.442695020e+00, v2  }
0x79: {  	(erf) = vpow2.f32 v1;
	v1 =	vmul.f32 v3, v5  }
0x7a: {  	s22 =	simm.s32 $0x6B90  }
0x7b: {  	(erf) = vpow2.f32 v2;
	[tilespmem:s22+$0x80] =	vst v1  }
0x7c: {  	v1 =	vld [tilespmem:s31+$0x90];
	_ =	sdelay $0x1  }
0x7d: {  	s26 =	simm.s32 $0x100  }
0x7e: {  	s2 =	simm.s32 $0x600;
	v11 =	vld [tilespmem:s26+$0xFFFFFFF0];
	v2 =	vbroadcast v0, $0x1  }
0x7f: {  	v14 =	vld [tilespmem:s2+$0xFFFFFFF0]  }
0x80: {  	v6 =	vld [tilespmem:s2+$0x10];
	v3 =	vpop (erf);
	v1 =	vmul.f32 v2, v1  }
0x81: {  	[tilespmem:s24+$0xFFFFFFF0] =	vst v3;
	v2 =	vld [tilespmem:s26+$0x10]  }
0x82: {  	v4 =	vld [tilespmem:s31+$0xFFFFFF80];
	v5 =	vpop (erf);
	[tilespmem:s22+$0x90] =	vst v1  }
0x83: {  	v7 =	vpop (erf);
	v1 =	vld [tilespmem:s31+$0xA0]  }
0x84: {  	v16 =	vld [tilespmem:s2+$0xFFFFFFE0];
	v13 =	vbroadcast v0, $0x2;
	[tilespmem:s24+$0x0] =	vst v7  }
0x85: {  	v10 =	vbroadcast v3, $0x0;
	v18 =	vbroadcast v3, $0x1;
	[tilespmem:s24+$0xFFFFFFE0] =	vst v5;
	v9 =	vld [tilespmem:s31+$0x0]  }
0x86: {  	v25 =	vbroadcast v3, $0x4;
	v12 =	vbroadcast v5, $0x0;
	v8 =	vld [tilespmem:s31+$0xFFFFFF00];
	v2 =	vadd.f32 v6, v2  }
0x87: {  	v17 =	vld [tilespmem:s26+$0x0];
	v4 =	vmul.f32 v10, v4;
	v6 =	vbroadcast v7, $0x0  }
0x88: {  	v21 =	vld [tilespmem:s26+$0xFFFFFFE0];
	v1 =	vmul.f32 v13, v1;
	v13 =	vmul.f32 $2.000000030e-01, v2  }
0x89: {  	v15 =	vbroadcast v5, $0x1;
	v19 =	vbroadcast v5, $0x2;
	v10 =	vld [tilespmem:s2+$0x0];
	[tilespmem:s22+$0xFFFFFF80] =	vst v4;
	vm10 =	vge.f32 v2, $0.0e+00  }
0x8a: {  	v23 =	vbroadcast v5, $0x3;
	v6 =	vmul.f32 v6, v9;
	v9 =	vld [tilespmem:s31+$0xFFFFFF90];
	[tilespmem:s22+$0xA0] =	vst v1;
	v1 =	vsel vm10, v2, v13  }
0x8b: {  	v2 =	vmul.f32 v12, v8;
	v8 =	vld [tilespmem:s31+$0xB0];
	v1 =	vmul.f32 $1.442695020e+00, v1  }
0x8c: {  	v20 =	vbroadcast v7, $0x1;
	v4 =	vadd.f32 v14, v11;
	v11 =	vbroadcast v3, $0x2  }
0x8d: {  	v14 =	vadd.f32 v16, v21;
	v16 =	vbroadcast v3, $0x3;
	[tilespmem:s22+$0xFFFFFF00] =	vst v2;
	(erf) = vpow2.f32 v1  }
0x8e: {  	[tilespmem:s22+$0x0] =	vst v6;
	v12 =	vbroadcast v0, $0x3;
	v2 =	vmul.f32 $2.000000030e-01, v4;
	v6 =	vld [tilespmem:s31+$0xFFFFFF10]  }
0x8f: {  	v21 =	vbroadcast v3, $0x6;
	vm11 =	vge.f32 v4, $0.0e+00;
	v13 =	vld [tilespmem:s31+$0x10];
	v9 =	vmul.f32 v18, v9  }
0x90: {  	s3 =	simm.s32 $0x640;
	v2 =	vsel vm11, v4, v2;
	v4 =	vadd.f32 v10, v17;
	v8 =	vmul.f32 v8, v12  }
0x91: {  	v37 =	vld [tilespmem:s3+$0x10];
	v10 =	vmul.f32 $2.000000030e-01, v14;
	v2 =	vmul.f32 $1.442695020e+00, v2  }
0x92: {  	v42 =	vld [tilespmem:s3+$0xFFFFFFF0];
	vm12 =	vge.f32 v14, $0.0e+00;
	v12 =	vmul.f32 $2.000000030e-01, v4;
	vm1 =	vge.f32 v4, $0.0e+00;
	[tilespmem:s22+$0xB0] =	vst v8  }
0x93: {  	[tilespmem:s22+$0xFFFFFF90] =	vst v9;
	(erf) = vpow2.f32 v2;
	v2 =	vmul.f32 v15, v6;
	v6 =	vsel vm12, v14, v10;
	v8 =	vld [tilespmem:s31+$0xC0]  }
0x94: {  	v9 =	vld [tilespmem:s31+$0xFFFFFFA0];
	v4 =	vsel vm1, v4, v12;
	v10 =	vmul.f32 v20, v13;
	v6 =	vmul.f32 $1.442695020e+00, v6  }
0x95: {  	v61 =	vld [tilespmem:s3+$0x0];
	v1 =	vbroadcast v7, $0x2;
	v4 =	vmul.f32 $1.442695020e+00, v4;
	[tilespmem:s22+$0xFFFFFF10] =	vst v2  }
0x96: {  	s1 =	simm.s32 $0x65F0;
	[tilespmem:s22+$0x10] =	vst v10;
	v2 =	vbroadcast v0, $0x4;
	v13 =	vld [tilespmem:s31+$0xFFFFFF20];
	(erf) = vpow2.f32 v6;
	v15 =	vpop (erf)  }
0x97: {  	s28 =	simm.s32 $0xDA0;
	v17 =	vbroadcast v3, $0x5;
	(erf) = vpow2.f32 v4;
	v4 =	vld [tilespmem:s31+$0x20];
	[tilespmem:s1+$0x10] =	vst v15  }
0x98: {  	s2 =	simm.s32 $0x140;
	v12 =	vbroadcast v5, $0x5;
	v8 =	vmul.f32 v8, v2;
	v18 =	vld [tilespmem:s28+$0x80]  }
0x99: {  	v34 =	vld [tilespmem:s2+$0x10];
	v20 =	vbroadcast v7, $0x5;
	v9 =	vmul.f32 v11, v9  }
0x9a: {  	v40 =	vld [tilespmem:s2+$0xFFFFFFF0];
	v10 =	vbroadcast v7, $0x3;
	v6 =	vbroadcast v5, $0x4;
	[tilespmem:s22+$0xC0] =	vst v8  }
0x9b: {  	[tilespmem:s22+$0xFFFFFFA0] =	vst v9;
	v11 =	vbroadcast v15, $0x0;
	v41 =	vbroadcast v15, $0x2;
	v9 =	vld [tilespmem:s31+$0xD0]  }
0x9c: {  	v24 =	vld [tilespmem:s31+$0xFFFFFFB0];
	v46 =	vbroadcast v15, $0x3;
	v8 =	vmul.f32 v19, v13;
	v14 =	vpop (erf)  }
0x9d: {  	v44 =	vld [tilespmem:s2+$0x0];
	v1 =	vmul.f32 v1, v4;
	[tilespmem:s1+$0xFFFFFFF0] =	vst v14;
	v4 =	vmul.f32 v11, v18  }
0x9e: {  	s24 =	simm.s32 $0x6D90;
	v54 =	vbroadcast v15, $0x5;
	[tilespmem:s22+$0xFFFFFF20] =	vst v8;
	v8 =	vld [tilespmem:s28+$0xFFFFFF80];
	v18 =	vbroadcast v0, $0x5  }
0x9f: {  	v62 =	vld [tilespmem:s2+$0xFFFFFFE0];
	v2 =	vbroadcast v7, $0x4;
	v19 =	vbroadcast v5, $0x6;
	v13 =	vpop (erf);
	[tilespmem:s24+$0x80] =	vst v4  }
0xa0: {  	v5 =	vbroadcast v5, $0x7;
	[tilespmem:s1+$0xFFFFFFE0] =	vst v13;
	v22 =	vpop (erf);
	v9 =	vmul.f32 v9, v18;
	v18 =	vld [tilespmem:s28+$0x90]  }
0xa1: {  	v27 =	vbroadcast v14, $0x0;
	v16 =	vmul.f32 v24, v16;
	v24 =	vld [tilespmem:s28+$0xFFFFFF00];
	[tilespmem:s1+$0x0] =	vst v22  }
0xa2: {  	[tilespmem:s22+$0x20] =	vst v1;
	v1 =	vbroadcast v7, $0x6;
	v4 =	vbroadcast v3, $0x7;
	v28 =	vld [tilespmem:s28+$0x0]  }
0xa3: {  	v11 =	vld [tilespmem:s31+$0xFFFFFF30];
	v8 =	vmul.f32 v27, v8;
	[tilespmem:s22+$0xD0] =	vst v9;
	v9 =	vbroadcast v15, $0x1  }
0xa4: {  	v26 =	vld [tilespmem:s31+$0x30];
	v3 =	vbroadcast v7, $0x7;
	v27 =	vbroadcast v13, $0x0  }
0xa5: {  	v29 =	vbroadcast v22, $0x0;
	v7 =	vld [tilespmem:s31+$0xE0];
	[tilespmem:s24+$0xFFFFFF80] =	vst v8;
	v9 =	vmul.f32 v9, v18  }
0xa6: {  	v32 =	vbroadcast v14, $0x1;
	v31 =	vld [tilespmem:s28+$0xFFFFFF90];
	v27 =	vmul.f32 v27, v24  }
0xa7: {  	v36 =	vbroadcast v14, $0x2;
	v28 =	vmul.f32 v29, v28;
	v29 =	vld [tilespmem:s3+$0xFFFFFFE0];
	[tilespmem:s24+$0x90] =	vst v9  }
0xa8: {  	v39 =	vbroadcast v14, $0x3;
	v33 =	vbroadcast v13, $0x2;
	[tilespmem:s24+$0xFFFFFF00] =	vst v27;
	v9 =	vld [tilespmem:s28+$0xA0]  }
0xa9: {  	v34 =	vadd.f32 v37, v34;
	[tilespmem:s22+$0xFFFFFFB0] =	vst v16;
	v16 =	vbroadcast v13, $0x3;
	v24 =	vbroadcast v0, $0x6;
	v63 =	vld [tilespmem:s28+$0xFFFFFF10]  }
0xaa: {  	v45 =	vadd.f32 v61, v44;
	v30 =	vld [tilespmem:s31+$0xFFFFFFC0];
	v35 =	vbroadcast v22, $0x1;
	v38 =	vbroadcast v22, $0x2  }
0xab: {  	vm13 =	vge.f32 v34, $0.0e+00;
	v43 =	vmul.f32 v11, v23;
	v7 =	vmul.f32 v7, v24  }
0xac: {  	v8 =	vbroadcast v13, $0x1;
	v27 =	vadd.f32 v42, v40;
	[tilespmem:s24+$0x0] =	vst v28;
	v31 =	vmul.f32 v32, v31  }
0xad: {  	s10 =	simm.s32 $0x180;
	vm15 =	vge.f32 v45, $0.0e+00;
	v10 =	vmul.f32 v26, v10;
	[tilespmem:s22+$0xE0] =	vst v7;
	v9 =	vmul.f32 v41, v9  }
0xae: {  	v57 =	vld [tilespmem:s10+$0x10];
	v28 =	vmul.f32 $2.000000030e-01, v27;
	[tilespmem:s24+$0xFFFFFF90] =	vst v31;
	v29 =	vadd.f32 v29, v62;
	v8 =	vmul.f32 v8, v63  }
0xaf: {  	v25 =	vmul.f32 v30, v25;
	vm14 =	vge.f32 v27, $0.0e+00;
	v31 =	vld [tilespmem:s28+$0x10];
	[tilespmem:s24+$0xA0] =	vst v9;
	v9 =	vmul.f32 $2.000000030e-01, v34  }
0xb0: {  	v7 =	vsel vm14, v27, v28;
	v41 =	vmul.f32 $2.000000030e-01, v45;
	v48 =	vmul.f32 $2.000000030e-01, v29;
	[tilespmem:s24+$0xFFFFFF10] =	vst v8;
	v30 =	vld [tilespmem:s28+$0xB0]  }
0xb1: {  	[tilespmem:s22+$0x30] =	vst v10;
	v7 =	vmul.f32 $1.442695020e+00, v7;
	vm2 =	vge.f32 v29, $0.0e+00;
	v10 =	vld [tilespmem:s28+$0xFFFFFF20];
	v9 =	vsel vm13, v34, v9  }
0xb2: {  	v28 =	vld [tilespmem:s31+$0xF0];
	v27 =	vsel vm15, v45, v41;
	v29 =	vsel vm2, v29, v48;
	v9 =	vmul.f32 $1.442695020e+00, v9  }
0xb3: {  	v47 =	vld [tilespmem:s28+$0xFFFFFFA0];
	v27 =	vmul.f32 $1.442695020e+00, v27;
	v29 =	vmul.f32 $1.442695020e+00, v29  }
0xb4: {  	[tilespmem:s22+$0xFFFFFF30] =	vst v43;
	v8 =	vmul.f32 v35, v31;
	v31 =	vld [tilespmem:s31+$0x40];
	(erf) = vpow2.f32 v9  }
0xb5: {  	[tilespmem:s22+$0xFFFFFFC0] =	vst v25;
	v9 =	vld [tilespmem:s31+$0xFFFFFF40];
	v30 =	vmul.f32 v30, v46;
	(erf) = vpow2.f32 v7  }
0xb6: {  	[tilespmem:s24+$0x10] =	vst v8;
	v50 =	vmul.f32 v33, v10;
	(erf) = vpow2.f32 v29;
	v29 =	vld [tilespmem:s31+$0xFFFFFFD0]  }
0xb7: {  	v0 =	vbroadcast v0, $0x7;
	[tilespmem:s24+$0xB0] =	vst v30;
	(erf) = vpow2.f32 v27;
	v27 =	vld [tilespmem:s28+$0x20]  }
0xb8: {  	v23 =	vbroadcast v13, $0x4;
	v7 =	vmul.f32 v36, v47;
	[tilespmem:s24+$0xFFFFFF20] =	vst v50;
	v30 =	vld [tilespmem:s28+$0xC0]  }
0xb9: {  	v10 =	vmul.f32 v28, v0;
	v0 =	vmul.f32 v31, v2;
	v52 =	vld [tilespmem:s28+$0xFFFFFF30]  }
0xba: {  	v44 =	vld [tilespmem:s10+$0x0];
	v11 =	vbroadcast v13, $0x5;
	[tilespmem:s24+$0xFFFFFFA0] =	vst v7;
	v6 =	vmul.f32 v9, v6  }
0xbb: {  	v26 =	vbroadcast v14, $0x4;
	[tilespmem:s22+$0x40] =	vst v0;
	v49 =	vld [tilespmem:s28+$0xFFFFFFB0];
	v9 =	vbroadcast v15, $0x4  }
0xbc: {  	v18 =	vbroadcast v22, $0x3;
	v25 =	vbroadcast v14, $0x5;
	v37 =	vld [tilespmem:s31+$0x50];
	[tilespmem:s22+$0xFFFFFF40] =	vst v6  }
0xbd: {  	s4 =	simm.s32 $0x6630;
	s3 =	simm.s32 $0x680;
	v17 =	vmul.f32 v29, v17;
	v7 =	vpop (erf);
	v9 =	vmul.f32 v30, v9;
	v30 =	vld [tilespmem:s31+$0xFFFFFF50]  }
0xbe: {  	s0 =	simm.s32 $0xFA0;
	v31 =	vmul.f32 v38, v27;
	v35 =	vmul.f32 v52, v16;
	v52 =	vld [tilespmem:s3+$0xFFFFFFE0];
	[tilespmem:s4+$0x10] =	vst v7  }
0xbf: {  	v24 =	vbroadcast v22, $0x4;
	v8 =	vbroadcast v22, $0x5;
	[tilespmem:s22+$0xFFFFFFD0] =	vst v17;
	v28 =	vld [tilespmem:s0+$0x80]  }
0xc0: {  	v2 =	vbroadcast v22, $0x6;
	v34 =	vmul.f32 v49, v39;
	[tilespmem:s24+$0x20] =	vst v31;
	v49 =	vld [tilespmem:s31+$0xFFFFFFE0]  }
0xc1: {  	v0 =	vbroadcast v22, $0x7;
	v6 =	vbroadcast v13, $0x6;
	v27 =	vpop (erf);
	[tilespmem:s24+$0xC0] =	vst v9;
	v29 =	vld [tilespmem:s28+$0x30]  }
0xc2: {  	v13 =	vbroadcast v13, $0x7;
	v53 =	vbroadcast v7, $0x0;
	[tilespmem:s4+$0xFFFFFFF0] =	vst v27;
	v32 =	vpop (erf);
	v51 =	vld [tilespmem:s28+$0xD0]  }
0xc3: {  	v17 =	vbroadcast v15, $0x6;
	v20 =	vmul.f32 v37, v20;
	[tilespmem:s4+$0xFFFFFFE0] =	vst v32;
	v22 =	vld [tilespmem:s0+$0xFFFFFF80]  }
0xc4: {  	v9 =	vbroadcast v14, $0x6;
	[tilespmem:s24+$0xFFFFFFB0] =	vst v34;
	v31 =	vpop (erf);
	v55 =	vld [tilespmem:s0+$0xFFFFFF00];
	v28 =	vmul.f32 v53, v28  }
0xc5: {  	s2 =	simm.s32 $0x6F90;
	v14 =	vbroadcast v14, $0x7;
	v61 =	vbroadcast v27, $0x1;
	v63 =	vld [tilespmem:s28+$0xFFFFFFC0];
	[tilespmem:s4+$0x0] =	vst v31  }
0xc6: {  	v47 =	vbroadcast v27, $0x2;
	v58 =	vbroadcast v32, $0x0;
	v56 =	vld [tilespmem:s0+$0x0];
	[tilespmem:s2+$0x80] =	vst v28  }
0xc7: {  	v12 =	vmul.f32 v30, v12;
	v30 =	vbroadcast v27, $0x0;
	v60 =	vld [tilespmem:s0+$0x90]  }
0xc8: {  	v40 =	vbroadcast v27, $0x3;
	v53 =	vld [tilespmem:s10+$0xFFFFFFF0];
	v33 =	vmul.f32 v51, v54  }
0xc9: {  	[tilespmem:s22+$0xFFFFFF50] =	vst v12;
	v22 =	vmul.f32 v30, v22;
	v36 =	vmul.f32 v58, v55;
	v58 =	vld [tilespmem:s3+$0x10]  }
0xca: {  	v43 =	vbroadcast v32, $0x2;
	v12 =	vbroadcast v7, $0x1;
	v46 =	vld [tilespmem:s31+$0xFFFFFF60];
	[tilespmem:s24+$0xD0] =	vst v33  }
0xcb: {  	v16 =	vbroadcast v32, $0x5;
	v59 =	vbroadcast v31, $0x0;
	[tilespmem:s2+$0xFFFFFF80] =	vst v22;
	v62 =	vld [tilespmem:s28+$0xE0]  }
0xcc: {  	v45 =	vbroadcast v31, $0x1;
	v50 =	vld [tilespmem:s0+$0xFFFFFF90];
	[tilespmem:s2+$0xFFFFFF00] =	vst v36;
	v12 =	vmul.f32 v12, v60  }
0xcd: {  	v48 =	vbroadcast v31, $0x2;
	v38 =	vmul.f32 v59, v56;
	v37 =	vld [tilespmem:s0+$0xFFFFFF10]  }
0xce: {  	v21 =	vmul.f32 v49, v21;
	v30 =	vbroadcast v31, $0x3;
	v54 =	vld [tilespmem:s3+$0xFFFFFFF0];
	v39 =	vadd.f32 v58, v57;
	[tilespmem:s2+$0x90] =	vst v12  }
0xcf: {  	v51 =	vmul.f32 v29, v18;
	v33 =	vbroadcast v32, $0x1;
	[tilespmem:s2+$0x0] =	vst v38;
	v59 =	vld [tilespmem:s0+$0xA0]  }
0xd0: {  	[tilespmem:s24+$0xFFFFFF30] =	vst v35;
	v56 =	vbroadcast v15, $0x7;
	v38 =	vld [tilespmem:s0+$0x10];
	v15 =	vmul.f32 $2.000000030e-01, v39  }
0xd1: {  	[tilespmem:s22+$0xFFFFFFE0] =	vst v21;
	v42 =	vmul.f32 v61, v50;
	v61 =	vld [tilespmem:s10+$0xFFFFFFE0];
	vm4 =	vge.f32 v39, $0.0e+00;
	v12 =	vmul.f32 v62, v17  }
0xd2: {  	v18 =	vbroadcast v7, $0x2;
	[tilespmem:s24+$0x30] =	vst v51;
	v58 =	vld [tilespmem:s28+$0xFFFFFF40];
	v33 =	vmul.f32 v33, v37;
	v15 =	vsel vm4, v39, v15  }
0xd3: {  	v26 =	vmul.f32 v63, v26;
	v60 =	vld [tilespmem:s3+$0x0];
	[tilespmem:s24+$0xE0] =	vst v12;
	v15 =	vmul.f32 $1.442695020e+00, v15  }
0xd4: {  	v29 =	vbroadcast v27, $0x4;
	[tilespmem:s2+$0xFFFFFF10] =	vst v33;
	v55 =	vld [tilespmem:s28+$0xF0];
	v34 =	vmul.f32 v18, v59  }
0xd5: {  	[tilespmem:s24+$0xFFFFFFC0] =	vst v26;
	v19 =	vmul.f32 v46, v19;
	v51 =	vld [tilespmem:s0+$0xFFFFFF20];
	(erf) = vpow2.f32 v15  }
0xd6: {  	v21 =	vbroadcast v7, $0x4;
	v28 =	vbroadcast v32, $0x3;
	v41 =	vadd.f32 v52, v61;
	v61 =	vld [tilespmem:s28+$0xFFFFFFD0];
	[tilespmem:s2+$0xA0] =	vst v34  }
0xd7: {  	v22 =	vbroadcast v32, $0x4;
	v57 =	vbroadcast v7, $0x3;
	[tilespmem:s22+$0xFFFFFF60] =	vst v19;
	v34 =	vadd.f32 v54, v53;
	v62 =	vld [tilespmem:s0+$0xB0]  }
0xd8: {  	v17 =	vbroadcast v31, $0x4;
	[tilespmem:s2+$0xFFFFFF90] =	vst v42;
	v23 =	vmul.f32 v58, v23;
	v52 =	vld [tilespmem:s31+$0xFFFFFF70]  }
0xd9: {  	v12 =	vbroadcast v31, $0x5;
	v54 =	vld [tilespmem:s0+$0xFFFFFFA0];
	v63 =	vmul.f32 $2.000000030e-01, v34  }
0xda: {  	[tilespmem:s24+$0xFFFFFF40] =	vst v23;
	v18 =	vbroadcast v27, $0x5;
	v53 =	vadd.f32 v60, v44;
	v60 =	vld [tilespmem:s28+$0x40];
	vm5 =	vge.f32 v34, $0.0e+00  }
0xdb: {  	s20 =	simm.s32 $0x1C0;
	[tilespmem:s22+$0x50] =	vst v20;
	v15 =	vmul.f32 $2.000000030e-01, v41;
	v19 =	vmul.f32 v55, v56;
	v56 =	vld [tilespmem:s28+$0xFFFFFF50];
	v20 =	vsel vm5, v34, v63  }
0xdc: {  	vm7 =	vge.f32 v41, $0.0e+00;
	v44 =	vld [tilespmem:s20+$0x10];
	v20 =	vmul.f32 $1.442695020e+00, v20;
	v26 =	vmul.f32 v62, v57  }
0xdd: {  	v15 =	vsel vm7, v41, v15;
	v36 =	vmul.f32 v61, v25;
	v59 =	vmul.f32 $2.000000030e-01, v53;
	v63 =	vld [tilespmem:s31+$0x60]  }
0xde: {  	s19 =	simm.s32 $0x6670;
	vm6 =	vge.f32 v53, $0.0e+00;
	v23 =	vpop (erf);
	(erf) = vpow2.f32 v20;
	v20 =	vmul.f32 v47, v54;
	v54 =	vld [tilespmem:s31+$0xFFFFFFF0];
	[tilespmem:s2+$0xB0] =	vst v26  }
0xdf: {  	s10 =	simm.s32 $0x11A0;
	v15 =	vmul.f32 $1.442695020e+00, v15;
	v24 =	vmul.f32 v60, v24;
	v62 =	vsel vm6, v53, v59;
	[tilespmem:s19+$0x10] =	vst v23;
	v49 =	vld [tilespmem:s0+$0xC0]  }
0xe0: {  	[tilespmem:s24+$0xFFFFFFD0] =	vst v36;
	v34 =	vmul.f32 $1.442695020e+00, v62;
	v57 =	vld [tilespmem:s10+$0x80];
	v26 =	vmul.f32 v45, v38  }
0xe1: {  	(erf) = vpow2.f32 v15;
	v38 =	vmul.f32 v43, v51;
	v51 =	vld [tilespmem:s28+$0xFFFFFFE0];
	[tilespmem:s2+$0xFFFFFFA0] =	vst v20  }
0xe2: {  	v25 =	vmul.f32 v52, v5;
	[tilespmem:s24+$0x40] =	vst v24;
	(erf) = vpow2.f32 v34;
	v55 =	vld [tilespmem:s0+$0xFFFFFFB0]  }
0xe3: {  	v11 =	vmul.f32 v56, v11;
	v24 =	vbroadcast v23, $0x0;
	v45 =	vld [tilespmem:s28+$0x50];
	[tilespmem:s2+$0x10] =	vst v26  }
0xe4: {  	v15 =	vbroadcast v32, $0x6;
	[tilespmem:s2+$0xFFFFFF20] =	vst v38;
	v53 =	vld [tilespmem:s0+$0x20];
	v33 =	vmul.f32 v49, v21  }
0xe5: {  	[tilespmem:s24+$0xFFFFFF50] =	vst v11;
	v20 =	vbroadcast v27, $0x6;
	v38 =	vld [tilespmem:s0+$0xFFFFFF30];
	v60 =	vmul.f32 v24, v57  }
0xe6: {  	s26 =	simm.s32 $0x7190;
	v27 =	vbroadcast v27, $0x7;
	v9 =	vmul.f32 v51, v9;
	v49 =	vld [tilespmem:s28+$0xFFFFFF60];
	[tilespmem:s2+$0xC0] =	vst v33  }
0xe7: {  	v37 =	vmul.f32 v63, v1;
	[tilespmem:s26+$0x80] =	vst v60;
	v40 =	vmul.f32 v55, v40;
	v59 =	vld [tilespmem:s0+$0xD0]  }
0xe8: {  	s4 =	simm.s32 $0x6C0;
	v1 =	vbroadcast v31, $0x7;
	v26 =	vbroadcast v32, $0x7;
	v57 =	vld [tilespmem:s10+$0x90];
	[tilespmem:s24+$0xFFFFFFE0] =	vst v9  }
0xe9: {  	v32 =	vmul.f32 v54, v4;
	v21 =	vbroadcast v31, $0x6;
	v55 =	vld [tilespmem:s4+$0xFFFFFFE0];
	[tilespmem:s2+$0xFFFFFFB0] =	vst v40;
	v33 =	vpop (erf)  }
0xea: {  	v31 =	vbroadcast v7, $0x5;
	v58 =	vmul.f32 v48, v53;
	v48 =	vld [tilespmem:s0+$0xFFFFFFC0];
	[tilespmem:s19+$0xFFFFFFF0] =	vst v33;
	v39 =	vpop (erf)  }
0xeb: {  	v61 =	vbroadcast v33, $0x0;
	v50 =	vbroadcast v33, $0x2;
	[tilespmem:s19+$0xFFFFFFE0] =	vst v39;
	v4 =	vld [tilespmem:s10+$0xFFFFFF80];
	v24 =	vpop (erf)  }
0xec: {  	v43 =	vbroadcast v33, $0x3;
	v41 =	vld [tilespmem:s10+$0xFFFFFF00];
	[tilespmem:s19+$0x0] =	vst v24;
	v31 =	vmul.f32 v59, v31  }
0xed: {  	[tilespmem:s2+$0x20] =	vst v58;
	v35 =	vbroadcast v33, $0x4;
	v62 =	vld [tilespmem:s10+$0x0];
	v59 =	vbroadcast v23, $0x1  }
0xee: {  	v5 =	vld [tilespmem:s0+$0x30];
	v6 =	vmul.f32 v49, v6;
	v9 =	vbroadcast v33, $0x6;
	[tilespmem:s2+$0xD0] =	vst v31  }
0xef: {  	v63 =	vbroadcast v39, $0x0;
	v60 =	vmul.f32 v59, v57;
	v58 =	vld [tilespmem:s0+$0xE0]  }
0xf0: {  	v56 =	vbroadcast v24, $0x0;
	v59 =	vld [tilespmem:s20+$0x0];
	v4 =	vmul.f32 v61, v4  }
0xf1: {  	v46 =	vbroadcast v39, $0x1;
	v61 =	vld [tilespmem:s4+$0x10];
	v40 =	vmul.f32 v63, v41;
	[tilespmem:s26+$0x90] =	vst v60  }
0xf2: {  	[tilespmem:s26+$0xFFFFFF80] =	vst v4;
	v4 =	vbroadcast v7, $0x6;
	v41 =	vmul.f32 v56, v62;
	v62 =	vld [tilespmem:s10+$0xA0]  }
0xf3: {  	v47 =	vbroadcast v39, $0x2;
	v48 =	vmul.f32 v48, v29;
	v56 =	vld [tilespmem:s20+$0xFFFFFFF0]  }
0xf4: {  	v34 =	vbroadcast v39, $0x3;
	v53 =	vld [tilespmem:s10+$0xFFFFFF90];
	v4 =	vmul.f32 v58, v4  }
0xf5: {  	v11 =	vbroadcast v24, $0x1;
	v52 =	vbroadcast v24, $0x2;
	[tilespmem:s2+$0xFFFFFFC0] =	vst v48;
	v58 =	vld [tilespmem:s4+$0xFFFFFFF0]  }
0xf6: {  	v36 =	vbroadcast v24, $0x3;
	v57 =	vbroadcast v23, $0x2;
	v42 =	vadd.f32 v61, v44;
	v61 =	vld [tilespmem:s4+$0x0];
	[tilespmem:s2+$0xE0] =	vst v4  }
0xf7: {  	v29 =	vbroadcast v39, $0x5;
	[tilespmem:s26+$0xFFFFFF00] =	vst v40;
	v40 =	vmul.f32 v45, v8;
	v63 =	vld [tilespmem:s0+$0xF0]  }
0xf8: {  	v31 =	vbroadcast v33, $0x1;
	[tilespmem:s26+$0x0] =	vst v41;
	v54 =	vmul.f32 v57, v62;
	v62 =	vld [tilespmem:s20+$0xFFFFFFE0]  }
0xf9: {  	v5 =	vmul.f32 v5, v30;
	[tilespmem:s24+$0x50] =	vst v40;
	v4 =	vmul.f32 v38, v28;
	v57 =	vld [tilespmem:s10+$0xFFFFFF10]  }
0xfa: {  	v60 =	vbroadcast v7, $0x7;
	v53 =	vmul.f32 v31, v53;
	[tilespmem:s26+$0xA0] =	vst v54;
	v54 =	vld [tilespmem:s0+$0xFFFFFFD0]  }
0xfb: {  	v30 =	vbroadcast v39, $0x4;
	v7 =	vbroadcast v24, $0x5;
	[tilespmem:s2+$0xFFFFFF30] =	vst v4;
	v41 =	vadd.f32 v58, v56;
	v56 =	vld [tilespmem:s10+$0xB0]  }
0xfc: {  	[tilespmem:s26+$0xFFFFFF90] =	vst v53;
	v53 =	vld [tilespmem:s0+$0xFFFFFF40];
	v38 =	vmul.f32 v63, v60;
	v63 =	vmul.f32 $2.000000030e-01, v42  }
0xfd: {  	v8 =	vbroadcast v39, $0x6;
	vm8 =	vge.f32 v42, $0.0e+00;
	v44 =	vadd.f32 v61, v59;
	v58 =	vld [tilespmem:s28+$0x60]  }
0xfe: {  	[tilespmem:s24+$0xFFFFFF60] =	vst v6;
	v61 =	vbroadcast v23, $0x3;
	v57 =	vmul.f32 v46, v57;
	v60 =	vld [tilespmem:s10+$0x10];
	v42 =	vsel vm8, v42, v63  }
0xff: {  	[tilespmem:s2+$0x30] =	vst v5;
	v51 =	vld [tilespmem:s10+$0xFFFFFFA0];
	v4 =	vmul.f32 $2.000000030e-01, v41;
	v42 =	vmul.f32 $1.442695020e+00, v42  }
0x100: {  	v59 =	vld [tilespmem:s28+$0xFFFFFF70];
	v5 =	vadd.f32 v55, v62;
	vm9 =	vge.f32 v41, $0.0e+00;
	[tilespmem:s26+$0xFFFFFF10] =	vst v57;
	v45 =	vmul.f32 v56, v61  }
0x101: {  	v28 =	vbroadcast v24, $0x4;
	s20 =	simm.s32 $0x200;
	v4 =	vsel vm9, v41, v4;
	v61 =	vld [tilespmem:s10+$0xFFFFFF20];
	[tilespmem:s2+$0xF0] =	vst v38;
	(erf) = vpow2.f32 v42  }
0x102: {  	v63 =	vmul.f32 $2.000000030e-01, v5;
	v4 =	vmul.f32 $1.442695020e+00, v4;
	v38 =	vld [tilespmem:s20+$0xFFFFFFF0];
	[tilespmem:s26+$0xB0] =	vst v45  }
0x103: {  	v31 =	vbroadcast v33, $0x5;
	vm11 =	vge.f32 v5, $0.0e+00;
	v11 =	vmul.f32 v11, v60;
	v60 =	vld [tilespmem:s10+$0xC0]  }
0x104: {  	v5 =	vsel vm11, v5, v63;
	v42 =	vld [tilespmem:s0+$0x40];
	(erf) = vpow2.f32 v4;
	v4 =	vmul.f32 v50, v51  }
0x105: {  	v62 =	vmul.f32 $2.000000030e-01, v44;
	v5 =	vmul.f32 $1.442695020e+00, v5;
	v50 =	vld [tilespmem:s20+$0x10];
	[tilespmem:s26+$0x10] =	vst v11  }
0x106: {  	vm10 =	vge.f32 v44, $0.0e+00;
	v11 =	vmul.f32 v53, v22;
	v22 =	vld [tilespmem:s28+$0xFFFFFFF0];
	[tilespmem:s26+$0xFFFFFFA0] =	vst v4;
	v4 =	vbroadcast v23, $0x4  }
0x107: {  	[tilespmem:s22+$0x60] =	vst v37;
	v6 =	vsel vm10, v44, v62;
	v18 =	vmul.f32 v54, v18;
	(erf) = vpow2.f32 v5;
	v62 =	vld [tilespmem:s10+$0x20]  }
0x108: {  	v6 =	vmul.f32 $1.442695020e+00, v6;
	v63 =	vld [tilespmem:s10+$0xFFFFFFB0];
	[tilespmem:s2+$0xFFFFFF40] =	vst v11;
	v51 =	vmul.f32 v60, v4  }
0x109: {  	v44 =	vmul.f32 v58, v2;
	v2 =	vbroadcast v24, $0x7;
	[tilespmem:s2+$0xFFFFFFD0] =	vst v18;
	v53 =	vld [tilespmem:s0+$0xFFFFFF50]  }
0x10a: {  	s19 =	simm.s32 $0x66B0;
	v55 =	vmul.f32 v47, v61;
	v4 =	vbroadcast v33, $0x7;
	v33 =	vld [tilespmem:s31+$0x70];
	[tilespmem:s26+$0xC0] =	vst v51;
	v11 =	vpop (erf)  }
0x10b: {  	s29 =	simm.s32 $0x13A0;
	(erf) = vpow2.f32 v6;
	v17 =	vmul.f32 v42, v17;
	v58 =	vld [tilespmem:s10+$0xD0];
	[tilespmem:s19+$0x10] =	vst v11  }
0x10c: {  	v46 =	vmul.f32 v59, v13;
	[tilespmem:s26+$0xFFFFFF20] =	vst v55;
	v57 =	vmul.f32 v52, v62;
	v56 =	vld [tilespmem:s29+$0x80]  }
0x10d: {  	v18 =	vbroadcast v23, $0x6;
	v13 =	vld [tilespmem:s10+$0xFFFFFF30];
	[tilespmem:s2+$0x40] =	vst v17;
	v37 =	vmul.f32 v22, v14  }
0x10e: {  	v22 =	vbroadcast v23, $0x5;
	v47 =	vld [tilespmem:s0+$0x50];
	v17 =	vmul.f32 v63, v43;
	v40 =	vpop (erf);
	[tilespmem:s26+$0x20] =	vst v57  }
0x10f: {  	v5 =	vbroadcast v24, $0x6;
	v14 =	vbroadcast v11, $0x0;
	[tilespmem:s19+$0xFFFFFFF0] =	vst v40;
	v48 =	vld [tilespmem:s10+$0x30]  }
0x110: {  	v6 =	vbroadcast v39, $0x7;
	v43 =	vpop (erf);
	[tilespmem:s26+$0xFFFFFFB0] =	vst v17;
	v24 =	vld [tilespmem:s29+$0xFFFFFF80];
	v22 =	vmul.f32 v58, v22  }
0x111: {  	v23 =	vbroadcast v23, $0x7;
	[tilespmem:s19+$0xFFFFFFE0] =	vst v43;
	v63 =	vld [tilespmem:s10+$0xFFFFFFC0];
	v14 =	vmul.f32 v14, v56  }
0x112: {  	s31 =	simm.s32 $0x7390;
	v16 =	vmul.f32 v53, v16;
	v13 =	vmul.f32 v13, v34;
	v49 =	vld [tilespmem:s29+$0xFFFFFF00];
	[tilespmem:s26+$0xD0] =	vst v22  }
0x113: {  	v59 =	vbroadcast v40, $0x0;
	v55 =	vbroadcast v40, $0x2;
	v17 =	vld [tilespmem:s10+$0xE0];
	[tilespmem:s31+$0x80] =	vst v14  }
0x114: {  	v51 =	vbroadcast v40, $0x3;
	v39 =	vpop (erf);
	v45 =	vbroadcast v43, $0x0;
	[tilespmem:s2+$0xFFFFFF50] =	vst v16;
	v62 =	vld [tilespmem:s29+$0x90]  }
0x115: {  	v52 =	vbroadcast v43, $0x1;
	v42 =	vbroadcast v43, $0x2;
	[tilespmem:s19+$0x0] =	vst v39;
	v57 =	vld [tilespmem:s0+$0xFFFFFF60]  }
0x116: {  	[tilespmem:s22+$0xF0] =	vst v10;
	v16 =	vbroadcast v11, $0x1;
	v61 =	vld [tilespmem:s29+$0x0];
	v24 =	vmul.f32 v59, v24  }
0x117: {  	[tilespmem:s24+$0xF0] =	vst v19;
	v19 =	vbroadcast v43, $0x4;
	v60 =	vbroadcast v39, $0x0;
	v58 =	vld [tilespmem:s0+$0xFFFFFFE0];
	s19 =	simm.s32 $0x700  }
0x118: {  	v54 =	vbroadcast v39, $0x1;
	v53 =	vld [tilespmem:s19+$0x10];
	[tilespmem:s31+$0xFFFFFF80] =	vst v24;
	v17 =	vmul.f32 v17, v18  }
0x119: {  	[tilespmem:s26+$0xFFFFFF30] =	vst v13;
	v10 =	vmul.f32 v45, v49;
	v45 =	vld [tilespmem:s29+$0xFFFFFF90];
	v16 =	vmul.f32 v16, v62  }
0x11a: {  	v34 =	vmul.f32 v48, v36;
	v35 =	vmul.f32 v63, v35;
	v63 =	vld [tilespmem:s19+$0xFFFFFFF0];
	[tilespmem:s26+$0xE0] =	vst v17  }
0x11b: {  	v41 =	vbroadcast v39, $0x2;
	v49 =	vmul.f32 v60, v61;
	v61 =	vld [tilespmem:s10+$0xF0];
	[tilespmem:s31+$0x90] =	vst v16  }
0x11c: {  	v13 =	vbroadcast v39, $0x6;
	v14 =	vbroadcast v40, $0x1;
	[tilespmem:s26+$0x30] =	vst v34;
	v60 =	vld [tilespmem:s29+$0xA0]  }
0x11d: {  	[tilespmem:s22+$0xFFFFFF70] =	vst v25;
	v22 =	vbroadcast v43, $0x3;
	v20 =	vmul.f32 v58, v20;
	v58 =	vld [tilespmem:s10+$0x40]  }
0x11e: {  	v36 =	vld [tilespmem:s20+$0x0];
	v56 =	vbroadcast v11, $0x3;
	[tilespmem:s31+$0xFFFFFF00] =	vst v10;
	v10 =	vmul.f32 v14, v45  }
0x11f: {  	v59 =	vld [tilespmem:s19+$0xFFFFFFE0];
	v24 =	vbroadcast v39, $0x3;
	v53 =	vadd.f32 v53, v50;
	[tilespmem:s31+$0x0] =	vst v49;
	v62 =	vbroadcast v11, $0x2  }
0x120: {  	v18 =	vbroadcast v39, $0x4;
	v49 =	vld [tilespmem:s19+$0x0];
	[tilespmem:s31+$0xFFFFFF90] =	vst v10;
	v23 =	vmul.f32 v61, v23  }
0x121: {  	[tilespmem:s22+$0xFFFFFFF0] =	vst v32;
	vm12 =	vge.f32 v53, $0.0e+00;
	v48 =	vld [tilespmem:s29+$0xFFFFFFA0];
	v61 =	vmul.f32 $2.000000030e-01, v53;
	v32 =	vmul.f32 v62, v60  }
0x122: {  	[tilespmem:s24+$0x60] =	vst v44;
	v38 =	vadd.f32 v63, v38;
	v44 =	vmul.f32 v58, v28;
	v45 =	vmul.f32 v47, v12;
	v60 =	vld [tilespmem:s20+$0xFFFFFFE0]  }
0x123: {  	v14 =	vbroadcast v39, $0x5;
	v12 =	vbroadcast v43, $0x6;
	v47 =	vsel vm12, v53, v61;
	v62 =	vld [tilespmem:s29+$0xFFFFFF10];
	[tilespmem:s31+$0xA0] =	vst v32  }
0x124: {  	[tilespmem:s24+$0xFFFFFFF0] =	vst v37;
	v16 =	vbroadcast v43, $0x5;
	v47 =	vmul.f32 $1.442695020e+00, v47;
	v63 =	vld [tilespmem:s29+$0xB0]  }
0x125: {  	[tilespmem:s2+$0xFFFFFFE0] =	vst v20;
	v10 =	vbroadcast v43, $0x7;
	v43 =	vld [tilespmem:s29+$0x10];
	v53 =	vmul.f32 $2.000000030e-01, v38  }
0x126: {  	[tilespmem:s26+$0xFFFFFFC0] =	vst v35;
	vm13 =	vge.f32 v38, $0.0e+00;
	v20 =	vmul.f32 v55, v48;
	v55 =	vld [tilespmem:s0+$0xFFFFFFF0];
	(erf) = vpow2.f32 v47  }
0x127: {  	[tilespmem:s2+$0x50] =	vst v45;
	v38 =	vsel vm13, v38, v53;
	v32 =	vmul.f32 v57, v15;
	v57 =	vld [tilespmem:s10+$0xFFFFFF40];
	v34 =	vadd.f32 v59, v60  }
0x128: {  	v36 =	vadd.f32 v49, v36;
	[tilespmem:s26+$0xF0] =	vst v23;
	v38 =	vmul.f32 $1.442695020e+00, v38;
	v60 =	vld [tilespmem:s10+$0xFFFFFFD0];
	v61 =	vmul.f32 v52, v62  }
0x129: {  	[tilespmem:s2+$0xFFFFFF60] =	vst v32;
	v62 =	vld [tilespmem:s0+$0x60];
	v59 =	vmul.f32 $2.000000030e-01, v34;
	v35 =	vmul.f32 v63, v56  }
0x12a: {  	v23 =	vmul.f32 $2.000000030e-01, v36;
	(erf) = vpow2.f32 v38;
	vm15 =	vge.f32 v34, $0.0e+00;
	[tilespmem:s31+$0xFFFFFF10] =	vst v61;
	v63 =	vld [tilespmem:s0+$0xFFFFFF70]  }
0x12b: {  	vm14 =	vge.f32 v36, $0.0e+00;
	v52 =	vmul.f32 v54, v43;
	v54 =	vld [tilespmem:s29+$0xFFFFFF20];
	v34 =	vsel vm15, v34, v59;
	[tilespmem:s31+$0xB0] =	vst v35  }
0x12c: {  	v23 =	vsel vm14, v36, v23;
	[tilespmem:s31+$0xFFFFFFA0] =	vst v20;
	v30 =	vmul.f32 v57, v30;
	v34 =	vmul.f32 $1.442695020e+00, v34;
	v53 =	vld [tilespmem:s29+$0xC0]  }
0x12d: {  	v23 =	vmul.f32 $1.442695020e+00, v23;
	[tilespmem:s31+$0x10] =	vst v52;
	v57 =	vld [tilespmem:s29+$0xFFFFFFB0];
	v48 =	vmul.f32 v60, v31  }
0x12e: {  	v56 =	vld [tilespmem:s29+$0x20];
	[tilespmem:s26+$0xFFFFFF40] =	vst v30;
	(erf) = vpow2.f32 v34;
	v34 =	vmul.f32 v62, v21  }
0x12f: {  	s3 =	simm.s32 $0x66F0;
	[tilespmem:s26+$0x40] =	vst v44;
	v58 =	vld [tilespmem:s10+$0xFFFFFF50];
	v28 =	vpop (erf);
	(erf) = vpow2.f32 v23;
	v23 =	vbroadcast v11, $0x4  }
0x130: {  	[tilespmem:s3+$0x10] =	vst v28;
	v21 =	vbroadcast v39, $0x7;
	v31 =	vmul.f32 v42, v54  }
0x131: {  	[tilespmem:s26+$0xFFFFFFD0] =	vst v48;
	v37 =	vmul.f32 v63, v26;
	v30 =	vmul.f32 v53, v23  }
0x132: {  	s1 =	simm.s32 $0x15A0;
	v39 =	vld [tilespmem:s10+$0x50];
	[tilespmem:s31+$0xFFFFFF20] =	vst v31;
	v31 =	vmul.f32 v33, v3;
	v33 =	vmul.f32 v57, v51  }
0x133: {  	v59 =	vld [tilespmem:s1+$0x80];
	v26 =	vpop (erf);
	[tilespmem:s31+$0xC0] =	vst v30;
	v30 =	vmul.f32 v55, v27;
	v27 =	vmul.f32 v41, v56  }
0x134: {  	[tilespmem:s3+$0xFFFFFFF0] =	vst v26;
	v3 =	vbroadcast v28, $0x0;
	v42 =	vmul.f32 v58, v29;
	v60 =	vld [tilespmem:s29+$0xD0]  }
0x135: {  	v25 =	vbroadcast v40, $0x4;
	v50 =	vbroadcast v11, $0x6;
	v63 =	vld [tilespmem:s1+$0xFFFFFF80];
	[tilespmem:s31+$0xFFFFFFB0] =	vst v33  }
0x136: {  	v17 =	vbroadcast v40, $0x5;
	v15 =	vbroadcast v40, $0x6;
	v23 =	vld [tilespmem:s28+$0x70];
	[tilespmem:s26+$0xFFFFFF50] =	vst v42  }
0x137: {  	v20 =	vbroadcast v40, $0x7;
	v29 =	vbroadcast v11, $0x5;
	v42 =	vld [tilespmem:s10+$0xFFFFFFE0];
	[tilespmem:s31+$0x20] =	vst v27;
	v27 =	vpop (erf)  }
0x138: {  	v61 =	vbroadcast v26, $0x0;
	v41 =	vld [tilespmem:s29+$0xFFFFFF30];
	v56 =	vmul.f32 v3, v59;
	[tilespmem:s3+$0xFFFFFFE0] =	vst v27;
	v3 =	vpop (erf)  }
0x139: {  	v45 =	vbroadcast v26, $0x1;
	s28 =	simm.s32 $0x7590;
	v57 =	vld [tilespmem:s1+$0xFFFFFF00];
	[tilespmem:s3+$0x0] =	vst v3;
	v29 =	vmul.f32 v60, v29  }
0x13a: {  	v35 =	vbroadcast v26, $0x2;
	v33 =	vbroadcast v26, $0x3;
	[tilespmem:s28+$0x80] =	vst v56;
	v59 =	vld [tilespmem:s1+$0x0]  }
0x13b: {  	v61 =	vmul.f32 v61, v63;
	v63 =	vbroadcast v28, $0x1;
	v60 =	vld [tilespmem:s1+$0x90];
	[tilespmem:s31+$0xD0] =	vst v29  }
0x13c: {  	v62 =	vbroadcast v27, $0x0;
	v38 =	vbroadcast v27, $0x1;
	v47 =	vld [tilespmem:s29+$0xE0]  }
0x13d: {  	v44 =	vld [tilespmem:s29+$0x30];
	v32 =	vbroadcast v27, $0x2;
	v58 =	vbroadcast v3, $0x0  }
0x13e: {  	[tilespmem:s24+$0xFFFFFF70] =	vst v46;
	v46 =	vld [tilespmem:s29+$0xFFFFFFC0];
	v40 =	vbroadcast v27, $0x3;
	v62 =	vmul.f32 v62, v57  }
0x13f: {  	v43 =	vld [tilespmem:s10+$0xFFFFFF60];
	[tilespmem:s28+$0xFFFFFF80] =	vst v61;
	v36 =	vbroadcast v3, $0x1;
	v49 =	vmul.f32 v58, v59  }
0x140: {  	s30 =	simm.s32 $0x240;
	s4 =	simm.s32 $0x14;
	s20 =	simm.s32 $0x15A0;
	v48 =	vld [tilespmem:s1+$0xFFFFFF90];
	v29 =	vbroadcast v3, $0x2;
	v51 =	vmul.f32 v63, v60;
	[tilespmem:s28+$0xFFFFFF00] =	vst v62  }
.LBB2_3:
0x141: {  	v52 =	vld [tilespmem:s30+$0x10];
	[tilespmem:s28+$0x0] =	vst v49;
	v49 =	vbroadcast v3, $0x3;
	s19 =	sadd.s32 $0x40, s19;
	v47 =	vmul.f32 v47, v50  }
0x142: {  	v41 =	vmul.f32 v41, v22;
	v44 =	vmul.f32 v44, v24;
	v22 =	vmov v40;
	v50 =	vld [tilespmem:s19+$0x10];
	[tilespmem:s28+$0x90] =	vst v51  }
0x143: {  	v53 =	vbroadcast v26, $0x4;
	v51 =	vbroadcast v27, $0x4;
	v54 =	vld [tilespmem:s1+$0xA0];
	[tilespmem:s31+$0xE0] =	vst v47;
	v24 =	vmov v49  }
0x144: {  	v47 =	vbroadcast v3, $0x4;
	[tilespmem:s31+$0xFFFFFF30] =	vst v41;
	v41 =	vmul.f32 v46, v25;
	v46 =	vld [tilespmem:s29+$0xF0]  }
0x145: {  	s4 =	sadd.s32 $0x4, s4;
	v40 =	vbroadcast v27, $0x5;
	v25 =	vmov v53;
	v49 =	vld [tilespmem:s19+$0xFFFFFFE0];
	v45 =	vmul.f32 v45, v48;
	[tilespmem:s31+$0x30] =	vst v44  }
0x146: {  	p0 =	slt.u32 s4, $0x4C;
	v53 =	vbroadcast v28, $0x2;
	v48 =	vbroadcast v26, $0x5;
	v44 =	vld [tilespmem:s30+$0xFFFFFFF0];
	[tilespmem:s31+$0xFFFFFFC0] =	vst v41  }
0x147: {  	v55 =	vbroadcast v11, $0x7;
	v11 =	vmov v28;
	v41 =	vld [tilespmem:s19+$0xFFFFFFF0];
	[tilespmem:s28+$0xFFFFFF90] =	vst v45;
	v45 =	vbroadcast v3, $0x5  }
0x148: {  	v39 =	vmul.f32 v39, v7;
	v7 =	vmov v14;
	v28 =	vld [tilespmem:s30+$0x0];
	v53 =	vmul.f32 v53, v54;
	[tilespmem:s2+$0x60] =	vst v34  }
0x149: {  	v50 =	vadd.f32 v50, v52;
	v52 =	vbroadcast v27, $0x6;
	v34 =	vld [tilespmem:s19+$0x0];
	v46 =	vmul.f32 v46, v55;
	[tilespmem:s2+$0xFFFFFF70] =	vst v37;
	v14 =	vmovc v45  }
0x14a: {  	v54 =	vbroadcast v3, $0x6;
	v45 =	vbroadcast v26, $0x6;
	v37 =	vld [tilespmem:s30+$0xFFFFFFE0];
	[tilespmem:s28+$0xA0] =	vst v53  }
0x14b: {  	v43 =	vmul.f32 v43, v8;
	v8 =	vmovc v12;
	v12 =	vmov v52;
	v53 =	vmul.f32 $2.000000030e-01, v50;
	v55 =	vld [tilespmem:s1+$0xFFFFFF10];
	[tilespmem:s31+$0xF0] =	vst v46  }
0x14c: {  	v42 =	vmul.f32 v42, v9;
	v9 =	vmovc v15;
	vm0 =	vge.f32 v50, $0.0e+00;
	v41 =	vadd.f32 v41, v44;
	v44 =	vld [tilespmem:s1+$0xB0];
	[tilespmem:s26+$0x50] =	vst v39  }
0x14d: {  	v27 =	vbroadcast v27, $0x7;
	v26 =	vbroadcast v26, $0x7;
	v15 =	vmovc v45;
	v39 =	vsel vm0, v50, v53;
	v46 =	vld [tilespmem:s1+$0x10];
	[tilespmem:s26+$0xFFFFFF60] =	vst v43  }
0x14e: {  	v43 =	vmul.f32 $2.000000030e-01, v41;
	v28 =	vadd.f32 v34, v28;
	v34 =	vmul.f32 $1.442695020e+00, v39;
	v39 =	vld [tilespmem:s1+$0xFFFFFFA0];
	[tilespmem:s26+$0xFFFFFFE0] =	vst v42  }
0x14f: {  	vm0 =	vge.f32 v41, $0.0e+00;
	v42 =	vbroadcast v11, $0x3;
	v37 =	vadd.f32 v49, v37;
	v45 =	vld [tilespmem:s29+$0xFFFFFF40];
	[tilespmem:s2+$0xFFFFFFF0] =	vst v30  }
0x150: {  	vm1 =	vge.f32 v28, $0.0e+00;
	v30 =	vmul.f32 $2.000000030e-01, v28;
	(erf) = vpow2.f32 v34;
	v34 =	vld [tilespmem:s29+$0x40];
	[tilespmem:s22+$0x70] =	vst v31;
	s22 =	smov.u32 s24;
	s24 =	smov.u32 s2;
	s2 =	smov.u32 s26  }
0x151: {  	s26 =	smov.u32 s31;
	s31 =	smov.u32 s28;
	vm2 =	vge.f32 v37, $0.0e+00;
	v31 =	vmul.f32 $2.000000030e-01, v37;
	v42 =	vmul.f32 v44, v42;
	v44 =	vld [tilespmem:s29+$0xFFFFFFD0]  }
0x152: {  	v41 =	vsel vm0, v41, v43;
	v28 =	vsel vm1, v28, v30;
	v30 =	vmul.f32 v38, v55;
	v38 =	vld [tilespmem:s10+$0x60]  }
0x153: {  	v31 =	vsel vm2, v37, v31;
	v37 =	vmul.f32 $1.442695020e+00, v41;
	v28 =	vmul.f32 $1.442695020e+00, v28;
	[tilespmem:s28+$0xB0] =	vst v42;
	v41 =	vld [tilespmem:s10+$0xFFFFFF70]  }
0x154: {  	v31 =	vmul.f32 $1.442695020e+00, v31;
	[tilespmem:s28+$0xFFFFFF10] =	vst v30;
	v30 =	vmul.f32 v36, v46;
	v36 =	vld [tilespmem:s1+$0xC0]  }
0x155: {  	v35 =	vmul.f32 v35, v39;
	(erf) = vpow2.f32 v37;
	v37 =	vld [tilespmem:s1+$0xFFFFFF20]  }
0x156: {  	(erf) = vpow2.f32 v31;
	[tilespmem:s28+$0x10] =	vst v30;
	v30 =	vmul.f32 v45, v19;
	v31 =	vld [tilespmem:s10+$0xFFFFFFF0];
	v19 =	vmov v51  }
0x157: {  	v39 =	vbroadcast v11, $0x4;
	(erf) = vpow2.f32 v28;
	[tilespmem:s28+$0xFFFFFFA0] =	vst v35;
	v35 =	vld [tilespmem:s1+$0x20]  }
0x158: {  	v43 =	vmul.f32 v34, v18;
	v18 =	vmovc v47;
	v49 =	vmul.f32 v44, v17;
	v17 =	vmov v48;
	v42 =	vld [tilespmem:s1+$0xFFFFFFB0];
	[tilespmem:s26+$0xFFFFFF40] =	vst v30  }
0x159: {  	s3 =	sadd.s32 $0x40, s3;
	v34 =	vmul.f32 v38, v5;
	v5 =	vmov v13;
	v28 =	vpop (erf);
	v30 =	vmul.f32 v36, v39;
	v36 =	vld [tilespmem:s29+$0xFFFFFF50]  }
0x15a: {  	v3 =	vbroadcast v3, $0x7;
	v13 =	vmov v54;
	s1 =	sadd.s32 $0x200, s1;
	[tilespmem:s3+$0x10] =	vst v28;
	v32 =	vmul.f32 v32, v37;
	v38 =	vld [tilespmem:s0+$0x70];
	s0 =	smov.u32 s10;
	s10 =	smov.u32 s29  }
0x15b: {  	v37 =	vmul.f32 v41, v6;
	v6 =	vmovc v10;
	v10 =	vmov v27;
	s29 =	smov.u32 s20;
	s20 =	smov.u32 s1;
	v45 =	vld [tilespmem:s1+$0x80];
	[tilespmem:s28+$0xC0] =	vst v30;
	v30 =	vmul.f32 v31, v4  }
0x15c: {  	v31 =	vmul.f32 v23, v0;
	v4 =	vmovc v20;
	v20 =	vmov v26;
	[tilespmem:s28+$0xFFFFFF20] =	vst v32;
	v32 =	vmul.f32 v29, v35;
	v29 =	vld [tilespmem:s29+$0xD0]  }
0x15d: {  	v0 =	vmovc v1;
	v1 =	vmovc v2;
	v2 =	vmov v21;
	v21 =	vmov v3;
	v41 =	vld [tilespmem:s29+$0xFFFFFF30];
	v33 =	vmul.f32 v42, v33;
	[tilespmem:s26+$0x40] =	vst v43  }
0x15e: {  	v47 =	vbroadcast v28, $0x0;
	v26 =	vpop (erf);
	[tilespmem:s28+$0x20] =	vst v32;
	v42 =	vmul.f32 v36, v16;
	v39 =	vld [tilespmem:s10+$0x50];
	v16 =	vmov v40  }
0x15f: {  	v32 =	vbroadcast v11, $0x5;
	[tilespmem:s3+$0xFFFFFFF0] =	vst v26;
	v43 =	vbroadcast v26, $0x0;
	v27 =	vpop (erf);
	v44 =	vld [tilespmem:s29+$0x30];
	v23 =	vmov v38  }
0x160: {  	[tilespmem:s3+$0xFFFFFFE0] =	vst v27;
	v48 =	vbroadcast v27, $0x0;
	v46 =	vld [tilespmem:s1+$0xFFFFFF80];
	v35 =	vmul.f32 v47, v45;
	v3 =	vpop (erf)  }
0x161: {  	s28 =	sadd.s32 $0x200, s28;
	v50 =	vld [tilespmem:s1+$0xFFFFFF00];
	[tilespmem:s3+$0x0] =	vst v3;
	v51 =	vbroadcast v3, $0x0;
	v29 =	vmul.f32 v29, v32  }
0x162: {  	v38 =	vbroadcast v27, $0x1;
	v45 =	vbroadcast v26, $0x1;
	v52 =	vld [tilespmem:s1+$0x0];
	[tilespmem:s28+$0x80] =	vst v35  }
0x163: {  	v32 =	vbroadcast v27, $0x2;
	v36 =	vbroadcast v3, $0x1;
	v53 =	vld [tilespmem:s1+$0x90];
	[tilespmem:s31+$0xD0] =	vst v29  }
.Ltmp0:
0x164: {  	v35 =	vbroadcast v26, $0x2;
	v29 =	vbroadcast v3, $0x2;
	[tilespmem:s31+$0xFFFFFFB0] =	vst v33;
	v47 =	vld [tilespmem:s29+$0xE0];
	(pc) =	sbr.rel @p0 .LBB2_3-.Ltmp0, $4  }
0x165: {  	v40 =	vbroadcast v27, $0x3;
	v33 =	vmul.f32 v43, v46;
	v46 =	vld [tilespmem:s29+$0xFFFFFFC0];
	[tilespmem:s26+$0xFFFFFF50] =	vst v42  }
0x166: {  	v54 =	vbroadcast v28, $0x1;
	v48 =	vmul.f32 v48, v50;
	v43 =	vld [tilespmem:s10+$0xFFFFFF60];
	[tilespmem:s26+$0xFFFFFFD0] =	vst v49  }
0x167: {  	v50 =	vbroadcast v11, $0x6;
	[tilespmem:s28+$0xFFFFFF80] =	vst v33;
	v49 =	vmul.f32 v51, v52;
	v42 =	vld [tilespmem:s10+$0xFFFFFFE0]  }
0x168: {  	s30 =	sadd.s32 $0x40, s30;
	v33 =	vbroadcast v26, $0x3;
	[tilespmem:s28+$0xFFFFFF00] =	vst v48;
	v48 =	vld [tilespmem:s1+$0xFFFFFF90];
	v51 =	vmul.f32 v54, v53  }
0x169: {  	_ = 	snop  }
0x16a: {  	[tilespmem:s28+$0x90] =	vst v51  }
0x16b: {  	v61 =	vld [tilespmem:s1+$0xA0]  }
0x16c: {  	v22 =	vmul.f32 v41, v22  }
0x16d: {  	v47 =	vmul.f32 v47, v50;
	[tilespmem:s28+$0x0] =	vst v49  }
0x16e: {  	v62 =	vbroadcast v28, $0x2;
	[tilespmem:s31+$0xFFFFFF30] =	vst v22;
	v22 =	vmul.f32 v46, v25  }
0x16f: {  	v24 =	vmul.f32 v44, v24;
	[tilespmem:s31+$0xE0] =	vst v47  }
0x170: {  	v25 =	vld [tilespmem:s29+$0xF0];
	[tilespmem:s31+$0xFFFFFFC0] =	vst v22;
	v22 =	vmul.f32 v62, v61  }
0x171: {  	[tilespmem:s31+$0x30] =	vst v24;
	v24 =	vld [tilespmem:s1+$0xFFFFFF10]  }
0x172: {  	v7 =	vmul.f32 v39, v7;
	[tilespmem:s28+$0xA0] =	vst v22  }
0x173: {  	v11 =	vbroadcast v11, $0x7;
	[tilespmem:s2+$0xFFFFFFF0] =	vst v30;
	v8 =	vmul.f32 v43, v8;
	v22 =	vld [tilespmem:s1+$0xB0]  }
0x174: {  	[tilespmem:s26+$0x50] =	vst v7;
	v63 =	vmul.f32 v45, v48  }
0x175: {  	[tilespmem:s26+$0xFFFFFF60] =	vst v8;
	v11 =	vmul.f32 v25, v11;
	v25 =	vld [tilespmem:s1+$0x10]  }
0x176: {  	v7 =	vbroadcast v28, $0x3;
	v48 =	vld [tilespmem:s29+$0xFFFFFF40];
	[tilespmem:s28+$0xFFFFFF90] =	vst v63;
	v24 =	vmul.f32 v38, v24  }
0x177: {  	v9 =	vmul.f32 v42, v9;
	[tilespmem:s31+$0xF0] =	vst v11;
	v11 =	vld [tilespmem:s1+$0xFFFFFFA0]  }
0x178: {  	v8 =	vld [tilespmem:s29+$0x40];
	[tilespmem:s28+$0xFFFFFF10] =	vst v24;
	v7 =	vmul.f32 v22, v7  }
0x179: {  	[tilespmem:s26+$0xFFFFFFE0] =	vst v9;
	v9 =	vld [tilespmem:s1+$0xFFFFFF20]  }
0x17a: {  	v30 =	vld [tilespmem:s10+$0xFFFFFF70];
	[tilespmem:s28+$0xB0] =	vst v7;
	v7 =	vmul.f32 v36, v25  }
0x17b: {  	[tilespmem:s22+$0x70] =	vst v31;
	v25 =	vld [tilespmem:s1+$0xC0]  }
0x17c: {  	v31 =	vld [tilespmem:s10+$0xFFFFFFF0];
	v11 =	vmul.f32 v35, v11;
	[tilespmem:s28+$0x10] =	vst v7  }
0x17d: {  	[tilespmem:s2+$0x60] =	vst v34;
	v7 =	vld [tilespmem:s1+$0x20]  }
0x17e: {  	v24 =	vld [tilespmem:s10+$0x60];
	v9 =	vmul.f32 v32, v9;
	[tilespmem:s28+$0xFFFFFFA0] =	vst v11;
	v11 =	vbroadcast v28, $0x4  }
0x17f: {  	[tilespmem:s2+$0xFFFFFF70] =	vst v37;
	v22 =	vld [tilespmem:s29+$0xFFFFFFD0]  }
0x180: {  	[tilespmem:s28+$0xFFFFFF20] =	vst v9;
	v49 =	vld [tilespmem:s1+$0xFFFFFFB0];
	v11 =	vmul.f32 v25, v11  }
0x181: {  	v9 =	vld [tilespmem:s20+$0xFFFFFF30]  }
0x182: {  	[tilespmem:s28+$0xC0] =	vst v11;
	v7 =	vmul.f32 v29, v7  }
0x183: {  	v11 =	vld [tilespmem:s20+$0xD0]  }
0x184: {  	[tilespmem:s28+$0x20] =	vst v7  }
0x185: {  	v7 =	vld [tilespmem:s20+$0x30]  }
0x186: {  	v25 =	vbroadcast v28, $0x5;
	v9 =	vmul.f32 v9, v40  }
0x187: {  	v29 =	vmul.f32 v49, v33  }
0x188: {  	v50 =	vbroadcast v3, $0x3;
	[tilespmem:s28+$0xFFFFFF30] =	vst v9;
	v11 =	vmul.f32 v11, v25  }
0x189: {  	v9 =	vmul.f32 v48, v19;
	[tilespmem:s28+$0xFFFFFFB0] =	vst v29;
	v19 =	vld [tilespmem:s20+$0xFFFFFF40]  }
0x18a: {  	[tilespmem:s28+$0xD0] =	vst v11;
	v11 =	vld [tilespmem:s20+$0xFFFFFFC0];
	v7 =	vmul.f32 v7, v50  }
0x18b: {  	[tilespmem:s31+$0xFFFFFF40] =	vst v9;
	v9 =	vld [tilespmem:s20+$0xE0]  }
0x18c: {  	v29 =	vld [tilespmem:s29+$0xFFFFFF50];
	v25 =	vbroadcast v27, $0x4;
	[tilespmem:s28+$0x30] =	vst v7  }
0x18d: {  	v8 =	vmul.f32 v8, v18;
	v7 =	vbroadcast v26, $0x4;
	v18 =	vld [tilespmem:s20+$0x40]  }
0x18e: {  	v51 =	vbroadcast v28, $0x6;
	v19 =	vmul.f32 v19, v25  }
0x18f: {  	[tilespmem:s31+$0x40] =	vst v8;
	v7 =	vmul.f32 v11, v7  }
0x190: {  	v8 =	vbroadcast v3, $0x4;
	[tilespmem:s28+$0xFFFFFF40] =	vst v19;
	v9 =	vmul.f32 v9, v51  }
0x191: {  	v11 =	vmul.f32 v29, v16;
	[tilespmem:s28+$0xFFFFFFC0] =	vst v7;
	v7 =	vld [tilespmem:s20+$0xFFFFFF50]  }
0x192: {  	[tilespmem:s28+$0xE0] =	vst v9;
	v9 =	vld [tilespmem:s20+$0xFFFFFFD0];
	v8 =	vmul.f32 v18, v8  }
0x193: {  	v16 =	vmul.f32 v22, v17;
	[tilespmem:s31+$0xFFFFFF50] =	vst v11;
	v11 =	vld [tilespmem:s20+$0xF0]  }
0x194: {  	v5 =	vmul.f32 v24, v5;
	v17 =	vbroadcast v27, $0x5;
	v18 =	vld [tilespmem:s29+$0x50];
	[tilespmem:s28+$0x40] =	vst v8  }
0x195: {  	v6 =	vmul.f32 v30, v6;
	[tilespmem:s31+$0xFFFFFFD0] =	vst v16;
	v8 =	vbroadcast v26, $0x5;
	v16 =	vld [tilespmem:s20+$0x50]  }
0x196: {  	[tilespmem:s26+$0x60] =	vst v5;
	v22 =	vbroadcast v28, $0x7;
	v19 =	vld [tilespmem:s29+$0xFFFFFF60];
	v5 =	vmul.f32 v7, v17  }
0x197: {  	[tilespmem:s26+$0xFFFFFF70] =	vst v6;
	v7 =	vld [tilespmem:s29+$0xFFFFFFE0];
	v6 =	vmul.f32 v9, v8  }
0x198: {  	v8 =	vbroadcast v3, $0x5;
	v9 =	vmul.f32 v11, v22;
	[tilespmem:s28+$0xFFFFFF50] =	vst v5  }
0x199: {  	v5 =	vmul.f32 v18, v14;
	v11 =	vld [tilespmem:s20+$0xFFFFFF60];
	[tilespmem:s28+$0xFFFFFFD0] =	vst v6  }
0x19a: {  	[tilespmem:s28+$0xF0] =	vst v9;
	v6 =	vld [tilespmem:s20+$0xFFFFFFE0];
	v8 =	vmul.f32 v16, v8  }
0x19b: {  	v9 =	vmul.f32 v19, v12;
	[tilespmem:s31+$0x50] =	vst v5  }
0x19c: {  	v5 =	vbroadcast v27, $0x6;
	v7 =	vmul.f32 v7, v15;
	v12 =	vld [tilespmem:s29+$0x60];
	[tilespmem:s28+$0x50] =	vst v8  }
0x19d: {  	v4 =	vmul.f32 v31, v4;
	v8 =	vbroadcast v26, $0x6;
	[tilespmem:s31+$0xFFFFFF60] =	vst v9;
	v9 =	vld [tilespmem:s20+$0x60]  }
0x19e: {  	[tilespmem:s31+$0xFFFFFFE0] =	vst v7;
	v7 =	vld [tilespmem:s29+$0xFFFFFF70];
	v5 =	vmul.f32 v11, v5  }
0x19f: {  	[tilespmem:s26+$0xFFFFFFF0] =	vst v4;
	v4 =	vld [tilespmem:s29+$0xFFFFFFF0];
	v6 =	vmul.f32 v6, v8  }
0x1a0: {  	v0 =	vmul.f32 v23, v0;
	v11 =	vld [tilespmem:s0+$0x70];
	v8 =	vbroadcast v3, $0x6;
	[tilespmem:s28+$0xFFFFFF60] =	vst v5  }
0x1a1: {  	v5 =	vmul.f32 v12, v13;
	[tilespmem:s28+$0xFFFFFFE0] =	vst v6;
	v6 =	vld [tilespmem:s20+$0xFFFFFF70]  }
0x1a2: {  	[tilespmem:s24+$0x70] =	vst v0;
	v0 =	vld [tilespmem:s20+$0xFFFFFFF0];
	v8 =	vmul.f32 v9, v8  }
0x1a3: {  	v9 =	vld [tilespmem:s10+$0x70];
	v7 =	vmul.f32 v7, v10;
	[tilespmem:s31+$0x60] =	vst v5  }
0x1a4: {  	v5 =	vbroadcast v27, $0x7;
	v4 =	vmul.f32 v4, v20;
	v10 =	vld [tilespmem:s29+$0x70];
	[tilespmem:s28+$0x60] =	vst v8  }
0x1a5: {  	v1 =	vmul.f32 v11, v1;
	v8 =	vbroadcast v26, $0x7;
	[tilespmem:s31+$0xFFFFFF70] =	vst v7;
	v7 =	vld [tilespmem:s20+$0x70]  }
0x1a6: {  	[tilespmem:s31+$0xFFFFFFF0] =	vst v4;
	v4 =	vmul.f32 v6, v5  }
0x1a7: {  	[tilespmem:s2+$0x70] =	vst v1;
	v0 =	vmul.f32 v0, v8  }
0x1a8: {  	v1 =	vbroadcast v3, $0x7;
	v2 =	vmul.f32 v9, v2;
	[tilespmem:s28+$0xFFFFFF70] =	vst v4  }
0x1a9: {  	[tilespmem:s28+$0xFFFFFFF0] =	vst v0;
	v0 =	vmul.f32 v10, v21  }
0x1aa: {  	[tilespmem:s26+$0x70] =	vst v2;
	v1 =	vmul.f32 v7, v1  }
0x1ab: {  	[tilespmem:s31+$0x70] =	vst v0  }
0x1ac: {  	s19 =	rddreg [dreg:$0x2];
	s20 =	simm.s32 $0x6A90;
	[tilespmem:s28+$0x70] =	vst v1  }
0x1ad: {  	[spmem:s19] =	stream.indirect.scatter.add.f32 [tilespmem:s20], [sflag:$0x5], $0x80, s13, s25, $0xb8;
	[tilespmem:$0x1FA90] =	vst v63  }
0x1ae: {  	s22 =	simm.s32 $0x6590  }
0x1af: {  	[spmem:s15] =	stream.indirect.scatter.add.f32 [tilespmem:s22], [sflag:$0x5], $0x10, s13, s25, $0xb8;
	[tilespmem:$0x1FA90] =	vst v63  }
0x1b0: {  	_ =	swait.ge [sflag:s16], $0x50  }
0x1b1: {  	[sflag:s16] =	ssyncset.done $0x0  }
0x1b2: {  	[sflag:s16] =	ssyncadd.s32 $0xFFFFFFB0  }
0x1b3: {  	_ =	swait.ge [sflag:s16], $0x50  }
0x1b4: {  	[sflag:s16] =	ssyncset.done $0x0  }
0x1b5: {  	s24 =	simm.s32 $0xA0;
	[sflag:s16] =	ssyncadd.s32 $0xFFFFFFB0  }
0x1b6: {  	[tilespmem:s24], [sflag:$0x1] =	stream.indirect.gather [hbm4b:s14+s25], $0x10, s5, s25, $0xb8;
	[tilespmem:$0x1FA90] =	vst v63  }
0x1b7: {  	s26 =	simm.s32 $0x5A0  }
0x1b8: {  	[tilespmem:s26], [sflag:$0x1] =	stream.indirect.gather [hbm4b:s7+s25], $0x10, s25, s25, $0xb8;
	[tilespmem:$0x1FA90] =	vst v63  }
0x1b9: {  	s1 =	simm.s32 $0xAA0  }
0x1ba: {  	[tilespmem:s1], [sflag:$0x1] =	stream.indirect.gather [hbm4b:s6+s25], $0x80, s5, s25, $0xb8;
	[tilespmem:$0x1FA90] =	vst v63  }
0x1bb: {  	_ =	swait.ge [sflag:s17], $0x500  }
0x1bc: {  	[sflag:s17] =	ssyncset.done $0x0  }
0x1bd: {  	[sflag:s17] =	ssyncadd.s32 $0xFFFFFB00  }
0x1be: {  	_ =	swait.ge [sflag:s17], $0x500  }
0x1bf: {  	[sflag:s17] =	ssyncset.done $0x0  }
0x1c0: {  	[sflag:s17] =	ssyncadd.s32 $0xFFFFFB00  }
0x1c1: {  	_ =	swait.ge [sflag:s17], $0x2800  }
0x1c2: {  	[sflag:s17] =	ssyncset.done $0x0  }
0x1c3: {  	[sflag:s17] =	ssyncadd.s32 $0xFFFFD800  }
0x1c4: {  	_ =	swait.ge [sflag:s18], $0x2800  }
0x1c5: {  	[sflag:s18] =	ssyncset.done $0x0  }
0x1c6: {  	[sflag:s18] =	ssyncadd.s32 $0xFFFFD800  }
0x1c7: {  	_ =	swait.ge [sflag:s18], $0x500  }
0x1c8: {  	[sflag:s18] =	ssyncset.done $0x0  }
0x1c9: {  	[sflag:s18] =	ssyncadd.s32 $0xFFFFFB00  }
0x1ca: {  	v0 =	vld [tilespmem:$0x32F0]  }
0x1cb: {  	v1 =	vld [tilespmem:$0x3300]  }
0x1cc: {  	v2 =	vld [tilespmem:$0x3310]  }
0x1cd: {  	v3 =	vld [tilespmem:$0x3320]  }
0x1ce: {  	v4 =	vld [tilespmem:$0x3330]  }
0x1cf: {  	[tilespmem:$0x6540] =	vst v0  }
0x1d0: {  	p0 =	seq.s32 s23, $0x3D;
	s0 =	rddreg [dreg:$0xf];
	[tilespmem:$0x6550] =	vst v1  }
0x1d1: {  	s0 =	sadd.s32 @!p0 s12, s0;
	[tilespmem:$0x6560] =	vst v2  }
0x1d2: {  	s0 =	sshrl.u32 @!p0 s0, $0x3;
	[tilespmem:$0x6570] =	vst v3  }
0x1d3: {  	s3 =	simm.s32 @!p0 $0x32A0;
	s2 =	simm.s32 @!p0 $0x0;
	s1 =	sadd.s32 @!p0 s8, s0;
	[tilespmem:$0x6580] =	vst v4  }
0x1d4: {  	[tilespmem:s3], [sflag:$0x4] =	stream.linear.gather @!p0 [hbm4b:s1+s2], $0x50, $0x38;
	[tilespmem:$0x1FA90] =	vst v63  }
0x1d5: {  	s0 =	sadd.s32 @!p0 s9, s0;
	s1 =	simm.s32 @!p0 $0x32F0  }
0x1d6: {  	[tilespmem:s1], [sflag:$0x4] =	stream.linear.gather @!p0 [hbm4b:s0+s2], $0x50, $0x38;
	[tilespmem:$0x1FA90] =	vst v63  }
0x1d7: {  	s2 =	simm.s32 $0x3360  }
0x1d8: {  	s3 =	simm.s32 $0x3860;
	v0 =	vld [tilespmem:s2+$0x10]  }
0x1d9: {  	v1 =	vld [tilespmem:s3+$0x10];
	_ =	sdelay $0x4  }
0x1da: {  	v0 =	vadd.f32 v1, v0;
	_ =	sdelay $0x1  }
0x1db: {  	v1 =	vmul.f32 $2.000000030e-01, v0  }
0x1dc: {  	vm0 =	vge.f32 v0, $0.0e+00  }
0x1dd: {  	v0 =	vsel vm0, v0, v1  }
0x1de: {  	v0 =	vmul.f32 $1.442695020e+00, v0;
	_ =	sdelay $0x1  }
0x1df: {  	v2 =	vld [tilespmem:s3+$0xFFFFFFF0];
	(erf) = vpow2.f32 v0  }
0x1e0: {  	v1 =	vld [tilespmem:s2+$0xFFFFFFF0];
	_ =	sdelay $0x1  }
0x1e1: {  	v3 =	vld [tilespmem:s2+$0xFFFFFFE0]  }
0x1e2: {  	v0 =	vld [tilespmem:s3+$0xFFFFFFE0]  }
0x1e3: {  	v4 =	vld [tilespmem:s2+$0x0]  }
0x1e4: {  	v5 =	vld [tilespmem:s3+$0x0];
	v1 =	vadd.f32 v2, v1;
	_ =	sdelay $0x1  }
0x1e5: {  	v2 =	vmul.f32 $2.000000030e-01, v1  }
0x1e6: {  	s4 =	simm.s32 $0x65B0;
	vm7 =	vge.f32 v1, $0.0e+00;
	v3 =	vadd.f32 v0, v3;
	v0 =	vpop (erf)  }
0x1e7: {  	s29 =	simm.s32 $0x3E40;
	v1 =	vsel vm7, v1, v2;
	[tilespmem:s4+$0x10] =	vst v0  }
0x1e8: {  	v2 =	vadd.f32 v5, v4;
	v4 =	vmul.f32 $2.000000030e-01, v3;
	v1 =	vmul.f32 $1.442695020e+00, v1;
	v5 =	vld [tilespmem:s29+$0x80]  }
0x1e9: {  	vm8 =	vge.f32 v3, $0.0e+00  }
0x1ea: {  	v3 =	vsel vm8, v3, v4;
	(erf) = vpow2.f32 v1  }
0x1eb: {  	v1 =	vmul.f32 $1.442695020e+00, v3;
	v3 =	vbroadcast v0, $0x0  }
0x1ec: {  	v6 =	vmul.f32 $2.000000030e-01, v2  }
0x1ed: {  	vm9 =	vge.f32 v2, $0.0e+00;
	(erf) = vpow2.f32 v1;
	v1 =	vmul.f32 v3, v5  }
0x1ee: {  	s12 =	simm.s32 $0x6B90;
	v2 =	vsel vm9, v2, v6  }
0x1ef: {  	v2 =	vmul.f32 $1.442695020e+00, v2;
	[tilespmem:s12+$0x80] =	vst v1  }
0x1f0: {  	v1 =	vld [tilespmem:s29+$0x90]  }
0x1f1: {  	s24 =	simm.s32 $0x33E0;
	(erf) = vpow2.f32 v2  }
0x1f2: {  	v61 =	vld [tilespmem:s24+$0x0];
	s2 =	simm.s32 $0x38E0  }
0x1f3: {  	s10 =	simm.s32 $0x33A0;
	v63 =	vld [tilespmem:s2+$0x0];
	v2 =	vbroadcast v0, $0x1  }
0x1f4: {  	s19 =	simm.s32 $0x38A0;
	v11 =	vld [tilespmem:s10+$0xFFFFFFF0]  }
0x1f5: {  	v6 =	vld [tilespmem:s19+$0x10];
	v1 =	vmul.f32 v2, v1  }
0x1f6: {  	v2 =	vld [tilespmem:s10+$0x10]  }
0x1f7: {  	v14 =	vld [tilespmem:s19+$0xFFFFFFF0];
	v3 =	vpop (erf);
	[tilespmem:s12+$0x90] =	vst v1  }
0x1f8: {  	v47 =	vadd.f32 v63, v61;
	[tilespmem:s4+$0xFFFFFFF0] =	vst v3;
	v1 =	vld [tilespmem:s29+$0xA0]  }
0x1f9: {  	v4 =	vld [tilespmem:s29+$0xFFFFFF80];
	v5 =	vpop (erf)  }
0x1fa: {  	v16 =	vld [tilespmem:s19+$0xFFFFFFE0];
	v49 =	vmul.f32 $2.000000030e-01, v47;
	v13 =	vbroadcast v0, $0x2;
	[tilespmem:s4+$0xFFFFFFE0] =	vst v5;
	v7 =	vpop (erf)  }
0x1fb: {  	v10 =	vbroadcast v3, $0x0;
	v18 =	vbroadcast v3, $0x1;
	v8 =	vld [tilespmem:s29+$0xFFFFFF00];
	[tilespmem:s4+$0x0] =	vst v7;
	v2 =	vadd.f32 v6, v2  }
0x1fc: {  	v26 =	vbroadcast v3, $0x4;
	v12 =	vbroadcast v5, $0x0;
	v9 =	vld [tilespmem:s29+$0x0]  }
0x1fd: {  	v17 =	vld [tilespmem:s10+$0x0];
	v1 =	vmul.f32 v13, v1;
	v13 =	vmul.f32 $2.000000030e-01, v2  }
0x1fe: {  	v21 =	vld [tilespmem:s10+$0xFFFFFFE0];
	v15 =	vbroadcast v5, $0x1;
	v4 =	vmul.f32 v10, v4;
	vm10 =	vge.f32 v2, $0.0e+00  }
0x1ff: {  	v19 =	vbroadcast v5, $0x2;
	v10 =	vld [tilespmem:s19+$0x0];
	v6 =	vbroadcast v7, $0x0;
	[tilespmem:s12+$0xA0] =	vst v1;
	v1 =	vsel vm10, v2, v13  }
0x200: {  	[tilespmem:s12+$0xFFFFFF80] =	vst v4;
	v4 =	vadd.f32 v14, v11;
	v2 =	vmul.f32 v12, v8;
	v8 =	vld [tilespmem:s29+$0xB0];
	v1 =	vmul.f32 $1.442695020e+00, v1  }
0x201: {  	v23 =	vbroadcast v5, $0x3;
	v6 =	vmul.f32 v6, v9;
	v9 =	vld [tilespmem:s29+$0xFFFFFF90]  }
0x202: {  	[tilespmem:s12+$0xFFFFFF00] =	vst v2;
	v2 =	vmul.f32 $2.000000030e-01, v4;
	(erf) = vpow2.f32 v1  }
0x203: {  	v20 =	vbroadcast v7, $0x1;
	vm11 =	vge.f32 v4, $0.0e+00;
	[tilespmem:s12+$0x0] =	vst v6;
	v12 =	vbroadcast v0, $0x3;
	v6 =	vld [tilespmem:s29+$0xFFFFFF10]  }
0x204: {  	v11 =	vbroadcast v3, $0x2;
	v14 =	vadd.f32 v16, v21;
	v13 =	vld [tilespmem:s29+$0x10];
	v2 =	vsel vm11, v4, v2  }
0x205: {  	v4 =	vadd.f32 v10, v17;
	v2 =	vmul.f32 $1.442695020e+00, v2;
	v8 =	vmul.f32 v8, v12  }
0x206: {  	v9 =	vmul.f32 v18, v9;
	v10 =	vmul.f32 $2.000000030e-01, v14  }
0x207: {  	vm12 =	vge.f32 v14, $0.0e+00;
	v12 =	vmul.f32 $2.000000030e-01, v4;
	(erf) = vpow2.f32 v2;
	[tilespmem:s12+$0xB0] =	vst v8  }
0x208: {  	[tilespmem:s12+$0xFFFFFF90] =	vst v9;
	vm1 =	vge.f32 v4, $0.0e+00;
	v2 =	vmul.f32 v15, v6;
	v6 =	vsel vm12, v14, v10;
	v8 =	vld [tilespmem:s29+$0xC0]  }
0x209: {  	v9 =	vld [tilespmem:s29+$0xFFFFFFA0];
	v4 =	vsel vm1, v4, v12;
	v10 =	vmul.f32 v20, v13;
	v6 =	vmul.f32 $1.442695020e+00, v6  }
0x20a: {  	v16 =	vbroadcast v3, $0x3;
	v4 =	vmul.f32 $1.442695020e+00, v4;
	[tilespmem:s12+$0xFFFFFF10] =	vst v2  }
0x20b: {  	s20 =	simm.s32 $0x65F0;
	[tilespmem:s12+$0x10] =	vst v10;
	v2 =	vbroadcast v0, $0x4;
	v13 =	vld [tilespmem:s29+$0xFFFFFF20];
	(erf) = vpow2.f32 v6;
	v15 =	vpop (erf)  }
0x20c: {  	s26 =	simm.s32 $0x4040;
	v21 =	vbroadcast v3, $0x6;
	(erf) = vpow2.f32 v4;
	v4 =	vld [tilespmem:s29+$0x20];
	[tilespmem:s20+$0x10] =	vst v15  }
0x20d: {  	v1 =	vbroadcast v7, $0x2;
	v8 =	vmul.f32 v8, v2;
	v18 =	vld [tilespmem:s26+$0x80]  }
0x20e: {  	v17 =	vbroadcast v3, $0x5;
	v9 =	vmul.f32 v11, v9  }
0x20f: {  	v53 =	vld [tilespmem:s24+$0x10];
	v12 =	vbroadcast v5, $0x5;
	v20 =	vbroadcast v7, $0x5;
	[tilespmem:s12+$0xC0] =	vst v8  }
0x210: {  	[tilespmem:s12+$0xFFFFFFA0] =	vst v9;
	v11 =	vbroadcast v15, $0x0;
	v8 =	vmul.f32 v19, v13;
	v14 =	vpop (erf);
	v9 =	vld [tilespmem:s29+$0xD0]  }
0x211: {  	v10 =	vbroadcast v7, $0x3;
	v6 =	vbroadcast v5, $0x4;
	v24 =	vld [tilespmem:s29+$0xFFFFFFB0];
	[tilespmem:s20+$0xFFFFFFF0] =	vst v14  }
0x212: {  	v1 =	vmul.f32 v1, v4;
	[tilespmem:s12+$0xFFFFFF20] =	vst v8;
	v8 =	vld [tilespmem:s26+$0xFFFFFF80];
	v4 =	vmul.f32 v11, v18  }
0x213: {  	s22 =	simm.s32 $0x6D90;
	v58 =	vld [tilespmem:s24+$0xFFFFFFF0];
	v59 =	vbroadcast v15, $0x2;
	v18 =	vbroadcast v0, $0x5  }
0x214: {  	v45 =	vld [tilespmem:s24+$0xFFFFFFE0];
	v48 =	vbroadcast v15, $0x3;
	v2 =	vbroadcast v7, $0x4;
	[tilespmem:s22+$0x80] =	vst v4  }
0x215: {  	v27 =	vbroadcast v14, $0x0;
	v13 =	vpop (erf);
	v9 =	vmul.f32 v9, v18;
	v18 =	vld [tilespmem:s26+$0x90]  }
0x216: {  	v56 =	vld [tilespmem:s2+$0x10];
	v19 =	vbroadcast v5, $0x6;
	v5 =	vbroadcast v5, $0x7;
	[tilespmem:s20+$0xFFFFFFE0] =	vst v13;
	v22 =	vpop (erf)  }
0x217: {  	v16 =	vmul.f32 v24, v16;
	v24 =	vld [tilespmem:s26+$0xFFFFFF00];
	[tilespmem:s20+$0x0] =	vst v22;
	v8 =	vmul.f32 v27, v8  }
0x218: {  	v60 =	vld [tilespmem:s2+$0xFFFFFFF0];
	v52 =	vbroadcast v14, $0x1;
	[tilespmem:s12+$0xD0] =	vst v9;
	v9 =	vbroadcast v15, $0x1  }
0x219: {  	v55 =	vbroadcast v14, $0x2;
	v39 =	vbroadcast v14, $0x3;
	v28 =	vld [tilespmem:s26+$0x0];
	[tilespmem:s22+$0xFFFFFF80] =	vst v8  }
0x21a: {  	[tilespmem:s12+$0xFFFFFFB0] =	vst v16;
	v27 =	vbroadcast v13, $0x0;
	v31 =	vld [tilespmem:s26+$0xFFFFFF90];
	v9 =	vmul.f32 v9, v18  }
0x21b: {  	[tilespmem:s12+$0x20] =	vst v1;
	v1 =	vbroadcast v7, $0x6;
	v4 =	vbroadcast v3, $0x7;
	v30 =	vld [tilespmem:s29+$0xFFFFFFC0]  }
0x21c: {  	v11 =	vld [tilespmem:s29+$0xFFFFFF30];
	v29 =	vbroadcast v22, $0x0;
	v27 =	vmul.f32 v27, v24;
	[tilespmem:s22+$0x90] =	vst v9  }
0x21d: {  	v3 =	vbroadcast v7, $0x7;
	v33 =	vbroadcast v13, $0x2;
	v9 =	vld [tilespmem:s26+$0xA0]  }
0x21e: {  	v25 =	vld [tilespmem:s29+$0x30];
	v16 =	vbroadcast v13, $0x3;
	v28 =	vmul.f32 v29, v28;
	[tilespmem:s22+$0xFFFFFF00] =	vst v27  }
0x21f: {  	v54 =	vbroadcast v22, $0x1;
	v46 =	vld [tilespmem:s26+$0xFFFFFF10];
	v31 =	vmul.f32 v52, v31  }
0x220: {  	v57 =	vbroadcast v22, $0x2;
	v7 =	vld [tilespmem:s29+$0xE0];
	v26 =	vmul.f32 v30, v26;
	[tilespmem:s22+$0x0] =	vst v28  }
0x221: {  	v11 =	vmul.f32 v11, v23;
	v23 =	vbroadcast v22, $0x4;
	[tilespmem:s22+$0xFFFFFF90] =	vst v31;
	v31 =	vld [tilespmem:s26+$0x10]  }
0x222: {  	v34 =	vadd.f32 v56, v53;
	v8 =	vbroadcast v13, $0x1;
	v29 =	vld [tilespmem:s2+$0xFFFFFFE0];
	[tilespmem:s12+$0xFFFFFFC0] =	vst v26;
	v9 =	vmul.f32 v59, v9  }
0x223: {  	v62 =	vmul.f32 v25, v10;
	v24 =	vbroadcast v0, $0x6;
	v52 =	vld [tilespmem:s29+$0xFFFFFFD0]  }
0x224: {  	v27 =	vadd.f32 v60, v58;
	v8 =	vmul.f32 v8, v46;
	[tilespmem:s22+$0xA0] =	vst v9;
	v9 =	vmul.f32 $2.000000030e-01, v34  }
0x225: {  	vm13 =	vge.f32 v34, $0.0e+00;
	v25 =	vbroadcast v14, $0x4;
	[tilespmem:s12+$0xFFFFFF30] =	vst v11;
	v7 =	vmul.f32 v7, v24;
	v30 =	vld [tilespmem:s26+$0xB0]  }
0x226: {  	v28 =	vmul.f32 $2.000000030e-01, v27;
	v11 =	vld [tilespmem:s26+$0xFFFFFFA0];
	[tilespmem:s22+$0xFFFFFF10] =	vst v8;
	v8 =	vmul.f32 v54, v31;
	v9 =	vsel vm13, v34, v9  }
0x227: {  	v10 =	vbroadcast v13, $0x5;
	vm14 =	vge.f32 v27, $0.0e+00;
	[tilespmem:s12+$0xE0] =	vst v7;
	v9 =	vmul.f32 $1.442695020e+00, v9  }
0x228: {  	v29 =	vadd.f32 v29, v45;
	v7 =	vsel vm14, v27, v28;
	v51 =	vld [tilespmem:s29+$0xF0];
	v17 =	vmul.f32 v52, v17;
	[tilespmem:s22+$0x10] =	vst v8  }
0x229: {  	vm15 =	vge.f32 v47, $0.0e+00;
	v7 =	vmul.f32 $1.442695020e+00, v7;
	v26 =	vld [tilespmem:s26+$0x20];
	(erf) = vpow2.f32 v9  }
0x22a: {  	v27 =	vsel vm15, v47, v49;
	v50 =	vmul.f32 $2.000000030e-01, v29;
	[tilespmem:s12+$0xFFFFFFD0] =	vst v17;
	v9 =	vld [tilespmem:s29+$0xFFFFFF40];
	v30 =	vmul.f32 v30, v48  }
0x22b: {  	vm2 =	vge.f32 v29, $0.0e+00;
	v49 =	vld [tilespmem:s29+$0xFFFFFFE0];
	(erf) = vpow2.f32 v7;
	v7 =	vmul.f32 v55, v11  }
0x22c: {  	v18 =	vbroadcast v22, $0x3;
	v0 =	vbroadcast v0, $0x7;
	v28 =	vsel vm2, v29, v50;
	[tilespmem:s22+$0xB0] =	vst v30;
	v30 =	vld [tilespmem:s26+$0xFFFFFF20]  }
0x22d: {  	v24 =	vbroadcast v13, $0x4;
	v28 =	vmul.f32 $1.442695020e+00, v28;
	[tilespmem:s22+$0xFFFFFFA0] =	vst v7;
	v29 =	vld [tilespmem:s26+$0xC0]  }
0x22e: {  	[tilespmem:s12+$0x30] =	vst v62;
	v27 =	vmul.f32 $1.442695020e+00, v27;
	v53 =	vld [tilespmem:s26+$0xFFFFFFB0];
	v26 =	vmul.f32 v57, v26  }
0x22f: {  	s10 =	simm.s32 $0x3920;
	v31 =	vld [tilespmem:s29+$0x40];
	(erf) = vpow2.f32 v28;
	v8 =	vmul.f32 v9, v6  }
0x230: {  	v52 =	vld [tilespmem:s10+$0xFFFFFFE0];
	v11 =	vbroadcast v15, $0x4;
	(erf) = vpow2.f32 v27;
	[tilespmem:s22+$0x20] =	vst v26  }
0x231: {  	v17 =	vbroadcast v15, $0x6;
	v28 =	vbroadcast v14, $0x5;
	[tilespmem:s12+$0xFFFFFF40] =	vst v8;
	v56 =	vld [tilespmem:s26+$0x30]  }
0x232: {  	s3 =	simm.s32 $0x6630;
	s4 =	simm.s32 $0x3420;
	v27 =	vmul.f32 v33, v30;
	v9 =	vpop (erf);
	v8 =	vmul.f32 v29, v11;
	v29 =	vld [tilespmem:s29+$0xFFFFFF50]  }
0x233: {  	s0 =	simm.s32 $0x4240;
	v21 =	vmul.f32 v49, v21;
	v35 =	vmul.f32 v53, v39;
	v53 =	vld [tilespmem:s4+$0xFFFFFFF0];
	[tilespmem:s3+$0x10] =	vst v9  }
0x234: {  	v11 =	vmul.f32 v51, v0;
	v0 =	vmul.f32 v31, v2;
	[tilespmem:s22+$0xFFFFFF20] =	vst v27;
	v30 =	vld [tilespmem:s0+$0x80]  }
0x235: {  	v7 =	vbroadcast v13, $0x6;
	v13 =	vbroadcast v13, $0x7;
	[tilespmem:s22+$0xC0] =	vst v8;
	v54 =	vld [tilespmem:s26+$0xFFFFFF30]  }
0x236: {  	v57 =	vbroadcast v15, $0x5;
	v6 =	vbroadcast v22, $0x5;
	[tilespmem:s12+$0x40] =	vst v0;
	v31 =	vld [tilespmem:s26+$0xD0]  }
0x237: {  	v2 =	vbroadcast v22, $0x6;
	v55 =	vbroadcast v9, $0x0;
	[tilespmem:s22+$0xFFFFFFB0] =	vst v35;
	v27 =	vpop (erf);
	v36 =	vld [tilespmem:s29+$0x50]  }
0x238: {  	v8 =	vbroadcast v14, $0x6;
	v14 =	vbroadcast v14, $0x7;
	v63 =	vld [tilespmem:s26+$0xFFFFFFC0];
	[tilespmem:s3+$0xFFFFFFF0] =	vst v27;
	v26 =	vpop (erf)  }
0x239: {  	v0 =	vbroadcast v22, $0x7;
	[tilespmem:s3+$0xFFFFFFE0] =	vst v26;
	v22 =	vld [tilespmem:s0+$0xFFFFFF80];
	v32 =	vpop (erf);
	v30 =	vmul.f32 v55, v30  }
0x23a: {  	s2 =	simm.s32 $0x6F90;
	v34 =	vmul.f32 v56, v18;
	v18 =	vbroadcast v9, $0x2;
	v58 =	vld [tilespmem:s0+$0xFFFFFF00];
	[tilespmem:s3+$0x0] =	vst v32  }
0x23b: {  	v56 =	vbroadcast v15, $0x7;
	v12 =	vmul.f32 v29, v12;
	v59 =	vld [tilespmem:s0+$0x0];
	[tilespmem:s2+$0x80] =	vst v30  }
0x23c: {  	v42 =	vbroadcast v27, $0x1;
	v29 =	vbroadcast v27, $0x0;
	v61 =	vld [tilespmem:s0+$0x90]  }
0x23d: {  	v60 =	vbroadcast v32, $0x0;
	[tilespmem:s12+$0xFFFFFF50] =	vst v12;
	v33 =	vmul.f32 v54, v16;
	v54 =	vld [tilespmem:s10+$0xFFFFFFF0]  }
0x23e: {  	v12 =	vbroadcast v9, $0x1;
	v46 =	vld [tilespmem:s29+$0xFFFFFF60];
	v30 =	vbroadcast v26, $0x0  }
0x23f: {  	v25 =	vmul.f32 v63, v25;
	v63 =	vld [tilespmem:s4+$0xFFFFFFE0];
	v22 =	vmul.f32 v29, v22  }
0x240: {  	v31 =	vmul.f32 v31, v57;
	v38 =	vmul.f32 v30, v58;
	v58 =	vld [tilespmem:s4+$0x10]  }
0x241: {  	[tilespmem:s2+$0xFFFFFF80] =	vst v22;
	v37 =	vmul.f32 v60, v59;
	v59 =	vld [tilespmem:s10+$0x10];
	v12 =	vmul.f32 v12, v61  }
0x242: {  	v47 =	vbroadcast v27, $0x2;
	v51 =	vbroadcast v27, $0x3;
	[tilespmem:s22+$0xD0] =	vst v31;
	v57 =	vld [tilespmem:s0+$0xFFFFFF90]  }
0x243: {  	v41 =	vbroadcast v26, $0x1;
	v43 =	vbroadcast v26, $0x2;
	v62 =	vld [tilespmem:s26+$0xE0];
	[tilespmem:s2+$0x90] =	vst v12  }
0x244: {  	v45 =	vbroadcast v32, $0x1;
	v48 =	vbroadcast v32, $0x2;
	[tilespmem:s22+$0xFFFFFFC0] =	vst v25;
	v60 =	vld [tilespmem:s0+$0xA0]  }
0x245: {  	[tilespmem:s22+$0x30] =	vst v34;
	v16 =	vbroadcast v26, $0x5;
	v20 =	vmul.f32 v36, v20;
	v36 =	vld [tilespmem:s26+$0xFFFFFFD0]  }
0x246: {  	v29 =	vbroadcast v26, $0x3;
	v31 =	vbroadcast v32, $0x3;
	v40 =	vadd.f32 v52, v63;
	v52 =	vld [tilespmem:s26+$0x40]  }
0x247: {  	[tilespmem:s22+$0xFFFFFF30] =	vst v33;
	v30 =	vbroadcast v27, $0x4;
	v61 =	vld [tilespmem:s4+$0x0];
	v39 =	vadd.f32 v59, v58;
	v42 =	vmul.f32 v42, v57  }
0x248: {  	v22 =	vbroadcast v26, $0x4;
	[tilespmem:s2+$0x0] =	vst v37;
	v12 =	vmul.f32 v62, v17;
	v62 =	vld [tilespmem:s10+$0x0]  }
0x249: {  	v57 =	vld [tilespmem:s0+$0x10];
	v15 =	vmul.f32 $2.000000030e-01, v39;
	[tilespmem:s2+$0xFFFFFF90] =	vst v42;
	v35 =	vmul.f32 v18, v60  }
0x24a: {  	[tilespmem:s2+$0xFFFFFF00] =	vst v38;
	v19 =	vmul.f32 v46, v19;
	v28 =	vmul.f32 v36, v28;
	vm4 =	vge.f32 v39, $0.0e+00;
	v60 =	vld [tilespmem:s0+$0xFFFFFFA0]  }
0x24b: {  	v17 =	vbroadcast v32, $0x4;
	v15 =	vsel vm4, v39, v15;
	[tilespmem:s2+$0xA0] =	vst v35;
	v35 =	vadd.f32 v54, v53;
	v54 =	vld [tilespmem:s0+$0xFFFFFF10]  }
0x24c: {  	v23 =	vmul.f32 v52, v23;
	[tilespmem:s22+$0xE0] =	vst v12;
	v15 =	vmul.f32 $1.442695020e+00, v15;
	v53 =	vld [tilespmem:s0+$0xB0]  }
0x24d: {  	[tilespmem:s12+$0x50] =	vst v20;
	v12 =	vbroadcast v32, $0x5;
	v55 =	vld [tilespmem:s26+$0xF0];
	v59 =	vadd.f32 v62, v61;
	v58 =	vmul.f32 $2.000000030e-01, v35  }
0x24e: {  	[tilespmem:s22+$0x40] =	vst v23;
	v61 =	vbroadcast v9, $0x3;
	v62 =	vld [tilespmem:s26+$0xFFFFFF40];
	(erf) = vpow2.f32 v15;
	vm5 =	vge.f32 v35, $0.0e+00  }
0x24f: {  	[tilespmem:s12+$0xFFFFFF60] =	vst v19;
	v44 =	vld [tilespmem:s26+$0x50];
	v63 =	vmul.f32 $2.000000030e-01, v59;
	v19 =	vmul.f32 v47, v60;
	v20 =	vsel vm5, v35, v58  }
0x250: {  	vm6 =	vge.f32 v59, $0.0e+00;
	v37 =	vmul.f32 v41, v54;
	v54 =	vld [tilespmem:s29+$0x60];
	v20 =	vmul.f32 $1.442695020e+00, v20  }
0x251: {  	[tilespmem:s12+$0xFFFFFFE0] =	vst v21;
	v15 =	vmul.f32 $2.000000030e-01, v40;
	v25 =	vmul.f32 v53, v61;
	v53 =	vsel vm6, v59, v63;
	v59 =	vld [tilespmem:s29+$0xFFFFFF70]  }
0x252: {  	vm7 =	vge.f32 v40, $0.0e+00;
	v18 =	vbroadcast v27, $0x5;
	[tilespmem:s2+$0xFFFFFFA0] =	vst v19;
	v61 =	vld [tilespmem:s29+$0xFFFFFFF0];
	(erf) = vpow2.f32 v20  }
0x253: {  	v15 =	vsel vm7, v40, v15;
	v20 =	vmul.f32 v62, v24;
	v62 =	vld [tilespmem:s0+$0xFFFFFFB0];
	[tilespmem:s2+$0xB0] =	vst v25;
	v25 =	vmul.f32 v45, v57  }
0x254: {  	v21 =	vmul.f32 v55, v56;
	v15 =	vmul.f32 $1.442695020e+00, v15;
	[tilespmem:s2+$0xFFFFFF10] =	vst v37;
	v57 =	vld [tilespmem:s0+$0xC0]  }
0x255: {  	v44 =	vmul.f32 v44, v6;
	v35 =	vmul.f32 $1.442695020e+00, v53;
	v58 =	vld [tilespmem:s0+$0xFFFFFF20];
	[tilespmem:s22+$0xFFFFFF40] =	vst v20  }
0x256: {  	v60 =	vbroadcast v9, $0x4;
	(erf) = vpow2.f32 v15;
	[tilespmem:s2+$0x10] =	vst v25;
	v63 =	vld [tilespmem:s26+$0xFFFFFF50]  }
0x257: {  	s19 =	simm.s32 $0x6670;
	[tilespmem:s22+$0xFFFFFFD0] =	vst v28;
	v19 =	vbroadcast v27, $0x6;
	(erf) = vpow2.f32 v35;
	v24 =	vld [tilespmem:s0+$0x20];
	v25 =	vpop (erf)  }
0x258: {  	s10 =	simm.s32 $0x4440;
	v27 =	vbroadcast v27, $0x7;
	v35 =	vmul.f32 v62, v51;
	v51 =	vld [tilespmem:s26+$0xFFFFFFE0];
	[tilespmem:s19+$0x10] =	vst v25  }
0x259: {  	s20 =	simm.s32 $0x3460;
	v15 =	vbroadcast v26, $0x6;
	v33 =	vmul.f32 v57, v60;
	v52 =	vld [tilespmem:s10+$0x80]  }
0x25a: {  	v26 =	vbroadcast v26, $0x7;
	v50 =	vmul.f32 v43, v58;
	[tilespmem:s2+$0xFFFFFFB0] =	vst v35;
	v60 =	vld [tilespmem:s20+$0x10]  }
0x25b: {  	v20 =	vbroadcast v32, $0x6;
	v10 =	vmul.f32 v63, v10;
	v40 =	vld [tilespmem:s0+$0xFFFFFFC0];
	[tilespmem:s2+$0xC0] =	vst v33  }
0x25c: {  	v23 =	vbroadcast v25, $0x0;
	[tilespmem:s2+$0xFFFFFF20] =	vst v50;
	v24 =	vmul.f32 v48, v24;
	v53 =	vld [tilespmem:s0+$0xD0]  }
0x25d: {  	v37 =	vmul.f32 v54, v1;
	v1 =	vbroadcast v32, $0x7;
	v43 =	vld [tilespmem:s0+$0xFFFFFF30];
	[tilespmem:s22+$0xFFFFFF50] =	vst v10  }
0x25e: {  	v54 =	vbroadcast v9, $0x5;
	v32 =	vmul.f32 v61, v4;
	v33 =	vpop (erf);
	[tilespmem:s2+$0x20] =	vst v24;
	v49 =	vld [tilespmem:s26+$0xFFFFFF60]  }
0x25f: {  	v62 =	vbroadcast v25, $0x1;
	v24 =	vmul.f32 v59, v5;
	[tilespmem:s19+$0xFFFFFFF0] =	vst v33;
	v39 =	vpop (erf);
	v5 =	vld [tilespmem:s0+$0x30]  }
0x260: {  	v8 =	vmul.f32 v51, v8;
	v55 =	vmul.f32 v23, v52;
	[tilespmem:s19+$0xFFFFFFE0] =	vst v39;
	v4 =	vld [tilespmem:s10+$0xFFFFFF80];
	v23 =	vpop (erf)  }
0x261: {  	s24 =	simm.s32 $0x7190;
	v56 =	vbroadcast v33, $0x0;
	v38 =	vld [tilespmem:s10+$0xFFFFFF00];
	[tilespmem:s19+$0x0] =	vst v23;
	v36 =	vmul.f32 v53, v54  }
0x262: {  	v47 =	vbroadcast v33, $0x1;
	v50 =	vbroadcast v33, $0x2;
	[tilespmem:s24+$0x80] =	vst v55;
	v57 =	vld [tilespmem:s10+$0x0]  }
0x263: {  	v45 =	vbroadcast v33, $0x3;
	v35 =	vbroadcast v33, $0x4;
	v34 =	vld [tilespmem:s10+$0x90];
	[tilespmem:s2+$0xD0] =	vst v36  }
0x264: {  	v58 =	vbroadcast v39, $0x0;
	v46 =	vbroadcast v39, $0x1;
	v61 =	vld [tilespmem:s0+$0xE0]  }
0x265: {  	s4 =	simm.s32 $0x3960;
	v48 =	vbroadcast v39, $0x2;
	v53 =	vld [tilespmem:s20+$0x0];
	v4 =	vmul.f32 v56, v4  }
0x266: {  	v40 =	vmul.f32 v40, v30;
	v59 =	vbroadcast v23, $0x0;
	v54 =	vld [tilespmem:s4+$0x0]  }
0x267: {  	v38 =	vmul.f32 v58, v38;
	v58 =	vld [tilespmem:s20+$0xFFFFFFF0];
	[tilespmem:s24+$0xFFFFFF80] =	vst v4;
	v4 =	vbroadcast v9, $0x6  }
0x268: {  	v28 =	vmul.f32 v62, v34;
	v41 =	vmul.f32 v59, v57;
	v59 =	vld [tilespmem:s4+$0xFFFFFFF0]  }
0x269: {  	v30 =	vbroadcast v33, $0x5;
	v63 =	vld [tilespmem:s10+$0xFFFFFF90];
	v4 =	vmul.f32 v61, v4  }
0x26a: {  	v6 =	vbroadcast v39, $0x6;
	v10 =	vbroadcast v23, $0x1;
	[tilespmem:s24+$0x90] =	vst v28;
	v61 =	vld [tilespmem:s4+$0x10]  }
0x26b: {  	v52 =	vbroadcast v23, $0x2;
	v7 =	vmul.f32 v49, v7;
	v62 =	vld [tilespmem:s10+$0xA0];
	[tilespmem:s2+$0xE0] =	vst v4  }
0x26c: {  	v36 =	vbroadcast v23, $0x3;
	v34 =	vbroadcast v39, $0x3;
	v56 =	vld [tilespmem:s0+$0xF0]  }
0x26d: {  	[tilespmem:s22+$0x50] =	vst v44;
	v57 =	vld [tilespmem:s4+$0xFFFFFFE0];
	v9 =	vbroadcast v9, $0x7;
	v4 =	vmul.f32 v43, v29  }
0x26e: {  	[tilespmem:s24+$0x0] =	vst v41;
	v43 =	vmul.f32 v5, v31;
	v5 =	vbroadcast v25, $0x2;
	v41 =	vadd.f32 v59, v58;
	v58 =	vld [tilespmem:s26+$0x60]  }
0x26f: {  	v28 =	vbroadcast v23, $0x4;
	v29 =	vbroadcast v39, $0x4;
	[tilespmem:s2+$0xFFFFFF30] =	vst v4;
	v42 =	vadd.f32 v61, v60;
	v60 =	vld [tilespmem:s20+$0xFFFFFFE0]  }
0x270: {  	v59 =	vadd.f32 v54, v53;
	v47 =	vmul.f32 v47, v63;
	[tilespmem:s2+$0x30] =	vst v43;
	v55 =	vmul.f32 v5, v62;
	v53 =	vld [tilespmem:s0+$0xFFFFFF40]  }
0x271: {  	[tilespmem:s24+$0xFFFFFF00] =	vst v38;
	v54 =	vld [tilespmem:s0+$0x40];
	v38 =	vmul.f32 v56, v9;
	v9 =	vmul.f32 $2.000000030e-01, v42  }
0x272: {  	v31 =	vbroadcast v39, $0x5;
	v4 =	vmul.f32 $2.000000030e-01, v41;
	[tilespmem:s24+$0xA0] =	vst v55;
	v55 =	vld [tilespmem:s10+$0xFFFFFF10];
	vm8 =	vge.f32 v42, $0.0e+00  }
0x273: {  	vm9 =	vge.f32 v41, $0.0e+00;
	[tilespmem:s24+$0xFFFFFF90] =	vst v47;
	v62 =	vmul.f32 $2.000000030e-01, v59;
	v63 =	vld [tilespmem:s10+$0xB0];
	v9 =	vsel vm8, v42, v9  }
0x274: {  	[tilespmem:s22+$0xFFFFFF60] =	vst v7;
	vm10 =	vge.f32 v59, $0.0e+00;
	v5 =	vbroadcast v23, $0x5;
	v49 =	vld [tilespmem:s10+$0xFFFFFFA0];
	v9 =	vmul.f32 $1.442695020e+00, v9  }
0x275: {  	[tilespmem:s12+$0x60] =	vst v37;
	v61 =	vbroadcast v25, $0x3;
	v4 =	vsel vm9, v41, v4;
	v7 =	vsel vm10, v59, v62;
	v59 =	vld [tilespmem:s26+$0xFFFFFF70]  }
0x276: {  	[tilespmem:s2+$0xFFFFFFC0] =	vst v40;
	v4 =	vmul.f32 $1.442695020e+00, v4;
	v42 =	vld [tilespmem:s10+$0x10];
	(erf) = vpow2.f32 v9  }
0x277: {  	[tilespmem:s22+$0xFFFFFFE0] =	vst v8;
	v47 =	vmul.f32 v58, v2;
	v56 =	vld [tilespmem:s0+$0xFFFFFFD0];
	v60 =	vadd.f32 v57, v60;
	v57 =	vmul.f32 v46, v55  }
0x278: {  	s20 =	simm.s32 $0x34A0;
	v8 =	vmul.f32 v53, v22;
	v22 =	vld [tilespmem:s26+$0xFFFFFFF0];
	[tilespmem:s2+$0xF0] =	vst v38;
	v63 =	vmul.f32 v63, v61  }
0x279: {  	v2 =	vbroadcast v23, $0x7;
	v38 =	vld [tilespmem:s20+$0xFFFFFFF0];
	v9 =	vmul.f32 $2.000000030e-01, v60;
	[tilespmem:s24+$0xFFFFFF10] =	vst v57  }
0x27a: {  	vm11 =	vge.f32 v60, $0.0e+00;
	(erf) = vpow2.f32 v4;
	v4 =	vmul.f32 v50, v49;
	[tilespmem:s24+$0xB0] =	vst v63;
	v61 =	vld [tilespmem:s10+$0xFFFFFF20]  }
0x27b: {  	v7 =	vmul.f32 $1.442695020e+00, v7;
	[tilespmem:s2+$0xFFFFFF40] =	vst v8;
	v9 =	vsel vm11, v60, v9;
	v10 =	vmul.f32 v10, v42;
	v60 =	vld [tilespmem:s10+$0xC0]  }
0x27c: {  	v17 =	vmul.f32 v54, v17;
	v53 =	vld [tilespmem:s0+$0xFFFFFF50];
	v9 =	vmul.f32 $1.442695020e+00, v9;
	[tilespmem:s24+$0xFFFFFFA0] =	vst v4  }
0x27d: {  	v8 =	vbroadcast v39, $0x7;
	v43 =	vmul.f32 v59, v13;
	[tilespmem:s24+$0x10] =	vst v10;
	v63 =	vld [tilespmem:s10+$0xFFFFFFB0]  }
0x27e: {  	[tilespmem:s2+$0x40] =	vst v17;
	v4 =	vbroadcast v25, $0x4;
	(erf) = vpow2.f32 v9;
	v62 =	vld [tilespmem:s10+$0x20]  }
0x27f: {  	[tilespmem:s12+$0xFFFFFF70] =	vst v24;
	s19 =	simm.s32 $0x66B0;
	v9 =	vbroadcast v33, $0x6;
	v55 =	vmul.f32 v48, v61;
	v48 =	vld [tilespmem:s0+$0x50];
	v10 =	vpop (erf)  }
0x280: {  	s28 =	simm.s32 $0x4640;
	v50 =	vmul.f32 v60, v4;
	v4 =	vbroadcast v33, $0x7;
	v33 =	vld [tilespmem:s29+$0x70];
	[tilespmem:s19+$0x10] =	vst v10  }
0x281: {  	v18 =	vmul.f32 v56, v18;
	(erf) = vpow2.f32 v7;
	[tilespmem:s24+$0xFFFFFF20] =	vst v55;
	v56 =	vld [tilespmem:s28+$0x80]  }
0x282: {  	v37 =	vmul.f32 v22, v14;
	v22 =	vbroadcast v25, $0x5;
	[tilespmem:s24+$0xC0] =	vst v50;
	v13 =	vld [tilespmem:s10+$0xFFFFFF30]  }
0x283: {  	[tilespmem:s2+$0xFFFFFFD0] =	vst v18;
	v18 =	vbroadcast v25, $0x6;
	v17 =	vmul.f32 v63, v45;
	v40 =	vpop (erf);
	v58 =	vld [tilespmem:s10+$0xD0]  }
0x284: {  	v16 =	vmul.f32 v53, v16;
	v14 =	vbroadcast v10, $0x0;
	v50 =	vld [tilespmem:s20+$0x10];
	[tilespmem:s19+$0xFFFFFFF0] =	vst v40  }
0x285: {  	v7 =	vbroadcast v23, $0x6;
	v57 =	vmul.f32 v52, v62;
	[tilespmem:s24+$0xFFFFFFB0] =	vst v17;
	v23 =	vld [tilespmem:s28+$0xFFFFFF80]  }
0x286: {  	v25 =	vbroadcast v25, $0x7;
	[tilespmem:s2+$0xFFFFFF50] =	vst v16;
	v63 =	vld [tilespmem:s10+$0xFFFFFFC0];
	v14 =	vmul.f32 v14, v56  }
0x287: {  	s29 =	simm.s32 $0x7390;
	v16 =	vbroadcast v10, $0x1;
	v59 =	vbroadcast v40, $0x0;
	[tilespmem:s24+$0x20] =	vst v57;
	v57 =	vld [tilespmem:s0+$0xFFFFFF60]  }
0x288: {  	v55 =	vbroadcast v40, $0x2;
	v46 =	vld [tilespmem:s10+$0x30];
	v45 =	vpop (erf);
	v22 =	vmul.f32 v58, v22;
	[tilespmem:s29+$0x80] =	vst v14  }
0x289: {  	v51 =	vbroadcast v40, $0x3;
	v24 =	vbroadcast v40, $0x4;
	[tilespmem:s19+$0xFFFFFFE0] =	vst v45;
	v62 =	vld [tilespmem:s28+$0x90]  }
0x28a: {  	v39 =	vpop (erf);
	v44 =	vbroadcast v45, $0x0;
	v52 =	vbroadcast v45, $0x1;
	v49 =	vld [tilespmem:s28+$0xFFFFFF00];
	[tilespmem:s24+$0xD0] =	vst v22  }
0x28b: {  	v42 =	vbroadcast v45, $0x2;
	v13 =	vmul.f32 v13, v34;
	[tilespmem:s19+$0x0] =	vst v39;
	v17 =	vld [tilespmem:s10+$0xE0]  }
0x28c: {  	[tilespmem:s22+$0xF0] =	vst v21;
	v21 =	vbroadcast v45, $0x4;
	v60 =	vbroadcast v39, $0x0;
	v61 =	vld [tilespmem:s28+$0x0]  }
0x28d: {  	[tilespmem:s12+$0xF0] =	vst v11;
	v54 =	vbroadcast v39, $0x1;
	v58 =	vld [tilespmem:s0+$0xFFFFFFE0];
	s19 =	simm.s32 $0x39A0;
	v23 =	vmul.f32 v59, v23  }
0x28e: {  	v41 =	vbroadcast v39, $0x2;
	v53 =	vld [tilespmem:s19+$0x10];
	[tilespmem:s24+$0xFFFFFF30] =	vst v13;
	v16 =	vmul.f32 v16, v62  }
0x28f: {  	v35 =	vmul.f32 v63, v35;
	v63 =	vld [tilespmem:s19+$0xFFFFFFF0];
	v13 =	vbroadcast v39, $0x6;
	[tilespmem:s29+$0xFFFFFF80] =	vst v23  }
0x290: {  	v11 =	vmul.f32 v44, v49;
	v44 =	vld [tilespmem:s28+$0xFFFFFF90];
	v17 =	vmul.f32 v17, v18;
	[tilespmem:s29+$0x90] =	vst v16  }
0x291: {  	v14 =	vbroadcast v40, $0x1;
	v49 =	vmul.f32 v60, v61;
	v60 =	vld [tilespmem:s28+$0xA0]  }
0x292: {  	v22 =	vbroadcast v45, $0x3;
	v34 =	vmul.f32 v46, v36;
	v36 =	vld [tilespmem:s20+$0x0];
	[tilespmem:s24+$0xE0] =	vst v17  }
0x293: {  	v23 =	vbroadcast v39, $0x3;
	v19 =	vmul.f32 v58, v19;
	v61 =	vld [tilespmem:s10+$0xF0]  }
0x294: {  	v58 =	vld [tilespmem:s10+$0xFFFFFF40];
	[tilespmem:s29+$0xFFFFFF00] =	vst v11;
	v18 =	vbroadcast v39, $0x4;
	v62 =	vbroadcast v10, $0x2  }
0x295: {  	[tilespmem:s29+$0x0] =	vst v49;
	v49 =	vld [tilespmem:s19+$0x0];
	v16 =	vbroadcast v45, $0x5;
	v11 =	vmul.f32 v14, v44  }
0x296: {  	[tilespmem:s12+$0xFFFFFFF0] =	vst v32;
	v59 =	vld [tilespmem:s19+$0xFFFFFFE0];
	v53 =	vadd.f32 v53, v50;
	v17 =	vbroadcast v40, $0x5;
	v32 =	vmul.f32 v62, v60  }
0x297: {  	v44 =	vmul.f32 v48, v12;
	v12 =	vbroadcast v45, $0x6;
	[tilespmem:s29+$0xFFFFFF90] =	vst v11;
	v60 =	vld [tilespmem:s20+$0xFFFFFFE0]  }
0x298: {  	v38 =	vadd.f32 v63, v38;
	v56 =	vld [tilespmem:s28+$0xFFFFFFA0];
	v25 =	vmul.f32 v61, v25;
	v61 =	vmul.f32 $2.000000030e-01, v53;
	[tilespmem:s29+$0xA0] =	vst v32  }
0x299: {  	[tilespmem:s22+$0xFFFFFF70] =	vst v43;
	vm12 =	vge.f32 v53, $0.0e+00;
	v29 =	vmul.f32 v58, v29;
	v11 =	vbroadcast v45, $0x7;
	v63 =	vld [tilespmem:s28+$0xB0]  }
0x29a: {  	[tilespmem:s24+$0xFFFFFFC0] =	vst v35;
	v36 =	vadd.f32 v49, v36;
	v62 =	vld [tilespmem:s28+$0xFFFFFF10];
	v32 =	vmul.f32 v57, v15;
	v46 =	vsel vm12, v53, v61  }
0x29b: {  	[tilespmem:s24+$0x30] =	vst v34;
	v45 =	vld [tilespmem:s28+$0x10];
	v53 =	vmul.f32 $2.000000030e-01, v38;
	v46 =	vmul.f32 $1.442695020e+00, v46  }
0x29c: {  	v57 =	vbroadcast v10, $0x3;
	[tilespmem:s24+$0xF0] =	vst v25;
	v25 =	vmul.f32 $2.000000030e-01, v36;
	v34 =	vadd.f32 v59, v60  }
0x29d: {  	[tilespmem:s2+$0xFFFFFFE0] =	vst v19;
	vm13 =	vge.f32 v38, $0.0e+00;
	v61 =	vld [tilespmem:s10+$0xFFFFFFD0];
	v19 =	vmul.f32 v55, v56;
	(erf) = vpow2.f32 v46  }
0x29e: {  	[tilespmem:s2+$0x50] =	vst v44;
	v38 =	vsel vm13, v38, v53;
	v59 =	vld [tilespmem:s10+$0x40];
	v60 =	vmul.f32 $2.000000030e-01, v34;
	v35 =	vmul.f32 v63, v57  }
0x29f: {  	v55 =	vld [tilespmem:s0+$0xFFFFFFF0];
	[tilespmem:s2+$0xFFFFFF60] =	vst v32;
	v62 =	vmul.f32 v52, v62;
	v38 =	vmul.f32 $1.442695020e+00, v38;
	vm15 =	vge.f32 v34, $0.0e+00  }
0x2a0: {  	vm14 =	vge.f32 v36, $0.0e+00;
	v50 =	vld [tilespmem:s0+$0xFFFFFF70];
	v52 =	vmul.f32 v54, v45;
	v34 =	vsel vm15, v34, v60;
	[tilespmem:s29+$0xB0] =	vst v35  }
0x2a1: {  	v25 =	vsel vm14, v36, v25;
	[tilespmem:s29+$0xFFFFFF10] =	vst v62;
	(erf) = vpow2.f32 v38;
	v34 =	vmul.f32 $1.442695020e+00, v34;
	v53 =	vld [tilespmem:s28+$0xC0]  }
0x2a2: {  	v25 =	vmul.f32 $1.442695020e+00, v25;
	[tilespmem:s29+$0x10] =	vst v52;
	v43 =	vmul.f32 v61, v30;
	v54 =	vld [tilespmem:s28+$0xFFFFFF20]  }
0x2a3: {  	[tilespmem:s24+$0xFFFFFF40] =	vst v29;
	v56 =	vld [tilespmem:s28+$0x20];
	v58 =	vmul.f32 v59, v28;
	(erf) = vpow2.f32 v34  }
0x2a4: {  	[tilespmem:s29+$0xFFFFFFA0] =	vst v19;
	v63 =	vld [tilespmem:s0+$0x60];
	(erf) = vpow2.f32 v25;
	v25 =	vbroadcast v10, $0x4  }
0x2a5: {  	v14 =	vbroadcast v39, $0x5;
	v49 =	vbroadcast v10, $0x6;
	v57 =	vld [tilespmem:s28+$0xFFFFFFB0];
	[tilespmem:s24+$0xFFFFFFD0] =	vst v43  }
0x2a6: {  	s3 =	simm.s32 $0x66F0;
	v15 =	vbroadcast v40, $0x6;
	v59 =	vld [tilespmem:s10+$0xFFFFFF50];
	[tilespmem:s24+$0x40] =	vst v58;
	v28 =	vpop (erf);
	v29 =	vmul.f32 v53, v25  }
0x2a7: {  	s1 =	simm.s32 $0x4840;
	v19 =	vbroadcast v40, $0x7;
	v43 =	vld [tilespmem:s10+$0xFFFFFFE0];
	v30 =	vmul.f32 v42, v54;
	[tilespmem:s3+$0x10] =	vst v28  }
0x2a8: {  	v60 =	vld [tilespmem:s1+$0x80];
	[tilespmem:s29+$0xC0] =	vst v29;
	v29 =	vmul.f32 v55, v27;
	v27 =	vmul.f32 v41, v56  }
0x2a9: {  	[tilespmem:s29+$0xFFFFFF20] =	vst v30;
	v30 =	vmul.f32 v33, v3;
	v3 =	vbroadcast v28, $0x0;
	v61 =	vld [tilespmem:s28+$0xD0]  }
0x2aa: {  	[tilespmem:s22+$0x60] =	vst v47;
	v35 =	vmul.f32 v50, v26;
	v34 =	vmul.f32 v63, v20;
	v38 =	vld [tilespmem:s10+$0x50];
	v26 =	vpop (erf)  }
0x2ab: {  	v20 =	vbroadcast v39, $0x7;
	v62 =	vmul.f32 v57, v51;
	v25 =	vld [tilespmem:s26+$0x70];
	[tilespmem:s3+$0xFFFFFFF0] =	vst v26  }
0x2ac: {  	v42 =	vmul.f32 v59, v31;
	v31 =	vbroadcast v10, $0x5;
	v41 =	vld [tilespmem:s28+$0xFFFFFF30];
	[tilespmem:s29+$0x20] =	vst v27;
	v27 =	vpop (erf)  }
0x2ad: {  	v63 =	vbroadcast v26, $0x0;
	v57 =	vld [tilespmem:s1+$0xFFFFFF80];
	v36 =	vmul.f32 v3, v60;
	[tilespmem:s3+$0xFFFFFFE0] =	vst v27;
	v3 =	vpop (erf)  }
0x2ae: {  	s26 =	simm.s32 $0x7590;
	v45 =	vbroadcast v26, $0x1;
	v58 =	vld [tilespmem:s1+$0xFFFFFF00];
	[tilespmem:s3+$0x0] =	vst v3;
	v31 =	vmul.f32 v61, v31  }
0x2af: {  	v33 =	vbroadcast v26, $0x3;
	v56 =	vbroadcast v27, $0x0;
	[tilespmem:s26+$0x80] =	vst v36;
	v60 =	vld [tilespmem:s1+$0x0]  }
0x2b0: {  	v39 =	vbroadcast v27, $0x1;
	v32 =	vbroadcast v27, $0x2;
	v61 =	vld [tilespmem:s1+$0x90];
	[tilespmem:s29+$0xD0] =	vst v31  }
0x2b1: {  	[tilespmem:s22+$0xFFFFFFF0] =	vst v37;
	v36 =	vbroadcast v26, $0x2;
	v44 =	vbroadcast v27, $0x3;
	v47 =	vld [tilespmem:s28+$0xE0]  }
0x2b2: {  	[tilespmem:s29+$0xFFFFFFB0] =	vst v62;
	v40 =	vld [tilespmem:s28+$0x30];
	v62 =	vmul.f32 v63, v57;
	v59 =	vbroadcast v3, $0x0  }
0x2b3: {  	v46 =	vld [tilespmem:s28+$0xFFFFFFC0];
	[tilespmem:s24+$0xFFFFFF50] =	vst v42;
	v63 =	vbroadcast v28, $0x1;
	v48 =	vmul.f32 v56, v58  }
0x2b4: {  	s30 =	simm.s32 $0x34E0;
	v42 =	vld [tilespmem:s10+$0xFFFFFF60];
	v37 =	vbroadcast v3, $0x1;
	[tilespmem:s26+$0xFFFFFF80] =	vst v62;
	v50 =	vmul.f32 v59, v60  }
0x2b5: {  	s31 =	smov.u32 s14;
	s4 =	simm.s32 $0x14;
	s20 =	simm.s32 $0x4840;
	v31 =	vbroadcast v3, $0x2;
	v51 =	vmul.f32 v63, v61;
	[tilespmem:s26+$0xFFFFFF00] =	vst v48;
	v48 =	vld [tilespmem:s1+$0xFFFFFF90]  }
.LBB2_5:
0x2b6: {  	v52 =	vld [tilespmem:s30+$0x10];
	[tilespmem:s26+$0x0] =	vst v50;
	v50 =	vbroadcast v3, $0x3;
	s19 =	sadd.s32 $0x40, s19;
	v47 =	vmul.f32 v47, v49  }
0x2b7: {  	v41 =	vmul.f32 v41, v22;
	v22 =	vmov v44;
	v49 =	vld [tilespmem:s19+$0x10];
	[tilespmem:s26+$0x90] =	vst v51;
	v51 =	vmul.f32 v40, v23  }
0x2b8: {  	v44 =	vbroadcast v27, $0x4;
	v53 =	vbroadcast v26, $0x4;
	v54 =	vld [tilespmem:s1+$0xA0];
	[tilespmem:s29+$0xE0] =	vst v47;
	v23 =	vmov v50  }
0x2b9: {  	v47 =	vbroadcast v3, $0x4;
	[tilespmem:s29+$0xFFFFFF30] =	vst v41;
	v41 =	vmul.f32 v46, v24;
	v46 =	vld [tilespmem:s28+$0xF0]  }
0x2ba: {  	s4 =	sadd.s32 $0x4, s4;
	v40 =	vbroadcast v27, $0x5;
	v24 =	vmov v53;
	v50 =	vld [tilespmem:s19+$0xFFFFFFE0];
	v45 =	vmul.f32 v45, v48;
	[tilespmem:s29+$0x30] =	vst v51  }
0x2bb: {  	p1 =	slt.u32 s4, $0x4C;
	v53 =	vbroadcast v28, $0x2;
	v51 =	vbroadcast v26, $0x5;
	v48 =	vld [tilespmem:s30+$0xFFFFFFF0];
	[tilespmem:s29+$0xFFFFFFC0] =	vst v41  }
0x2bc: {  	v55 =	vbroadcast v10, $0x7;
	v10 =	vmov v28;
	v41 =	vld [tilespmem:s19+$0xFFFFFFF0];
	[tilespmem:s26+$0xFFFFFF90] =	vst v45;
	v45 =	vbroadcast v3, $0x5  }
0x2bd: {  	v38 =	vmul.f32 v38, v5;
	v5 =	vmov v14;
	v28 =	vld [tilespmem:s30+$0x0];
	v53 =	vmul.f32 v53, v54;
	[tilespmem:s2+$0x60] =	vst v34  }
0x2be: {  	v49 =	vadd.f32 v49, v52;
	v52 =	vbroadcast v27, $0x6;
	v34 =	vld [tilespmem:s19+$0x0];
	v46 =	vmul.f32 v46, v55;
	[tilespmem:s2+$0xFFFFFF70] =	vst v35;
	v14 =	vmovc v45  }
0x2bf: {  	v54 =	vbroadcast v3, $0x6;
	v45 =	vbroadcast v26, $0x6;
	v35 =	vld [tilespmem:s30+$0xFFFFFFE0];
	[tilespmem:s26+$0xA0] =	vst v53  }
0x2c0: {  	v42 =	vmul.f32 v42, v6;
	v6 =	vmovc v12;
	v12 =	vmov v52;
	v53 =	vmul.f32 $2.000000030e-01, v49;
	v55 =	vld [tilespmem:s1+$0xFFFFFF10];
	[tilespmem:s29+$0xF0] =	vst v46  }
0x2c1: {  	v43 =	vmul.f32 v43, v9;
	v9 =	vmovc v15;
	vm0 =	vge.f32 v49, $0.0e+00;
	v41 =	vadd.f32 v41, v48;
	v46 =	vld [tilespmem:s1+$0xB0];
	[tilespmem:s24+$0x50] =	vst v38  }
0x2c2: {  	v27 =	vbroadcast v27, $0x7;
	v26 =	vbroadcast v26, $0x7;
	v15 =	vmovc v45;
	v38 =	vsel vm0, v49, v53;
	v48 =	vld [tilespmem:s1+$0x10];
	[tilespmem:s24+$0xFFFFFF60] =	vst v42  }
0x2c3: {  	v42 =	vmul.f32 $2.000000030e-01, v41;
	v28 =	vadd.f32 v34, v28;
	v34 =	vmul.f32 $1.442695020e+00, v38;
	v38 =	vld [tilespmem:s1+$0xFFFFFFA0];
	[tilespmem:s24+$0xFFFFFFE0] =	vst v43  }
0x2c4: {  	vm0 =	vge.f32 v41, $0.0e+00;
	v43 =	vbroadcast v10, $0x3;
	v35 =	vadd.f32 v50, v35;
	v45 =	vld [tilespmem:s28+$0xFFFFFF40];
	[tilespmem:s2+$0xFFFFFFF0] =	vst v29  }
0x2c5: {  	vm1 =	vge.f32 v28, $0.0e+00;
	v29 =	vmul.f32 $2.000000030e-01, v28;
	(erf) = vpow2.f32 v34;
	v34 =	vld [tilespmem:s28+$0x40];
	[tilespmem:s12+$0x70] =	vst v30;
	s12 =	smov.u32 s22;
	s22 =	smov.u32 s2;
	s2 =	smov.u32 s24  }
0x2c6: {  	s24 =	smov.u32 s29;
	s29 =	smov.u32 s26;
	vm2 =	vge.f32 v35, $0.0e+00;
	v30 =	vmul.f32 $2.000000030e-01, v35;
	v43 =	vmul.f32 v46, v43;
	v46 =	vld [tilespmem:s28+$0xFFFFFFD0]  }
0x2c7: {  	v41 =	vsel vm0, v41, v42;
	v28 =	vsel vm1, v28, v29;
	v29 =	vmul.f32 v39, v55;
	v39 =	vld [tilespmem:s10+$0x60]  }
0x2c8: {  	v30 =	vsel vm2, v35, v30;
	v35 =	vmul.f32 $1.442695020e+00, v41;
	v28 =	vmul.f32 $1.442695020e+00, v28;
	[tilespmem:s26+$0xB0] =	vst v43;
	v41 =	vld [tilespmem:s10+$0xFFFFFF70]  }
0x2c9: {  	v30 =	vmul.f32 $1.442695020e+00, v30;
	[tilespmem:s26+$0xFFFFFF10] =	vst v29;
	v29 =	vmul.f32 v37, v48;
	v37 =	vld [tilespmem:s1+$0xC0]  }
0x2ca: {  	v36 =	vmul.f32 v36, v38;
	(erf) = vpow2.f32 v35;
	v35 =	vld [tilespmem:s1+$0xFFFFFF20]  }
0x2cb: {  	(erf) = vpow2.f32 v30;
	[tilespmem:s26+$0x10] =	vst v29;
	v29 =	vmul.f32 v45, v21;
	v30 =	vld [tilespmem:s10+$0xFFFFFFF0];
	v21 =	vmov v44  }
0x2cc: {  	v38 =	vbroadcast v10, $0x4;
	(erf) = vpow2.f32 v28;
	[tilespmem:s26+$0xFFFFFFA0] =	vst v36;
	v36 =	vld [tilespmem:s1+$0x20]  }
0x2cd: {  	v43 =	vmul.f32 v46, v17;
	v44 =	vmul.f32 v34, v18;
	v18 =	vmovc v47;
	v17 =	vmov v51;
	v42 =	vld [tilespmem:s1+$0xFFFFFFB0];
	[tilespmem:s24+$0xFFFFFF40] =	vst v29  }
0x2ce: {  	s3 =	sadd.s32 $0x40, s3;
	v34 =	vmul.f32 v39, v7;
	v7 =	vmov v13;
	v28 =	vpop (erf);
	v29 =	vmul.f32 v37, v38;
	v37 =	vld [tilespmem:s28+$0xFFFFFF50]  }
0x2cf: {  	v3 =	vbroadcast v3, $0x7;
	v13 =	vmov v54;
	s1 =	sadd.s32 $0x200, s1;
	[tilespmem:s3+$0x10] =	vst v28;
	v32 =	vmul.f32 v32, v35;
	v39 =	vld [tilespmem:s0+$0x70];
	s0 =	smov.u32 s10;
	s10 =	smov.u32 s28  }
0x2d0: {  	v35 =	vmul.f32 v41, v8;
	v8 =	vmovc v11;
	v11 =	vmov v27;
	s28 =	smov.u32 s20;
	s20 =	smov.u32 s1;
	v45 =	vld [tilespmem:s1+$0x80];
	[tilespmem:s26+$0xC0] =	vst v29;
	v29 =	vmul.f32 v30, v4  }
0x2d1: {  	v30 =	vmul.f32 v25, v0;
	v4 =	vmovc v19;
	v19 =	vmov v26;
	[tilespmem:s26+$0xFFFFFF20] =	vst v32;
	v32 =	vmul.f32 v31, v36;
	v31 =	vld [tilespmem:s28+$0xD0]  }
0x2d2: {  	v0 =	vmovc v1;
	v1 =	vmovc v2;
	v2 =	vmov v20;
	v20 =	vmov v3;
	v41 =	vld [tilespmem:s28+$0xFFFFFF30];
	v33 =	vmul.f32 v42, v33;
	[tilespmem:s24+$0x40] =	vst v44  }
0x2d3: {  	v44 =	vbroadcast v28, $0x0;
	v26 =	vpop (erf);
	[tilespmem:s26+$0x20] =	vst v32;
	v42 =	vmul.f32 v37, v16;
	v38 =	vld [tilespmem:s10+$0x50];
	v16 =	vmov v40  }
0x2d4: {  	v32 =	vbroadcast v10, $0x5;
	[tilespmem:s3+$0xFFFFFFF0] =	vst v26;
	v46 =	vbroadcast v26, $0x0;
	v27 =	vpop (erf);
	v40 =	vld [tilespmem:s28+$0x30];
	v25 =	vmov v39  }
0x2d5: {  	[tilespmem:s3+$0xFFFFFFE0] =	vst v27;
	v48 =	vbroadcast v27, $0x0;
	v49 =	vld [tilespmem:s1+$0xFFFFFF80];
	v36 =	vmul.f32 v44, v45;
	v3 =	vpop (erf)  }
0x2d6: {  	s26 =	sadd.s32 $0x200, s26;
	v50 =	vld [tilespmem:s1+$0xFFFFFF00];
	[tilespmem:s3+$0x0] =	vst v3;
	v51 =	vbroadcast v3, $0x0;
	v31 =	vmul.f32 v31, v32  }
0x2d7: {  	v39 =	vbroadcast v27, $0x1;
	v45 =	vbroadcast v26, $0x1;
	v52 =	vld [tilespmem:s1+$0x0];
	[tilespmem:s26+$0x80] =	vst v36  }
0x2d8: {  	v32 =	vbroadcast v27, $0x2;
	v37 =	vbroadcast v3, $0x1;
	v53 =	vld [tilespmem:s1+$0x90];
	[tilespmem:s29+$0xD0] =	vst v31  }
.Ltmp1:
0x2d9: {  	v36 =	vbroadcast v26, $0x2;
	v31 =	vbroadcast v3, $0x2;
	[tilespmem:s29+$0xFFFFFFB0] =	vst v33;
	v47 =	vld [tilespmem:s28+$0xE0];
	(pc) =	sbr.rel @p1 .LBB2_5-.Ltmp1, $4  }
0x2da: {  	v44 =	vbroadcast v27, $0x3;
	v33 =	vmul.f32 v46, v49;
	v46 =	vld [tilespmem:s28+$0xFFFFFFC0];
	[tilespmem:s24+$0xFFFFFF50] =	vst v42  }
0x2db: {  	v54 =	vbroadcast v28, $0x1;
	v48 =	vmul.f32 v48, v50;
	v42 =	vld [tilespmem:s10+$0xFFFFFF60];
	[tilespmem:s24+$0xFFFFFFD0] =	vst v43  }
0x2dc: {  	v49 =	vbroadcast v10, $0x6;
	[tilespmem:s26+$0xFFFFFF80] =	vst v33;
	v50 =	vmul.f32 v51, v52;
	v43 =	vld [tilespmem:s10+$0xFFFFFFE0]  }
0x2dd: {  	s30 =	sadd.s32 $0x40, s30;
	v33 =	vbroadcast v26, $0x3;
	[tilespmem:s26+$0xFFFFFF00] =	vst v48;
	v48 =	vld [tilespmem:s1+$0xFFFFFF90];
	v51 =	vmul.f32 v54, v53  }
0x2de: {  	_ = 	snop  }
0x2df: {  	[tilespmem:s26+$0x90] =	vst v51  }
0x2e0: {  	v51 =	vld [tilespmem:s1+$0xA0]  }
0x2e1: {  	v63 =	vld [tilespmem:s1+$0xFFFFFF10];
	[tilespmem:s26+$0x0] =	vst v50  }
0x2e2: {  	[tilespmem:s2+$0x60] =	vst v34;
	v55 =	vld [tilespmem:s1+$0x10]  }
0x2e3: {  	v52 =	vbroadcast v28, $0x2;
	[tilespmem:s2+$0xFFFFFF70] =	vst v35  }
0x2e4: {  	[tilespmem:s2+$0xFFFFFFF0] =	vst v29;
	v57 =	vmul.f32 v45, v48  }
0x2e5: {  	[tilespmem:s12+$0x70] =	vst v30;
	v51 =	vmul.f32 v52, v51  }
0x2e6: {  	v39 =	vmul.f32 v39, v63;
	[tilespmem:s26+$0xFFFFFF90] =	vst v57  }
0x2e7: {  	v37 =	vmul.f32 v37, v55;
	v60 =	vld [tilespmem:s1+$0xFFFFFFA0];
	[tilespmem:s26+$0xA0] =	vst v51  }
0x2e8: {  	v47 =	vmul.f32 v47, v49;
	[tilespmem:s26+$0xFFFFFF10] =	vst v39;
	v51 =	vld [tilespmem:s1+$0xB0]  }
0x2e9: {  	v22 =	vmul.f32 v41, v22;
	v59 =	vld [tilespmem:s1+$0xFFFFFF20];
	[tilespmem:s26+$0x10] =	vst v37  }
0x2ea: {  	v23 =	vmul.f32 v40, v23;
	[tilespmem:s29+$0xE0] =	vst v47;
	v63 =	vld [tilespmem:s1+$0x20]  }
0x2eb: {  	v56 =	vbroadcast v28, $0x3;
	v5 =	vmul.f32 v38, v5;
	[tilespmem:s29+$0xFFFFFF30] =	vst v22  }
0x2ec: {  	[tilespmem:s29+$0x30] =	vst v23;
	v39 =	vmul.f32 v36, v60  }
0x2ed: {  	[tilespmem:s24+$0x50] =	vst v5;
	v58 =	vmul.f32 v51, v56  }
0x2ee: {  	v50 =	vld [tilespmem:s28+$0x40];
	v22 =	vmul.f32 v32, v59;
	[tilespmem:s26+$0xFFFFFFA0] =	vst v39  }
0x2ef: {  	v40 =	vmul.f32 v31, v63;
	v32 =	vld [tilespmem:s1+$0xFFFFFFB0];
	[tilespmem:s26+$0xB0] =	vst v58  }
0x2f0: {  	v0 =	vmul.f32 v25, v0;
	[tilespmem:s26+$0xFFFFFF20] =	vst v22;
	v61 =	vld [tilespmem:s1+$0xC0]  }
0x2f1: {  	v24 =	vmul.f32 v46, v24;
	v22 =	vld [tilespmem:s20+$0xFFFFFF30];
	[tilespmem:s26+$0x20] =	vst v40  }
0x2f2: {  	v6 =	vmul.f32 v42, v6;
	[tilespmem:s22+$0x70] =	vst v0;
	v46 =	vld [tilespmem:s20+$0x30]  }
0x2f3: {  	[tilespmem:s29+$0xFFFFFFC0] =	vst v24;
	v37 =	vbroadcast v28, $0x4;
	v18 =	vmul.f32 v50, v18  }
0x2f4: {  	v45 =	vld [tilespmem:s28+$0xFFFFFF40];
	[tilespmem:s24+$0xFFFFFF60] =	vst v6;
	v48 =	vmul.f32 v32, v33  }
0x2f5: {  	v49 =	vbroadcast v3, $0x3;
	v62 =	vld [tilespmem:s28+$0xF0];
	[tilespmem:s29+$0x40] =	vst v18;
	v23 =	vmul.f32 v61, v37  }
0x2f6: {  	v34 =	vld [tilespmem:s28+$0x50];
	v22 =	vmul.f32 v22, v44;
	[tilespmem:s26+$0xFFFFFFB0] =	vst v48  }
0x2f7: {  	v5 =	vmul.f32 v46, v49;
	v53 =	vld [tilespmem:s20+$0xFFFFFFC0];
	[tilespmem:s26+$0xC0] =	vst v23  }
0x2f8: {  	v10 =	vbroadcast v10, $0x7;
	v9 =	vmul.f32 v43, v9;
	[tilespmem:s26+$0xFFFFFF30] =	vst v22;
	v41 =	vld [tilespmem:s20+$0xD0]  }
0x2f9: {  	v51 =	vmul.f32 v45, v21;
	v52 =	vld [tilespmem:s20+$0xFFFFFF40];
	[tilespmem:s26+$0x30] =	vst v5  }
0x2fa: {  	[tilespmem:s24+$0xFFFFFFE0] =	vst v9;
	v57 =	vbroadcast v26, $0x4;
	v10 =	vmul.f32 v62, v10;
	v58 =	vld [tilespmem:s20+$0x40]  }
0x2fb: {  	v47 =	vbroadcast v28, $0x5;
	v59 =	vld [tilespmem:s28+$0xFFFFFFD0];
	v42 =	vmul.f32 v34, v14;
	[tilespmem:s29+$0xFFFFFF40] =	vst v51  }
0x2fc: {  	v55 =	vbroadcast v27, $0x4;
	[tilespmem:s29+$0xF0] =	vst v10;
	v56 =	vld [tilespmem:s28+$0xFFFFFF50];
	v5 =	vmul.f32 v53, v57  }
0x2fd: {  	v62 =	vbroadcast v3, $0x4;
	v63 =	vld [tilespmem:s10+$0xFFFFFF70];
	[tilespmem:s29+$0x50] =	vst v42;
	v6 =	vmul.f32 v41, v47  }
0x2fe: {  	v61 =	vld [tilespmem:s10+$0x60];
	v9 =	vmul.f32 v52, v55;
	[tilespmem:s26+$0xFFFFFFC0] =	vst v5  }
0x2ff: {  	v46 =	vld [tilespmem:s28+$0x60];
	[tilespmem:s26+$0xD0] =	vst v6;
	v6 =	vmul.f32 v58, v62  }
0x300: {  	v31 =	vmul.f32 v59, v17;
	[tilespmem:s26+$0xFFFFFF40] =	vst v9;
	v30 =	vld [tilespmem:s20+$0xFFFFFFD0]  }
0x301: {  	v22 =	vmul.f32 v56, v16;
	v29 =	vld [tilespmem:s20+$0xFFFFFF50];
	[tilespmem:s26+$0x40] =	vst v6  }
0x302: {  	v8 =	vmul.f32 v63, v8;
	[tilespmem:s29+$0xFFFFFFD0] =	vst v31;
	v36 =	vld [tilespmem:s20+$0x50]  }
0x303: {  	v35 =	vbroadcast v26, $0x5;
	v39 =	vld [tilespmem:s28+$0xFFFFFFE0];
	[tilespmem:s29+$0xFFFFFF50] =	vst v22;
	v7 =	vmul.f32 v61, v7  }
0x304: {  	v33 =	vbroadcast v27, $0x5;
	[tilespmem:s24+$0xFFFFFF70] =	vst v8;
	v37 =	vld [tilespmem:s28+$0xFFFFFF60];
	v53 =	vmul.f32 v46, v13  }
0x305: {  	v40 =	vbroadcast v3, $0x5;
	v52 =	vld [tilespmem:s0+$0x70];
	[tilespmem:s24+$0x60] =	vst v7;
	v6 =	vmul.f32 v30, v35  }
0x306: {  	[tilespmem:s29+$0x60] =	vst v53;
	v41 =	vld [tilespmem:s10+$0xFFFFFFF0];
	v5 =	vmul.f32 v29, v33  }
0x307: {  	v54 =	vld [tilespmem:s20+$0xE0];
	[tilespmem:s26+$0xFFFFFFD0] =	vst v6;
	v8 =	vmul.f32 v36, v40  }
0x308: {  	v7 =	vmul.f32 v39, v15;
	[tilespmem:s26+$0xFFFFFF50] =	vst v5;
	v6 =	vld [tilespmem:s20+$0xFFFFFFE0]  }
0x309: {  	v44 =	vmul.f32 v37, v12;
	v43 =	vld [tilespmem:s20+$0xFFFFFF60];
	[tilespmem:s26+$0x50] =	vst v8  }
0x30a: {  	v60 =	vbroadcast v28, $0x6;
	[tilespmem:s29+$0xFFFFFFE0] =	vst v7;
	v1 =	vmul.f32 v52, v1;
	v48 =	vld [tilespmem:s20+$0x60]  }
0x30b: {  	v47 =	vbroadcast v26, $0x6;
	v56 =	vld [tilespmem:s10+$0x70];
	[tilespmem:s29+$0xFFFFFF60] =	vst v44;
	v4 =	vmul.f32 v41, v4  }
0x30c: {  	v45 =	vbroadcast v27, $0x6;
	v50 =	vld [tilespmem:s28+$0xFFFFFFF0];
	[tilespmem:s2+$0x70] =	vst v1;
	v10 =	vmul.f32 v54, v60  }
0x30d: {  	v51 =	vbroadcast v3, $0x6;
	v58 =	vld [tilespmem:s28+$0x70];
	[tilespmem:s24+$0xFFFFFFF0] =	vst v4;
	v6 =	vmul.f32 v6, v47  }
0x30e: {  	v49 =	vld [tilespmem:s28+$0xFFFFFF70];
	[tilespmem:s26+$0xE0] =	vst v10;
	v5 =	vmul.f32 v43, v45  }
0x30f: {  	v32 =	vld [tilespmem:s20+$0xF0];
	[tilespmem:s26+$0xFFFFFFE0] =	vst v6;
	v8 =	vmul.f32 v48, v51  }
0x310: {  	v2 =	vmul.f32 v56, v2;
	[tilespmem:s26+$0xFFFFFF60] =	vst v5;
	v55 =	vld [tilespmem:s20+$0xFFFFFFF0]  }
0x311: {  	v4 =	vmul.f32 v50, v19;
	v54 =	vld [tilespmem:s20+$0xFFFFFF70];
	[tilespmem:s26+$0x60] =	vst v8  }
0x312: {  	v38 =	vbroadcast v28, $0x7;
	v63 =	vmul.f32 v58, v20;
	[tilespmem:s24+$0x70] =	vst v2;
	v60 =	vld [tilespmem:s20+$0x70]  }
0x313: {  	v59 =	vbroadcast v26, $0x7;
	v7 =	vmul.f32 v49, v11;
	[tilespmem:s29+$0xFFFFFFF0] =	vst v4  }
0x314: {  	v57 =	vbroadcast v27, $0x7;
	[tilespmem:s29+$0x70] =	vst v63;
	v9 =	vmul.f32 v32, v38  }
0x315: {  	v62 =	vbroadcast v3, $0x7;
	[tilespmem:s29+$0xFFFFFF70] =	vst v7;
	v0 =	vmul.f32 v55, v59  }
0x316: {  	[tilespmem:s26+$0xF0] =	vst v9;
	v61 =	vmul.f32 v54, v57  }
0x317: {  	[tilespmem:s26+$0xFFFFFFF0] =	vst v0;
	v1 =	vmul.f32 v60, v62  }
.Ltmp2:
0x318: {  	[tilespmem:s26+$0xFFFFFF70] =	vst v61;
	(pc) =	sbr.rel @p0 .LBB2_8-.Ltmp2, $4  }
0x319: {  	s28 =	rddreg [dreg:$0x2];
	s29 =	simm.s32 $0x6A90;
	[tilespmem:s26+$0x70] =	vst v1  }
0x31a: {  	[spmem:s28] =	stream.indirect.scatter.add.f32 [tilespmem:s29], [sflag:$0x5], $0x80, s13, s25, $0xb8;
	[tilespmem:$0x1FA90] =	vst v63  }
0x31b: {  	s30 =	simm.s32 $0x6590  }
0x31c: {  	[spmem:s15] =	stream.indirect.scatter.add.f32 [tilespmem:s30], [sflag:$0x5], $0x10, s13, s25, $0xb8;
	[tilespmem:$0x1FA90] =	vst v63  }
0x31d: {  	_ =	swait.ge [sflag:s21], $0x50  }
0x31e: {  	[sflag:s21] =	ssyncset.done $0x0  }
0x31f: {  	[sflag:s21] =	ssyncadd.s32 $0xFFFFFFB0  }
0x320: {  	_ =	swait.ge [sflag:s21], $0x50  }
0x321: {  	[sflag:s21] =	ssyncset.done $0x0  }
0x322: {  	s0 =	simm.s32 $0x32A0;
	s1 =	simm.s32 $0x3340;
	[sflag:s21] =	ssyncadd.s32 $0xFFFFFFB0  }
0x323: {  	[tilespmem:s1], [sflag:$0x2] =	stream.indirect.gather [hbm4b:s31+s25], $0x10, s0, s25, $0xb8;
	[tilespmem:$0x1FA90] =	vst v63  }
.Ltmp3:
0x324: {  	_ = 	snop;
	(pc) =	sbr.rel .LBB2_2-.Ltmp3, $4  }
0x325: {  	s30 =	simm.s32 $0x32F0;
	s2 =	simm.s32 $0x3840  }
0x326: {  	[tilespmem:s2], [sflag:$0x2] =	stream.indirect.gather [hbm4b:s7+s25], $0x10, s30, s25, $0xb8;
	[tilespmem:$0x1FA90] =	vst v63  }
0x327: {  	s23 =	sadd.s32 $0x1, s23;
	s31 =	simm.s32 $0x3D40  }
0x328: {  	[tilespmem:s31], [sflag:$0x2] =	stream.indirect.gather [hbm4b:s6+s25], $0x80, s0, s25, $0xb8;
	[tilespmem:$0x1FA90] =	vst v63  }
.LBB2_8:
0x329: {  	_ =	swait.ge [sflag:s11], $0x500  }
0x32a: {  	[sflag:s11] =	ssyncset.done $0x0  }
0x32b: {  	[sflag:s11] =	ssyncadd.s32 $0xFFFFFB00  }
0x32c: {  	_ =	swait.ge [sflag:s11], $0x500  }
0x32d: {  	[sflag:s11] =	ssyncset.done $0x0  }
0x32e: {  	[sflag:s11] =	ssyncadd.s32 $0xFFFFFB00  }
0x32f: {  	_ =	swait.ge [sflag:s11], $0x2800  }
0x330: {  	[sflag:s11] =	ssyncset.done $0x0  }
0x331: {  	[sflag:s11] =	ssyncadd.s32 $0xFFFFD800  }
0x332: {  	_ =	swait.ge [sflag:s18], $0x2800  }
0x333: {  	[sflag:s18] =	ssyncset.done $0x0  }
0x334: {  	[sflag:s18] =	ssyncadd.s32 $0xFFFFD800  }
0x335: {  	_ =	swait.ge [sflag:s18], $0x500  }
0x336: {  	[sflag:s18] =	ssyncset.done $0x0  }
0x337: {  	[sflag:s18] =	ssyncadd.s32 $0xFFFFFB00  }
0x338: {  	v0 =	vld [tilespmem:$0x50]  }
0x339: {  	v1 =	vld [tilespmem:$0x60]  }
0x33a: {  	v2 =	vld [tilespmem:$0x70]  }
0x33b: {  	v3 =	vld [tilespmem:$0x80]  }
0x33c: {  	v4 =	vld [tilespmem:$0x90]  }
0x33d: {  	[tilespmem:$0x6540] =	vst v0  }
0x33e: {  	[tilespmem:$0x6550] =	vst v1  }
0x33f: {  	[tilespmem:$0x6560] =	vst v2  }
0x340: {  	[tilespmem:$0x6570] =	vst v3  }
0x341: {  	s0 =	simm.s32 $0xC0;
	[tilespmem:$0x6580] =	vst v4  }
0x342: {  	s1 =	simm.s32 $0x5C0;
	v0 =	vld [tilespmem:s0+$0x10]  }
0x343: {  	v1 =	vld [tilespmem:s1+$0x10];
	_ =	sdelay $0x4  }
0x344: {  	v0 =	vadd.f32 v1, v0;
	_ =	sdelay $0x1  }
0x345: {  	v1 =	vmul.f32 $2.000000030e-01, v0  }
0x346: {  	vm0 =	vge.f32 v0, $0.0e+00  }
0x347: {  	v0 =	vsel vm0, v0, v1  }
0x348: {  	v0 =	vmul.f32 $1.442695020e+00, v0;
	_ =	sdelay $0x1  }
0x349: {  	v2 =	vld [tilespmem:s1+$0xFFFFFFF0];
	(erf) = vpow2.f32 v0  }
0x34a: {  	v1 =	vld [tilespmem:s0+$0xFFFFFFF0];
	_ =	sdelay $0x1  }
0x34b: {  	v3 =	vld [tilespmem:s0+$0xFFFFFFE0]  }
0x34c: {  	v0 =	vld [tilespmem:s1+$0xFFFFFFE0]  }
0x34d: {  	v4 =	vld [tilespmem:s0+$0x0]  }
0x34e: {  	v5 =	vld [tilespmem:s1+$0x0];
	v1 =	vadd.f32 v2, v1;
	_ =	sdelay $0x1  }
0x34f: {  	v2 =	vmul.f32 $2.000000030e-01, v1  }
0x350: {  	s10 =	simm.s32 $0x65B0;
	vm7 =	vge.f32 v1, $0.0e+00;
	v3 =	vadd.f32 v0, v3;
	v0 =	vpop (erf)  }
0x351: {  	s28 =	simm.s32 $0xBA0;
	v1 =	vsel vm7, v1, v2;
	[tilespmem:s10+$0x10] =	vst v0  }
0x352: {  	v2 =	vadd.f32 v5, v4;
	v4 =	vmul.f32 $2.000000030e-01, v3;
	v1 =	vmul.f32 $1.442695020e+00, v1;
	v5 =	vld [tilespmem:s28+$0x80]  }
0x353: {  	vm8 =	vge.f32 v3, $0.0e+00  }
0x354: {  	v3 =	vsel vm8, v3, v4;
	(erf) = vpow2.f32 v1  }
0x355: {  	v1 =	vmul.f32 $1.442695020e+00, v3;
	v3 =	vbroadcast v0, $0x0  }
0x356: {  	v6 =	vmul.f32 $2.000000030e-01, v2  }
0x357: {  	vm9 =	vge.f32 v2, $0.0e+00;
	(erf) = vpow2.f32 v1;
	v1 =	vmul.f32 v3, v5  }
0x358: {  	s12 =	simm.s32 $0x6B90;
	v2 =	vsel vm9, v2, v6  }
0x359: {  	v2 =	vmul.f32 $1.442695020e+00, v2;
	[tilespmem:s12+$0x80] =	vst v1  }
0x35a: {  	v1 =	vld [tilespmem:s28+$0x90]  }
0x35b: {  	s14 =	simm.s32 $0x100;
	(erf) = vpow2.f32 v2  }
0x35c: {  	s20 =	simm.s32 $0x140;
	v11 =	vld [tilespmem:s14+$0xFFFFFFF0]  }
0x35d: {  	s23 =	simm.s32 $0x640;
	v43 =	vld [tilespmem:s20+$0x0];
	v2 =	vbroadcast v0, $0x1  }
0x35e: {  	s2 =	simm.s32 $0x600;
	v63 =	vld [tilespmem:s23+$0x0]  }
0x35f: {  	v6 =	vld [tilespmem:s2+$0x10];
	v1 =	vmul.f32 v2, v1  }
0x360: {  	v2 =	vld [tilespmem:s14+$0x10]  }
0x361: {  	v14 =	vld [tilespmem:s2+$0xFFFFFFF0];
	v3 =	vpop (erf);
	[tilespmem:s12+$0x90] =	vst v1  }
0x362: {  	[tilespmem:s10+$0xFFFFFFF0] =	vst v3;
	v1 =	vld [tilespmem:s28+$0xA0]  }
0x363: {  	v47 =	vadd.f32 v63, v43;
	v4 =	vld [tilespmem:s28+$0xFFFFFF80];
	v5 =	vpop (erf)  }
0x364: {  	v16 =	vld [tilespmem:s2+$0xFFFFFFE0];
	[tilespmem:s10+$0xFFFFFFE0] =	vst v5;
	v7 =	vpop (erf)  }
0x365: {  	v49 =	vmul.f32 $2.000000030e-01, v47;
	v13 =	vbroadcast v0, $0x2;
	v8 =	vld [tilespmem:s28+$0xFFFFFF00];
	[tilespmem:s10+$0x0] =	vst v7;
	v2 =	vadd.f32 v6, v2  }
0x366: {  	v10 =	vbroadcast v3, $0x0;
	v18 =	vbroadcast v3, $0x1;
	v9 =	vld [tilespmem:s28+$0x0]  }
0x367: {  	v17 =	vld [tilespmem:s14+$0x0];
	v1 =	vmul.f32 v13, v1;
	v13 =	vmul.f32 $2.000000030e-01, v2  }
0x368: {  	v21 =	vld [tilespmem:s14+$0xFFFFFFE0];
	v12 =	vbroadcast v5, $0x0;
	v4 =	vmul.f32 v10, v4;
	vm10 =	vge.f32 v2, $0.0e+00  }
0x369: {  	v26 =	vbroadcast v3, $0x4;
	v10 =	vld [tilespmem:s2+$0x0];
	v6 =	vbroadcast v7, $0x0;
	[tilespmem:s12+$0xA0] =	vst v1;
	v1 =	vsel vm10, v2, v13  }
0x36a: {  	[tilespmem:s12+$0xFFFFFF80] =	vst v4;
	v4 =	vadd.f32 v14, v11;
	v2 =	vmul.f32 v12, v8;
	v8 =	vld [tilespmem:s28+$0xB0];
	v1 =	vmul.f32 $1.442695020e+00, v1  }
0x36b: {  	v15 =	vbroadcast v5, $0x1;
	v6 =	vmul.f32 v6, v9;
	v9 =	vld [tilespmem:s28+$0xFFFFFF90]  }
0x36c: {  	[tilespmem:s12+$0xFFFFFF00] =	vst v2;
	v2 =	vmul.f32 $2.000000030e-01, v4;
	(erf) = vpow2.f32 v1  }
0x36d: {  	v19 =	vbroadcast v5, $0x2;
	vm11 =	vge.f32 v4, $0.0e+00;
	[tilespmem:s12+$0x0] =	vst v6;
	v12 =	vbroadcast v0, $0x3;
	v6 =	vld [tilespmem:s28+$0xFFFFFF10]  }
0x36e: {  	v20 =	vbroadcast v7, $0x1;
	v14 =	vadd.f32 v16, v21;
	v13 =	vld [tilespmem:s28+$0x10];
	v2 =	vsel vm11, v4, v2  }
0x36f: {  	v4 =	vadd.f32 v10, v17;
	v2 =	vmul.f32 $1.442695020e+00, v2;
	v8 =	vmul.f32 v8, v12  }
0x370: {  	v9 =	vmul.f32 v18, v9;
	v10 =	vmul.f32 $2.000000030e-01, v14  }
0x371: {  	vm12 =	vge.f32 v14, $0.0e+00;
	v12 =	vmul.f32 $2.000000030e-01, v4;
	(erf) = vpow2.f32 v2;
	[tilespmem:s12+$0xB0] =	vst v8  }
0x372: {  	[tilespmem:s12+$0xFFFFFF90] =	vst v9;
	vm1 =	vge.f32 v4, $0.0e+00;
	v2 =	vmul.f32 v15, v6;
	v6 =	vsel vm12, v14, v10;
	v8 =	vld [tilespmem:s28+$0xC0]  }
0x373: {  	v9 =	vld [tilespmem:s28+$0xFFFFFFA0];
	v4 =	vsel vm1, v4, v12;
	v10 =	vmul.f32 v20, v13;
	v6 =	vmul.f32 $1.442695020e+00, v6  }
0x374: {  	v23 =	vbroadcast v5, $0x3;
	v4 =	vmul.f32 $1.442695020e+00, v4;
	[tilespmem:s12+$0xFFFFFF10] =	vst v2  }
0x375: {  	s19 =	simm.s32 $0x65F0;
	[tilespmem:s12+$0x10] =	vst v10;
	v2 =	vbroadcast v0, $0x4;
	v13 =	vld [tilespmem:s28+$0xFFFFFF20];
	(erf) = vpow2.f32 v6;
	v15 =	vpop (erf)  }
0x376: {  	s24 =	simm.s32 $0xDA0;
	v11 =	vbroadcast v3, $0x2;
	(erf) = vpow2.f32 v4;
	v4 =	vld [tilespmem:s28+$0x20];
	[tilespmem:s19+$0x10] =	vst v15  }
0x377: {  	v16 =	vbroadcast v3, $0x3;
	v8 =	vmul.f32 v8, v2;
	v18 =	vld [tilespmem:s24+$0x80]  }
0x378: {  	v21 =	vbroadcast v3, $0x6;
	v9 =	vmul.f32 v11, v9  }
0x379: {  	v1 =	vbroadcast v7, $0x2;
	v17 =	vbroadcast v3, $0x5;
	[tilespmem:s12+$0xC0] =	vst v8  }
0x37a: {  	[tilespmem:s12+$0xFFFFFFA0] =	vst v9;
	v11 =	vbroadcast v15, $0x0;
	v8 =	vmul.f32 v19, v13;
	v14 =	vpop (erf);
	v9 =	vld [tilespmem:s28+$0xD0]  }
0x37b: {  	v12 =	vbroadcast v5, $0x5;
	v20 =	vbroadcast v7, $0x5;
	v24 =	vld [tilespmem:s28+$0xFFFFFFB0];
	[tilespmem:s19+$0xFFFFFFF0] =	vst v14  }
0x37c: {  	v1 =	vmul.f32 v1, v4;
	[tilespmem:s12+$0xFFFFFF20] =	vst v8;
	v8 =	vld [tilespmem:s24+$0xFFFFFF80];
	v4 =	vmul.f32 v11, v18  }
0x37d: {  	s22 =	simm.s32 $0x6D90;
	v10 =	vbroadcast v7, $0x3;
	v18 =	vbroadcast v0, $0x5  }
0x37e: {  	v34 =	vld [tilespmem:s20+$0x10];
	v6 =	vbroadcast v5, $0x4;
	v41 =	vbroadcast v15, $0x2;
	[tilespmem:s22+$0x80] =	vst v4  }
0x37f: {  	v27 =	vbroadcast v14, $0x0;
	v13 =	vpop (erf);
	v9 =	vmul.f32 v9, v18;
	v18 =	vld [tilespmem:s24+$0x90]  }
0x380: {  	v37 =	vld [tilespmem:s23+$0x10];
	v48 =	vbroadcast v15, $0x3;
	v58 =	vbroadcast v15, $0x5;
	[tilespmem:s19+$0xFFFFFFE0] =	vst v13;
	v22 =	vpop (erf)  }
0x381: {  	v16 =	vmul.f32 v24, v16;
	v24 =	vld [tilespmem:s24+$0xFFFFFF00];
	[tilespmem:s19+$0x0] =	vst v22;
	v8 =	vmul.f32 v27, v8  }
0x382: {  	v40 =	vld [tilespmem:s20+$0xFFFFFFF0];
	v2 =	vbroadcast v7, $0x4;
	[tilespmem:s12+$0xD0] =	vst v9;
	v9 =	vbroadcast v15, $0x1  }
0x383: {  	v19 =	vbroadcast v5, $0x6;
	v5 =	vbroadcast v5, $0x7;
	v28 =	vld [tilespmem:s24+$0x0];
	[tilespmem:s22+$0xFFFFFF80] =	vst v8  }
0x384: {  	v27 =	vbroadcast v13, $0x0;
	v31 =	vld [tilespmem:s24+$0xFFFFFF90];
	v9 =	vmul.f32 v9, v18  }
0x385: {  	v42 =	vld [tilespmem:s23+$0xFFFFFFF0];
	v32 =	vbroadcast v14, $0x1;
	v36 =	vbroadcast v14, $0x2;
	[tilespmem:s12+$0xFFFFFFB0] =	vst v16  }
0x386: {  	v30 =	vld [tilespmem:s28+$0xFFFFFFC0];
	v29 =	vbroadcast v22, $0x0;
	v27 =	vmul.f32 v27, v24;
	[tilespmem:s22+$0x90] =	vst v9  }
0x387: {  	v39 =	vbroadcast v14, $0x3;
	[tilespmem:s12+$0x20] =	vst v1;
	v1 =	vbroadcast v7, $0x6;
	v9 =	vld [tilespmem:s24+$0xA0]  }
0x388: {  	v11 =	vld [tilespmem:s28+$0xFFFFFF30];
	v4 =	vbroadcast v3, $0x7;
	v28 =	vmul.f32 v29, v28;
	[tilespmem:s22+$0xFFFFFF00] =	vst v27  }
0x389: {  	v3 =	vbroadcast v7, $0x7;
	v46 =	vld [tilespmem:s24+$0xFFFFFF10];
	v31 =	vmul.f32 v32, v31  }
0x38a: {  	v33 =	vbroadcast v13, $0x2;
	v16 =	vbroadcast v13, $0x3;
	v7 =	vld [tilespmem:s28+$0xE0];
	[tilespmem:s22+$0x0] =	vst v28  }
0x38b: {  	v35 =	vbroadcast v22, $0x1;
	v26 =	vmul.f32 v30, v26;
	[tilespmem:s22+$0xFFFFFF90] =	vst v31;
	v31 =	vld [tilespmem:s24+$0x10]  }
0x38c: {  	v45 =	vld [tilespmem:s20+$0xFFFFFFE0];
	v34 =	vadd.f32 v37, v34;
	v8 =	vbroadcast v13, $0x1;
	v9 =	vmul.f32 v41, v9  }
0x38d: {  	v11 =	vmul.f32 v11, v23;
	v24 =	vbroadcast v0, $0x6;
	v29 =	vld [tilespmem:s23+$0xFFFFFFE0];
	[tilespmem:s12+$0xFFFFFFC0] =	vst v26;
	v27 =	vadd.f32 v42, v40  }
0x38e: {  	v52 =	vld [tilespmem:s28+$0xFFFFFFD0];
	v8 =	vmul.f32 v8, v46;
	[tilespmem:s22+$0xA0] =	vst v9;
	v9 =	vmul.f32 $2.000000030e-01, v34  }
0x38f: {  	vm13 =	vge.f32 v34, $0.0e+00;
	[tilespmem:s12+$0xFFFFFF30] =	vst v11;
	v7 =	vmul.f32 v7, v24;
	v28 =	vmul.f32 $2.000000030e-01, v27;
	v30 =	vld [tilespmem:s24+$0xB0]  }
0x390: {  	vm14 =	vge.f32 v27, $0.0e+00;
	v11 =	vld [tilespmem:s24+$0xFFFFFFA0];
	[tilespmem:s22+$0xFFFFFF10] =	vst v8;
	v8 =	vmul.f32 v35, v31;
	v9 =	vsel vm13, v34, v9  }
0x391: {  	v25 =	vld [tilespmem:s28+$0x30];
	v38 =	vbroadcast v22, $0x2;
	[tilespmem:s12+$0xE0] =	vst v7;
	v7 =	vsel vm14, v27, v28;
	v9 =	vmul.f32 $1.442695020e+00, v9  }
0x392: {  	v23 =	vbroadcast v22, $0x4;
	v29 =	vadd.f32 v29, v45;
	v51 =	vld [tilespmem:s28+$0xF0];
	v7 =	vmul.f32 $1.442695020e+00, v7;
	[tilespmem:s22+$0x10] =	vst v8  }
0x393: {  	v17 =	vmul.f32 v52, v17;
	v26 =	vld [tilespmem:s24+$0x20];
	(erf) = vpow2.f32 v9  }
0x394: {  	s3 =	simm.s32 $0x680;
	vm15 =	vge.f32 v47, $0.0e+00;
	v50 =	vmul.f32 $2.000000030e-01, v29;
	v9 =	vld [tilespmem:s28+$0xFFFFFF40];
	v30 =	vmul.f32 v30, v48  }
0x395: {  	v52 =	vld [tilespmem:s3+$0xFFFFFFE0];
	vm2 =	vge.f32 v29, $0.0e+00;
	(erf) = vpow2.f32 v7;
	v7 =	vmul.f32 v36, v11  }
0x396: {  	v44 =	vmul.f32 v25, v10;
	v25 =	vbroadcast v14, $0x4;
	v28 =	vsel vm2, v29, v50;
	[tilespmem:s22+$0xB0] =	vst v30;
	v30 =	vld [tilespmem:s24+$0xFFFFFF20]  }
0x397: {  	v10 =	vbroadcast v13, $0x5;
	v27 =	vsel vm15, v47, v49;
	v28 =	vmul.f32 $1.442695020e+00, v28;
	[tilespmem:s22+$0xFFFFFFA0] =	vst v7;
	v29 =	vld [tilespmem:s24+$0xC0]  }
0x398: {  	[tilespmem:s12+$0x30] =	vst v44;
	v27 =	vmul.f32 $1.442695020e+00, v27;
	v53 =	vld [tilespmem:s24+$0xFFFFFFB0];
	v26 =	vmul.f32 v38, v26  }
0x399: {  	[tilespmem:s12+$0xFFFFFFD0] =	vst v17;
	v31 =	vld [tilespmem:s28+$0x40];
	(erf) = vpow2.f32 v28;
	v8 =	vmul.f32 v9, v6  }
0x39a: {  	v49 =	vld [tilespmem:s28+$0xFFFFFFE0];
	v11 =	vbroadcast v15, $0x4;
	(erf) = vpow2.f32 v27;
	[tilespmem:s22+$0x20] =	vst v26  }
0x39b: {  	v18 =	vbroadcast v22, $0x3;
	v0 =	vbroadcast v0, $0x7;
	[tilespmem:s12+$0xFFFFFF40] =	vst v8;
	v55 =	vld [tilespmem:s24+$0x30]  }
0x39c: {  	s26 =	simm.s32 $0x6630;
	s30 =	simm.s32 $0x180;
	v27 =	vmul.f32 v33, v30;
	v9 =	vpop (erf);
	v8 =	vmul.f32 v29, v11;
	v29 =	vld [tilespmem:s28+$0xFFFFFF50]  }
0x39d: {  	s0 =	simm.s32 $0xFA0;
	v24 =	vbroadcast v13, $0x4;
	v35 =	vmul.f32 v53, v39;
	v53 =	vld [tilespmem:s30+$0xFFFFFFF0];
	[tilespmem:s26+$0x10] =	vst v9  }
0x39e: {  	v11 =	vmul.f32 v51, v0;
	v0 =	vmul.f32 v31, v2;
	[tilespmem:s22+$0xFFFFFF20] =	vst v27;
	v30 =	vld [tilespmem:s0+$0x80]  }
0x39f: {  	v17 =	vbroadcast v15, $0x6;
	v21 =	vmul.f32 v49, v21;
	[tilespmem:s22+$0xC0] =	vst v8;
	v33 =	vld [tilespmem:s24+$0xFFFFFF30]  }
0x3a0: {  	v28 =	vbroadcast v14, $0x5;
	v7 =	vbroadcast v13, $0x6;
	[tilespmem:s12+$0x40] =	vst v0;
	v31 =	vld [tilespmem:s24+$0xD0];
	v27 =	vpop (erf)  }
0x3a1: {  	v6 =	vbroadcast v22, $0x5;
	v54 =	vbroadcast v9, $0x0;
	v36 =	vld [tilespmem:s28+$0x50];
	[tilespmem:s26+$0xFFFFFFF0] =	vst v27  }
0x3a2: {  	v2 =	vbroadcast v22, $0x6;
	v0 =	vbroadcast v22, $0x7;
	[tilespmem:s22+$0xFFFFFFB0] =	vst v35;
	v26 =	vpop (erf);
	v22 =	vld [tilespmem:s0+$0xFFFFFF80]  }
0x3a3: {  	v13 =	vbroadcast v13, $0x7;
	v57 =	vld [tilespmem:s24+$0xFFFFFFC0];
	[tilespmem:s26+$0xFFFFFFE0] =	vst v26;
	v32 =	vpop (erf);
	v30 =	vmul.f32 v54, v30  }
0x3a4: {  	s2 =	simm.s32 $0x6F90;
	v8 =	vbroadcast v14, $0x6;
	v14 =	vbroadcast v14, $0x7;
	v59 =	vld [tilespmem:s0+$0xFFFFFF00];
	[tilespmem:s26+$0x0] =	vst v32  }
0x3a5: {  	v12 =	vmul.f32 v29, v12;
	v29 =	vbroadcast v27, $0x0;
	v60 =	vld [tilespmem:s0+$0x0];
	[tilespmem:s2+$0x80] =	vst v30  }
0x3a6: {  	v34 =	vmul.f32 v55, v18;
	v18 =	vbroadcast v9, $0x2;
	v62 =	vld [tilespmem:s0+$0x90]  }
0x3a7: {  	v63 =	vbroadcast v27, $0x1;
	[tilespmem:s12+$0xFFFFFF50] =	vst v12;
	v54 =	vld [tilespmem:s3+$0xFFFFFFF0];
	v22 =	vmul.f32 v29, v22  }
0x3a8: {  	v47 =	vbroadcast v27, $0x2;
	v31 =	vmul.f32 v31, v58;
	v46 =	vld [tilespmem:s28+$0xFFFFFF60]  }
0x3a9: {  	v51 =	vbroadcast v27, $0x3;
	v12 =	vbroadcast v9, $0x1;
	v58 =	vld [tilespmem:s30+$0x10];
	[tilespmem:s2+$0xFFFFFF80] =	vst v22  }
0x3aa: {  	v25 =	vmul.f32 v57, v25;
	v30 =	vbroadcast v26, $0x0;
	[tilespmem:s22+$0xD0] =	vst v31;
	v50 =	vld [tilespmem:s0+$0xFFFFFF90]  }
0x3ab: {  	v41 =	vbroadcast v26, $0x1;
	v56 =	vld [tilespmem:s24+$0xE0];
	v12 =	vmul.f32 v12, v62  }
0x3ac: {  	v61 =	vbroadcast v32, $0x0;
	[tilespmem:s22+$0xFFFFFFC0] =	vst v25;
	v38 =	vmul.f32 v30, v59;
	v59 =	vld [tilespmem:s3+$0x10]  }
0x3ad: {  	v43 =	vbroadcast v26, $0x2;
	v20 =	vmul.f32 v36, v20;
	v36 =	vld [tilespmem:s24+$0xFFFFFFD0];
	[tilespmem:s2+$0x90] =	vst v12  }
0x3ae: {  	v45 =	vbroadcast v32, $0x1;
	v37 =	vmul.f32 v61, v60;
	v60 =	vld [tilespmem:s0+$0xA0]  }
0x3af: {  	v48 =	vbroadcast v32, $0x2;
	v42 =	vmul.f32 v63, v50;
	v63 =	vld [tilespmem:s30+$0xFFFFFFE0]  }
0x3b0: {  	v33 =	vmul.f32 v33, v16;
	v16 =	vbroadcast v26, $0x5;
	v61 =	vld [tilespmem:s30+$0x0]  }
0x3b1: {  	[tilespmem:s22+$0x30] =	vst v34;
	v29 =	vbroadcast v26, $0x3;
	v31 =	vbroadcast v32, $0x3;
	v62 =	vld [tilespmem:s3+$0x0]  }
0x3b2: {  	v30 =	vbroadcast v27, $0x4;
	v22 =	vbroadcast v26, $0x4;
	v39 =	vadd.f32 v59, v58;
	[tilespmem:s2+$0xFFFFFF90] =	vst v42  }
0x3b3: {  	[tilespmem:s22+$0xFFFFFF30] =	vst v33;
	v12 =	vmul.f32 v56, v17;
	v35 =	vmul.f32 v18, v60;
	v60 =	vld [tilespmem:s0+$0xFFFFFFA0]  }
0x3b4: {  	[tilespmem:s2+$0xFFFFFF00] =	vst v38;
	v56 =	vbroadcast v15, $0x7;
	v15 =	vmul.f32 $2.000000030e-01, v39;
	v40 =	vadd.f32 v52, v63;
	v52 =	vld [tilespmem:s24+$0x40]  }
0x3b5: {  	v19 =	vmul.f32 v46, v19;
	vm4 =	vge.f32 v39, $0.0e+00;
	[tilespmem:s2+$0xA0] =	vst v35;
	v35 =	vadd.f32 v54, v53;
	v54 =	vld [tilespmem:s0+$0xFFFFFF10]  }
0x3b6: {  	[tilespmem:s2+$0x0] =	vst v37;
	v28 =	vmul.f32 v36, v28;
	v15 =	vsel vm4, v39, v15;
	v59 =	vadd.f32 v62, v61;
	v53 =	vld [tilespmem:s0+$0xB0]  }
0x3b7: {  	v57 =	vld [tilespmem:s0+$0x10];
	[tilespmem:s22+$0xE0] =	vst v12;
	v61 =	vbroadcast v9, $0x3;
	v15 =	vmul.f32 $1.442695020e+00, v15  }
0x3b8: {  	[tilespmem:s12+$0x50] =	vst v20;
	v55 =	vld [tilespmem:s24+$0xF0];
	vm6 =	vge.f32 v59, $0.0e+00;
	v63 =	vmul.f32 $2.000000030e-01, v59;
	v58 =	vmul.f32 $2.000000030e-01, v35  }
0x3b9: {  	[tilespmem:s12+$0xFFFFFF60] =	vst v19;
	v62 =	vld [tilespmem:s24+$0xFFFFFF40];
	(erf) = vpow2.f32 v15;
	vm5 =	vge.f32 v35, $0.0e+00;
	v19 =	vmul.f32 v47, v60  }
0x3ba: {  	v23 =	vmul.f32 v52, v23;
	v20 =	vsel vm5, v35, v58;
	v37 =	vmul.f32 v41, v54;
	v54 =	vld [tilespmem:s28+$0x60]  }
0x3bb: {  	[tilespmem:s12+$0xFFFFFFE0] =	vst v21;
	v20 =	vmul.f32 $1.442695020e+00, v20;
	v25 =	vmul.f32 v53, v61;
	v53 =	vsel vm6, v59, v63;
	v59 =	vld [tilespmem:s28+$0xFFFFFF70]  }
0x3bc: {  	v17 =	vbroadcast v32, $0x4;
	v15 =	vmul.f32 $2.000000030e-01, v40;
	[tilespmem:s22+$0x40] =	vst v23;
	v61 =	vld [tilespmem:s28+$0xFFFFFFF0]  }
0x3bd: {  	v12 =	vbroadcast v32, $0x5;
	vm7 =	vge.f32 v40, $0.0e+00;
	[tilespmem:s2+$0xFFFFFFA0] =	vst v19;
	v44 =	vld [tilespmem:s24+$0x50];
	(erf) = vpow2.f32 v20  }
0x3be: {  	v15 =	vsel vm7, v40, v15;
	v20 =	vmul.f32 v62, v24;
	v62 =	vld [tilespmem:s0+$0xFFFFFFB0];
	[tilespmem:s2+$0xB0] =	vst v25;
	v25 =	vmul.f32 v45, v57  }
0x3bf: {  	v18 =	vbroadcast v27, $0x5;
	v15 =	vmul.f32 $1.442695020e+00, v15;
	[tilespmem:s2+$0xFFFFFF10] =	vst v37;
	v57 =	vld [tilespmem:s0+$0xC0]  }
0x3c0: {  	v21 =	vmul.f32 v55, v56;
	v35 =	vmul.f32 $1.442695020e+00, v53;
	v58 =	vld [tilespmem:s0+$0xFFFFFF20];
	[tilespmem:s22+$0xFFFFFF40] =	vst v20  }
0x3c1: {  	v60 =	vbroadcast v9, $0x4;
	(erf) = vpow2.f32 v15;
	[tilespmem:s2+$0x10] =	vst v25;
	v63 =	vld [tilespmem:s24+$0xFFFFFF50]  }
0x3c2: {  	s4 =	simm.s32 $0x6670;
	[tilespmem:s22+$0xFFFFFFD0] =	vst v28;
	v19 =	vbroadcast v27, $0x6;
	(erf) = vpow2.f32 v35;
	v24 =	vld [tilespmem:s0+$0x20];
	v25 =	vpop (erf)  }
0x3c3: {  	s10 =	simm.s32 $0x11A0;
	v27 =	vbroadcast v27, $0x7;
	v35 =	vmul.f32 v62, v51;
	v51 =	vld [tilespmem:s24+$0xFFFFFFE0];
	[tilespmem:s4+$0x10] =	vst v25  }
0x3c4: {  	s14 =	simm.s32 $0x1C0;
	v15 =	vbroadcast v26, $0x6;
	v33 =	vmul.f32 v57, v60;
	v52 =	vld [tilespmem:s10+$0x80]  }
0x3c5: {  	v26 =	vbroadcast v26, $0x7;
	v50 =	vmul.f32 v43, v58;
	[tilespmem:s2+$0xFFFFFFB0] =	vst v35;
	v60 =	vld [tilespmem:s14+$0x10]  }
0x3c6: {  	v20 =	vbroadcast v32, $0x6;
	v10 =	vmul.f32 v63, v10;
	v40 =	vld [tilespmem:s0+$0xFFFFFFC0];
	[tilespmem:s2+$0xC0] =	vst v33  }
0x3c7: {  	v23 =	vbroadcast v25, $0x0;
	[tilespmem:s2+$0xFFFFFF20] =	vst v50;
	v24 =	vmul.f32 v48, v24;
	v53 =	vld [tilespmem:s0+$0xD0]  }
0x3c8: {  	v37 =	vmul.f32 v54, v1;
	v1 =	vbroadcast v32, $0x7;
	v43 =	vld [tilespmem:s0+$0xFFFFFF30];
	[tilespmem:s22+$0xFFFFFF50] =	vst v10  }
0x3c9: {  	v54 =	vbroadcast v9, $0x5;
	v32 =	vmul.f32 v61, v4;
	v33 =	vpop (erf);
	[tilespmem:s2+$0x20] =	vst v24;
	v49 =	vld [tilespmem:s24+$0xFFFFFF60]  }
0x3ca: {  	v44 =	vmul.f32 v44, v6;
	v24 =	vmul.f32 v59, v5;
	[tilespmem:s4+$0xFFFFFFF0] =	vst v33;
	v39 =	vpop (erf);
	v5 =	vld [tilespmem:s0+$0x30]  }
0x3cb: {  	v62 =	vbroadcast v25, $0x1;
	v55 =	vmul.f32 v23, v52;
	[tilespmem:s4+$0xFFFFFFE0] =	vst v39;
	v4 =	vld [tilespmem:s10+$0xFFFFFF80];
	v23 =	vpop (erf)  }
0x3cc: {  	s23 =	simm.s32 $0x7190;
	v8 =	vmul.f32 v51, v8;
	v38 =	vld [tilespmem:s10+$0xFFFFFF00];
	[tilespmem:s4+$0x0] =	vst v23;
	v36 =	vmul.f32 v53, v54  }
0x3cd: {  	v56 =	vbroadcast v33, $0x0;
	v47 =	vbroadcast v33, $0x1;
	[tilespmem:s23+$0x80] =	vst v55;
	v57 =	vld [tilespmem:s10+$0x0]  }
0x3ce: {  	v50 =	vbroadcast v33, $0x2;
	v45 =	vbroadcast v33, $0x3;
	v34 =	vld [tilespmem:s10+$0x90];
	[tilespmem:s2+$0xD0] =	vst v36  }
0x3cf: {  	v35 =	vbroadcast v33, $0x4;
	v58 =	vbroadcast v39, $0x0;
	v61 =	vld [tilespmem:s0+$0xE0]  }
0x3d0: {  	s19 =	simm.s32 $0x6C0;
	v46 =	vbroadcast v39, $0x1;
	v53 =	vld [tilespmem:s14+$0x0];
	v4 =	vmul.f32 v56, v4  }
0x3d1: {  	v48 =	vbroadcast v39, $0x2;
	v59 =	vbroadcast v23, $0x0;
	v54 =	vld [tilespmem:s19+$0x0]  }
0x3d2: {  	v38 =	vmul.f32 v58, v38;
	v58 =	vld [tilespmem:s14+$0xFFFFFFF0];
	[tilespmem:s23+$0xFFFFFF80] =	vst v4;
	v4 =	vbroadcast v9, $0x6  }
0x3d3: {  	v28 =	vmul.f32 v62, v34;
	v41 =	vmul.f32 v59, v57;
	v59 =	vld [tilespmem:s19+$0xFFFFFFF0]  }
0x3d4: {  	v40 =	vmul.f32 v40, v30;
	v63 =	vld [tilespmem:s10+$0xFFFFFF90];
	v4 =	vmul.f32 v61, v4  }
0x3d5: {  	v30 =	vbroadcast v33, $0x5;
	v6 =	vbroadcast v39, $0x6;
	[tilespmem:s23+$0x90] =	vst v28;
	v61 =	vld [tilespmem:s19+$0x10]  }
0x3d6: {  	v10 =	vbroadcast v23, $0x1;
	v52 =	vbroadcast v23, $0x2;
	v62 =	vld [tilespmem:s10+$0xA0];
	[tilespmem:s2+$0xE0] =	vst v4  }
0x3d7: {  	v7 =	vmul.f32 v49, v7;
	v36 =	vbroadcast v23, $0x3;
	v56 =	vld [tilespmem:s0+$0xF0]  }
0x3d8: {  	[tilespmem:s22+$0x50] =	vst v44;
	v34 =	vbroadcast v39, $0x3;
	v57 =	vld [tilespmem:s19+$0xFFFFFFE0];
	v4 =	vmul.f32 v43, v29  }
0x3d9: {  	[tilespmem:s23+$0x0] =	vst v41;
	v43 =	vmul.f32 v5, v31;
	v5 =	vbroadcast v25, $0x2;
	v41 =	vadd.f32 v59, v58;
	v58 =	vld [tilespmem:s24+$0x60]  }
0x3da: {  	v9 =	vbroadcast v9, $0x7;
	v28 =	vbroadcast v23, $0x4;
	[tilespmem:s2+$0xFFFFFF30] =	vst v4;
	v42 =	vadd.f32 v61, v60;
	v60 =	vld [tilespmem:s14+$0xFFFFFFE0]  }
0x3db: {  	v59 =	vadd.f32 v54, v53;
	v47 =	vmul.f32 v47, v63;
	[tilespmem:s2+$0x30] =	vst v43;
	v55 =	vmul.f32 v5, v62;
	v53 =	vld [tilespmem:s0+$0xFFFFFF40]  }
0x3dc: {  	[tilespmem:s23+$0xFFFFFF00] =	vst v38;
	v54 =	vld [tilespmem:s0+$0x40];
	v38 =	vmul.f32 v56, v9;
	v9 =	vmul.f32 $2.000000030e-01, v42  }
0x3dd: {  	v29 =	vbroadcast v39, $0x4;
	v31 =	vbroadcast v39, $0x5;
	[tilespmem:s23+$0xA0] =	vst v55;
	v55 =	vld [tilespmem:s10+$0xFFFFFF10];
	vm8 =	vge.f32 v42, $0.0e+00  }
0x3de: {  	v4 =	vmul.f32 $2.000000030e-01, v41;
	[tilespmem:s23+$0xFFFFFF90] =	vst v47;
	v62 =	vmul.f32 $2.000000030e-01, v59;
	v63 =	vld [tilespmem:s10+$0xB0];
	v9 =	vsel vm8, v42, v9  }
0x3df: {  	[tilespmem:s22+$0xFFFFFF60] =	vst v7;
	vm9 =	vge.f32 v41, $0.0e+00;
	vm10 =	vge.f32 v59, $0.0e+00;
	v49 =	vld [tilespmem:s10+$0xFFFFFFA0];
	v9 =	vmul.f32 $1.442695020e+00, v9  }
0x3e0: {  	[tilespmem:s22+$0xFFFFFFE0] =	vst v8;
	v5 =	vbroadcast v23, $0x5;
	v61 =	vbroadcast v25, $0x3;
	v7 =	vsel vm10, v59, v62;
	v59 =	vld [tilespmem:s24+$0xFFFFFF70]  }
0x3e1: {  	[tilespmem:s2+$0xFFFFFFC0] =	vst v40;
	v4 =	vsel vm9, v41, v4;
	v42 =	vld [tilespmem:s10+$0x10];
	v8 =	vmul.f32 v53, v22;
	(erf) = vpow2.f32 v9  }
0x3e2: {  	[tilespmem:s12+$0x60] =	vst v37;
	v4 =	vmul.f32 $1.442695020e+00, v4;
	v56 =	vld [tilespmem:s0+$0xFFFFFFD0];
	v60 =	vadd.f32 v57, v60;
	v57 =	vmul.f32 v46, v55  }
0x3e3: {  	v47 =	vmul.f32 v58, v2;
	v22 =	vld [tilespmem:s24+$0xFFFFFFF0];
	[tilespmem:s2+$0xFFFFFF40] =	vst v8;
	v63 =	vmul.f32 v63, v61  }
0x3e4: {  	v2 =	vbroadcast v23, $0x7;
	v9 =	vmul.f32 $2.000000030e-01, v60;
	v53 =	vld [tilespmem:s0+$0xFFFFFF50];
	[tilespmem:s23+$0xFFFFFF10] =	vst v57  }
0x3e5: {  	vm11 =	vge.f32 v60, $0.0e+00;
	(erf) = vpow2.f32 v4;
	v4 =	vmul.f32 v50, v49;
	[tilespmem:s23+$0xB0] =	vst v63;
	v61 =	vld [tilespmem:s10+$0xFFFFFF20]  }
0x3e6: {  	s30 =	simm.s32 $0x200;
	v7 =	vmul.f32 $1.442695020e+00, v7;
	[tilespmem:s2+$0xF0] =	vst v38;
	v9 =	vsel vm11, v60, v9;
	v10 =	vmul.f32 v10, v42;
	v60 =	vld [tilespmem:s10+$0xC0]  }
0x3e7: {  	v17 =	vmul.f32 v54, v17;
	v38 =	vld [tilespmem:s30+$0xFFFFFFF0];
	v8 =	vbroadcast v39, $0x7;
	[tilespmem:s23+$0xFFFFFFA0] =	vst v4  }
0x3e8: {  	v43 =	vmul.f32 v59, v13;
	v9 =	vmul.f32 $1.442695020e+00, v9;
	[tilespmem:s23+$0x10] =	vst v10;
	v63 =	vld [tilespmem:s10+$0xFFFFFFB0]  }
0x3e9: {  	[tilespmem:s12+$0xFFFFFF70] =	vst v24;
	s19 =	simm.s32 $0x700;
	v18 =	vmul.f32 v56, v18;
	v4 =	vbroadcast v25, $0x4;
	v62 =	vld [tilespmem:s10+$0x20]  }
0x3ea: {  	s20 =	simm.s32 $0x66B0;
	[tilespmem:s2+$0x40] =	vst v17;
	(erf) = vpow2.f32 v9;
	v16 =	vmul.f32 v53, v16;
	v53 =	vld [tilespmem:s19+$0x10];
	v10 =	vpop (erf)  }
0x3eb: {  	s26 =	simm.s32 $0x13A0;
	v55 =	vmul.f32 v48, v61;
	v48 =	vld [tilespmem:s0+$0x50];
	v50 =	vmul.f32 v60, v4;
	[tilespmem:s20+$0x10] =	vst v10  }
0x3ec: {  	v37 =	vmul.f32 v22, v14;
	[tilespmem:s2+$0xFFFFFFD0] =	vst v18;
	(erf) = vpow2.f32 v7;
	v56 =	vld [tilespmem:s26+$0x80]  }
0x3ed: {  	v9 =	vbroadcast v33, $0x6;
	v4 =	vbroadcast v33, $0x7;
	v33 =	vld [tilespmem:s28+$0x70];
	[tilespmem:s23+$0xC0] =	vst v50  }
0x3ee: {  	v22 =	vbroadcast v25, $0x5;
	v18 =	vbroadcast v25, $0x6;
	[tilespmem:s23+$0xFFFFFF20] =	vst v55;
	v58 =	vld [tilespmem:s10+$0xD0]  }
0x3ef: {  	[tilespmem:s2+$0xFFFFFF50] =	vst v16;
	v17 =	vmul.f32 v63, v45;
	v13 =	vld [tilespmem:s10+$0xFFFFFF30];
	v14 =	vbroadcast v10, $0x0;
	v40 =	vpop (erf)  }
0x3f0: {  	v25 =	vbroadcast v25, $0x7;
	v57 =	vmul.f32 v52, v62;
	v50 =	vld [tilespmem:s30+$0x10];
	[tilespmem:s20+$0xFFFFFFF0] =	vst v40  }
0x3f1: {  	v7 =	vbroadcast v23, $0x6;
	[tilespmem:s23+$0xFFFFFFB0] =	vst v17;
	v23 =	vld [tilespmem:s26+$0xFFFFFF80];
	v14 =	vmul.f32 v14, v56  }
0x3f2: {  	s28 =	simm.s32 $0x7390;
	v16 =	vbroadcast v10, $0x1;
	v59 =	vbroadcast v40, $0x0;
	[tilespmem:s23+$0x20] =	vst v57;
	v63 =	vld [tilespmem:s10+$0xFFFFFFC0]  }
0x3f3: {  	v55 =	vbroadcast v40, $0x2;
	v57 =	vld [tilespmem:s0+$0xFFFFFF60];
	v45 =	vpop (erf);
	v22 =	vmul.f32 v58, v22;
	[tilespmem:s28+$0x80] =	vst v14  }
0x3f4: {  	v51 =	vbroadcast v40, $0x3;
	v24 =	vbroadcast v40, $0x4;
	[tilespmem:s20+$0xFFFFFFE0] =	vst v45;
	v62 =	vld [tilespmem:s26+$0x90]  }
0x3f5: {  	v39 =	vpop (erf);
	v44 =	vbroadcast v45, $0x0;
	v52 =	vbroadcast v45, $0x1;
	v49 =	vld [tilespmem:s26+$0xFFFFFF00];
	[tilespmem:s23+$0xD0] =	vst v22  }
0x3f6: {  	v42 =	vbroadcast v45, $0x2;
	v13 =	vmul.f32 v13, v34;
	[tilespmem:s20+$0x0] =	vst v39;
	v17 =	vld [tilespmem:s10+$0xE0]  }
0x3f7: {  	[tilespmem:s22+$0xF0] =	vst v21;
	v21 =	vbroadcast v45, $0x4;
	v60 =	vbroadcast v39, $0x0;
	v61 =	vld [tilespmem:s26+$0x0]  }
0x3f8: {  	[tilespmem:s12+$0xF0] =	vst v11;
	v46 =	vld [tilespmem:s10+$0x30];
	v54 =	vbroadcast v39, $0x1;
	v23 =	vmul.f32 v59, v23  }
0x3f9: {  	v41 =	vbroadcast v39, $0x2;
	v58 =	vld [tilespmem:s0+$0xFFFFFFE0];
	[tilespmem:s23+$0xFFFFFF30] =	vst v13;
	v16 =	vmul.f32 v16, v62  }
0x3fa: {  	v35 =	vmul.f32 v63, v35;
	v63 =	vld [tilespmem:s19+$0xFFFFFFF0];
	v13 =	vbroadcast v39, $0x6;
	[tilespmem:s28+$0xFFFFFF80] =	vst v23  }
0x3fb: {  	v11 =	vmul.f32 v44, v49;
	v44 =	vld [tilespmem:s26+$0xFFFFFF90];
	v17 =	vmul.f32 v17, v18;
	[tilespmem:s28+$0x90] =	vst v16  }
0x3fc: {  	v14 =	vbroadcast v40, $0x1;
	v49 =	vmul.f32 v60, v61;
	v60 =	vld [tilespmem:s26+$0xA0]  }
0x3fd: {  	v22 =	vbroadcast v45, $0x3;
	v34 =	vmul.f32 v46, v36;
	v36 =	vld [tilespmem:s30+$0x0];
	[tilespmem:s23+$0xE0] =	vst v17  }
0x3fe: {  	v23 =	vbroadcast v39, $0x3;
	v19 =	vmul.f32 v58, v19;
	v61 =	vld [tilespmem:s10+$0xF0]  }
0x3ff: {  	v58 =	vld [tilespmem:s10+$0xFFFFFF40];
	[tilespmem:s28+$0xFFFFFF00] =	vst v11;
	v18 =	vbroadcast v39, $0x4;
	v62 =	vbroadcast v10, $0x2  }
0x400: {  	[tilespmem:s28+$0x0] =	vst v49;
	v49 =	vld [tilespmem:s19+$0x0];
	v16 =	vbroadcast v45, $0x5;
	v11 =	vmul.f32 v14, v44  }
0x401: {  	[tilespmem:s12+$0xFFFFFFF0] =	vst v32;
	v53 =	vadd.f32 v53, v50;
	v59 =	vld [tilespmem:s19+$0xFFFFFFE0];
	v17 =	vbroadcast v40, $0x5;
	v32 =	vmul.f32 v62, v60  }
0x402: {  	v44 =	vmul.f32 v48, v12;
	v12 =	vbroadcast v45, $0x6;
	[tilespmem:s28+$0xFFFFFF90] =	vst v11;
	v60 =	vld [tilespmem:s30+$0xFFFFFFE0]  }
0x403: {  	vm12 =	vge.f32 v53, $0.0e+00;
	v56 =	vld [tilespmem:s26+$0xFFFFFFA0];
	v25 =	vmul.f32 v61, v25;
	v61 =	vmul.f32 $2.000000030e-01, v53;
	[tilespmem:s28+$0xA0] =	vst v32  }
0x404: {  	[tilespmem:s22+$0xFFFFFF70] =	vst v43;
	v38 =	vadd.f32 v63, v38;
	v29 =	vmul.f32 v58, v29;
	v11 =	vbroadcast v45, $0x7;
	v63 =	vld [tilespmem:s26+$0xB0]  }
0x405: {  	[tilespmem:s23+$0xFFFFFFC0] =	vst v35;
	v36 =	vadd.f32 v49, v36;
	v62 =	vld [tilespmem:s26+$0xFFFFFF10];
	v32 =	vmul.f32 v57, v15;
	v46 =	vsel vm12, v53, v61  }
0x406: {  	[tilespmem:s23+$0x30] =	vst v34;
	v45 =	vld [tilespmem:s26+$0x10];
	v53 =	vmul.f32 $2.000000030e-01, v38;
	v46 =	vmul.f32 $1.442695020e+00, v46  }
0x407: {  	v57 =	vbroadcast v10, $0x3;
	[tilespmem:s23+$0xF0] =	vst v25;
	v25 =	vmul.f32 $2.000000030e-01, v36;
	v34 =	vadd.f32 v59, v60  }
0x408: {  	[tilespmem:s2+$0xFFFFFFE0] =	vst v19;
	vm13 =	vge.f32 v38, $0.0e+00;
	v61 =	vld [tilespmem:s10+$0xFFFFFFD0];
	v19 =	vmul.f32 v55, v56;
	(erf) = vpow2.f32 v46  }
0x409: {  	[tilespmem:s2+$0x50] =	vst v44;
	v38 =	vsel vm13, v38, v53;
	v59 =	vld [tilespmem:s10+$0x40];
	v60 =	vmul.f32 $2.000000030e-01, v34;
	v35 =	vmul.f32 v63, v57  }
0x40a: {  	v55 =	vld [tilespmem:s0+$0xFFFFFFF0];
	[tilespmem:s2+$0xFFFFFF60] =	vst v32;
	v62 =	vmul.f32 v52, v62;
	v38 =	vmul.f32 $1.442695020e+00, v38;
	vm15 =	vge.f32 v34, $0.0e+00  }
0x40b: {  	vm14 =	vge.f32 v36, $0.0e+00;
	v50 =	vld [tilespmem:s0+$0xFFFFFF70];
	v52 =	vmul.f32 v54, v45;
	v34 =	vsel vm15, v34, v60;
	[tilespmem:s28+$0xB0] =	vst v35  }
0x40c: {  	v25 =	vsel vm14, v36, v25;
	[tilespmem:s28+$0xFFFFFF10] =	vst v62;
	(erf) = vpow2.f32 v38;
	v34 =	vmul.f32 $1.442695020e+00, v34;
	v53 =	vld [tilespmem:s26+$0xC0]  }
0x40d: {  	v25 =	vmul.f32 $1.442695020e+00, v25;
	[tilespmem:s28+$0x10] =	vst v52;
	v43 =	vmul.f32 v61, v30;
	v54 =	vld [tilespmem:s26+$0xFFFFFF20]  }
0x40e: {  	[tilespmem:s23+$0xFFFFFF40] =	vst v29;
	v56 =	vld [tilespmem:s26+$0x20];
	v58 =	vmul.f32 v59, v28;
	(erf) = vpow2.f32 v34  }
0x40f: {  	[tilespmem:s28+$0xFFFFFFA0] =	vst v19;
	v63 =	vld [tilespmem:s0+$0x60];
	(erf) = vpow2.f32 v25;
	v25 =	vbroadcast v10, $0x4  }
0x410: {  	v14 =	vbroadcast v39, $0x5;
	v49 =	vbroadcast v10, $0x6;
	v57 =	vld [tilespmem:s26+$0xFFFFFFB0];
	[tilespmem:s23+$0xFFFFFFD0] =	vst v43  }
0x411: {  	s3 =	simm.s32 $0x66F0;
	v15 =	vbroadcast v40, $0x6;
	v59 =	vld [tilespmem:s10+$0xFFFFFF50];
	[tilespmem:s23+$0x40] =	vst v58;
	v28 =	vpop (erf);
	v29 =	vmul.f32 v53, v25  }
0x412: {  	s1 =	simm.s32 $0x15A0;
	v19 =	vbroadcast v40, $0x7;
	v43 =	vld [tilespmem:s10+$0xFFFFFFE0];
	v30 =	vmul.f32 v42, v54;
	[tilespmem:s3+$0x10] =	vst v28  }
0x413: {  	v60 =	vld [tilespmem:s1+$0x80];
	[tilespmem:s28+$0xC0] =	vst v29;
	v29 =	vmul.f32 v55, v27;
	v27 =	vmul.f32 v41, v56  }
0x414: {  	[tilespmem:s28+$0xFFFFFF20] =	vst v30;
	v30 =	vmul.f32 v33, v3;
	v3 =	vbroadcast v28, $0x0;
	v61 =	vld [tilespmem:s26+$0xD0]  }
0x415: {  	[tilespmem:s22+$0x60] =	vst v47;
	v35 =	vmul.f32 v50, v26;
	v34 =	vmul.f32 v63, v20;
	v38 =	vld [tilespmem:s10+$0x50];
	v26 =	vpop (erf)  }
0x416: {  	v20 =	vbroadcast v39, $0x7;
	v62 =	vmul.f32 v57, v51;
	v25 =	vld [tilespmem:s24+$0x70];
	[tilespmem:s3+$0xFFFFFFF0] =	vst v26  }
0x417: {  	v42 =	vmul.f32 v59, v31;
	v31 =	vbroadcast v10, $0x5;
	v41 =	vld [tilespmem:s26+$0xFFFFFF30];
	[tilespmem:s28+$0x20] =	vst v27;
	v27 =	vpop (erf)  }
0x418: {  	v63 =	vbroadcast v26, $0x0;
	v57 =	vld [tilespmem:s1+$0xFFFFFF80];
	v36 =	vmul.f32 v3, v60;
	[tilespmem:s3+$0xFFFFFFE0] =	vst v27;
	v3 =	vpop (erf)  }
0x419: {  	s24 =	simm.s32 $0x7590;
	v45 =	vbroadcast v26, $0x1;
	v58 =	vld [tilespmem:s1+$0xFFFFFF00];
	[tilespmem:s3+$0x0] =	vst v3;
	v31 =	vmul.f32 v61, v31  }
0x41a: {  	v33 =	vbroadcast v26, $0x3;
	v56 =	vbroadcast v27, $0x0;
	[tilespmem:s24+$0x80] =	vst v36;
	v60 =	vld [tilespmem:s1+$0x0]  }
0x41b: {  	v39 =	vbroadcast v27, $0x1;
	v32 =	vbroadcast v27, $0x2;
	v61 =	vld [tilespmem:s1+$0x90];
	[tilespmem:s28+$0xD0] =	vst v31  }
0x41c: {  	[tilespmem:s22+$0xFFFFFFF0] =	vst v37;
	v36 =	vbroadcast v26, $0x2;
	v44 =	vbroadcast v27, $0x3;
	v47 =	vld [tilespmem:s26+$0xE0]  }
0x41d: {  	[tilespmem:s28+$0xFFFFFFB0] =	vst v62;
	v40 =	vld [tilespmem:s26+$0x30];
	v62 =	vmul.f32 v63, v57;
	v59 =	vbroadcast v3, $0x0  }
0x41e: {  	v46 =	vld [tilespmem:s26+$0xFFFFFFC0];
	[tilespmem:s23+$0xFFFFFF50] =	vst v42;
	v63 =	vbroadcast v28, $0x1;
	v48 =	vmul.f32 v56, v58  }
0x41f: {  	v42 =	vld [tilespmem:s10+$0xFFFFFF60];
	v37 =	vbroadcast v3, $0x1;
	[tilespmem:s24+$0xFFFFFF80] =	vst v62;
	v50 =	vmul.f32 v59, v60  }
0x420: {  	s29 =	simm.s32 $0x240;
	s4 =	simm.s32 $0x14;
	s20 =	simm.s32 $0x15A0;
	v31 =	vbroadcast v3, $0x2;
	v51 =	vmul.f32 v63, v61;
	[tilespmem:s24+$0xFFFFFF00] =	vst v48;
	v48 =	vld [tilespmem:s1+$0xFFFFFF90]  }
.LBB2_9:
0x421: {  	v52 =	vld [tilespmem:s29+$0x10];
	[tilespmem:s24+$0x0] =	vst v50;
	v50 =	vbroadcast v3, $0x3;
	s19 =	sadd.s32 $0x40, s19;
	v47 =	vmul.f32 v47, v49  }
0x422: {  	v41 =	vmul.f32 v41, v22;
	v22 =	vmov v44;
	v49 =	vld [tilespmem:s19+$0x10];
	[tilespmem:s24+$0x90] =	vst v51;
	v51 =	vmul.f32 v40, v23  }
0x423: {  	v44 =	vbroadcast v27, $0x4;
	v53 =	vbroadcast v26, $0x4;
	v54 =	vld [tilespmem:s1+$0xA0];
	[tilespmem:s28+$0xE0] =	vst v47;
	v23 =	vmov v50  }
0x424: {  	v47 =	vbroadcast v3, $0x4;
	[tilespmem:s28+$0xFFFFFF30] =	vst v41;
	v41 =	vmul.f32 v46, v24;
	v46 =	vld [tilespmem:s26+$0xF0]  }
0x425: {  	s4 =	sadd.s32 $0x4, s4;
	v40 =	vbroadcast v27, $0x5;
	v24 =	vmov v53;
	v50 =	vld [tilespmem:s19+$0xFFFFFFE0];
	v45 =	vmul.f32 v45, v48;
	[tilespmem:s28+$0x30] =	vst v51  }
0x426: {  	p0 =	slt.u32 s4, $0x4C;
	v53 =	vbroadcast v28, $0x2;
	v51 =	vbroadcast v26, $0x5;
	v48 =	vld [tilespmem:s29+$0xFFFFFFF0];
	[tilespmem:s28+$0xFFFFFFC0] =	vst v41  }
0x427: {  	v55 =	vbroadcast v10, $0x7;
	v10 =	vmov v28;
	v41 =	vld [tilespmem:s19+$0xFFFFFFF0];
	[tilespmem:s24+$0xFFFFFF90] =	vst v45;
	v45 =	vbroadcast v3, $0x5  }
0x428: {  	v38 =	vmul.f32 v38, v5;
	v5 =	vmov v14;
	v28 =	vld [tilespmem:s29+$0x0];
	v53 =	vmul.f32 v53, v54;
	[tilespmem:s2+$0x60] =	vst v34  }
0x429: {  	v49 =	vadd.f32 v49, v52;
	v52 =	vbroadcast v27, $0x6;
	v34 =	vld [tilespmem:s19+$0x0];
	v46 =	vmul.f32 v46, v55;
	[tilespmem:s2+$0xFFFFFF70] =	vst v35;
	v14 =	vmovc v45  }
0x42a: {  	v54 =	vbroadcast v3, $0x6;
	v45 =	vbroadcast v26, $0x6;
	v35 =	vld [tilespmem:s29+$0xFFFFFFE0];
	[tilespmem:s24+$0xA0] =	vst v53  }
0x42b: {  	v42 =	vmul.f32 v42, v6;
	v6 =	vmovc v12;
	v12 =	vmov v52;
	v53 =	vmul.f32 $2.000000030e-01, v49;
	v55 =	vld [tilespmem:s1+$0xFFFFFF10];
	[tilespmem:s28+$0xF0] =	vst v46  }
0x42c: {  	v43 =	vmul.f32 v43, v9;
	v9 =	vmovc v15;
	vm0 =	vge.f32 v49, $0.0e+00;
	v41 =	vadd.f32 v41, v48;
	v46 =	vld [tilespmem:s1+$0xB0];
	[tilespmem:s23+$0x50] =	vst v38  }
0x42d: {  	v27 =	vbroadcast v27, $0x7;
	v26 =	vbroadcast v26, $0x7;
	v15 =	vmovc v45;
	v38 =	vsel vm0, v49, v53;
	v48 =	vld [tilespmem:s1+$0x10];
	[tilespmem:s23+$0xFFFFFF60] =	vst v42  }
0x42e: {  	v42 =	vmul.f32 $2.000000030e-01, v41;
	v28 =	vadd.f32 v34, v28;
	v34 =	vmul.f32 $1.442695020e+00, v38;
	v38 =	vld [tilespmem:s1+$0xFFFFFFA0];
	[tilespmem:s23+$0xFFFFFFE0] =	vst v43  }
0x42f: {  	vm0 =	vge.f32 v41, $0.0e+00;
	v43 =	vbroadcast v10, $0x3;
	v35 =	vadd.f32 v50, v35;
	v45 =	vld [tilespmem:s26+$0xFFFFFF40];
	[tilespmem:s2+$0xFFFFFFF0] =	vst v29  }
0x430: {  	vm1 =	vge.f32 v28, $0.0e+00;
	v29 =	vmul.f32 $2.000000030e-01, v28;
	(erf) = vpow2.f32 v34;
	v34 =	vld [tilespmem:s26+$0x40];
	[tilespmem:s12+$0x70] =	vst v30;
	s12 =	smov.u32 s22;
	s22 =	smov.u32 s2;
	s2 =	smov.u32 s23  }
0x431: {  	s23 =	smov.u32 s28;
	s28 =	smov.u32 s24;
	vm2 =	vge.f32 v35, $0.0e+00;
	v30 =	vmul.f32 $2.000000030e-01, v35;
	v43 =	vmul.f32 v46, v43;
	v46 =	vld [tilespmem:s26+$0xFFFFFFD0]  }
0x432: {  	v41 =	vsel vm0, v41, v42;
	v28 =	vsel vm1, v28, v29;
	v29 =	vmul.f32 v39, v55;
	v39 =	vld [tilespmem:s10+$0x60]  }
0x433: {  	v30 =	vsel vm2, v35, v30;
	v35 =	vmul.f32 $1.442695020e+00, v41;
	v28 =	vmul.f32 $1.442695020e+00, v28;
	[tilespmem:s24+$0xB0] =	vst v43;
	v41 =	vld [tilespmem:s10+$0xFFFFFF70]  }
0x434: {  	v30 =	vmul.f32 $1.442695020e+00, v30;
	[tilespmem:s24+$0xFFFFFF10] =	vst v29;
	v29 =	vmul.f32 v37, v48;
	v37 =	vld [tilespmem:s1+$0xC0]  }
0x435: {  	v36 =	vmul.f32 v36, v38;
	(erf) = vpow2.f32 v35;
	v35 =	vld [tilespmem:s1+$0xFFFFFF20]  }
0x436: {  	(erf) = vpow2.f32 v30;
	[tilespmem:s24+$0x10] =	vst v29;
	v29 =	vmul.f32 v45, v21;
	v30 =	vld [tilespmem:s10+$0xFFFFFFF0];
	v21 =	vmov v44  }
0x437: {  	v38 =	vbroadcast v10, $0x4;
	(erf) = vpow2.f32 v28;
	[tilespmem:s24+$0xFFFFFFA0] =	vst v36;
	v36 =	vld [tilespmem:s1+$0x20]  }
0x438: {  	v43 =	vmul.f32 v46, v17;
	v44 =	vmul.f32 v34, v18;
	v18 =	vmovc v47;
	v17 =	vmov v51;
	v42 =	vld [tilespmem:s1+$0xFFFFFFB0];
	[tilespmem:s23+$0xFFFFFF40] =	vst v29  }
0x439: {  	s3 =	sadd.s32 $0x40, s3;
	v34 =	vmul.f32 v39, v7;
	v7 =	vmov v13;
	v28 =	vpop (erf);
	v29 =	vmul.f32 v37, v38;
	v37 =	vld [tilespmem:s26+$0xFFFFFF50]  }
0x43a: {  	v3 =	vbroadcast v3, $0x7;
	v13 =	vmov v54;
	s1 =	sadd.s32 $0x200, s1;
	[tilespmem:s3+$0x10] =	vst v28;
	v32 =	vmul.f32 v32, v35;
	v39 =	vld [tilespmem:s0+$0x70];
	s0 =	smov.u32 s10;
	s10 =	smov.u32 s26  }
0x43b: {  	v35 =	vmul.f32 v41, v8;
	v8 =	vmovc v11;
	v11 =	vmov v27;
	s26 =	smov.u32 s20;
	s20 =	smov.u32 s1;
	v45 =	vld [tilespmem:s1+$0x80];
	[tilespmem:s24+$0xC0] =	vst v29;
	v29 =	vmul.f32 v30, v4  }
0x43c: {  	v30 =	vmul.f32 v25, v0;
	v4 =	vmovc v19;
	v19 =	vmov v26;
	[tilespmem:s24+$0xFFFFFF20] =	vst v32;
	v32 =	vmul.f32 v31, v36;
	v31 =	vld [tilespmem:s26+$0xD0]  }
0x43d: {  	v0 =	vmovc v1;
	v1 =	vmovc v2;
	v2 =	vmov v20;
	v20 =	vmov v3;
	v41 =	vld [tilespmem:s26+$0xFFFFFF30];
	v33 =	vmul.f32 v42, v33;
	[tilespmem:s23+$0x40] =	vst v44  }
0x43e: {  	v44 =	vbroadcast v28, $0x0;
	v26 =	vpop (erf);
	[tilespmem:s24+$0x20] =	vst v32;
	v42 =	vmul.f32 v37, v16;
	v38 =	vld [tilespmem:s10+$0x50];
	v16 =	vmov v40  }
0x43f: {  	v32 =	vbroadcast v10, $0x5;
	[tilespmem:s3+$0xFFFFFFF0] =	vst v26;
	v46 =	vbroadcast v26, $0x0;
	v27 =	vpop (erf);
	v40 =	vld [tilespmem:s26+$0x30];
	v25 =	vmov v39  }
0x440: {  	[tilespmem:s3+$0xFFFFFFE0] =	vst v27;
	v48 =	vbroadcast v27, $0x0;
	v49 =	vld [tilespmem:s1+$0xFFFFFF80];
	v36 =	vmul.f32 v44, v45;
	v3 =	vpop (erf)  }
0x441: {  	s24 =	sadd.s32 $0x200, s24;
	v50 =	vld [tilespmem:s1+$0xFFFFFF00];
	[tilespmem:s3+$0x0] =	vst v3;
	v51 =	vbroadcast v3, $0x0;
	v31 =	vmul.f32 v31, v32  }
0x442: {  	v39 =	vbroadcast v27, $0x1;
	v45 =	vbroadcast v26, $0x1;
	v52 =	vld [tilespmem:s1+$0x0];
	[tilespmem:s24+$0x80] =	vst v36  }
0x443: {  	v32 =	vbroadcast v27, $0x2;
	v37 =	vbroadcast v3, $0x1;
	v53 =	vld [tilespmem:s1+$0x90];
	[tilespmem:s28+$0xD0] =	vst v31  }
.Ltmp4:
0x444: {  	v36 =	vbroadcast v26, $0x2;
	v31 =	vbroadcast v3, $0x2;
	[tilespmem:s28+$0xFFFFFFB0] =	vst v33;
	v47 =	vld [tilespmem:s26+$0xE0];
	(pc) =	sbr.rel @p0 .LBB2_9-.Ltmp4, $4  }
0x445: {  	v44 =	vbroadcast v27, $0x3;
	v33 =	vmul.f32 v46, v49;
	v46 =	vld [tilespmem:s26+$0xFFFFFFC0];
	[tilespmem:s23+$0xFFFFFF50] =	vst v42  }
0x446: {  	v54 =	vbroadcast v28, $0x1;
	v48 =	vmul.f32 v48, v50;
	v42 =	vld [tilespmem:s10+$0xFFFFFF60];
	[tilespmem:s23+$0xFFFFFFD0] =	vst v43  }
0x447: {  	v49 =	vbroadcast v10, $0x6;
	[tilespmem:s24+$0xFFFFFF80] =	vst v33;
	v50 =	vmul.f32 v51, v52;
	v43 =	vld [tilespmem:s10+$0xFFFFFFE0]  }
0x448: {  	s29 =	sadd.s32 $0x40, s29;
	v33 =	vbroadcast v26, $0x3;
	[tilespmem:s24+$0xFFFFFF00] =	vst v48;
	v48 =	vld [tilespmem:s1+$0xFFFFFF90];
	v51 =	vmul.f32 v54, v53  }
0x449: {  	_ = 	snop  }
0x44a: {  	[tilespmem:s24+$0x90] =	vst v51  }
0x44b: {  	v51 =	vld [tilespmem:s1+$0xA0]  }
0x44c: {  	v63 =	vld [tilespmem:s1+$0xFFFFFF10];
	[tilespmem:s24+$0x0] =	vst v50  }
0x44d: {  	[tilespmem:s2+$0x60] =	vst v34;
	v55 =	vld [tilespmem:s1+$0x10]  }
0x44e: {  	v52 =	vbroadcast v28, $0x2;
	[tilespmem:s2+$0xFFFFFF70] =	vst v35  }
0x44f: {  	[tilespmem:s2+$0xFFFFFFF0] =	vst v29;
	v57 =	vmul.f32 v45, v48  }
0x450: {  	[tilespmem:s12+$0x70] =	vst v30;
	v51 =	vmul.f32 v52, v51  }
0x451: {  	v39 =	vmul.f32 v39, v63;
	[tilespmem:s24+$0xFFFFFF90] =	vst v57  }
0x452: {  	v37 =	vmul.f32 v37, v55;
	v60 =	vld [tilespmem:s1+$0xFFFFFFA0];
	[tilespmem:s24+$0xA0] =	vst v51  }
0x453: {  	v47 =	vmul.f32 v47, v49;
	[tilespmem:s24+$0xFFFFFF10] =	vst v39;
	v51 =	vld [tilespmem:s1+$0xB0]  }
0x454: {  	v22 =	vmul.f32 v41, v22;
	v59 =	vld [tilespmem:s1+$0xFFFFFF20];
	[tilespmem:s24+$0x10] =	vst v37  }
0x455: {  	v23 =	vmul.f32 v40, v23;
	[tilespmem:s28+$0xE0] =	vst v47;
	v63 =	vld [tilespmem:s1+$0x20]  }
0x456: {  	v56 =	vbroadcast v28, $0x3;
	v5 =	vmul.f32 v38, v5;
	[tilespmem:s28+$0xFFFFFF30] =	vst v22  }
0x457: {  	[tilespmem:s28+$0x30] =	vst v23;
	v39 =	vmul.f32 v36, v60  }
0x458: {  	[tilespmem:s23+$0x50] =	vst v5;
	v58 =	vmul.f32 v51, v56  }
0x459: {  	v50 =	vld [tilespmem:s26+$0x40];
	v22 =	vmul.f32 v32, v59;
	[tilespmem:s24+$0xFFFFFFA0] =	vst v39  }
0x45a: {  	v40 =	vmul.f32 v31, v63;
	v32 =	vld [tilespmem:s1+$0xFFFFFFB0];
	[tilespmem:s24+$0xB0] =	vst v58  }
0x45b: {  	v0 =	vmul.f32 v25, v0;
	[tilespmem:s24+$0xFFFFFF20] =	vst v22;
	v61 =	vld [tilespmem:s1+$0xC0]  }
0x45c: {  	v24 =	vmul.f32 v46, v24;
	v22 =	vld [tilespmem:s20+$0xFFFFFF30];
	[tilespmem:s24+$0x20] =	vst v40  }
0x45d: {  	v6 =	vmul.f32 v42, v6;
	[tilespmem:s22+$0x70] =	vst v0;
	v46 =	vld [tilespmem:s20+$0x30]  }
0x45e: {  	[tilespmem:s28+$0xFFFFFFC0] =	vst v24;
	v37 =	vbroadcast v28, $0x4;
	v18 =	vmul.f32 v50, v18  }
0x45f: {  	v45 =	vld [tilespmem:s26+$0xFFFFFF40];
	[tilespmem:s23+$0xFFFFFF60] =	vst v6;
	v48 =	vmul.f32 v32, v33  }
0x460: {  	v49 =	vbroadcast v3, $0x3;
	v62 =	vld [tilespmem:s26+$0xF0];
	[tilespmem:s28+$0x40] =	vst v18;
	v23 =	vmul.f32 v61, v37  }
0x461: {  	v34 =	vld [tilespmem:s26+$0x50];
	v22 =	vmul.f32 v22, v44;
	[tilespmem:s24+$0xFFFFFFB0] =	vst v48  }
0x462: {  	v5 =	vmul.f32 v46, v49;
	v53 =	vld [tilespmem:s20+$0xFFFFFFC0];
	[tilespmem:s24+$0xC0] =	vst v23  }
0x463: {  	v10 =	vbroadcast v10, $0x7;
	v9 =	vmul.f32 v43, v9;
	[tilespmem:s24+$0xFFFFFF30] =	vst v22;
	v41 =	vld [tilespmem:s20+$0xD0]  }
0x464: {  	v51 =	vmul.f32 v45, v21;
	v52 =	vld [tilespmem:s20+$0xFFFFFF40];
	[tilespmem:s24+$0x30] =	vst v5  }
0x465: {  	[tilespmem:s23+$0xFFFFFFE0] =	vst v9;
	v57 =	vbroadcast v26, $0x4;
	v10 =	vmul.f32 v62, v10;
	v58 =	vld [tilespmem:s20+$0x40]  }
0x466: {  	v47 =	vbroadcast v28, $0x5;
	v59 =	vld [tilespmem:s26+$0xFFFFFFD0];
	v42 =	vmul.f32 v34, v14;
	[tilespmem:s28+$0xFFFFFF40] =	vst v51  }
0x467: {  	v55 =	vbroadcast v27, $0x4;
	[tilespmem:s28+$0xF0] =	vst v10;
	v56 =	vld [tilespmem:s26+$0xFFFFFF50];
	v5 =	vmul.f32 v53, v57  }
0x468: {  	v62 =	vbroadcast v3, $0x4;
	v63 =	vld [tilespmem:s10+$0xFFFFFF70];
	[tilespmem:s28+$0x50] =	vst v42;
	v6 =	vmul.f32 v41, v47  }
0x469: {  	v61 =	vld [tilespmem:s10+$0x60];
	v9 =	vmul.f32 v52, v55;
	[tilespmem:s24+$0xFFFFFFC0] =	vst v5  }
0x46a: {  	v46 =	vld [tilespmem:s26+$0x60];
	[tilespmem:s24+$0xD0] =	vst v6;
	v6 =	vmul.f32 v58, v62  }
0x46b: {  	v31 =	vmul.f32 v59, v17;
	[tilespmem:s24+$0xFFFFFF40] =	vst v9;
	v30 =	vld [tilespmem:s20+$0xFFFFFFD0]  }
0x46c: {  	v22 =	vmul.f32 v56, v16;
	v29 =	vld [tilespmem:s20+$0xFFFFFF50];
	[tilespmem:s24+$0x40] =	vst v6  }
0x46d: {  	v8 =	vmul.f32 v63, v8;
	[tilespmem:s28+$0xFFFFFFD0] =	vst v31;
	v36 =	vld [tilespmem:s20+$0x50]  }
0x46e: {  	v35 =	vbroadcast v26, $0x5;
	v39 =	vld [tilespmem:s26+$0xFFFFFFE0];
	[tilespmem:s28+$0xFFFFFF50] =	vst v22;
	v7 =	vmul.f32 v61, v7  }
0x46f: {  	v33 =	vbroadcast v27, $0x5;
	[tilespmem:s23+$0xFFFFFF70] =	vst v8;
	v37 =	vld [tilespmem:s26+$0xFFFFFF60];
	v53 =	vmul.f32 v46, v13  }
0x470: {  	v40 =	vbroadcast v3, $0x5;
	v52 =	vld [tilespmem:s0+$0x70];
	[tilespmem:s23+$0x60] =	vst v7;
	v6 =	vmul.f32 v30, v35  }
0x471: {  	[tilespmem:s28+$0x60] =	vst v53;
	v41 =	vld [tilespmem:s10+$0xFFFFFFF0];
	v5 =	vmul.f32 v29, v33  }
0x472: {  	v54 =	vld [tilespmem:s20+$0xE0];
	[tilespmem:s24+$0xFFFFFFD0] =	vst v6;
	v8 =	vmul.f32 v36, v40  }
0x473: {  	v7 =	vmul.f32 v39, v15;
	[tilespmem:s24+$0xFFFFFF50] =	vst v5;
	v6 =	vld [tilespmem:s20+$0xFFFFFFE0]  }
0x474: {  	v44 =	vmul.f32 v37, v12;
	v43 =	vld [tilespmem:s20+$0xFFFFFF60];
	[tilespmem:s24+$0x50] =	vst v8  }
0x475: {  	v60 =	vbroadcast v28, $0x6;
	[tilespmem:s28+$0xFFFFFFE0] =	vst v7;
	v1 =	vmul.f32 v52, v1;
	v48 =	vld [tilespmem:s20+$0x60]  }
0x476: {  	v47 =	vbroadcast v26, $0x6;
	v56 =	vld [tilespmem:s10+$0x70];
	[tilespmem:s28+$0xFFFFFF60] =	vst v44;
	v4 =	vmul.f32 v41, v4  }
0x477: {  	v45 =	vbroadcast v27, $0x6;
	v50 =	vld [tilespmem:s26+$0xFFFFFFF0];
	[tilespmem:s2+$0x70] =	vst v1;
	v10 =	vmul.f32 v54, v60  }
0x478: {  	v51 =	vbroadcast v3, $0x6;
	v58 =	vld [tilespmem:s26+$0x70];
	[tilespmem:s23+$0xFFFFFFF0] =	vst v4;
	v6 =	vmul.f32 v6, v47  }
0x479: {  	v49 =	vld [tilespmem:s26+$0xFFFFFF70];
	[tilespmem:s24+$0xE0] =	vst v10;
	v5 =	vmul.f32 v43, v45  }
0x47a: {  	v32 =	vld [tilespmem:s20+$0xF0];
	[tilespmem:s24+$0xFFFFFFE0] =	vst v6;
	v8 =	vmul.f32 v48, v51  }
0x47b: {  	v2 =	vmul.f32 v56, v2;
	[tilespmem:s24+$0xFFFFFF60] =	vst v5;
	v55 =	vld [tilespmem:s20+$0xFFFFFFF0]  }
0x47c: {  	v4 =	vmul.f32 v50, v19;
	v54 =	vld [tilespmem:s20+$0xFFFFFF70];
	[tilespmem:s24+$0x60] =	vst v8  }
0x47d: {  	v38 =	vbroadcast v28, $0x7;
	v63 =	vmul.f32 v58, v20;
	[tilespmem:s23+$0x70] =	vst v2;
	v60 =	vld [tilespmem:s20+$0x70]  }
0x47e: {  	v59 =	vbroadcast v26, $0x7;
	v7 =	vmul.f32 v49, v11;
	[tilespmem:s28+$0xFFFFFFF0] =	vst v4  }
0x47f: {  	v57 =	vbroadcast v27, $0x7;
	[tilespmem:s28+$0x70] =	vst v63;
	v9 =	vmul.f32 v32, v38  }
0x480: {  	v62 =	vbroadcast v3, $0x7;
	[tilespmem:s28+$0xFFFFFF70] =	vst v7;
	v0 =	vmul.f32 v55, v59  }
0x481: {  	[tilespmem:s24+$0xF0] =	vst v9;
	v61 =	vmul.f32 v54, v57  }
0x482: {  	[tilespmem:s24+$0xFFFFFFF0] =	vst v0;
	v1 =	vmul.f32 v60, v62  }
0x483: {  	[tilespmem:s24+$0xFFFFFF70] =	vst v61  }
0x484: {  	s19 =	rddreg [dreg:$0x2];
	s20 =	simm.s32 $0x6A90;
	[tilespmem:s24+$0x70] =	vst v1  }
0x485: {  	[spmem:s19] =	stream.indirect.scatter.add.f32 [tilespmem:s20], [sflag:$0x5], $0x80, s13, s25, $0xb8;
	[tilespmem:$0x1FA90] =	vst v63  }
0x486: {  	s22 =	simm.s32 $0x6590  }
0x487: {  	[spmem:s15] =	stream.indirect.scatter.add.f32 [tilespmem:s22], [sflag:$0x5], $0x10, s13, s25, $0xb8;
	[tilespmem:$0x1FA90] =	vst v63  }
0x488: {  	_ =	swait.ge [sflag:s18], $0x2800  }
0x489: {  	[sflag:s18] =	ssyncset.done $0x0  }
0x48a: {  	[sflag:s18] =	ssyncadd.s32 $0xFFFFD800  }
0x48b: {  	_ =	swait.ge [sflag:s18], $0x500  }
0x48c: {  	[sflag:s18] =	ssyncset.done $0x0  }
0x48d: {  	[sflag:s18] =	ssyncadd.s32 $0xFFFFFB00  }
0x48e: {  	[bflag:$0x0] =	sbarrier.arrive $0xFFFF  }
0x48f: {  	s10 =	rddreg [dreg:$0x7]  }
0x490: {  	s23 =	rddreg [dreg:$0x10]  }
0x491: {  	s1 =	simm.s32 $0x6;
	s24 =	rddreg [dreg:$0x14]  }
0x492: {  	[hbm:s23], [sflag:s10] =	dma.local [spmem:s24], $0x2800  }
0x493: {  	_ =	swait.ge [sflag:s1], $0x2800  }
0x494: {  	[sflag:s1] =	ssyncset.done $0x0;
	s26 =	rddreg [dreg:$0x11]  }
0x495: {  	s28 =	rddreg [dreg:$0x15];
	[sflag:s1] =	ssyncadd.s32 $0xFFFFD800  }
0x496: {  	[hbm:s26], [sflag:s10] =	dma.local [spmem:s28], $0x500  }
0x497: {  	_ =	swait.ge [sflag:s1], $0x500  }
0x498: {  	s29 =	rddreg [dreg:$0x13]  }
0x499: {  	s30 =	rddreg [dreg:$0x12];
	s2 =	sadd.s32 $0x1, s29  }
0x49a: {  	p0 =	sne.s32 s2, s30  }
.Ltmp5:
0x49b: {  	_ = 	snop;
	(pc) =	sbr.rel @p0 .LBB2_1-.Ltmp5, $3  }
0x49c: {  	_ =	sdelay $0x1  }
0x49d: {  	[sflag:s1] =	ssyncset.done $0x0  }
0x49e: {  	[sflag:s1] =	ssyncadd.s32 $0xFFFFFB00  }
0x49f: {  	_ =	sfence.sel $0x180000  }
0x4a0: {  	[bflag:$0x0] =	sbarrier.arrive $0xFFFF  }
0x4a1: {  	_ =	strace $0x90000047  }
0x4a2: {  	s0 =	stileid.u32;
	[bflag:$0x2] =	sbarrier.arrive $0xFFFF  }
0x4a3: {  	p0 =	sne.s32 s0, $0x0;
	s0 =	rddreg [dreg:$0x4]  }
0x4a4: {  	s0 =	sadd.s32 @!p0 $0x100000, s0  }
0x4a5: {  	[sflag:s0] =	ssyncadd.tile.s32 @!p0 $0x1;
	_ =	shalt  }
.Lfunc_end2:
_tile_overlayer_lowered:
.L_overlay_start_2:
0x4a6: {  	(tag) =	ssettag $0x2  }
0x4a7: {  	s0 =	rddreg [dreg:$0x0];
	s2 =	stileid.u32  }
0x4a8: {  	s1 =	rddreg [dreg:$0x1];
	p0 =	sne.s32 s2, $0x0  }
0x4a9: {  	s3 =	rddreg [dreg:$0x2];
	[bflag:$0x3] =	sbarrier.arrive $0xFFFF;
	s2 =	simm.s32 @!p0 $0x1C06  }
0x4aa: {  	[timem:s3], [sflag:s2] =	dma.local @!p0 [hbm:s0], s1  }
0x4ab: {  	s0 =	simm.s32 @!p0 $0x6  }
0x4ac: {  	_ =	swait.ge @!p0 [sflag:s0], s1  }
0x4ad: {  	s1 =	ssub.s32 @!p0 $0x0, s1;
	[sflag:s0] =	ssyncset.done @!p0 $0x0  }
0x4ae: {  	[sflag:s0] =	ssyncadd.s32 @!p0 s1  }
0x4af: {  	[bflag:$0x3] =	sbarrier.arrive $0xFFFF  }
0x4b0: {  	_ =	shalt  }

</sc_bundles>
